<compile_context>
chip_gen: v7x
topology: tpu7x:2x2x1
jax: 0.10.2.dev20260603
libtpu: 0.0.44.dev20260713+nightly
codegen_flags: <defaults>
</compile_context>

<pallas_src>
import dataclasses
import functools

import jax
import jax.numpy as jnp
from jax import lax
from jax.experimental import pallas as pl
from jax.experimental.pallas import tpu as pltpu
from jax.experimental.pallas import tpu_sc as plsc

N = 10000
E = 320000
D = 128
R = 4

NC = 2
NS = 16
NW = NC * NS
L = 16

CHUNK = 64
NBUF = 4
LAG = 3
TC_CHUNKS = 160
EPT = TC_CHUNKS * CHUNK
E_PAD = NW * EPT
TOTAL_CH = NW * TC_CHUNKS

K0 = 224
K1 = TC_CHUNKS * 2 - K0

NBINS = 40960
PAD_BIN = R * N
ACC_ROWS = 10240

BN = 2000

_mesh = plsc.VectorSubcoreMesh(core_axis_name="c", subcore_axis_name="s")

_sc_params = pltpu.CompilerParams()
if "needs_layout_passes" in pltpu.CompilerParams.__dataclass_fields__:
  _sc_params = dataclasses.replace(_sc_params, needs_layout_passes=False)


def _matmul5(x, W5):
  def body(x_ref, w_ref, o_ref):
    o_ref[0] = jnp.dot(x_ref[...], w_ref[0], preferred_element_type=jnp.float32)

  return pl.pallas_call(
      body,
      grid=(R + 1, N // BN),
      in_specs=[
          pl.BlockSpec((BN, D), lambda r, i: (i, 0)),
          pl.BlockSpec((1, D, D), lambda r, i: (r, 0, 0)),
      ],
      out_specs=pl.BlockSpec((1, BN, D), lambda r, i: (r, i, 0)),
      out_shape=jax.ShapeDtypeStruct((R + 1, N, D), jnp.float32),
  )(x, W5)


@functools.partial(
    pl.kernel,
    out_type=jax.ShapeDtypeStruct((NC, NBINS), jnp.float32),
    mesh=_mesh,
    scratch_types=[
        pltpu.VMEM((TC_CHUNKS, 3 * CHUNK), jnp.int32),
        pltpu.VMEM((1, CHUNK), jnp.int32),
        pltpu.VMEM((CHUNK,), jnp.float32),
        pltpu.VMEM((NBINS // NS,), jnp.float32),
        pltpu.VMEM_SHARED((NBINS,), jnp.float32),
        pltpu.SemaphoreType.DMA,
    ],
    compiler_params=_sc_params,
)
def _counts_kernel(edata, out, ev, combv, onesv, zbuf, csh, sem):
  c = lax.axis_index("c")
  s = lax.axis_index("s")
  wid = c * NS + s
  pltpu.async_copy(
      edata.at[pl.ds(wid * TC_CHUNKS, TC_CHUNKS)], ev, sem).wait()

  @pl.loop(0, CHUNK // L)
  def _(i):
    onesv[pl.ds(i * L, L)] = jnp.full((L,), 1.0, jnp.float32)

  SL = NBINS // NS

  @pl.loop(0, SL // L)
  def _(i):
    zbuf[pl.ds(i * L, L)] = jnp.zeros((L,), jnp.float32)

  pltpu.sync_copy(zbuf, csh.at[pl.ds(s * SL, SL)])
  plsc.subcore_barrier()

  @pl.loop(0, TC_CHUNKS)
  def _(t):
    @pl.loop(0, CHUNK // L)
    def _(g):
      combv[0, pl.ds(g * L, L)] = (
          ev[t, pl.ds(2 * CHUNK + g * L, L)] * R
          + ev[t, pl.ds(CHUNK + g * L, L)])

    pltpu.sync_copy(onesv, csh.at[combv.at[0]], add=True)

  plsc.subcore_barrier()
  pltpu.sync_copy(csh.at[pl.ds(s * SL, SL)], out.at[c, pl.ds(s * SL, SL)])


_NSL = NBINS // NS
_NSUB = 640


@functools.partial(
    pl.kernel,
    out_type=jax.ShapeDtypeStruct((NC, ACC_ROWS, D), jnp.float32),
    mesh=_mesh,
    scratch_types=[
        pltpu.VMEM((NBUF, 3 * CHUNK), jnp.int32),
        pltpu.VMEM((NBUF, CHUNK), jnp.int32),
        pltpu.VMEM((NBUF, CHUNK), jnp.int32),
        pltpu.VMEM((NBUF, CHUNK), jnp.int32),
        pltpu.VMEM((NBUF, CHUNK), jnp.float32),
        pltpu.VMEM((NBUF, CHUNK, D), jnp.float32),
        pltpu.VMEM((_NSUB,), jnp.float32),
        pltpu.VMEM((_NSUB,), jnp.float32),
        pltpu.VMEM((_NSUB,), jnp.float32),
        pltpu.VMEM_SHARED((NBINS,), jnp.float32),
        pltpu.VMEM_SHARED((ACC_ROWS, D), jnp.float32),
        pltpu.SemaphoreType.DMA((NBUF,)),
        pltpu.SemaphoreType.DMA((NBUF,)),
        pltpu.SemaphoreType.DMA((NBUF,)),
        pltpu.SemaphoreType.DMA((NBUF,)),
    ],
    compiler_params=_sc_params,
)
def _edge_kernel(edata, cnts, h4, out,
                 ev, idxv, combv, dstv, scalev, rows,
                 t0, t1, nbuf, normsh, acc, esem, gsem, vsem, csem):
  c = lax.axis_index("c")
  s = lax.axis_index("s")
  start = jnp.where(c == 0, s * K0, NS * K0 + s * K1)
  kc = jnp.where(c == 0, K0, K1)

  @pl.loop(0, _NSL // _NSUB)
  def _(u):
    base = s * _NSL + u * _NSUB
    pltpu.async_copy(cnts.at[0, pl.ds(base, _NSUB)], t0, esem.at[0]).wait()
    pltpu.async_copy(cnts.at[1, pl.ds(base, _NSUB)], t1, esem.at[0]).wait()

    @pl.loop(0, _NSUB // L)
    def _(i):
      cn = t0[pl.ds(i * L, L)] + t1[pl.ds(i * L, L)]
      nv = 1.0 / jnp.maximum(cn, 1.0)
      gidx = base + i * L + lax.broadcasted_iota(jnp.int32, (L,), 0)
      nbuf[pl.ds(i * L, L)] = jnp.where(gidx < PAD_BIN, nv, 0.0)

    pltpu.sync_copy(nbuf, normsh.at[pl.ds(base, _NSUB)])

  @pl.loop(0, CHUNK)
  def _(i):
    for j in range(D // L):
      rows[0, i, pl.ds(j * L, L)] = jnp.zeros((L,), jnp.float32)

  RPT = ACC_ROWS // NS

  @pl.loop(0, RPT // CHUNK)
  def _(b):
    pltpu.sync_copy(rows.at[0], acc.at[pl.ds(s * RPT + b * CHUNK, CHUNK)])

  plsc.subcore_barrier()

  def issue_edata(t, p):
    pltpu.async_copy(edata.at[start + t], ev.at[p], esem.at[p])

  def wait_edata(t, p):
    pltpu.make_async_copy(edata.at[start + t], ev.at[p], esem.at[p]).wait()

  def compute_indices(p):
    @pl.loop(0, CHUNK // L)
    def _(g):
      sl = pl.ds(g * L, L)
      tv = ev[p, pl.ds(CHUNK + g * L, L)]
      dv = ev[p, pl.ds(2 * CHUNK + g * L, L)]
      idxv[p, sl] = tv * N + ev[p, pl.ds(g * L, L)]
      combv[p, sl] = dv * R + tv
      dstv[p, sl] = dv

  def issue_gathers(p):
    pltpu.async_copy(h4.at[idxv.at[p]], rows.at[p], gsem.at[p])
    pltpu.async_copy(normsh.at[combv.at[p]], scalev.at[p], vsem.at[p])

  def wait_gathers(p):
    pltpu.make_async_copy(h4.at[idxv.at[p]], rows.at[p], gsem.at[p]).wait()
    pltpu.make_async_copy(
        normsh.at[combv.at[p]], scalev.at[p], vsem.at[p]).wait()

  def multiply(p):
    @pl.loop(0, CHUNK)
    def _(e):
      sc = plsc.load_gather(scalev.at[p], [jnp.full((L,), e, jnp.int32)])
      for j in range(D // L):
        rows[p, e, pl.ds(j * L, L)] = rows[p, e, pl.ds(j * L, L)] * sc

  def issue_scatter(p):
    pltpu.async_copy(rows.at[p], acc.at[dstv.at[p]], csem.at[p], add=True)

  def wait_scatter(p):
    pltpu.make_async_copy(rows.at[p], acc.at[dstv.at[p]], csem.at[p]).wait()

  for p in range(NBUF):
    issue_edata(p, p)

  @pl.loop(0, kc // NBUF)
  def _(k):
    for sub in range(NBUF):
      p = sub
      t = NBUF * k + sub

      wait_edata(t, p)

      @pl.when(k > 0)
      def _():
        wait_scatter(p)

      compute_indices(p)
      issue_gathers(p)

      @pl.when(k < kc // NBUF - 1)
      def _():
        issue_edata(t + NBUF, p)

      p2 = (sub + NBUF - LAG) % NBUF
      if sub >= LAG:
        wait_gathers(p2)
        multiply(p2)
        issue_scatter(p2)
      else:
        @pl.when(k > 0)
        def _():
          wait_gathers(p2)
          multiply(p2)
          issue_scatter(p2)

  for i in range(LAG):
    p2 = (NBUF - LAG + i) % NBUF
    wait_gathers(p2)
    multiply(p2)
    issue_scatter(p2)
  for p in range(NBUF):
    wait_scatter(p)

  plsc.subcore_barrier()

  @pl.loop(0, RPT // 128)
  def _(b):
    pltpu.sync_copy(acc.at[pl.ds(s * RPT + b * 128, 128)],
                    out.at[c, pl.ds(s * RPT + b * 128, 128)])


def _finish(partial_acc, hr, bias2):
  def body(a0_ref, a1_ref, hr_ref, b_ref, o_ref):
    o_ref[...] = jnp.tanh(
        a0_ref[0] + a1_ref[0] + hr_ref[...] + b_ref[...])

  return pl.pallas_call(
      body,
      grid=(N // BN,),
      in_specs=[
          pl.BlockSpec((1, BN, D), lambda i: (0, i, 0)),
          pl.BlockSpec((1, BN, D), lambda i: (1, i, 0)),
          pl.BlockSpec((BN, D), lambda i: (i, 0)),
          pl.BlockSpec((1, D), lambda i: (0, 0)),
      ],
      out_specs=pl.BlockSpec((BN, D), lambda i: (i, 0)),
      out_shape=jax.ShapeDtypeStruct((N, D), jnp.float32),
  )(partial_acc, partial_acc, hr, bias2)


def kernel(x, edge_index, edge_type, W, root, bias):
  src = edge_index[0]
  dst = edge_index[1]
  pad = E_PAD - E
  src3 = jnp.pad(src, (0, pad)).reshape(TOTAL_CH, CHUNK)
  typ3 = jnp.pad(edge_type, (0, pad)).reshape(TOTAL_CH, CHUNK)
  dst3 = jnp.pad(dst, (0, pad), constant_values=N).reshape(TOTAL_CH, CHUNK)
  edata = jnp.concatenate([src3, typ3, dst3], axis=1)

  W5 = jnp.concatenate([W, root[None]], axis=0)
  h5 = _matmul5(x, W5)
  h4 = h5[:R].reshape(R * N, D)

  counts = _counts_kernel(edata)
  partial_acc = _edge_kernel(edata, counts, h4)

  return _finish(partial_acc, h5[R], bias.reshape(1, D))

# --- scband reference (transcript-rebuilt; emitter-appended) ---
"""Pipeline reference for scband-rgcnlayer-3693671875022 (READ-ONLY COPY).

The authoritative reference and input builder live on the scoring server;
editing this copy changes nothing except your own understanding.
"""

import jax, jax.numpy as jnp
import numpy as np

N = 10000
E = 320000
D_IN = 128
D_OUT = 128
NUM_REL = 4  # len(BONDS) - 1, assuming 5 bond types


def setup_inputs(seed: int = 0) -> dict:
    key = jax.random.key(seed)
    k1, k2, k3, k4, k5 = jax.random.split(key, 5)
    x = jax.random.normal(k1, (N, D_IN), dtype=jnp.float32)
    edge_index = jax.random.randint(k2, (2, E), 0, N, dtype=jnp.int32)
    edge_type = jax.random.randint(k3, (E,), 0, NUM_REL, dtype=jnp.int32)
    W = jax.random.normal(k4, (NUM_REL, D_IN, D_OUT), dtype=jnp.float32) * 0.05
    root = jax.random.normal(k5, (D_IN, D_OUT), dtype=jnp.float32) * 0.05
    bias = jnp.zeros((D_OUT,), dtype=jnp.float32)
    return {"x": x, "edge_index": edge_index, "edge_type": edge_type, "W": W, "root": root, "bias": bias}


def reference(x, edge_index, edge_type, W, root, bias):
    # FastRGCNConv: per-edge message m_e = x[src_e] @ W[type_e], mean-aggregated
    # per (dst, relation), plus root transform and bias. Dropout is identity in eval.
    src = edge_index[0]
    dst = edge_index[1]
    # Equivalent to gathering W[edge_type] per edge, but compute x @ W_r for all
    # relations first, then gather per-edge transformed features.
    h_all = jnp.einsum('ni,rio->rno', x, W)           # [R, N, D_OUT]
    msg = h_all[edge_type, src, :]                     # [E, D_OUT] gather
    # per-(node, relation) mean normalization
    comb = dst * NUM_REL + edge_type
    counts = jax.ops.segment_sum(jnp.ones((E,), jnp.float32), comb, num_segments=N * NUM_REL)
    norm = 1.0 / jnp.maximum(counts, 1.0)
    msg = msg * norm[comb][:, None]
    agg = jax.ops.segment_sum(msg, dst, num_segments=N)  # scatter-add
    out = agg + x @ root + bias
    out = jnp.tanh(out)
    return out

if __name__ == "__main__":
    import jax
    _d = setup_inputs()
    print(jax.jit(kernel)(*tuple(_d.values())))

</pallas_src>

<mosaic_0001>
#map = affine_map<(d0, d1) -> (0, 0)>
module attributes {stable_mosaic.version = 14 : i64} {
  func.func @_counts_kernel(%arg0: i32, %arg1: i32, %arg2: memref<5120x192xi32, #tpu.memory_space<hbm>>, %arg3: memref<2x40960xf32, #tpu.memory_space<hbm>>, %arg4: memref<160x192xi32, #tpu.memory_space<vmem>>, %arg5: memref<1x64xi32, #tpu.memory_space<vmem>>, %arg6: memref<64xf32, #tpu.memory_space<vmem>>, %arg7: memref<2560xf32, #tpu.memory_space<vmem>>, %arg8: memref<40960xf32, #tpu.memory_space<vmem_shared>>, %arg9: memref<!tpu.dma_semaphore, #tpu.memory_space<semaphore_mem>>) attributes {dimension_semantics = [#tpu.dimension_semantics<core_parallel>, #tpu.dimension_semantics<subcore_parallel>], iteration_bounds = array<i64: 2, 16>, scalar_prefetch = 0 : i64, scratch_operands = 6 : i64, tpu.core_type = #tpu.core_type<sc_vector_subcore>, window_params = [{transform_indices = #map}, {transform_indices = #map}]} {
    %mul3A = arith.constant 16 : i32
    %mul3A_0 = arith.muli %arg0, %mul3A : i32
    %add3A = arith.addi %mul3A_0, %arg1 : i32
    %mul3A_1 = arith.constant 160 : i32
    %mul3A_2 = arith.muli %add3A, %mul3A_1 : i32
    %dma_start3A = arith.constant 0 : i32
    %dma_start3A_3 = tpu.memref_slice %arg2[%mul3A_2, %dma_start3A] : memref<5120x192xi32, #tpu.memory_space<hbm>> -> memref<160x192xi32, #tpu.memory_space<hbm>>
    %dma_start3A_4 = arith.constant 0 : i32
    %dma_start3A_5 = tpu.memref_slice %arg2[%mul3A_2, %dma_start3A_4] : memref<5120x192xi32, #tpu.memory_space<hbm>> -> memref<160x192xi32, #tpu.memory_space<hbm>>
    tpu.enqueue_dma source(%dma_start3A_5 : memref<160x192xi32, #tpu.memory_space<hbm>>) target(%arg4 : memref<160x192xi32, #tpu.memory_space<vmem>>) target_semaphore(%arg9 : memref<!tpu.dma_semaphore, #tpu.memory_space<semaphore_mem>>)
    %dma_wait3A = arith.constant 0 : i32
    %dma_wait3A_6 = tpu.memref_slice %arg2[%mul3A_2, %dma_wait3A] : memref<5120x192xi32, #tpu.memory_space<hbm>> -> memref<160x192xi32, #tpu.memory_space<hbm>>
    %dma_wait3A_7 = arith.constant 0 : i32
    %dma_wait3A_8 = tpu.memref_slice %arg2[%mul3A_2, %dma_wait3A_7] : memref<5120x192xi32, #tpu.memory_space<hbm>> -> memref<160x192xi32, #tpu.memory_space<hbm>>
    tpu.wait_dma2 semaphore(%arg9 : memref<!tpu.dma_semaphore, #tpu.memory_space<semaphore_mem>>) src(%dma_wait3A_8 : memref<160x192xi32, #tpu.memory_space<hbm>>) dst(%arg4 : memref<160x192xi32, #tpu.memory_space<vmem>>)
    %scan3A = arith.constant 0 : i32
    %scan3A_9 = arith.constant 4 : i32
    %scan3A_10 = arith.addi %scan3A, %scan3A_9 : i32
    %scan3A_11 = arith.constant 1 : i32
    scf.for %scan3A_30 = %scan3A to %scan3A_10 step %scan3A_11  : i32 {
      %mul3A_31 = arith.constant 1 : i32
      %mul3A_32 = arith.muli %scan3A_30, %mul3A_31 : i32
      %add3A_33 = arith.constant 0 : i32
      %add3A_34 = arith.addi %add3A_33, %mul3A_32 : i32
      %broadcast_in_dim3A = arith.constant 1.000000e+00 : f32
      %broadcast_in_dim3A_35 = vector.broadcast %broadcast_in_dim3A : f32 to vector<16xf32>
      %mul3A_36 = arith.constant 16 : i32
      %mul3A_37 = arith.muli %add3A_34, %mul3A_36 : i32
      %swap3A = arith.index_cast %mul3A_37 : i32 to index
      %swap3A_38 = tpu.vector_load %arg6[%swap3A] {strides = array<i32>} : memref<64xf32, #tpu.memory_space<vmem>>, vector<16xf32>,
      tpu.vector_store %arg6[%swap3A], %broadcast_in_dim3A_35 {strides = array<i32>} : memref<64xf32, #tpu.memory_space<vmem>>, vector<16xf32>,
    }
    %scan3A_12 = arith.constant 4 : i32
    %scan3A_13 = arith.constant 0 : i32
    %scan3A_14 = arith.constant 160 : i32
    %scan3A_15 = arith.addi %scan3A_13, %scan3A_14 : i32
    %scan3A_16 = arith.constant 1 : i32
    scf.for %scan3A_30 = %scan3A_13 to %scan3A_15 step %scan3A_16  : i32 {
      %mul3A_31 = arith.constant 1 : i32
      %mul3A_32 = arith.muli %scan3A_30, %mul3A_31 : i32
      %add3A_33 = arith.constant 0 : i32
      %add3A_34 = arith.addi %add3A_33, %mul3A_32 : i32
      %broadcast_in_dim3A = arith.constant 0.000000e+00 : f32
      %broadcast_in_dim3A_35 = vector.broadcast %broadcast_in_dim3A : f32 to vector<16xf32>
      %mul3A_36 = arith.constant 16 : i32
      %mul3A_37 = arith.muli %add3A_34, %mul3A_36 : i32
      %swap3A = arith.index_cast %mul3A_37 : i32 to index
      %swap3A_38 = tpu.vector_load %arg7[%swap3A] {strides = array<i32>} : memref<2560xf32, #tpu.memory_space<vmem>>, vector<16xf32>,
      tpu.vector_store %arg7[%swap3A], %broadcast_in_dim3A_35 {strides = array<i32>} : memref<2560xf32, #tpu.memory_space<vmem>>, vector<16xf32>,
    }
    %scan3A_17 = arith.constant 160 : i32
    %mul3A_18 = arith.constant 2560 : i32
    %mul3A_19 = arith.muli %arg1, %mul3A_18 : i32
    "tpu.region"() ({
      %run_scoped3A = tpu.sem_alloc : memref<!tpu.dma_semaphore, #tpu.memory_space<semaphore_mem>>
      %dma_start3A_30 = tpu.memref_slice %arg8[%mul3A_19] : memref<40960xf32, #tpu.memory_space<vmem_shared>> -> memref<2560xf32, #tpu.memory_space<vmem_shared>>
      %dma_start3A_31 = tpu.memref_slice %arg8[%mul3A_19] : memref<40960xf32, #tpu.memory_space<vmem_shared>> -> memref<2560xf32, #tpu.memory_space<vmem_shared>>
      tpu.enqueue_dma source(%arg7 : memref<2560xf32, #tpu.memory_space<vmem>>) target(%dma_start3A_31 : memref<2560xf32, #tpu.memory_space<vmem_shared>>) target_semaphore(%run_scoped3A : memref<!tpu.dma_semaphore, #tpu.memory_space<semaphore_mem>>)
      %dma_wait3A_32 = tpu.memref_slice %arg8[%mul3A_19] : memref<40960xf32, #tpu.memory_space<vmem_shared>> -> memref<2560xf32, #tpu.memory_space<vmem_shared>>
      %dma_wait3A_33 = tpu.memref_slice %arg8[%mul3A_19] : memref<40960xf32, #tpu.memory_space<vmem_shared>> -> memref<2560xf32, #tpu.memory_space<vmem_shared>>
      tpu.wait_dma2 semaphore(%run_scoped3A : memref<!tpu.dma_semaphore, #tpu.memory_space<semaphore_mem>>) src(%arg7 : memref<2560xf32, #tpu.memory_space<vmem>>) dst(%dma_wait3A_33 : memref<2560xf32, #tpu.memory_space<vmem_shared>>)
      tpu.yield
    }) : () -> ()
    %barrier3A = arith.constant 0 : index
    tpu.barrier barrier_id(%barrier3A)
    %scan3A_20 = arith.constant 0 : i32
    %scan3A_21 = arith.constant 160 : i32
    %scan3A_22 = arith.addi %scan3A_20, %scan3A_21 : i32
    %scan3A_23 = arith.constant 1 : i32
    scf.for %scan3A_30 = %scan3A_20 to %scan3A_22 step %scan3A_23  : i32 {
      %mul3A_31 = arith.constant 1 : i32
      %mul3A_32 = arith.muli %scan3A_30, %mul3A_31 : i32
      %add3A_33 = arith.constant 0 : i32
      %add3A_34 = arith.addi %add3A_33, %mul3A_32 : i32
      %scan3A_35 = arith.constant 0 : i32
      %scan3A_36 = arith.constant 4 : i32
      %scan3A_37 = arith.addi %scan3A_35, %scan3A_36 : i32
      %scan3A_38 = arith.constant 1 : i32
      scf.for %scan3A_40 = %scan3A_35 to %scan3A_37 step %scan3A_38  : i32 {
        %mul3A_41 = arith.constant 1 : i32
        %mul3A_42 = arith.muli %scan3A_40, %mul3A_41 : i32
        %add3A_43 = arith.constant 0 : i32
        %add3A_44 = arith.addi %add3A_43, %mul3A_42 : i32
        %mul3A_45 = arith.constant 16 : i32
        %mul3A_46 = arith.muli %add3A_44, %mul3A_45 : i32
        %add3A_47 = arith.constant 128 : i32
        %add3A_48 = arith.addi %add3A_47, %mul3A_46 : i32
        %get3A = arith.index_cast %add3A_34 : i32 to index
        %get3A_49 = arith.index_cast %add3A_48 : i32 to index
        %get3A_50 = tpu.vector_load %arg4[%get3A, %get3A_49] {strides = array<i32>} : memref<160x192xi32, #tpu.memory_space<vmem>>, vector<16xi32>,
        %mul3A_51 = arith.constant 4 : i32
        %mul3A_52 = vector.broadcast %mul3A_51 : i32 to vector<16xi32>
        %mul3A_53 = arith.muli %get3A_50, %mul3A_52 : vector<16xi32>
        %mul3A_54 = arith.constant 16 : i32
        %mul3A_55 = arith.muli %add3A_44, %mul3A_54 : i32
        %add3A_56 = arith.constant 64 : i32
        %add3A_57 = arith.addi %add3A_56, %mul3A_55 : i32
        %get3A_58 = arith.index_cast %add3A_34 : i32 to index
        %get3A_59 = arith.index_cast %add3A_57 : i32 to index
        %get3A_60 = tpu.vector_load %arg4[%get3A_58, %get3A_59] {strides = array<i32>} : memref<160x192xi32, #tpu.memory_space<vmem>>, vector<16xi32>,
        %add3A_61 = arith.addi %mul3A_53, %get3A_60 : vector<16xi32>
        %mul3A_62 = arith.constant 16 : i32
        %mul3A_63 = arith.muli %add3A_44, %mul3A_62 : i32
        %swap3A = arith.constant 0 : i32
        %swap3A_64 = arith.index_cast %swap3A : i32 to index
        %swap3A_65 = arith.index_cast %mul3A_63 : i32 to index
        %swap3A_66 = tpu.vector_load %arg5[%swap3A_64, %swap3A_65] {strides = array<i32>} : memref<1x64xi32, #tpu.memory_space<vmem>>, vector<16xi32>,
        tpu.vector_store %arg5[%swap3A_64, %swap3A_65], %add3A_61 {strides = array<i32>} : memref<1x64xi32, #tpu.memory_space<vmem>>, vector<16xi32>,
      }
      %scan3A_39 = arith.constant 4 : i32
      %run_scoped3A = arith.constant 0 : i32
      "tpu.region"() ({
        %run_scoped3A_40 = tpu.sem_alloc : memref<!tpu.dma_semaphore, #tpu.memory_space<semaphore_mem>>
        %dma_start3A_41 = arith.constant 0 : i32
        %dma_start3A_42 = tpu.memref_slice %arg5[%run_scoped3A, %dma_start3A_41] : memref<1x64xi32, #tpu.memory_space<vmem>> -> memref<1x64xi32, #tpu.memory_space<vmem>>
        %dma_start3A_43 = tpu.memref_squeeze %dma_start3A_42 : memref<1x64xi32, #tpu.memory_space<vmem>> -> memref<64xi32, #tpu.memory_space<vmem>>
        %dma_start3A_44 = arith.constant 0 : i32
        %dma_start3A_45 = tpu.memref_slice %arg8[%dma_start3A_44] : memref<40960xf32, #tpu.memory_space<vmem_shared>> -> memref<40960xf32, #tpu.memory_space<vmem_shared>>
        tpu.enqueue_indirect_dma source(%arg6 : memref<64xf32, #tpu.memory_space<vmem>>) target(%dma_start3A_45 : memref<40960xf32, #tpu.memory_space<vmem_shared>>) offsets(%dma_start3A_43 : memref<64xi32, #tpu.memory_space<vmem>>) semaphore(%run_scoped3A_40 : memref<!tpu.dma_semaphore, #tpu.memory_space<semaphore_mem>>) {add = true}
        %dma_wait3A_46 = arith.constant 0 : i32
        %dma_wait3A_47 = tpu.memref_slice %arg5[%run_scoped3A, %dma_wait3A_46] : memref<1x64xi32, #tpu.memory_space<vmem>> -> memref<1x64xi32, #tpu.memory_space<vmem>>
        %dma_wait3A_48 = tpu.memref_squeeze %dma_wait3A_47 : memref<1x64xi32, #tpu.memory_space<vmem>> -> memref<64xi32, #tpu.memory_space<vmem>>
        %dma_wait3A_49 = arith.constant 0 : i32
        %dma_wait3A_50 = tpu.memref_slice %arg8[%dma_wait3A_49] : memref<40960xf32, #tpu.memory_space<vmem_shared>> -> memref<40960xf32, #tpu.memory_space<vmem_shared>>
        tpu.wait_indirect_dma semaphore(%run_scoped3A_40 : memref<!tpu.dma_semaphore, #tpu.memory_space<semaphore_mem>>) src(%arg6 : memref<64xf32, #tpu.memory_space<vmem>>) dst(%dma_wait3A_50 : memref<40960xf32, #tpu.memory_space<vmem_shared>>)
        tpu.yield
      }) : () -> ()
    }
    %scan3A_24 = arith.constant 160 : i32
    %barrier3A_25 = arith.constant 0 : index
    tpu.barrier barrier_id(%barrier3A_25)
    %mul3A_26 = arith.constant 2560 : i32
    %mul3A_27 = arith.muli %arg1, %mul3A_26 : i32
    %mul3A_28 = arith.constant 2560 : i32
    %mul3A_29 = arith.muli %arg1, %mul3A_28 : i32
    "tpu.region"() ({
      %run_scoped3A = tpu.sem_alloc : memref<!tpu.dma_semaphore, #tpu.memory_space<semaphore_mem>>
      %dma_start3A_30 = tpu.memref_slice %arg3[%arg0, %mul3A_29] : memref<2x40960xf32, #tpu.memory_space<hbm>> -> memref<1x2560xf32, #tpu.memory_space<hbm>>
      %dma_start3A_31 = tpu.memref_squeeze %dma_start3A_30 : memref<1x2560xf32, #tpu.memory_space<hbm>> -> memref<2560xf32, #tpu.memory_space<hbm>>
      %dma_start3A_32 = tpu.memref_slice %arg8[%mul3A_27] : memref<40960xf32, #tpu.memory_space<vmem_shared>> -> memref<2560xf32, #tpu.memory_space<vmem_shared>>
      tpu.enqueue_dma source(%dma_start3A_32 : memref<2560xf32, #tpu.memory_space<vmem_shared>>) target(%dma_start3A_31 : memref<2560xf32, #tpu.memory_space<hbm>>) target_semaphore(%run_scoped3A : memref<!tpu.dma_semaphore, #tpu.memory_space<semaphore_mem>>)
      %dma_wait3A_33 = tpu.memref_slice %arg3[%arg0, %mul3A_29] : memref<2x40960xf32, #tpu.memory_space<hbm>> -> memref<1x2560xf32, #tpu.memory_space<hbm>>
      %dma_wait3A_34 = tpu.memref_squeeze %dma_wait3A_33 : memref<1x2560xf32, #tpu.memory_space<hbm>> -> memref<2560xf32, #tpu.memory_space<hbm>>
      %dma_wait3A_35 = tpu.memref_slice %arg8[%mul3A_27] : memref<40960xf32, #tpu.memory_space<vmem_shared>> -> memref<2560xf32, #tpu.memory_space<vmem_shared>>
      tpu.wait_dma2 semaphore(%run_scoped3A : memref<!tpu.dma_semaphore, #tpu.memory_space<semaphore_mem>>) src(%dma_wait3A_35 : memref<2560xf32, #tpu.memory_space<vmem_shared>>) dst(%dma_wait3A_34 : memref<2560xf32, #tpu.memory_space<hbm>>)
      tpu.yield
    }) : () -> ()
    return
  }
}

#map = affine_map<(d0, d1) -> (0, 0)>
#map1 = affine_map<(d0, d1) -> (0, 0, 0)>
module attributes {stable_mosaic.version = 14 : i64} {
  func.func @_edge_kernel(%arg0: i32, %arg1: i32, %arg2: memref<5120x192xi32, #tpu.memory_space<hbm>>, %arg3: memref<2x40960xf32, #tpu.memory_space<hbm>>, %arg4: memref<40000x128xf32, #tpu.memory_space<hbm>>, %arg5: memref<2x10240x128xf32, #tpu.memory_space<hbm>>, %arg6: memref<4x192xi32, #tpu.memory_space<vmem>>, %arg7: memref<4x64xi32, #tpu.memory_space<vmem>>, %arg8: memref<4x64xi32, #tpu.memory_space<vmem>>, %arg9: memref<4x64xi32, #tpu.memory_space<vmem>>, %arg10: memref<4x64xf32, #tpu.memory_space<vmem>>, %arg11: memref<4x64x128xf32, #tpu.memory_space<vmem>>, %arg12: memref<640xf32, #tpu.memory_space<vmem>>, %arg13: memref<640xf32, #tpu.memory_space<vmem>>, %arg14: memref<640xf32, #tpu.memory_space<vmem>>, %arg15: memref<40960xf32, #tpu.memory_space<vmem_shared>>, %arg16: memref<10240x128xf32, #tpu.memory_space<vmem_shared>>, %arg17: memref<4x!tpu.dma_semaphore, #tpu.memory_space<semaphore_mem>>, %arg18: memref<4x!tpu.dma_semaphore, #tpu.memory_space<semaphore_mem>>, %arg19: memref<4x!tpu.dma_semaphore, #tpu.memory_space<semaphore_mem>>, %arg20: memref<4x!tpu.dma_semaphore, #tpu.memory_space<semaphore_mem>>) attributes {dimension_semantics = [#tpu.dimension_semantics<core_parallel>, #tpu.dimension_semantics<subcore_parallel>], iteration_bounds = array<i64: 2, 16>, scalar_prefetch = 0 : i64, scratch_operands = 15 : i64, tpu.core_type = #tpu.core_type<sc_vector_subcore>, window_params = [{transform_indices = #map}, {transform_indices = #map}, {transform_indices = #map}, {transform_indices = #map1}]} {
    %eq3A = arith.constant 0 : i32
    %eq3A_0 = arith.cmpi eq, %arg0, %eq3A : i32
    %mul3A = arith.constant 224 : i32
    %mul3A_1 = arith.muli %arg1, %mul3A : i32
    %mul3A_2 = arith.constant 96 : i32
    %mul3A_3 = arith.muli %arg1, %mul3A_2 : i32
    %add3A = arith.constant 3584 : i32
    %add3A_4 = arith.addi %add3A, %mul3A_3 : i32
    %select_n3A = arith.select %eq3A_0, %mul3A_1, %add3A_4 : i32
    %eq3A_5 = arith.constant 0 : i32
    %eq3A_6 = arith.cmpi eq, %arg0, %eq3A_5 : i32
    %jit3A = arith.constant 224 : i32
    %jit3A_7 = arith.constant 96 : i32
    %select_n3A_8 = arith.select %eq3A_6, %jit3A, %jit3A_7 : i32
    %scan3A = arith.constant 0 : i32
    %scan3A_9 = arith.constant 4 : i32
    %scan3A_10 = arith.addi %scan3A, %scan3A_9 : i32
    %scan3A_11 = arith.constant 1 : i32
    scf.for %scan3A_339 = %scan3A to %scan3A_10 step %scan3A_11  : i32 {
      %mul3A_340 = arith.constant 1 : i32
      %mul3A_341 = arith.muli %scan3A_339, %mul3A_340 : i32
      %add3A_342 = arith.constant 0 : i32
      %add3A_343 = arith.addi %add3A_342, %mul3A_341 : i32
      %mul3A_344 = arith.constant 2560 : i32
      %mul3A_345 = arith.muli %arg1, %mul3A_344 : i32
      %mul3A_346 = arith.constant 640 : i32
      %mul3A_347 = arith.muli %add3A_343, %mul3A_346 : i32
      %add3A_348 = arith.addi %mul3A_345, %mul3A_347 : i32
      %dma_start3A_349 = arith.constant 0 : i32
      %dma_start3A_350 = arith.constant 0 : i32
      %dma_start3A_351 = tpu.memref_slice %arg3[%dma_start3A_349, %add3A_348] : memref<2x40960xf32, #tpu.memory_space<hbm>> -> memref<1x640xf32, #tpu.memory_space<hbm>>
      %dma_start3A_352 = tpu.memref_squeeze %dma_start3A_351 : memref<1x640xf32, #tpu.memory_space<hbm>> -> memref<640xf32, #tpu.memory_space<hbm>>
      %dma_start3A_353 = tpu.memref_slice %arg17[%dma_start3A_350] : memref<4x!tpu.dma_semaphore, #tpu.memory_space<semaphore_mem>> -> memref<1x!tpu.dma_semaphore, #tpu.memory_space<semaphore_mem>>
      %dma_start3A_354 = tpu.memref_squeeze %dma_start3A_353 : memref<1x!tpu.dma_semaphore, #tpu.memory_space<semaphore_mem>> -> memref<!tpu.dma_semaphore, #tpu.memory_space<semaphore_mem>>
      %dma_start3A_355 = tpu.memref_slice %arg3[%dma_start3A_349, %add3A_348] : memref<2x40960xf32, #tpu.memory_space<hbm>> -> memref<1x640xf32, #tpu.memory_space<hbm>>
      %dma_start3A_356 = tpu.memref_squeeze %dma_start3A_355 : memref<1x640xf32, #tpu.memory_space<hbm>> -> memref<640xf32, #tpu.memory_space<hbm>>
      tpu.enqueue_dma source(%dma_start3A_356 : memref<640xf32, #tpu.memory_space<hbm>>) target(%arg12 : memref<640xf32, #tpu.memory_space<vmem>>) target_semaphore(%dma_start3A_354 : memref<!tpu.dma_semaphore, #tpu.memory_space<semaphore_mem>>)
      %dma_wait3A_357 = arith.constant 0 : i32
      %dma_wait3A_358 = arith.constant 0 : i32
      %dma_wait3A_359 = tpu.memref_slice %arg3[%dma_wait3A_357, %add3A_348] : memref<2x40960xf32, #tpu.memory_space<hbm>> -> memref<1x640xf32, #tpu.memory_space<hbm>>
      %dma_wait3A_360 = tpu.memref_squeeze %dma_wait3A_359 : memref<1x640xf32, #tpu.memory_space<hbm>> -> memref<640xf32, #tpu.memory_space<hbm>>
      %dma_wait3A_361 = tpu.memref_slice %arg17[%dma_wait3A_358] : memref<4x!tpu.dma_semaphore, #tpu.memory_space<semaphore_mem>> -> memref<1x!tpu.dma_semaphore, #tpu.memory_space<semaphore_mem>>
      %dma_wait3A_362 = tpu.memref_squeeze %dma_wait3A_361 : memref<1x!tpu.dma_semaphore, #tpu.memory_space<semaphore_mem>> -> memref<!tpu.dma_semaphore, #tpu.memory_space<semaphore_mem>>
      %dma_wait3A_363 = tpu.memref_slice %arg3[%dma_wait3A_357, %add3A_348] : memref<2x40960xf32, #tpu.memory_space<hbm>> -> memref<1x640xf32, #tpu.memory_space<hbm>>
      %dma_wait3A_364 = tpu.memref_squeeze %dma_wait3A_363 : memref<1x640xf32, #tpu.memory_space<hbm>> -> memref<640xf32, #tpu.memory_space<hbm>>
      tpu.wait_dma2 semaphore(%dma_wait3A_362 : memref<!tpu.dma_semaphore, #tpu.memory_space<semaphore_mem>>) src(%dma_wait3A_364 : memref<640xf32, #tpu.memory_space<hbm>>) dst(%arg12 : memref<640xf32, #tpu.memory_space<vmem>>)
      %dma_start3A_365 = arith.constant 1 : i32
      %dma_start3A_366 = arith.constant 0 : i32
      %dma_start3A_367 = tpu.memref_slice %arg3[%dma_start3A_365, %add3A_348] : memref<2x40960xf32, #tpu.memory_space<hbm>> -> memref<1x640xf32, #tpu.memory_space<hbm>>
      %dma_start3A_368 = tpu.memref_squeeze %dma_start3A_367 : memref<1x640xf32, #tpu.memory_space<hbm>> -> memref<640xf32, #tpu.memory_space<hbm>>
      %dma_start3A_369 = tpu.memref_slice %arg17[%dma_start3A_366] : memref<4x!tpu.dma_semaphore, #tpu.memory_space<semaphore_mem>> -> memref<1x!tpu.dma_semaphore, #tpu.memory_space<semaphore_mem>>
      %dma_start3A_370 = tpu.memref_squeeze %dma_start3A_369 : memref<1x!tpu.dma_semaphore, #tpu.memory_space<semaphore_mem>> -> memref<!tpu.dma_semaphore, #tpu.memory_space<semaphore_mem>>
      %dma_start3A_371 = tpu.memref_slice %arg3[%dma_start3A_365, %add3A_348] : memref<2x40960xf32, #tpu.memory_space<hbm>> -> memref<1x640xf32, #tpu.memory_space<hbm>>
      %dma_start3A_372 = tpu.memref_squeeze %dma_start3A_371 : memref<1x640xf32, #tpu.memory_space<hbm>> -> memref<640xf32, #tpu.memory_space<hbm>>
      tpu.enqueue_dma source(%dma_start3A_372 : memref<640xf32, #tpu.memory_space<hbm>>) target(%arg13 : memref<640xf32, #tpu.memory_space<vmem>>) target_semaphore(%dma_start3A_370 : memref<!tpu.dma_semaphore, #tpu.memory_space<semaphore_mem>>)
      %dma_wait3A_373 = arith.constant 1 : i32
      %dma_wait3A_374 = arith.constant 0 : i32
      %dma_wait3A_375 = tpu.memref_slice %arg3[%dma_wait3A_373, %add3A_348] : memref<2x40960xf32, #tpu.memory_space<hbm>> -> memref<1x640xf32, #tpu.memory_space<hbm>>
      %dma_wait3A_376 = tpu.memref_squeeze %dma_wait3A_375 : memref<1x640xf32, #tpu.memory_space<hbm>> -> memref<640xf32, #tpu.memory_space<hbm>>
      %dma_wait3A_377 = tpu.memref_slice %arg17[%dma_wait3A_374] : memref<4x!tpu.dma_semaphore, #tpu.memory_space<semaphore_mem>> -> memref<1x!tpu.dma_semaphore, #tpu.memory_space<semaphore_mem>>
      %dma_wait3A_378 = tpu.memref_squeeze %dma_wait3A_377 : memref<1x!tpu.dma_semaphore, #tpu.memory_space<semaphore_mem>> -> memref<!tpu.dma_semaphore, #tpu.memory_space<semaphore_mem>>
      %dma_wait3A_379 = tpu.memref_slice %arg3[%dma_wait3A_373, %add3A_348] : memref<2x40960xf32, #tpu.memory_space<hbm>> -> memref<1x640xf32, #tpu.memory_space<hbm>>
      %dma_wait3A_380 = tpu.memref_squeeze %dma_wait3A_379 : memref<1x640xf32, #tpu.memory_space<hbm>> -> memref<640xf32, #tpu.memory_space<hbm>>
      tpu.wait_dma2 semaphore(%dma_wait3A_378 : memref<!tpu.dma_semaphore, #tpu.memory_space<semaphore_mem>>) src(%dma_wait3A_380 : memref<640xf32, #tpu.memory_space<hbm>>) dst(%arg13 : memref<640xf32, #tpu.memory_space<vmem>>)
      %scan3A_381 = arith.constant 0 : i32
      %scan3A_382 = arith.constant 40 : i32
      %scan3A_383 = arith.addi %scan3A_381, %scan3A_382 : i32
      %scan3A_384 = arith.constant 1 : i32
      scf.for %scan3A_386 = %scan3A_381 to %scan3A_383 step %scan3A_384  : i32 {
        %mul3A_387 = arith.constant 1 : i32
        %mul3A_388 = arith.muli %scan3A_386, %mul3A_387 : i32
        %add3A_389 = arith.constant 0 : i32
        %add3A_390 = arith.addi %add3A_389, %mul3A_388 : i32
        %mul3A_391 = arith.constant 16 : i32
        %mul3A_392 = arith.muli %add3A_390, %mul3A_391 : i32
        %get3A = arith.index_cast %mul3A_392 : i32 to index
        %get3A_393 = tpu.vector_load %arg12[%get3A] {strides = array<i32>} : memref<640xf32, #tpu.memory_space<vmem>>, vector<16xf32>,
        %mul3A_394 = arith.constant 16 : i32
        %mul3A_395 = arith.muli %add3A_390, %mul3A_394 : i32
        %get3A_396 = arith.index_cast %mul3A_395 : i32 to index
        %get3A_397 = tpu.vector_load %arg13[%get3A_396] {strides = array<i32>} : memref<640xf32, #tpu.memory_space<vmem>>, vector<16xf32>,
        %add3A_398 = arith.addf %get3A_393, %get3A_397 : vector<16xf32>
        %max3A = arith.constant 1.000000e+00 : f32
        %max3A_399 = vector.broadcast %max3A : f32 to vector<16xf32>
        %max3A_400 = arith.maximumf %add3A_398, %max3A_399 : vector<16xf32>
        %div3A_401 = arith.constant 1.000000e+00 : f32
        %div3A_402 = vector.broadcast %div3A_401 : f32 to vector<16xf32>
        %div3A_403 = arith.divf %div3A_402, %max3A_400 : vector<16xf32>
        %mul3A_404 = arith.constant 16 : i32
        %mul3A_405 = arith.muli %add3A_390, %mul3A_404 : i32
        %add3A_406 = arith.addi %add3A_348, %mul3A_405 : i32
        %iota3A = tpu.iota {dimensions = array<i32: 0>} : vector<16xi32>
        %add3A_407 = vector.broadcast %add3A_406 : i32 to vector<16xi32>
        %add3A_408 = arith.addi %add3A_407, %iota3A : vector<16xi32>
        %lt3A = arith.constant 40000 : i32
        %lt3A_409 = vector.broadcast %lt3A : i32 to vector<16xi32>
        %lt3A_410 = arith.cmpi slt, %add3A_408, %lt3A_409 : vector<16xi32>
        %jit3A_411 = arith.constant 0.000000e+00 : f32
        %broadcast_in_dim3A = vector.broadcast %jit3A_411 : f32 to vector<16xf32>
        %select_n3A_412 = arith.select %lt3A_410, %div3A_403, %broadcast_in_dim3A : vector<16xi1>, vector<16xf32>
        %mul3A_413 = arith.constant 16 : i32
        %mul3A_414 = arith.muli %add3A_390, %mul3A_413 : i32
        %swap3A = arith.index_cast %mul3A_414 : i32 to index
        %swap3A_415 = tpu.vector_load %arg14[%swap3A] {strides = array<i32>} : memref<640xf32, #tpu.memory_space<vmem>>, vector<16xf32>,
        tpu.vector_store %arg14[%swap3A], %select_n3A_412 {strides = array<i32>} : memref<640xf32, #tpu.memory_space<vmem>>, vector<16xf32>,
      }
      %scan3A_385 = arith.constant 40 : i32
      "tpu.region"() ({
        %run_scoped3A = tpu.sem_alloc : memref<!tpu.dma_semaphore, #tpu.memory_space<semaphore_mem>>
        %dma_start3A_386 = tpu.memref_slice %arg15[%add3A_348] : memref<40960xf32, #tpu.memory_space<vmem_shared>> -> memref<640xf32, #tpu.memory_space<vmem_shared>>
        %dma_start3A_387 = tpu.memref_slice %arg15[%add3A_348] : memref<40960xf32, #tpu.memory_space<vmem_shared>> -> memref<640xf32, #tpu.memory_space<vmem_shared>>
        tpu.enqueue_dma source(%arg14 : memref<640xf32, #tpu.memory_space<vmem>>) target(%dma_start3A_387 : memref<640xf32, #tpu.memory_space<vmem_shared>>) target_semaphore(%run_scoped3A : memref<!tpu.dma_semaphore, #tpu.memory_space<semaphore_mem>>)
        %dma_wait3A_388 = tpu.memref_slice %arg15[%add3A_348] : memref<40960xf32, #tpu.memory_space<vmem_shared>> -> memref<640xf32, #tpu.memory_space<vmem_shared>>
        %dma_wait3A_389 = tpu.memref_slice %arg15[%add3A_348] : memref<40960xf32, #tpu.memory_space<vmem_shared>> -> memref<640xf32, #tpu.memory_space<vmem_shared>>
        tpu.wait_dma2 semaphore(%run_scoped3A : memref<!tpu.dma_semaphore, #tpu.memory_space<semaphore_mem>>) src(%arg14 : memref<640xf32, #tpu.memory_space<vmem>>) dst(%dma_wait3A_389 : memref<640xf32, #tpu.memory_space<vmem_shared>>)
        tpu.yield
      }) : () -> ()
    }
    %scan3A_12 = arith.constant 4 : i32
    %scan3A_13 = arith.constant 0 : i32
    %scan3A_14 = arith.constant 64 : i32
    %scan3A_15 = arith.addi %scan3A_13, %scan3A_14 : i32
    %scan3A_16 = arith.constant 1 : i32
    scf.for %scan3A_339 = %scan3A_13 to %scan3A_15 step %scan3A_16  : i32 {
      %mul3A_340 = arith.constant 1 : i32
      %mul3A_341 = arith.muli %scan3A_339, %mul3A_340 : i32
      %add3A_342 = arith.constant 0 : i32
      %add3A_343 = arith.addi %add3A_342, %mul3A_341 : i32
      %broadcast_in_dim3A = arith.constant 0.000000e+00 : f32
      %broadcast_in_dim3A_344 = vector.broadcast %broadcast_in_dim3A : f32 to vector<16xf32>
      %swap3A = arith.constant 0 : i32
      %swap3A_345 = arith.index_cast %swap3A : i32 to index
      %swap3A_346 = arith.index_cast %add3A_343 : i32 to index
      %swap3A_347 = arith.constant 0 : index
      %swap3A_348 = tpu.vector_load %arg11[%swap3A_345, %swap3A_346, %swap3A_347] {strides = array<i32>} : memref<4x64x128xf32, #tpu.memory_space<vmem>>, vector<16xf32>,
      tpu.vector_store %arg11[%swap3A_345, %swap3A_346, %swap3A_347], %broadcast_in_dim3A_344 {strides = array<i32>} : memref<4x64x128xf32, #tpu.memory_space<vmem>>, vector<16xf32>,
      %broadcast_in_dim3A_349 = arith.constant 0.000000e+00 : f32
      %broadcast_in_dim3A_350 = vector.broadcast %broadcast_in_dim3A_349 : f32 to vector<16xf32>
      %swap3A_351 = arith.constant 0 : i32
      %swap3A_352 = arith.index_cast %swap3A_351 : i32 to index
      %swap3A_353 = arith.index_cast %add3A_343 : i32 to index
      %swap3A_354 = arith.constant 16 : index
      %swap3A_355 = tpu.vector_load %arg11[%swap3A_352, %swap3A_353, %swap3A_354] {strides = array<i32>} : memref<4x64x128xf32, #tpu.memory_space<vmem>>, vector<16xf32>,
      tpu.vector_store %arg11[%swap3A_352, %swap3A_353, %swap3A_354], %broadcast_in_dim3A_350 {strides = array<i32>} : memref<4x64x128xf32, #tpu.memory_space<vmem>>, vector<16xf32>,
      %broadcast_in_dim3A_356 = arith.constant 0.000000e+00 : f32
      %broadcast_in_dim3A_357 = vector.broadcast %broadcast_in_dim3A_356 : f32 to vector<16xf32>
      %swap3A_358 = arith.constant 0 : i32
      %swap3A_359 = arith.index_cast %swap3A_358 : i32 to index
      %swap3A_360 = arith.index_cast %add3A_343 : i32 to index
      %swap3A_361 = arith.constant 32 : index
      %swap3A_362 = tpu.vector_load %arg11[%swap3A_359, %swap3A_360, %swap3A_361] {strides = array<i32>} : memref<4x64x128xf32, #tpu.memory_space<vmem>>, vector<16xf32>,
      tpu.vector_store %arg11[%swap3A_359, %swap3A_360, %swap3A_361], %broadcast_in_dim3A_357 {strides = array<i32>} : memref<4x64x128xf32, #tpu.memory_space<vmem>>, vector<16xf32>,
      %broadcast_in_dim3A_363 = arith.constant 0.000000e+00 : f32
      %broadcast_in_dim3A_364 = vector.broadcast %broadcast_in_dim3A_363 : f32 to vector<16xf32>
      %swap3A_365 = arith.constant 0 : i32
      %swap3A_366 = arith.index_cast %swap3A_365 : i32 to index
      %swap3A_367 = arith.index_cast %add3A_343 : i32 to index
      %swap3A_368 = arith.constant 48 : index
      %swap3A_369 = tpu.vector_load %arg11[%swap3A_366, %swap3A_367, %swap3A_368] {strides = array<i32>} : memref<4x64x128xf32, #tpu.memory_space<vmem>>, vector<16xf32>,
      tpu.vector_store %arg11[%swap3A_366, %swap3A_367, %swap3A_368], %broadcast_in_dim3A_364 {strides = array<i32>} : memref<4x64x128xf32, #tpu.memory_space<vmem>>, vector<16xf32>,
      %broadcast_in_dim3A_370 = arith.constant 0.000000e+00 : f32
      %broadcast_in_dim3A_371 = vector.broadcast %broadcast_in_dim3A_370 : f32 to vector<16xf32>
      %swap3A_372 = arith.constant 0 : i32
      %swap3A_373 = arith.index_cast %swap3A_372 : i32 to index
      %swap3A_374 = arith.index_cast %add3A_343 : i32 to index
      %swap3A_375 = arith.constant 64 : index
      %swap3A_376 = tpu.vector_load %arg11[%swap3A_373, %swap3A_374, %swap3A_375] {strides = array<i32>} : memref<4x64x128xf32, #tpu.memory_space<vmem>>, vector<16xf32>,
      tpu.vector_store %arg11[%swap3A_373, %swap3A_374, %swap3A_375], %broadcast_in_dim3A_371 {strides = array<i32>} : memref<4x64x128xf32, #tpu.memory_space<vmem>>, vector<16xf32>,
      %broadcast_in_dim3A_377 = arith.constant 0.000000e+00 : f32
      %broadcast_in_dim3A_378 = vector.broadcast %broadcast_in_dim3A_377 : f32 to vector<16xf32>
      %swap3A_379 = arith.constant 0 : i32
      %swap3A_380 = arith.index_cast %swap3A_379 : i32 to index
      %swap3A_381 = arith.index_cast %add3A_343 : i32 to index
      %swap3A_382 = arith.constant 80 : index
      %swap3A_383 = tpu.vector_load %arg11[%swap3A_380, %swap3A_381, %swap3A_382] {strides = array<i32>} : memref<4x64x128xf32, #tpu.memory_space<vmem>>, vector<16xf32>,
      tpu.vector_store %arg11[%swap3A_380, %swap3A_381, %swap3A_382], %broadcast_in_dim3A_378 {strides = array<i32>} : memref<4x64x128xf32, #tpu.memory_space<vmem>>, vector<16xf32>,
      %broadcast_in_dim3A_384 = arith.constant 0.000000e+00 : f32
      %broadcast_in_dim3A_385 = vector.broadcast %broadcast_in_dim3A_384 : f32 to vector<16xf32>
      %swap3A_386 = arith.constant 0 : i32
      %swap3A_387 = arith.index_cast %swap3A_386 : i32 to index
      %swap3A_388 = arith.index_cast %add3A_343 : i32 to index
      %swap3A_389 = arith.constant 96 : index
      %swap3A_390 = tpu.vector_load %arg11[%swap3A_387, %swap3A_388, %swap3A_389] {strides = array<i32>} : memref<4x64x128xf32, #tpu.memory_space<vmem>>, vector<16xf32>,
      tpu.vector_store %arg11[%swap3A_387, %swap3A_388, %swap3A_389], %broadcast_in_dim3A_385 {strides = array<i32>} : memref<4x64x128xf32, #tpu.memory_space<vmem>>, vector<16xf32>,
      %broadcast_in_dim3A_391 = arith.constant 0.000000e+00 : f32
      %broadcast_in_dim3A_392 = vector.broadcast %broadcast_in_dim3A_391 : f32 to vector<16xf32>
      %swap3A_393 = arith.constant 0 : i32
      %swap3A_394 = arith.index_cast %swap3A_393 : i32 to index
      %swap3A_395 = arith.index_cast %add3A_343 : i32 to index
      %swap3A_396 = arith.constant 112 : index
      %swap3A_397 = tpu.vector_load %arg11[%swap3A_394, %swap3A_395, %swap3A_396] {strides = array<i32>} : memref<4x64x128xf32, #tpu.memory_space<vmem>>, vector<16xf32>,
      tpu.vector_store %arg11[%swap3A_394, %swap3A_395, %swap3A_396], %broadcast_in_dim3A_392 {strides = array<i32>} : memref<4x64x128xf32, #tpu.memory_space<vmem>>, vector<16xf32>,
    }
    %scan3A_17 = arith.constant 64 : i32
    %scan3A_18 = arith.constant 0 : i32
    %scan3A_19 = arith.constant 10 : i32
    %scan3A_20 = arith.addi %scan3A_18, %scan3A_19 : i32
    %scan3A_21 = arith.constant 1 : i32
    scf.for %scan3A_339 = %scan3A_18 to %scan3A_20 step %scan3A_21  : i32 {
      %mul3A_340 = arith.constant 1 : i32
      %mul3A_341 = arith.muli %scan3A_339, %mul3A_340 : i32
      %add3A_342 = arith.constant 0 : i32
      %add3A_343 = arith.addi %add3A_342, %mul3A_341 : i32
      %mul3A_344 = arith.constant 640 : i32
      %mul3A_345 = arith.muli %arg1, %mul3A_344 : i32
      %mul3A_346 = arith.constant 64 : i32
      %mul3A_347 = arith.muli %add3A_343, %mul3A_346 : i32
      %add3A_348 = arith.addi %mul3A_345, %mul3A_347 : i32
      %run_scoped3A = arith.constant 0 : i32
      "tpu.region"() ({
        %run_scoped3A_349 = tpu.sem_alloc : memref<!tpu.dma_semaphore, #tpu.memory_space<semaphore_mem>>
        %dma_start3A_350 = arith.constant 0 : i32
        %dma_start3A_351 = arith.constant 0 : i32
        %dma_start3A_352 = tpu.memref_slice %arg11[%run_scoped3A, %dma_start3A_350, %dma_start3A_351] : memref<4x64x128xf32, #tpu.memory_space<vmem>> -> memref<1x64x128xf32, #tpu.memory_space<vmem>>
        %dma_start3A_353 = tpu.memref_squeeze %dma_start3A_352 : memref<1x64x128xf32, #tpu.memory_space<vmem>> -> memref<64x128xf32, #tpu.memory_space<vmem>>
        %dma_start3A_354 = arith.constant 0 : i32
        %dma_start3A_355 = tpu.memref_slice %arg16[%add3A_348, %dma_start3A_354] : memref<10240x128xf32, #tpu.memory_space<vmem_shared>> -> memref<64x128xf32, #tpu.memory_space<vmem_shared>>
        %dma_start3A_356 = arith.constant 0 : i32
        %dma_start3A_357 = tpu.memref_slice %arg16[%add3A_348, %dma_start3A_356] : memref<10240x128xf32, #tpu.memory_space<vmem_shared>> -> memref<64x128xf32, #tpu.memory_space<vmem_shared>>
        %dma_start3A_358 = arith.constant 0 : i32
        %dma_start3A_359 = arith.constant 0 : i32
        %dma_start3A_360 = tpu.memref_slice %arg11[%run_scoped3A, %dma_start3A_358, %dma_start3A_359] : memref<4x64x128xf32, #tpu.memory_space<vmem>> -> memref<1x64x128xf32, #tpu.memory_space<vmem>>
        %dma_start3A_361 = tpu.memref_squeeze %dma_start3A_360 : memref<1x64x128xf32, #tpu.memory_space<vmem>> -> memref<64x128xf32, #tpu.memory_space<vmem>>
        tpu.enqueue_dma source(%dma_start3A_361 : memref<64x128xf32, #tpu.memory_space<vmem>>) target(%dma_start3A_357 : memref<64x128xf32, #tpu.memory_space<vmem_shared>>) target_semaphore(%run_scoped3A_349 : memref<!tpu.dma_semaphore, #tpu.memory_space<semaphore_mem>>)
        %dma_wait3A_362 = arith.constant 0 : i32
        %dma_wait3A_363 = arith.constant 0 : i32
        %dma_wait3A_364 = tpu.memref_slice %arg11[%run_scoped3A, %dma_wait3A_362, %dma_wait3A_363] : memref<4x64x128xf32, #tpu.memory_space<vmem>> -> memref<1x64x128xf32, #tpu.memory_space<vmem>>
        %dma_wait3A_365 = tpu.memref_squeeze %dma_wait3A_364 : memref<1x64x128xf32, #tpu.memory_space<vmem>> -> memref<64x128xf32, #tpu.memory_space<vmem>>
        %dma_wait3A_366 = arith.constant 0 : i32
        %dma_wait3A_367 = tpu.memref_slice %arg16[%add3A_348, %dma_wait3A_366] : memref<10240x128xf32, #tpu.memory_space<vmem_shared>> -> memref<64x128xf32, #tpu.memory_space<vmem_shared>>
        %dma_wait3A_368 = arith.constant 0 : i32
        %dma_wait3A_369 = tpu.memref_slice %arg16[%add3A_348, %dma_wait3A_368] : memref<10240x128xf32, #tpu.memory_space<vmem_shared>> -> memref<64x128xf32, #tpu.memory_space<vmem_shared>>
        %dma_wait3A_370 = arith.constant 0 : i32
        %dma_wait3A_371 = arith.constant 0 : i32
        %dma_wait3A_372 = tpu.memref_slice %arg11[%run_scoped3A, %dma_wait3A_370, %dma_wait3A_371] : memref<4x64x128xf32, #tpu.memory_space<vmem>> -> memref<1x64x128xf32, #tpu.memory_space<vmem>>
        %dma_wait3A_373 = tpu.memref_squeeze %dma_wait3A_372 : memref<1x64x128xf32, #tpu.memory_space<vmem>> -> memref<64x128xf32, #tpu.memory_space<vmem>>
        tpu.wait_dma2 semaphore(%run_scoped3A_349 : memref<!tpu.dma_semaphore, #tpu.memory_space<semaphore_mem>>) src(%dma_wait3A_373 : memref<64x128xf32, #tpu.memory_space<vmem>>) dst(%dma_wait3A_369 : memref<64x128xf32, #tpu.memory_space<vmem_shared>>)
        tpu.yield
      }) : () -> ()
    }
    %scan3A_22 = arith.constant 10 : i32
    %barrier3A = arith.constant 0 : index
    tpu.barrier barrier_id(%barrier3A)
    %add3A_23 = arith.constant 0 : i32
    %add3A_24 = arith.addi %select_n3A, %add3A_23 : i32
    %dma_start3A = arith.constant 0 : i32
    %dma_start3A_25 = arith.constant 0 : i32
    %dma_start3A_26 = arith.constant 0 : i32
    %dma_start3A_27 = tpu.memref_slice %arg6[%dma_start3A, %dma_start3A_26] : memref<4x192xi32, #tpu.memory_space<vmem>> -> memref<1x192xi32, #tpu.memory_space<vmem>>
    %dma_start3A_28 = tpu.memref_squeeze %dma_start3A_27 : memref<1x192xi32, #tpu.memory_space<vmem>> -> memref<192xi32, #tpu.memory_space<vmem>>
    %dma_start3A_29 = arith.constant 0 : i32
    %dma_start3A_30 = tpu.memref_slice %arg2[%add3A_24, %dma_start3A_29] : memref<5120x192xi32, #tpu.memory_space<hbm>> -> memref<1x192xi32, #tpu.memory_space<hbm>>
    %dma_start3A_31 = tpu.memref_squeeze %dma_start3A_30 : memref<1x192xi32, #tpu.memory_space<hbm>> -> memref<192xi32, #tpu.memory_space<hbm>>
    %dma_start3A_32 = tpu.memref_slice %arg17[%dma_start3A_25] : memref<4x!tpu.dma_semaphore, #tpu.memory_space<semaphore_mem>> -> memref<1x!tpu.dma_semaphore, #tpu.memory_space<semaphore_mem>>
    %dma_start3A_33 = tpu.memref_squeeze %dma_start3A_32 : memref<1x!tpu.dma_semaphore, #tpu.memory_space<semaphore_mem>> -> memref<!tpu.dma_semaphore, #tpu.memory_space<semaphore_mem>>
    %dma_start3A_34 = arith.constant 0 : i32
    %dma_start3A_35 = tpu.memref_slice %arg6[%dma_start3A, %dma_start3A_34] : memref<4x192xi32, #tpu.memory_space<vmem>> -> memref<1x192xi32, #tpu.memory_space<vmem>>
    %dma_start3A_36 = tpu.memref_squeeze %dma_start3A_35 : memref<1x192xi32, #tpu.memory_space<vmem>> -> memref<192xi32, #tpu.memory_space<vmem>>
    %dma_start3A_37 = arith.constant 0 : i32
    %dma_start3A_38 = tpu.memref_slice %arg2[%add3A_24, %dma_start3A_37] : memref<5120x192xi32, #tpu.memory_space<hbm>> -> memref<1x192xi32, #tpu.memory_space<hbm>>
    %dma_start3A_39 = tpu.memref_squeeze %dma_start3A_38 : memref<1x192xi32, #tpu.memory_space<hbm>> -> memref<192xi32, #tpu.memory_space<hbm>>
    tpu.enqueue_dma source(%dma_start3A_39 : memref<192xi32, #tpu.memory_space<hbm>>) target(%dma_start3A_36 : memref<192xi32, #tpu.memory_space<vmem>>) target_semaphore(%dma_start3A_33 : memref<!tpu.dma_semaphore, #tpu.memory_space<semaphore_mem>>)
    %add3A_40 = arith.constant 1 : i32
    %add3A_41 = arith.addi %select_n3A, %add3A_40 : i32
    %dma_start3A_42 = arith.constant 1 : i32
    %dma_start3A_43 = arith.constant 1 : i32
    %dma_start3A_44 = arith.constant 0 : i32
    %dma_start3A_45 = tpu.memref_slice %arg6[%dma_start3A_42, %dma_start3A_44] : memref<4x192xi32, #tpu.memory_space<vmem>> -> memref<1x192xi32, #tpu.memory_space<vmem>>
    %dma_start3A_46 = tpu.memref_squeeze %dma_start3A_45 : memref<1x192xi32, #tpu.memory_space<vmem>> -> memref<192xi32, #tpu.memory_space<vmem>>
    %dma_start3A_47 = arith.constant 0 : i32
    %dma_start3A_48 = tpu.memref_slice %arg2[%add3A_41, %dma_start3A_47] : memref<5120x192xi32, #tpu.memory_space<hbm>> -> memref<1x192xi32, #tpu.memory_space<hbm>>
    %dma_start3A_49 = tpu.memref_squeeze %dma_start3A_48 : memref<1x192xi32, #tpu.memory_space<hbm>> -> memref<192xi32, #tpu.memory_space<hbm>>
    %dma_start3A_50 = tpu.memref_slice %arg17[%dma_start3A_43] : memref<4x!tpu.dma_semaphore, #tpu.memory_space<semaphore_mem>> -> memref<1x!tpu.dma_semaphore, #tpu.memory_space<semaphore_mem>>
    %dma_start3A_51 = tpu.memref_squeeze %dma_start3A_50 : memref<1x!tpu.dma_semaphore, #tpu.memory_space<semaphore_mem>> -> memref<!tpu.dma_semaphore, #tpu.memory_space<semaphore_mem>>
    %dma_start3A_52 = arith.constant 0 : i32
    %dma_start3A_53 = tpu.memref_slice %arg6[%dma_start3A_42, %dma_start3A_52] : memref<4x192xi32, #tpu.memory_space<vmem>> -> memref<1x192xi32, #tpu.memory_space<vmem>>
    %dma_start3A_54 = tpu.memref_squeeze %dma_start3A_53 : memref<1x192xi32, #tpu.memory_space<vmem>> -> memref<192xi32, #tpu.memory_space<vmem>>
    %dma_start3A_55 = arith.constant 0 : i32
    %dma_start3A_56 = tpu.memref_slice %arg2[%add3A_41, %dma_start3A_55] : memref<5120x192xi32, #tpu.memory_space<hbm>> -> memref<1x192xi32, #tpu.memory_space<hbm>>
    %dma_start3A_57 = tpu.memref_squeeze %dma_start3A_56 : memref<1x192xi32, #tpu.memory_space<hbm>> -> memref<192xi32, #tpu.memory_space<hbm>>
    tpu.enqueue_dma source(%dma_start3A_57 : memref<192xi32, #tpu.memory_space<hbm>>) target(%dma_start3A_54 : memref<192xi32, #tpu.memory_space<vmem>>) target_semaphore(%dma_start3A_51 : memref<!tpu.dma_semaphore, #tpu.memory_space<semaphore_mem>>)
    %add3A_58 = arith.constant 2 : i32
    %add3A_59 = arith.addi %select_n3A, %add3A_58 : i32
    %dma_start3A_60 = arith.constant 2 : i32
    %dma_start3A_61 = arith.constant 2 : i32
    %dma_start3A_62 = arith.constant 0 : i32
    %dma_start3A_63 = tpu.memref_slice %arg6[%dma_start3A_60, %dma_start3A_62] : memref<4x192xi32, #tpu.memory_space<vmem>> -> memref<1x192xi32, #tpu.memory_space<vmem>>
    %dma_start3A_64 = tpu.memref_squeeze %dma_start3A_63 : memref<1x192xi32, #tpu.memory_space<vmem>> -> memref<192xi32, #tpu.memory_space<vmem>>
    %dma_start3A_65 = arith.constant 0 : i32
    %dma_start3A_66 = tpu.memref_slice %arg2[%add3A_59, %dma_start3A_65] : memref<5120x192xi32, #tpu.memory_space<hbm>> -> memref<1x192xi32, #tpu.memory_space<hbm>>
    %dma_start3A_67 = tpu.memref_squeeze %dma_start3A_66 : memref<1x192xi32, #tpu.memory_space<hbm>> -> memref<192xi32, #tpu.memory_space<hbm>>
    %dma_start3A_68 = tpu.memref_slice %arg17[%dma_start3A_61] : memref<4x!tpu.dma_semaphore, #tpu.memory_space<semaphore_mem>> -> memref<1x!tpu.dma_semaphore, #tpu.memory_space<semaphore_mem>>
    %dma_start3A_69 = tpu.memref_squeeze %dma_start3A_68 : memref<1x!tpu.dma_semaphore, #tpu.memory_space<semaphore_mem>> -> memref<!tpu.dma_semaphore, #tpu.memory_space<semaphore_mem>>
    %dma_start3A_70 = arith.constant 0 : i32
    %dma_start3A_71 = tpu.memref_slice %arg6[%dma_start3A_60, %dma_start3A_70] : memref<4x192xi32, #tpu.memory_space<vmem>> -> memref<1x192xi32, #tpu.memory_space<vmem>>
    %dma_start3A_72 = tpu.memref_squeeze %dma_start3A_71 : memref<1x192xi32, #tpu.memory_space<vmem>> -> memref<192xi32, #tpu.memory_space<vmem>>
    %dma_start3A_73 = arith.constant 0 : i32
    %dma_start3A_74 = tpu.memref_slice %arg2[%add3A_59, %dma_start3A_73] : memref<5120x192xi32, #tpu.memory_space<hbm>> -> memref<1x192xi32, #tpu.memory_space<hbm>>
    %dma_start3A_75 = tpu.memref_squeeze %dma_start3A_74 : memref<1x192xi32, #tpu.memory_space<hbm>> -> memref<192xi32, #tpu.memory_space<hbm>>
    tpu.enqueue_dma source(%dma_start3A_75 : memref<192xi32, #tpu.memory_space<hbm>>) target(%dma_start3A_72 : memref<192xi32, #tpu.memory_space<vmem>>) target_semaphore(%dma_start3A_69 : memref<!tpu.dma_semaphore, #tpu.memory_space<semaphore_mem>>)
    %add3A_76 = arith.constant 3 : i32
    %add3A_77 = arith.addi %select_n3A, %add3A_76 : i32
    %dma_start3A_78 = arith.constant 3 : i32
    %dma_start3A_79 = arith.constant 3 : i32
    %dma_start3A_80 = arith.constant 0 : i32
    %dma_start3A_81 = tpu.memref_slice %arg6[%dma_start3A_78, %dma_start3A_80] : memref<4x192xi32, #tpu.memory_space<vmem>> -> memref<1x192xi32, #tpu.memory_space<vmem>>
    %dma_start3A_82 = tpu.memref_squeeze %dma_start3A_81 : memref<1x192xi32, #tpu.memory_space<vmem>> -> memref<192xi32, #tpu.memory_space<vmem>>
    %dma_start3A_83 = arith.constant 0 : i32
    %dma_start3A_84 = tpu.memref_slice %arg2[%add3A_77, %dma_start3A_83] : memref<5120x192xi32, #tpu.memory_space<hbm>> -> memref<1x192xi32, #tpu.memory_space<hbm>>
    %dma_start3A_85 = tpu.memref_squeeze %dma_start3A_84 : memref<1x192xi32, #tpu.memory_space<hbm>> -> memref<192xi32, #tpu.memory_space<hbm>>
    %dma_start3A_86 = tpu.memref_slice %arg17[%dma_start3A_79] : memref<4x!tpu.dma_semaphore, #tpu.memory_space<semaphore_mem>> -> memref<1x!tpu.dma_semaphore, #tpu.memory_space<semaphore_mem>>
    %dma_start3A_87 = tpu.memref_squeeze %dma_start3A_86 : memref<1x!tpu.dma_semaphore, #tpu.memory_space<semaphore_mem>> -> memref<!tpu.dma_semaphore, #tpu.memory_space<semaphore_mem>>
    %dma_start3A_88 = arith.constant 0 : i32
    %dma_start3A_89 = tpu.memref_slice %arg6[%dma_start3A_78, %dma_start3A_88] : memref<4x192xi32, #tpu.memory_space<vmem>> -> memref<1x192xi32, #tpu.memory_space<vmem>>
    %dma_start3A_90 = tpu.memref_squeeze %dma_start3A_89 : memref<1x192xi32, #tpu.memory_space<vmem>> -> memref<192xi32, #tpu.memory_space<vmem>>
    %dma_start3A_91 = arith.constant 0 : i32
    %dma_start3A_92 = tpu.memref_slice %arg2[%add3A_77, %dma_start3A_91] : memref<5120x192xi32, #tpu.memory_space<hbm>> -> memref<1x192xi32, #tpu.memory_space<hbm>>
    %dma_start3A_93 = tpu.memref_squeeze %dma_start3A_92 : memref<1x192xi32, #tpu.memory_space<hbm>> -> memref<192xi32, #tpu.memory_space<hbm>>
    tpu.enqueue_dma source(%dma_start3A_93 : memref<192xi32, #tpu.memory_space<hbm>>) target(%dma_start3A_90 : memref<192xi32, #tpu.memory_space<vmem>>) target_semaphore(%dma_start3A_87 : memref<!tpu.dma_semaphore, #tpu.memory_space<semaphore_mem>>)
    %jit3A_94 = arith.constant 4 : i32
    %div3A = arith.divsi %select_n3A_8, %jit3A_94 : i32
    %sign3A = arith.constant 0 : i32
    %sign3A_95 = arith.cmpi sgt, %select_n3A_8, %sign3A : i32
    %sign3A_96 = arith.extui %sign3A_95 : i1 to i32
    %sign3A_97 = arith.constant 0 : i32
    %sign3A_98 = arith.cmpi slt, %select_n3A_8, %sign3A_97 : i32
    %sign3A_99 = arith.extui %sign3A_98 : i1 to i32
    %sign3A_100 = arith.subi %sign3A_96, %sign3A_99 : i32
    %sign3A_101 = arith.constant 0 : i32
    %sign3A_102 = arith.cmpi sgt, %jit3A_94, %sign3A_101 : i32
    %sign3A_103 = arith.extui %sign3A_102 : i1 to i32
    %sign3A_104 = arith.constant 0 : i32
    %sign3A_105 = arith.cmpi slt, %jit3A_94, %sign3A_104 : i32
    %sign3A_106 = arith.extui %sign3A_105 : i1 to i32
    %sign3A_107 = arith.subi %sign3A_103, %sign3A_106 : i32
    %ne3A = arith.cmpi ne, %sign3A_100, %sign3A_107 : i32
    %rem3A = arith.remsi %select_n3A_8, %jit3A_94 : i32
    %ne3A_108 = arith.constant 0 : i32
    %ne3A_109 = arith.cmpi ne, %rem3A, %ne3A_108 : i32
    %and3A = arith.andi %ne3A, %ne3A_109 : i1
    %sub3A = arith.constant 1 : i32
    %sub3A_110 = arith.subi %div3A, %sub3A : i32
    %select_n3A_111 = arith.select %and3A, %sub3A_110, %div3A : i32
    %sub3A_112 = arith.constant 0 : i32
    %sub3A_113 = arith.subi %select_n3A_111, %sub3A_112 : i32
    %sub3A_114 = arith.constant 1 : i32
    %sub3A_115 = arith.constant 1 : i32
    %sub3A_116 = arith.subi %sub3A_114, %sub3A_115 : i32
    %add3A_117 = arith.addi %sub3A_113, %sub3A_116 : i32
    %div3A_118 = arith.constant 1 : i32
    %div3A_119 = arith.divsi %add3A_117, %div3A_118 : i32
    %while3A = arith.constant 1 : i32
    %while3A_120 = arith.constant 0 : i32
    %while3A_121 = arith.constant 0 : i32
    %while3A_122 = arith.subi %div3A_119, %while3A_121 : i32
    %while3A_123 = arith.addi %while3A_121, %while3A_122 : i32
    %while3A_124 = arith.constant 1 : i32
    %while3A_125 = arith.divsi %while3A_122, %while3A_124 : i32
    %while3A_126 = arith.muli %while3A_125, %while3A_124 : i32
    %while3A_127 = arith.addi %while3A_121, %while3A_126 : i32
    %while3A_128 = arith.constant 1 : i32
    scf.for %while3A_339 = %while3A_121 to %while3A_127 step %while3A_128  : i32 {
      %mul3A_340 = arith.muli %while3A_339, %while3A : i32
      %add3A_341 = arith.addi %while3A_120, %mul3A_340 : i32
      %mul3A_342 = arith.constant 4 : i32
      %mul3A_343 = arith.muli %mul3A_342, %add3A_341 : i32
      %add3A_344 = arith.constant 0 : i32
      %add3A_345 = arith.addi %mul3A_343, %add3A_344 : i32
      %add3A_346 = arith.addi %select_n3A, %add3A_345 : i32
      %dma_wait3A_347 = arith.constant 0 : i32
      %dma_wait3A_348 = arith.constant 0 : i32
      %dma_wait3A_349 = arith.constant 0 : i32
      %dma_wait3A_350 = tpu.memref_slice %arg6[%dma_wait3A_347, %dma_wait3A_349] : memref<4x192xi32, #tpu.memory_space<vmem>> -> memref<1x192xi32, #tpu.memory_space<vmem>>
      %dma_wait3A_351 = tpu.memref_squeeze %dma_wait3A_350 : memref<1x192xi32, #tpu.memory_space<vmem>> -> memref<192xi32, #tpu.memory_space<vmem>>
      %dma_wait3A_352 = arith.constant 0 : i32
      %dma_wait3A_353 = tpu.memref_slice %arg2[%add3A_346, %dma_wait3A_352] : memref<5120x192xi32, #tpu.memory_space<hbm>> -> memref<1x192xi32, #tpu.memory_space<hbm>>
      %dma_wait3A_354 = tpu.memref_squeeze %dma_wait3A_353 : memref<1x192xi32, #tpu.memory_space<hbm>> -> memref<192xi32, #tpu.memory_space<hbm>>
      %dma_wait3A_355 = tpu.memref_slice %arg17[%dma_wait3A_348] : memref<4x!tpu.dma_semaphore, #tpu.memory_space<semaphore_mem>> -> memref<1x!tpu.dma_semaphore, #tpu.memory_space<semaphore_mem>>
      %dma_wait3A_356 = tpu.memref_squeeze %dma_wait3A_355 : memref<1x!tpu.dma_semaphore, #tpu.memory_space<semaphore_mem>> -> memref<!tpu.dma_semaphore, #tpu.memory_space<semaphore_mem>>
      %dma_wait3A_357 = arith.constant 0 : i32
      %dma_wait3A_358 = tpu.memref_slice %arg6[%dma_wait3A_347, %dma_wait3A_357] : memref<4x192xi32, #tpu.memory_space<vmem>> -> memref<1x192xi32, #tpu.memory_space<vmem>>
      %dma_wait3A_359 = tpu.memref_squeeze %dma_wait3A_358 : memref<1x192xi32, #tpu.memory_space<vmem>> -> memref<192xi32, #tpu.memory_space<vmem>>
      %dma_wait3A_360 = arith.constant 0 : i32
      %dma_wait3A_361 = tpu.memref_slice %arg2[%add3A_346, %dma_wait3A_360] : memref<5120x192xi32, #tpu.memory_space<hbm>> -> memref<1x192xi32, #tpu.memory_space<hbm>>
      %dma_wait3A_362 = tpu.memref_squeeze %dma_wait3A_361 : memref<1x192xi32, #tpu.memory_space<hbm>> -> memref<192xi32, #tpu.memory_space<hbm>>
      tpu.wait_dma2 semaphore(%dma_wait3A_356 : memref<!tpu.dma_semaphore, #tpu.memory_space<semaphore_mem>>) src(%dma_wait3A_362 : memref<192xi32, #tpu.memory_space<hbm>>) dst(%dma_wait3A_359 : memref<192xi32, #tpu.memory_space<vmem>>)
      %gt3A = arith.constant 0 : i32
      %gt3A_363 = arith.cmpi sgt, %add3A_341, %gt3A : i32
      %convert_element_type3A = arith.extui %gt3A_363 : i1 to i32
      %cond3A = arith.constant 0 : i32
      %cond3A_364 = arith.cmpi ne, %convert_element_type3A, %cond3A : i32
      scf.if %cond3A_364 {
        %dma_wait3A_757 = arith.constant 0 : i32
        %dma_wait3A_758 = arith.constant 0 : i32
        %dma_wait3A_759 = arith.constant 0 : i32
        %dma_wait3A_760 = arith.constant 0 : i32
        %dma_wait3A_761 = arith.constant 0 : i32
        %dma_wait3A_762 = tpu.memref_slice %arg11[%dma_wait3A_757, %dma_wait3A_760, %dma_wait3A_761] : memref<4x64x128xf32, #tpu.memory_space<vmem>> -> memref<1x64x128xf32, #tpu.memory_space<vmem>>
        %dma_wait3A_763 = tpu.memref_squeeze %dma_wait3A_762 : memref<1x64x128xf32, #tpu.memory_space<vmem>> -> memref<64x128xf32, #tpu.memory_space<vmem>>
        %dma_wait3A_764 = arith.constant 0 : i32
        %dma_wait3A_765 = tpu.memref_slice %arg9[%dma_wait3A_758, %dma_wait3A_764] : memref<4x64xi32, #tpu.memory_space<vmem>> -> memref<1x64xi32, #tpu.memory_space<vmem>>
        %dma_wait3A_766 = tpu.memref_squeeze %dma_wait3A_765 : memref<1x64xi32, #tpu.memory_space<vmem>> -> memref<64xi32, #tpu.memory_space<vmem>>
        %dma_wait3A_767 = arith.constant 0 : i32
        %dma_wait3A_768 = arith.constant 0 : i32
        %dma_wait3A_769 = tpu.memref_slice %arg16[%dma_wait3A_767, %dma_wait3A_768] : memref<10240x128xf32, #tpu.memory_space<vmem_shared>> -> memref<10240x128xf32, #tpu.memory_space<vmem_shared>>
        %dma_wait3A_770 = tpu.memref_slice %arg20[%dma_wait3A_759] : memref<4x!tpu.dma_semaphore, #tpu.memory_space<semaphore_mem>> -> memref<1x!tpu.dma_semaphore, #tpu.memory_space<semaphore_mem>>
        %dma_wait3A_771 = tpu.memref_squeeze %dma_wait3A_770 : memref<1x!tpu.dma_semaphore, #tpu.memory_space<semaphore_mem>> -> memref<!tpu.dma_semaphore, #tpu.memory_space<semaphore_mem>>
        tpu.wait_indirect_dma semaphore(%dma_wait3A_771 : memref<!tpu.dma_semaphore, #tpu.memory_space<semaphore_mem>>) src(%dma_wait3A_763 : memref<64x128xf32, #tpu.memory_space<vmem>>) dst(%dma_wait3A_769 : memref<10240x128xf32, #tpu.memory_space<vmem_shared>>)
      } else {
      }
      %scan3A_365 = arith.constant 0 : i32
      %scan3A_366 = arith.constant 4 : i32
      %scan3A_367 = arith.addi %scan3A_365, %scan3A_366 : i32
      %scan3A_368 = arith.constant 1 : i32
      scf.for %scan3A_757 = %scan3A_365 to %scan3A_367 step %scan3A_368  : i32 {
        %mul3A_758 = arith.constant 1 : i32
        %mul3A_759 = arith.muli %scan3A_757, %mul3A_758 : i32
        %add3A_760 = arith.constant 0 : i32
        %add3A_761 = arith.addi %add3A_760, %mul3A_759 : i32
        %mul3A_762 = arith.constant 16 : i32
        %mul3A_763 = arith.muli %add3A_761, %mul3A_762 : i32
        %mul3A_764 = arith.constant 16 : i32
        %mul3A_765 = arith.muli %add3A_761, %mul3A_764 : i32
        %add3A_766 = arith.constant 64 : i32
        %add3A_767 = arith.addi %add3A_766, %mul3A_765 : i32
        %get3A = arith.constant 0 : i32
        %get3A_768 = arith.index_cast %get3A : i32 to index
        %get3A_769 = arith.index_cast %add3A_767 : i32 to index
        %get3A_770 = tpu.vector_load %arg6[%get3A_768, %get3A_769] {strides = array<i32>} : memref<4x192xi32, #tpu.memory_space<vmem>>, vector<16xi32>,
        %mul3A_771 = arith.constant 16 : i32
        %mul3A_772 = arith.muli %add3A_761, %mul3A_771 : i32
        %add3A_773 = arith.constant 128 : i32
        %add3A_774 = arith.addi %add3A_773, %mul3A_772 : i32
        %get3A_775 = arith.constant 0 : i32
        %get3A_776 = arith.index_cast %get3A_775 : i32 to index
        %get3A_777 = arith.index_cast %add3A_774 : i32 to index
        %get3A_778 = tpu.vector_load %arg6[%get3A_776, %get3A_777] {strides = array<i32>} : memref<4x192xi32, #tpu.memory_space<vmem>>, vector<16xi32>,
        %mul3A_779 = arith.constant 10000 : i32
        %mul3A_780 = vector.broadcast %mul3A_779 : i32 to vector<16xi32>
        %mul3A_781 = arith.muli %get3A_770, %mul3A_780 : vector<16xi32>
        %mul3A_782 = arith.constant 16 : i32
        %mul3A_783 = arith.muli %add3A_761, %mul3A_782 : i32
        %get3A_784 = arith.constant 0 : i32
        %get3A_785 = arith.index_cast %get3A_784 : i32 to index
        %get3A_786 = arith.index_cast %mul3A_783 : i32 to index
        %get3A_787 = tpu.vector_load %arg6[%get3A_785, %get3A_786] {strides = array<i32>} : memref<4x192xi32, #tpu.memory_space<vmem>>, vector<16xi32>,
        %add3A_788 = arith.addi %mul3A_781, %get3A_787 : vector<16xi32>
        %swap3A = arith.constant 0 : i32
        %swap3A_789 = arith.index_cast %swap3A : i32 to index
        %swap3A_790 = arith.index_cast %mul3A_763 : i32 to index
        %swap3A_791 = tpu.vector_load %arg7[%swap3A_789, %swap3A_790] {strides = array<i32>} : memref<4x64xi32, #tpu.memory_space<vmem>>, vector<16xi32>,
        tpu.vector_store %arg7[%swap3A_789, %swap3A_790], %add3A_788 {strides = array<i32>} : memref<4x64xi32, #tpu.memory_space<vmem>>, vector<16xi32>,
        %mul3A_792 = arith.constant 4 : i32
        %mul3A_793 = vector.broadcast %mul3A_792 : i32 to vector<16xi32>
        %mul3A_794 = arith.muli %get3A_778, %mul3A_793 : vector<16xi32>
        %add3A_795 = arith.addi %mul3A_794, %get3A_770 : vector<16xi32>
        %swap3A_796 = arith.constant 0 : i32
        %swap3A_797 = arith.index_cast %swap3A_796 : i32 to index
        %swap3A_798 = arith.index_cast %mul3A_763 : i32 to index
        %swap3A_799 = tpu.vector_load %arg8[%swap3A_797, %swap3A_798] {strides = array<i32>} : memref<4x64xi32, #tpu.memory_space<vmem>>, vector<16xi32>,
        tpu.vector_store %arg8[%swap3A_797, %swap3A_798], %add3A_795 {strides = array<i32>} : memref<4x64xi32, #tpu.memory_space<vmem>>, vector<16xi32>,
        %swap3A_800 = arith.constant 0 : i32
        %swap3A_801 = arith.index_cast %swap3A_800 : i32 to index
        %swap3A_802 = arith.index_cast %mul3A_763 : i32 to index
        %swap3A_803 = tpu.vector_load %arg9[%swap3A_801, %swap3A_802] {strides = array<i32>} : memref<4x64xi32, #tpu.memory_space<vmem>>, vector<16xi32>,
        tpu.vector_store %arg9[%swap3A_801, %swap3A_802], %get3A_778 {strides = array<i32>} : memref<4x64xi32, #tpu.memory_space<vmem>>, vector<16xi32>,
      }
      %scan3A_369 = arith.constant 4 : i32
      %dma_start3A_370 = arith.constant 0 : i32
      %dma_start3A_371 = arith.constant 0 : i32
      %dma_start3A_372 = arith.constant 0 : i32
      %dma_start3A_373 = arith.constant 0 : i32
      %dma_start3A_374 = arith.constant 0 : i32
      %dma_start3A_375 = tpu.memref_slice %arg11[%dma_start3A_371, %dma_start3A_373, %dma_start3A_374] : memref<4x64x128xf32, #tpu.memory_space<vmem>> -> memref<1x64x128xf32, #tpu.memory_space<vmem>>
      %dma_start3A_376 = tpu.memref_squeeze %dma_start3A_375 : memref<1x64x128xf32, #tpu.memory_space<vmem>> -> memref<64x128xf32, #tpu.memory_space<vmem>>
      %dma_start3A_377 = arith.constant 0 : i32
      %dma_start3A_378 = tpu.memref_slice %arg7[%dma_start3A_370, %dma_start3A_377] : memref<4x64xi32, #tpu.memory_space<vmem>> -> memref<1x64xi32, #tpu.memory_space<vmem>>
      %dma_start3A_379 = tpu.memref_squeeze %dma_start3A_378 : memref<1x64xi32, #tpu.memory_space<vmem>> -> memref<64xi32, #tpu.memory_space<vmem>>
      %dma_start3A_380 = arith.constant 0 : i32
      %dma_start3A_381 = arith.constant 0 : i32
      %dma_start3A_382 = tpu.memref_slice %arg4[%dma_start3A_380, %dma_start3A_381] : memref<40000x128xf32, #tpu.memory_space<hbm>> -> memref<40000x128xf32, #tpu.memory_space<hbm>>
      %dma_start3A_383 = tpu.memref_slice %arg18[%dma_start3A_372] : memref<4x!tpu.dma_semaphore, #tpu.memory_space<semaphore_mem>> -> memref<1x!tpu.dma_semaphore, #tpu.memory_space<semaphore_mem>>
      %dma_start3A_384 = tpu.memref_squeeze %dma_start3A_383 : memref<1x!tpu.dma_semaphore, #tpu.memory_space<semaphore_mem>> -> memref<!tpu.dma_semaphore, #tpu.memory_space<semaphore_mem>>
      tpu.enqueue_indirect_dma source(%dma_start3A_382 : memref<40000x128xf32, #tpu.memory_space<hbm>>) target(%dma_start3A_376 : memref<64x128xf32, #tpu.memory_space<vmem>>) offsets(%dma_start3A_379 : memref<64xi32, #tpu.memory_space<vmem>>) semaphore(%dma_start3A_384 : memref<!tpu.dma_semaphore, #tpu.memory_space<semaphore_mem>>)
      %dma_start3A_385 = arith.constant 0 : i32
      %dma_start3A_386 = arith.constant 0 : i32
      %dma_start3A_387 = arith.constant 0 : i32
      %dma_start3A_388 = arith.constant 0 : i32
      %dma_start3A_389 = tpu.memref_slice %arg10[%dma_start3A_386, %dma_start3A_388] : memref<4x64xf32, #tpu.memory_space<vmem>> -> memref<1x64xf32, #tpu.memory_space<vmem>>
      %dma_start3A_390 = tpu.memref_squeeze %dma_start3A_389 : memref<1x64xf32, #tpu.memory_space<vmem>> -> memref<64xf32, #tpu.memory_space<vmem>>
      %dma_start3A_391 = arith.constant 0 : i32
      %dma_start3A_392 = tpu.memref_slice %arg8[%dma_start3A_385, %dma_start3A_391] : memref<4x64xi32, #tpu.memory_space<vmem>> -> memref<1x64xi32, #tpu.memory_space<vmem>>
      %dma_start3A_393 = tpu.memref_squeeze %dma_start3A_392 : memref<1x64xi32, #tpu.memory_space<vmem>> -> memref<64xi32, #tpu.memory_space<vmem>>
      %dma_start3A_394 = arith.constant 0 : i32
      %dma_start3A_395 = tpu.memref_slice %arg15[%dma_start3A_394] : memref<40960xf32, #tpu.memory_space<vmem_shared>> -> memref<40960xf32, #tpu.memory_space<vmem_shared>>
      %dma_start3A_396 = tpu.memref_slice %arg19[%dma_start3A_387] : memref<4x!tpu.dma_semaphore, #tpu.memory_space<semaphore_mem>> -> memref<1x!tpu.dma_semaphore, #tpu.memory_space<semaphore_mem>>
      %dma_start3A_397 = tpu.memref_squeeze %dma_start3A_396 : memref<1x!tpu.dma_semaphore, #tpu.memory_space<semaphore_mem>> -> memref<!tpu.dma_semaphore, #tpu.memory_space<semaphore_mem>>
      tpu.enqueue_indirect_dma source(%dma_start3A_395 : memref<40960xf32, #tpu.memory_space<vmem_shared>>) target(%dma_start3A_390 : memref<64xf32, #tpu.memory_space<vmem>>) offsets(%dma_start3A_393 : memref<64xi32, #tpu.memory_space<vmem>>) semaphore(%dma_start3A_397 : memref<!tpu.dma_semaphore, #tpu.memory_space<semaphore_mem>>)
      %jit3A_398 = arith.constant 4 : i32
      %div3A_399 = arith.divsi %select_n3A_8, %jit3A_398 : i32
      %sign3A_400 = arith.constant 0 : i32
      %sign3A_401 = arith.cmpi sgt, %select_n3A_8, %sign3A_400 : i32
      %sign3A_402 = arith.extui %sign3A_401 : i1 to i32
      %sign3A_403 = arith.constant 0 : i32
      %sign3A_404 = arith.cmpi slt, %select_n3A_8, %sign3A_403 : i32
      %sign3A_405 = arith.extui %sign3A_404 : i1 to i32
      %sign3A_406 = arith.subi %sign3A_402, %sign3A_405 : i32
      %sign3A_407 = arith.constant 0 : i32
      %sign3A_408 = arith.cmpi sgt, %jit3A_398, %sign3A_407 : i32
      %sign3A_409 = arith.extui %sign3A_408 : i1 to i32
      %sign3A_410 = arith.constant 0 : i32
      %sign3A_411 = arith.cmpi slt, %jit3A_398, %sign3A_410 : i32
      %sign3A_412 = arith.extui %sign3A_411 : i1 to i32
      %sign3A_413 = arith.subi %sign3A_409, %sign3A_412 : i32
      %ne3A_414 = arith.cmpi ne, %sign3A_406, %sign3A_413 : i32
      %rem3A_415 = arith.remsi %select_n3A_8, %jit3A_398 : i32
      %ne3A_416 = arith.constant 0 : i32
      %ne3A_417 = arith.cmpi ne, %rem3A_415, %ne3A_416 : i32
      %and3A_418 = arith.andi %ne3A_414, %ne3A_417 : i1
      %sub3A_419 = arith.constant 1 : i32
      %sub3A_420 = arith.subi %div3A_399, %sub3A_419 : i32
      %select_n3A_421 = arith.select %and3A_418, %sub3A_420, %div3A_399 : i32
      %sub3A_422 = arith.constant 1 : i32
      %sub3A_423 = arith.subi %select_n3A_421, %sub3A_422 : i32
      %lt3A = arith.cmpi slt, %add3A_341, %sub3A_423 : i32
      %convert_element_type3A_424 = arith.extui %lt3A : i1 to i32
      %cond3A_425 = arith.constant 0 : i32
      %cond3A_426 = arith.cmpi ne, %convert_element_type3A_424, %cond3A_425 : i32
      scf.if %cond3A_426 {
        %add3A_757 = arith.constant 4 : i32
        %add3A_758 = arith.addi %add3A_345, %add3A_757 : i32
        %add3A_759 = arith.addi %select_n3A, %add3A_758 : i32
        %dma_start3A_760 = arith.constant 0 : i32
        %dma_start3A_761 = arith.constant 0 : i32
        %dma_start3A_762 = arith.constant 0 : i32
        %dma_start3A_763 = tpu.memref_slice %arg6[%dma_start3A_760, %dma_start3A_762] : memref<4x192xi32, #tpu.memory_space<vmem>> -> memref<1x192xi32, #tpu.memory_space<vmem>>
        %dma_start3A_764 = tpu.memref_squeeze %dma_start3A_763 : memref<1x192xi32, #tpu.memory_space<vmem>> -> memref<192xi32, #tpu.memory_space<vmem>>
        %dma_start3A_765 = arith.constant 0 : i32
        %dma_start3A_766 = tpu.memref_slice %arg2[%add3A_759, %dma_start3A_765] : memref<5120x192xi32, #tpu.memory_space<hbm>> -> memref<1x192xi32, #tpu.memory_space<hbm>>
        %dma_start3A_767 = tpu.memref_squeeze %dma_start3A_766 : memref<1x192xi32, #tpu.memory_space<hbm>> -> memref<192xi32, #tpu.memory_space<hbm>>
        %dma_start3A_768 = tpu.memref_slice %arg17[%dma_start3A_761] : memref<4x!tpu.dma_semaphore, #tpu.memory_space<semaphore_mem>> -> memref<1x!tpu.dma_semaphore, #tpu.memory_space<semaphore_mem>>
        %dma_start3A_769 = tpu.memref_squeeze %dma_start3A_768 : memref<1x!tpu.dma_semaphore, #tpu.memory_space<semaphore_mem>> -> memref<!tpu.dma_semaphore, #tpu.memory_space<semaphore_mem>>
        %dma_start3A_770 = arith.constant 0 : i32
        %dma_start3A_771 = tpu.memref_slice %arg6[%dma_start3A_760, %dma_start3A_770] : memref<4x192xi32, #tpu.memory_space<vmem>> -> memref<1x192xi32, #tpu.memory_space<vmem>>
        %dma_start3A_772 = tpu.memref_squeeze %dma_start3A_771 : memref<1x192xi32, #tpu.memory_space<vmem>> -> memref<192xi32, #tpu.memory_space<vmem>>
        %dma_start3A_773 = arith.constant 0 : i32
        %dma_start3A_774 = tpu.memref_slice %arg2[%add3A_759, %dma_start3A_773] : memref<5120x192xi32, #tpu.memory_space<hbm>> -> memref<1x192xi32, #tpu.memory_space<hbm>>
        %dma_start3A_775 = tpu.memref_squeeze %dma_start3A_774 : memref<1x192xi32, #tpu.memory_space<hbm>> -> memref<192xi32, #tpu.memory_space<hbm>>
        tpu.enqueue_dma source(%dma_start3A_775 : memref<192xi32, #tpu.memory_space<hbm>>) target(%dma_start3A_772 : memref<192xi32, #tpu.memory_space<vmem>>) target_semaphore(%dma_start3A_769 : memref<!tpu.dma_semaphore, #tpu.memory_space<semaphore_mem>>)
      } else {
      }
      %gt3A_427 = arith.constant 0 : i32
      %gt3A_428 = arith.cmpi sgt, %add3A_341, %gt3A_427 : i32
      %convert_element_type3A_429 = arith.extui %gt3A_428 : i1 to i32
      %cond3A_430 = arith.constant 0 : i32
      %cond3A_431 = arith.cmpi ne, %convert_element_type3A_429, %cond3A_430 : i32
      scf.if %cond3A_431 {
        %dma_wait3A_757 = arith.constant 1 : i32
        %dma_wait3A_758 = arith.constant 1 : i32
        %dma_wait3A_759 = arith.constant 1 : i32
        %dma_wait3A_760 = arith.constant 0 : i32
        %dma_wait3A_761 = arith.constant 0 : i32
        %dma_wait3A_762 = tpu.memref_slice %arg11[%dma_wait3A_758, %dma_wait3A_760, %dma_wait3A_761] : memref<4x64x128xf32, #tpu.memory_space<vmem>> -> memref<1x64x128xf32, #tpu.memory_space<vmem>>
        %dma_wait3A_763 = tpu.memref_squeeze %dma_wait3A_762 : memref<1x64x128xf32, #tpu.memory_space<vmem>> -> memref<64x128xf32, #tpu.memory_space<vmem>>
        %dma_wait3A_764 = arith.constant 0 : i32
        %dma_wait3A_765 = tpu.memref_slice %arg7[%dma_wait3A_757, %dma_wait3A_764] : memref<4x64xi32, #tpu.memory_space<vmem>> -> memref<1x64xi32, #tpu.memory_space<vmem>>
        %dma_wait3A_766 = tpu.memref_squeeze %dma_wait3A_765 : memref<1x64xi32, #tpu.memory_space<vmem>> -> memref<64xi32, #tpu.memory_space<vmem>>
        %dma_wait3A_767 = arith.constant 0 : i32
        %dma_wait3A_768 = arith.constant 0 : i32
        %dma_wait3A_769 = tpu.memref_slice %arg4[%dma_wait3A_767, %dma_wait3A_768] : memref<40000x128xf32, #tpu.memory_space<hbm>> -> memref<40000x128xf32, #tpu.memory_space<hbm>>
        %dma_wait3A_770 = tpu.memref_slice %arg18[%dma_wait3A_759] : memref<4x!tpu.dma_semaphore, #tpu.memory_space<semaphore_mem>> -> memref<1x!tpu.dma_semaphore, #tpu.memory_space<semaphore_mem>>
        %dma_wait3A_771 = tpu.memref_squeeze %dma_wait3A_770 : memref<1x!tpu.dma_semaphore, #tpu.memory_space<semaphore_mem>> -> memref<!tpu.dma_semaphore, #tpu.memory_space<semaphore_mem>>
        tpu.wait_indirect_dma semaphore(%dma_wait3A_771 : memref<!tpu.dma_semaphore, #tpu.memory_space<semaphore_mem>>) src(%dma_wait3A_769 : memref<40000x128xf32, #tpu.memory_space<hbm>>) dst(%dma_wait3A_763 : memref<64x128xf32, #tpu.memory_space<vmem>>)
        %dma_wait3A_772 = arith.constant 1 : i32
        %dma_wait3A_773 = arith.constant 1 : i32
        %dma_wait3A_774 = arith.constant 1 : i32
        %dma_wait3A_775 = arith.constant 0 : i32
        %dma_wait3A_776 = tpu.memref_slice %arg10[%dma_wait3A_773, %dma_wait3A_775] : memref<4x64xf32, #tpu.memory_space<vmem>> -> memref<1x64xf32, #tpu.memory_space<vmem>>
        %dma_wait3A_777 = tpu.memref_squeeze %dma_wait3A_776 : memref<1x64xf32, #tpu.memory_space<vmem>> -> memref<64xf32, #tpu.memory_space<vmem>>
        %dma_wait3A_778 = arith.constant 0 : i32
        %dma_wait3A_779 = tpu.memref_slice %arg8[%dma_wait3A_772, %dma_wait3A_778] : memref<4x64xi32, #tpu.memory_space<vmem>> -> memref<1x64xi32, #tpu.memory_space<vmem>>
        %dma_wait3A_780 = tpu.memref_squeeze %dma_wait3A_779 : memref<1x64xi32, #tpu.memory_space<vmem>> -> memref<64xi32, #tpu.memory_space<vmem>>
        %dma_wait3A_781 = arith.constant 0 : i32
        %dma_wait3A_782 = tpu.memref_slice %arg15[%dma_wait3A_781] : memref<40960xf32, #tpu.memory_space<vmem_shared>> -> memref<40960xf32, #tpu.memory_space<vmem_shared>>
        %dma_wait3A_783 = tpu.memref_slice %arg19[%dma_wait3A_774] : memref<4x!tpu.dma_semaphore, #tpu.memory_space<semaphore_mem>> -> memref<1x!tpu.dma_semaphore, #tpu.memory_space<semaphore_mem>>
        %dma_wait3A_784 = tpu.memref_squeeze %dma_wait3A_783 : memref<1x!tpu.dma_semaphore, #tpu.memory_space<semaphore_mem>> -> memref<!tpu.dma_semaphore, #tpu.memory_space<semaphore_mem>>
        tpu.wait_indirect_dma semaphore(%dma_wait3A_784 : memref<!tpu.dma_semaphore, #tpu.memory_space<semaphore_mem>>) src(%dma_wait3A_782 : memref<40960xf32, #tpu.memory_space<vmem_shared>>) dst(%dma_wait3A_777 : memref<64xf32, #tpu.memory_space<vmem>>)
        %scan3A_785 = arith.constant 0 : i32
        %scan3A_786 = arith.constant 64 : i32
        %scan3A_787 = arith.addi %scan3A_785, %scan3A_786 : i32
        %scan3A_788 = arith.constant 1 : i32
        scf.for %scan3A_805 = %scan3A_785 to %scan3A_787 step %scan3A_788  : i32 {
          %mul3A_806 = arith.constant 1 : i32
          %mul3A_807 = arith.muli %scan3A_805, %mul3A_806 : i32
          %add3A_808 = arith.constant 0 : i32
          %add3A_809 = arith.addi %add3A_808, %mul3A_807 : i32
          %broadcast_in_dim3A = vector.broadcast %add3A_809 : i32 to vector<16xi32>
          %gather3A = arith.constant 1 : i32
          %gather3A_810 = arith.constant 0 : i32
          %gather3A_811 = tpu.memref_slice %arg10[%gather3A, %gather3A_810] : memref<4x64xf32, #tpu.memory_space<vmem>> -> memref<1x64xf32, #tpu.memory_space<vmem>>
          %gather3A_812 = tpu.memref_squeeze %gather3A_811 : memref<1x64xf32, #tpu.memory_space<vmem>> -> memref<64xf32, #tpu.memory_space<vmem>>
          %gather3A_813 = tpu.vector_load_idx %gather3A_812[%broadcast_in_dim3A] : memref<64xf32, #tpu.memory_space<vmem>>[vector<16xi32>], vector<16xf32>,
          %get3A = arith.constant 1 : i32
          %get3A_814 = arith.index_cast %get3A : i32 to index
          %get3A_815 = arith.index_cast %add3A_809 : i32 to index
          %get3A_816 = arith.constant 0 : index
          %get3A_817 = tpu.vector_load %arg11[%get3A_814, %get3A_815, %get3A_816] {strides = array<i32>} : memref<4x64x128xf32, #tpu.memory_space<vmem>>, vector<16xf32>,
          %mul3A_818 = arith.mulf %get3A_817, %gather3A_813 : vector<16xf32>
          %swap3A = arith.constant 1 : i32
          %swap3A_819 = arith.index_cast %swap3A : i32 to index
          %swap3A_820 = arith.index_cast %add3A_809 : i32 to index
          %swap3A_821 = arith.constant 0 : index
          %swap3A_822 = tpu.vector_load %arg11[%swap3A_819, %swap3A_820, %swap3A_821] {strides = array<i32>} : memref<4x64x128xf32, #tpu.memory_space<vmem>>, vector<16xf32>,
          tpu.vector_store %arg11[%swap3A_819, %swap3A_820, %swap3A_821], %mul3A_818 {strides = array<i32>} : memref<4x64x128xf32, #tpu.memory_space<vmem>>, vector<16xf32>,
          %get3A_823 = arith.constant 1 : i32
          %get3A_824 = arith.index_cast %get3A_823 : i32 to index
          %get3A_825 = arith.index_cast %add3A_809 : i32 to index
          %get3A_826 = arith.constant 16 : index
          %get3A_827 = tpu.vector_load %arg11[%get3A_824, %get3A_825, %get3A_826] {strides = array<i32>} : memref<4x64x128xf32, #tpu.memory_space<vmem>>, vector<16xf32>,
          %mul3A_828 = arith.mulf %get3A_827, %gather3A_813 : vector<16xf32>
          %swap3A_829 = arith.constant 1 : i32
          %swap3A_830 = arith.index_cast %swap3A_829 : i32 to index
          %swap3A_831 = arith.index_cast %add3A_809 : i32 to index
          %swap3A_832 = arith.constant 16 : index
          %swap3A_833 = tpu.vector_load %arg11[%swap3A_830, %swap3A_831, %swap3A_832] {strides = array<i32>} : memref<4x64x128xf32, #tpu.memory_space<vmem>>, vector<16xf32>,
          tpu.vector_store %arg11[%swap3A_830, %swap3A_831, %swap3A_832], %mul3A_828 {strides = array<i32>} : memref<4x64x128xf32, #tpu.memory_space<vmem>>, vector<16xf32>,
          %get3A_834 = arith.constant 1 : i32
          %get3A_835 = arith.index_cast %get3A_834 : i32 to index
          %get3A_836 = arith.index_cast %add3A_809 : i32 to index
          %get3A_837 = arith.constant 32 : index
          %get3A_838 = tpu.vector_load %arg11[%get3A_835, %get3A_836, %get3A_837] {strides = array<i32>} : memref<4x64x128xf32, #tpu.memory_space<vmem>>, vector<16xf32>,
          %mul3A_839 = arith.mulf %get3A_838, %gather3A_813 : vector<16xf32>
          %swap3A_840 = arith.constant 1 : i32
          %swap3A_841 = arith.index_cast %swap3A_840 : i32 to index
          %swap3A_842 = arith.index_cast %add3A_809 : i32 to index
          %swap3A_843 = arith.constant 32 : index
          %swap3A_844 = tpu.vector_load %arg11[%swap3A_841, %swap3A_842, %swap3A_843] {strides = array<i32>} : memref<4x64x128xf32, #tpu.memory_space<vmem>>, vector<16xf32>,
          tpu.vector_store %arg11[%swap3A_841, %swap3A_842, %swap3A_843], %mul3A_839 {strides = array<i32>} : memref<4x64x128xf32, #tpu.memory_space<vmem>>, vector<16xf32>,
          %get3A_845 = arith.constant 1 : i32
          %get3A_846 = arith.index_cast %get3A_845 : i32 to index
          %get3A_847 = arith.index_cast %add3A_809 : i32 to index
          %get3A_848 = arith.constant 48 : index
          %get3A_849 = tpu.vector_load %arg11[%get3A_846, %get3A_847, %get3A_848] {strides = array<i32>} : memref<4x64x128xf32, #tpu.memory_space<vmem>>, vector<16xf32>,
          %mul3A_850 = arith.mulf %get3A_849, %gather3A_813 : vector<16xf32>
          %swap3A_851 = arith.constant 1 : i32
          %swap3A_852 = arith.index_cast %swap3A_851 : i32 to index
          %swap3A_853 = arith.index_cast %add3A_809 : i32 to index
          %swap3A_854 = arith.constant 48 : index
          %swap3A_855 = tpu.vector_load %arg11[%swap3A_852, %swap3A_853, %swap3A_854] {strides = array<i32>} : memref<4x64x128xf32, #tpu.memory_space<vmem>>, vector<16xf32>,
          tpu.vector_store %arg11[%swap3A_852, %swap3A_853, %swap3A_854], %mul3A_850 {strides = array<i32>} : memref<4x64x128xf32, #tpu.memory_space<vmem>>, vector<16xf32>,
          %get3A_856 = arith.constant 1 : i32
          %get3A_857 = arith.index_cast %get3A_856 : i32 to index
          %get3A_858 = arith.index_cast %add3A_809 : i32 to index
          %get3A_859 = arith.constant 64 : index
          %get3A_860 = tpu.vector_load %arg11[%get3A_857, %get3A_858, %get3A_859] {strides = array<i32>} : memref<4x64x128xf32, #tpu.memory_space<vmem>>, vector<16xf32>,
          %mul3A_861 = arith.mulf %get3A_860, %gather3A_813 : vector<16xf32>
          %swap3A_862 = arith.constant 1 : i32
          %swap3A_863 = arith.index_cast %swap3A_862 : i32 to index
          %swap3A_864 = arith.index_cast %add3A_809 : i32 to index
          %swap3A_865 = arith.constant 64 : index
          %swap3A_866 = tpu.vector_load %arg11[%swap3A_863, %swap3A_864, %swap3A_865] {strides = array<i32>} : memref<4x64x128xf32, #tpu.memory_space<vmem>>, vector<16xf32>,
          tpu.vector_store %arg11[%swap3A_863, %swap3A_864, %swap3A_865], %mul3A_861 {strides = array<i32>} : memref<4x64x128xf32, #tpu.memory_space<vmem>>, vector<16xf32>,
          %get3A_867 = arith.constant 1 : i32
          %get3A_868 = arith.index_cast %get3A_867 : i32 to index
          %get3A_869 = arith.index_cast %add3A_809 : i32 to index
          %get3A_870 = arith.constant 80 : index
          %get3A_871 = tpu.vector_load %arg11[%get3A_868, %get3A_869, %get3A_870] {strides = array<i32>} : memref<4x64x128xf32, #tpu.memory_space<vmem>>, vector<16xf32>,
          %mul3A_872 = arith.mulf %get3A_871, %gather3A_813 : vector<16xf32>
          %swap3A_873 = arith.constant 1 : i32
          %swap3A_874 = arith.index_cast %swap3A_873 : i32 to index
          %swap3A_875 = arith.index_cast %add3A_809 : i32 to index
          %swap3A_876 = arith.constant 80 : index
          %swap3A_877 = tpu.vector_load %arg11[%swap3A_874, %swap3A_875, %swap3A_876] {strides = array<i32>} : memref<4x64x128xf32, #tpu.memory_space<vmem>>, vector<16xf32>,
          tpu.vector_store %arg11[%swap3A_874, %swap3A_875, %swap3A_876], %mul3A_872 {strides = array<i32>} : memref<4x64x128xf32, #tpu.memory_space<vmem>>, vector<16xf32>,
          %get3A_878 = arith.constant 1 : i32
          %get3A_879 = arith.index_cast %get3A_878 : i32 to index
          %get3A_880 = arith.index_cast %add3A_809 : i32 to index
          %get3A_881 = arith.constant 96 : index
          %get3A_882 = tpu.vector_load %arg11[%get3A_879, %get3A_880, %get3A_881] {strides = array<i32>} : memref<4x64x128xf32, #tpu.memory_space<vmem>>, vector<16xf32>,
          %mul3A_883 = arith.mulf %get3A_882, %gather3A_813 : vector<16xf32>
          %swap3A_884 = arith.constant 1 : i32
          %swap3A_885 = arith.index_cast %swap3A_884 : i32 to index
          %swap3A_886 = arith.index_cast %add3A_809 : i32 to index
          %swap3A_887 = arith.constant 96 : index
          %swap3A_888 = tpu.vector_load %arg11[%swap3A_885, %swap3A_886, %swap3A_887] {strides = array<i32>} : memref<4x64x128xf32, #tpu.memory_space<vmem>>, vector<16xf32>,
          tpu.vector_store %arg11[%swap3A_885, %swap3A_886, %swap3A_887], %mul3A_883 {strides = array<i32>} : memref<4x64x128xf32, #tpu.memory_space<vmem>>, vector<16xf32>,
          %get3A_889 = arith.constant 1 : i32
          %get3A_890 = arith.index_cast %get3A_889 : i32 to index
          %get3A_891 = arith.index_cast %add3A_809 : i32 to index
          %get3A_892 = arith.constant 112 : index
          %get3A_893 = tpu.vector_load %arg11[%get3A_890, %get3A_891, %get3A_892] {strides = array<i32>} : memref<4x64x128xf32, #tpu.memory_space<vmem>>, vector<16xf32>,
          %mul3A_894 = arith.mulf %get3A_893, %gather3A_813 : vector<16xf32>
          %swap3A_895 = arith.constant 1 : i32
          %swap3A_896 = arith.index_cast %swap3A_895 : i32 to index
          %swap3A_897 = arith.index_cast %add3A_809 : i32 to index
          %swap3A_898 = arith.constant 112 : index
          %swap3A_899 = tpu.vector_load %arg11[%swap3A_896, %swap3A_897, %swap3A_898] {strides = array<i32>} : memref<4x64x128xf32, #tpu.memory_space<vmem>>, vector<16xf32>,
          tpu.vector_store %arg11[%swap3A_896, %swap3A_897, %swap3A_898], %mul3A_894 {strides = array<i32>} : memref<4x64x128xf32, #tpu.memory_space<vmem>>, vector<16xf32>,
        }
        %scan3A_789 = arith.constant 64 : i32
        %dma_start3A_790 = arith.constant 1 : i32
        %dma_start3A_791 = arith.constant 1 : i32
        %dma_start3A_792 = arith.constant 1 : i32
        %dma_start3A_793 = arith.constant 0 : i32
        %dma_start3A_794 = arith.constant 0 : i32
        %dma_start3A_795 = tpu.memref_slice %arg11[%dma_start3A_790, %dma_start3A_793, %dma_start3A_794] : memref<4x64x128xf32, #tpu.memory_space<vmem>> -> memref<1x64x128xf32, #tpu.memory_space<vmem>>
        %dma_start3A_796 = tpu.memref_squeeze %dma_start3A_795 : memref<1x64x128xf32, #tpu.memory_space<vmem>> -> memref<64x128xf32, #tpu.memory_space<vmem>>
        %dma_start3A_797 = arith.constant 0 : i32
        %dma_start3A_798 = tpu.memref_slice %arg9[%dma_start3A_791, %dma_start3A_797] : memref<4x64xi32, #tpu.memory_space<vmem>> -> memref<1x64xi32, #tpu.memory_space<vmem>>
        %dma_start3A_799 = tpu.memref_squeeze %dma_start3A_798 : memref<1x64xi32, #tpu.memory_space<vmem>> -> memref<64xi32, #tpu.memory_space<vmem>>
        %dma_start3A_800 = arith.constant 0 : i32
        %dma_start3A_801 = arith.constant 0 : i32
        %dma_start3A_802 = tpu.memref_slice %arg16[%dma_start3A_800, %dma_start3A_801] : memref<10240x128xf32, #tpu.memory_space<vmem_shared>> -> memref<10240x128xf32, #tpu.memory_space<vmem_shared>>
        %dma_start3A_803 = tpu.memref_slice %arg20[%dma_start3A_792] : memref<4x!tpu.dma_semaphore, #tpu.memory_space<semaphore_mem>> -> memref<1x!tpu.dma_semaphore, #tpu.memory_space<semaphore_mem>>
        %dma_start3A_804 = tpu.memref_squeeze %dma_start3A_803 : memref<1x!tpu.dma_semaphore, #tpu.memory_space<semaphore_mem>> -> memref<!tpu.dma_semaphore, #tpu.memory_space<semaphore_mem>>
        tpu.enqueue_indirect_dma source(%dma_start3A_796 : memref<64x128xf32, #tpu.memory_space<vmem>>) target(%dma_start3A_802 : memref<10240x128xf32, #tpu.memory_space<vmem_shared>>) offsets(%dma_start3A_799 : memref<64xi32, #tpu.memory_space<vmem>>) semaphore(%dma_start3A_804 : memref<!tpu.dma_semaphore, #tpu.memory_space<semaphore_mem>>) {add = true}
      } else {
      }
      %mul3A_432 = arith.constant 4 : i32
      %mul3A_433 = arith.muli %mul3A_432, %add3A_341 : i32
      %add3A_434 = arith.constant 1 : i32
      %add3A_435 = arith.addi %mul3A_433, %add3A_434 : i32
      %add3A_436 = arith.addi %select_n3A, %add3A_435 : i32
      %dma_wait3A_437 = arith.constant 1 : i32
      %dma_wait3A_438 = arith.constant 1 : i32
      %dma_wait3A_439 = arith.constant 0 : i32
      %dma_wait3A_440 = tpu.memref_slice %arg6[%dma_wait3A_437, %dma_wait3A_439] : memref<4x192xi32, #tpu.memory_space<vmem>> -> memref<1x192xi32, #tpu.memory_space<vmem>>
      %dma_wait3A_441 = tpu.memref_squeeze %dma_wait3A_440 : memref<1x192xi32, #tpu.memory_space<vmem>> -> memref<192xi32, #tpu.memory_space<vmem>>
      %dma_wait3A_442 = arith.constant 0 : i32
      %dma_wait3A_443 = tpu.memref_slice %arg2[%add3A_436, %dma_wait3A_442] : memref<5120x192xi32, #tpu.memory_space<hbm>> -> memref<1x192xi32, #tpu.memory_space<hbm>>
      %dma_wait3A_444 = tpu.memref_squeeze %dma_wait3A_443 : memref<1x192xi32, #tpu.memory_space<hbm>> -> memref<192xi32, #tpu.memory_space<hbm>>
      %dma_wait3A_445 = tpu.memref_slice %arg17[%dma_wait3A_438] : memref<4x!tpu.dma_semaphore, #tpu.memory_space<semaphore_mem>> -> memref<1x!tpu.dma_semaphore, #tpu.memory_space<semaphore_mem>>
      %dma_wait3A_446 = tpu.memref_squeeze %dma_wait3A_445 : memref<1x!tpu.dma_semaphore, #tpu.memory_space<semaphore_mem>> -> memref<!tpu.dma_semaphore, #tpu.memory_space<semaphore_mem>>
      %dma_wait3A_447 = arith.constant 0 : i32
      %dma_wait3A_448 = tpu.memref_slice %arg6[%dma_wait3A_437, %dma_wait3A_447] : memref<4x192xi32, #tpu.memory_space<vmem>> -> memref<1x192xi32, #tpu.memory_space<vmem>>
      %dma_wait3A_449 = tpu.memref_squeeze %dma_wait3A_448 : memref<1x192xi32, #tpu.memory_space<vmem>> -> memref<192xi32, #tpu.memory_space<vmem>>
      %dma_wait3A_450 = arith.constant 0 : i32
      %dma_wait3A_451 = tpu.memref_slice %arg2[%add3A_436, %dma_wait3A_450] : memref<5120x192xi32, #tpu.memory_space<hbm>> -> memref<1x192xi32, #tpu.memory_space<hbm>>
      %dma_wait3A_452 = tpu.memref_squeeze %dma_wait3A_451 : memref<1x192xi32, #tpu.memory_space<hbm>> -> memref<192xi32, #tpu.memory_space<hbm>>
      tpu.wait_dma2 semaphore(%dma_wait3A_446 : memref<!tpu.dma_semaphore, #tpu.memory_space<semaphore_mem>>) src(%dma_wait3A_452 : memref<192xi32, #tpu.memory_space<hbm>>) dst(%dma_wait3A_449 : memref<192xi32, #tpu.memory_space<vmem>>)
      %gt3A_453 = arith.constant 0 : i32
      %gt3A_454 = arith.cmpi sgt, %add3A_341, %gt3A_453 : i32
      %convert_element_type3A_455 = arith.extui %gt3A_454 : i1 to i32
      %cond3A_456 = arith.constant 0 : i32
      %cond3A_457 = arith.cmpi ne, %convert_element_type3A_455, %cond3A_456 : i32
      scf.if %cond3A_457 {
        %dma_wait3A_757 = arith.constant 1 : i32
        %dma_wait3A_758 = arith.constant 1 : i32
        %dma_wait3A_759 = arith.constant 1 : i32
        %dma_wait3A_760 = arith.constant 0 : i32
        %dma_wait3A_761 = arith.constant 0 : i32
        %dma_wait3A_762 = tpu.memref_slice %arg11[%dma_wait3A_757, %dma_wait3A_760, %dma_wait3A_761] : memref<4x64x128xf32, #tpu.memory_space<vmem>> -> memref<1x64x128xf32, #tpu.memory_space<vmem>>
        %dma_wait3A_763 = tpu.memref_squeeze %dma_wait3A_762 : memref<1x64x128xf32, #tpu.memory_space<vmem>> -> memref<64x128xf32, #tpu.memory_space<vmem>>
        %dma_wait3A_764 = arith.constant 0 : i32
        %dma_wait3A_765 = tpu.memref_slice %arg9[%dma_wait3A_758, %dma_wait3A_764] : memref<4x64xi32, #tpu.memory_space<vmem>> -> memref<1x64xi32, #tpu.memory_space<vmem>>
        %dma_wait3A_766 = tpu.memref_squeeze %dma_wait3A_765 : memref<1x64xi32, #tpu.memory_space<vmem>> -> memref<64xi32, #tpu.memory_space<vmem>>
        %dma_wait3A_767 = arith.constant 0 : i32
        %dma_wait3A_768 = arith.constant 0 : i32
        %dma_wait3A_769 = tpu.memref_slice %arg16[%dma_wait3A_767, %dma_wait3A_768] : memref<10240x128xf32, #tpu.memory_space<vmem_shared>> -> memref<10240x128xf32, #tpu.memory_space<vmem_shared>>
        %dma_wait3A_770 = tpu.memref_slice %arg20[%dma_wait3A_759] : memref<4x!tpu.dma_semaphore, #tpu.memory_space<semaphore_mem>> -> memref<1x!tpu.dma_semaphore, #tpu.memory_space<semaphore_mem>>
        %dma_wait3A_771 = tpu.memref_squeeze %dma_wait3A_770 : memref<1x!tpu.dma_semaphore, #tpu.memory_space<semaphore_mem>> -> memref<!tpu.dma_semaphore, #tpu.memory_space<semaphore_mem>>
        tpu.wait_indirect_dma semaphore(%dma_wait3A_771 : memref<!tpu.dma_semaphore, #tpu.memory_space<semaphore_mem>>) src(%dma_wait3A_763 : memref<64x128xf32, #tpu.memory_space<vmem>>) dst(%dma_wait3A_769 : memref<10240x128xf32, #tpu.memory_space<vmem_shared>>)
      } else {
      }
      %scan3A_458 = arith.constant 0 : i32
      %scan3A_459 = arith.constant 4 : i32
      %scan3A_460 = arith.addi %scan3A_458, %scan3A_459 : i32
      %scan3A_461 = arith.constant 1 : i32
      scf.for %scan3A_757 = %scan3A_458 to %scan3A_460 step %scan3A_461  : i32 {
        %mul3A_758 = arith.constant 1 : i32
        %mul3A_759 = arith.muli %scan3A_757, %mul3A_758 : i32
        %add3A_760 = arith.constant 0 : i32
        %add3A_761 = arith.addi %add3A_760, %mul3A_759 : i32
        %mul3A_762 = arith.constant 16 : i32
        %mul3A_763 = arith.muli %add3A_761, %mul3A_762 : i32
        %mul3A_764 = arith.constant 16 : i32
        %mul3A_765 = arith.muli %add3A_761, %mul3A_764 : i32
        %add3A_766 = arith.constant 64 : i32
        %add3A_767 = arith.addi %add3A_766, %mul3A_765 : i32
        %get3A = arith.constant 1 : i32
        %get3A_768 = arith.index_cast %get3A : i32 to index
        %get3A_769 = arith.index_cast %add3A_767 : i32 to index
        %get3A_770 = tpu.vector_load %arg6[%get3A_768, %get3A_769] {strides = array<i32>} : memref<4x192xi32, #tpu.memory_space<vmem>>, vector<16xi32>,
        %mul3A_771 = arith.constant 16 : i32
        %mul3A_772 = arith.muli %add3A_761, %mul3A_771 : i32
        %add3A_773 = arith.constant 128 : i32
        %add3A_774 = arith.addi %add3A_773, %mul3A_772 : i32
        %get3A_775 = arith.constant 1 : i32
        %get3A_776 = arith.index_cast %get3A_775 : i32 to index
        %get3A_777 = arith.index_cast %add3A_774 : i32 to index
        %get3A_778 = tpu.vector_load %arg6[%get3A_776, %get3A_777] {strides = array<i32>} : memref<4x192xi32, #tpu.memory_space<vmem>>, vector<16xi32>,
        %mul3A_779 = arith.constant 10000 : i32
        %mul3A_780 = vector.broadcast %mul3A_779 : i32 to vector<16xi32>
        %mul3A_781 = arith.muli %get3A_770, %mul3A_780 : vector<16xi32>
        %mul3A_782 = arith.constant 16 : i32
        %mul3A_783 = arith.muli %add3A_761, %mul3A_782 : i32
        %get3A_784 = arith.constant 1 : i32
        %get3A_785 = arith.index_cast %get3A_784 : i32 to index
        %get3A_786 = arith.index_cast %mul3A_783 : i32 to index
        %get3A_787 = tpu.vector_load %arg6[%get3A_785, %get3A_786] {strides = array<i32>} : memref<4x192xi32, #tpu.memory_space<vmem>>, vector<16xi32>,
        %add3A_788 = arith.addi %mul3A_781, %get3A_787 : vector<16xi32>
        %swap3A = arith.constant 1 : i32
        %swap3A_789 = arith.index_cast %swap3A : i32 to index
        %swap3A_790 = arith.index_cast %mul3A_763 : i32 to index
        %swap3A_791 = tpu.vector_load %arg7[%swap3A_789, %swap3A_790] {strides = array<i32>} : memref<4x64xi32, #tpu.memory_space<vmem>>, vector<16xi32>,
        tpu.vector_store %arg7[%swap3A_789, %swap3A_790], %add3A_788 {strides = array<i32>} : memref<4x64xi32, #tpu.memory_space<vmem>>, vector<16xi32>,
        %mul3A_792 = arith.constant 4 : i32
        %mul3A_793 = vector.broadcast %mul3A_792 : i32 to vector<16xi32>
        %mul3A_794 = arith.muli %get3A_778, %mul3A_793 : vector<16xi32>
        %add3A_795 = arith.addi %mul3A_794, %get3A_770 : vector<16xi32>
        %swap3A_796 = arith.constant 1 : i32
        %swap3A_797 = arith.index_cast %swap3A_796 : i32 to index
        %swap3A_798 = arith.index_cast %mul3A_763 : i32 to index
        %swap3A_799 = tpu.vector_load %arg8[%swap3A_797, %swap3A_798] {strides = array<i32>} : memref<4x64xi32, #tpu.memory_space<vmem>>, vector<16xi32>,
        tpu.vector_store %arg8[%swap3A_797, %swap3A_798], %add3A_795 {strides = array<i32>} : memref<4x64xi32, #tpu.memory_space<vmem>>, vector<16xi32>,
        %swap3A_800 = arith.constant 1 : i32
        %swap3A_801 = arith.index_cast %swap3A_800 : i32 to index
        %swap3A_802 = arith.index_cast %mul3A_763 : i32 to index
        %swap3A_803 = tpu.vector_load %arg9[%swap3A_801, %swap3A_802] {strides = array<i32>} : memref<4x64xi32, #tpu.memory_space<vmem>>, vector<16xi32>,
        tpu.vector_store %arg9[%swap3A_801, %swap3A_802], %get3A_778 {strides = array<i32>} : memref<4x64xi32, #tpu.memory_space<vmem>>, vector<16xi32>,
      }
      %scan3A_462 = arith.constant 4 : i32
      %dma_start3A_463 = arith.constant 1 : i32
      %dma_start3A_464 = arith.constant 1 : i32
      %dma_start3A_465 = arith.constant 1 : i32
      %dma_start3A_466 = arith.constant 0 : i32
      %dma_start3A_467 = arith.constant 0 : i32
      %dma_start3A_468 = tpu.memref_slice %arg11[%dma_start3A_464, %dma_start3A_466, %dma_start3A_467] : memref<4x64x128xf32, #tpu.memory_space<vmem>> -> memref<1x64x128xf32, #tpu.memory_space<vmem>>
      %dma_start3A_469 = tpu.memref_squeeze %dma_start3A_468 : memref<1x64x128xf32, #tpu.memory_space<vmem>> -> memref<64x128xf32, #tpu.memory_space<vmem>>
      %dma_start3A_470 = arith.constant 0 : i32
      %dma_start3A_471 = tpu.memref_slice %arg7[%dma_start3A_463, %dma_start3A_470] : memref<4x64xi32, #tpu.memory_space<vmem>> -> memref<1x64xi32, #tpu.memory_space<vmem>>
      %dma_start3A_472 = tpu.memref_squeeze %dma_start3A_471 : memref<1x64xi32, #tpu.memory_space<vmem>> -> memref<64xi32, #tpu.memory_space<vmem>>
      %dma_start3A_473 = arith.constant 0 : i32
      %dma_start3A_474 = arith.constant 0 : i32
      %dma_start3A_475 = tpu.memref_slice %arg4[%dma_start3A_473, %dma_start3A_474] : memref<40000x128xf32, #tpu.memory_space<hbm>> -> memref<40000x128xf32, #tpu.memory_space<hbm>>
      %dma_start3A_476 = tpu.memref_slice %arg18[%dma_start3A_465] : memref<4x!tpu.dma_semaphore, #tpu.memory_space<semaphore_mem>> -> memref<1x!tpu.dma_semaphore, #tpu.memory_space<semaphore_mem>>
      %dma_start3A_477 = tpu.memref_squeeze %dma_start3A_476 : memref<1x!tpu.dma_semaphore, #tpu.memory_space<semaphore_mem>> -> memref<!tpu.dma_semaphore, #tpu.memory_space<semaphore_mem>>
      tpu.enqueue_indirect_dma source(%dma_start3A_475 : memref<40000x128xf32, #tpu.memory_space<hbm>>) target(%dma_start3A_469 : memref<64x128xf32, #tpu.memory_space<vmem>>) offsets(%dma_start3A_472 : memref<64xi32, #tpu.memory_space<vmem>>) semaphore(%dma_start3A_477 : memref<!tpu.dma_semaphore, #tpu.memory_space<semaphore_mem>>)
      %dma_start3A_478 = arith.constant 1 : i32
      %dma_start3A_479 = arith.constant 1 : i32
      %dma_start3A_480 = arith.constant 1 : i32
      %dma_start3A_481 = arith.constant 0 : i32
      %dma_start3A_482 = tpu.memref_slice %arg10[%dma_start3A_479, %dma_start3A_481] : memref<4x64xf32, #tpu.memory_space<vmem>> -> memref<1x64xf32, #tpu.memory_space<vmem>>
      %dma_start3A_483 = tpu.memref_squeeze %dma_start3A_482 : memref<1x64xf32, #tpu.memory_space<vmem>> -> memref<64xf32, #tpu.memory_space<vmem>>
      %dma_start3A_484 = arith.constant 0 : i32
      %dma_start3A_485 = tpu.memref_slice %arg8[%dma_start3A_478, %dma_start3A_484] : memref<4x64xi32, #tpu.memory_space<vmem>> -> memref<1x64xi32, #tpu.memory_space<vmem>>
      %dma_start3A_486 = tpu.memref_squeeze %dma_start3A_485 : memref<1x64xi32, #tpu.memory_space<vmem>> -> memref<64xi32, #tpu.memory_space<vmem>>
      %dma_start3A_487 = arith.constant 0 : i32
      %dma_start3A_488 = tpu.memref_slice %arg15[%dma_start3A_487] : memref<40960xf32, #tpu.memory_space<vmem_shared>> -> memref<40960xf32, #tpu.memory_space<vmem_shared>>
      %dma_start3A_489 = tpu.memref_slice %arg19[%dma_start3A_480] : memref<4x!tpu.dma_semaphore, #tpu.memory_space<semaphore_mem>> -> memref<1x!tpu.dma_semaphore, #tpu.memory_space<semaphore_mem>>
      %dma_start3A_490 = tpu.memref_squeeze %dma_start3A_489 : memref<1x!tpu.dma_semaphore, #tpu.memory_space<semaphore_mem>> -> memref<!tpu.dma_semaphore, #tpu.memory_space<semaphore_mem>>
      tpu.enqueue_indirect_dma source(%dma_start3A_488 : memref<40960xf32, #tpu.memory_space<vmem_shared>>) target(%dma_start3A_483 : memref<64xf32, #tpu.memory_space<vmem>>) offsets(%dma_start3A_486 : memref<64xi32, #tpu.memory_space<vmem>>) semaphore(%dma_start3A_490 : memref<!tpu.dma_semaphore, #tpu.memory_space<semaphore_mem>>)
      %jit3A_491 = arith.constant 4 : i32
      %div3A_492 = arith.divsi %select_n3A_8, %jit3A_491 : i32
      %sign3A_493 = arith.constant 0 : i32
      %sign3A_494 = arith.cmpi sgt, %select_n3A_8, %sign3A_493 : i32
      %sign3A_495 = arith.extui %sign3A_494 : i1 to i32
      %sign3A_496 = arith.constant 0 : i32
      %sign3A_497 = arith.cmpi slt, %select_n3A_8, %sign3A_496 : i32
      %sign3A_498 = arith.extui %sign3A_497 : i1 to i32
      %sign3A_499 = arith.subi %sign3A_495, %sign3A_498 : i32
      %sign3A_500 = arith.constant 0 : i32
      %sign3A_501 = arith.cmpi sgt, %jit3A_491, %sign3A_500 : i32
      %sign3A_502 = arith.extui %sign3A_501 : i1 to i32
      %sign3A_503 = arith.constant 0 : i32
      %sign3A_504 = arith.cmpi slt, %jit3A_491, %sign3A_503 : i32
      %sign3A_505 = arith.extui %sign3A_504 : i1 to i32
      %sign3A_506 = arith.subi %sign3A_502, %sign3A_505 : i32
      %ne3A_507 = arith.cmpi ne, %sign3A_499, %sign3A_506 : i32
      %rem3A_508 = arith.remsi %select_n3A_8, %jit3A_491 : i32
      %ne3A_509 = arith.constant 0 : i32
      %ne3A_510 = arith.cmpi ne, %rem3A_508, %ne3A_509 : i32
      %and3A_511 = arith.andi %ne3A_507, %ne3A_510 : i1
      %sub3A_512 = arith.constant 1 : i32
      %sub3A_513 = arith.subi %div3A_492, %sub3A_512 : i32
      %select_n3A_514 = arith.select %and3A_511, %sub3A_513, %div3A_492 : i32
      %sub3A_515 = arith.constant 1 : i32
      %sub3A_516 = arith.subi %select_n3A_514, %sub3A_515 : i32
      %lt3A_517 = arith.cmpi slt, %add3A_341, %sub3A_516 : i32
      %convert_element_type3A_518 = arith.extui %lt3A_517 : i1 to i32
      %cond3A_519 = arith.constant 0 : i32
      %cond3A_520 = arith.cmpi ne, %convert_element_type3A_518, %cond3A_519 : i32
      scf.if %cond3A_520 {
        %add3A_757 = arith.constant 4 : i32
        %add3A_758 = arith.addi %add3A_435, %add3A_757 : i32
        %add3A_759 = arith.addi %select_n3A, %add3A_758 : i32
        %dma_start3A_760 = arith.constant 1 : i32
        %dma_start3A_761 = arith.constant 1 : i32
        %dma_start3A_762 = arith.constant 0 : i32
        %dma_start3A_763 = tpu.memref_slice %arg6[%dma_start3A_760, %dma_start3A_762] : memref<4x192xi32, #tpu.memory_space<vmem>> -> memref<1x192xi32, #tpu.memory_space<vmem>>
        %dma_start3A_764 = tpu.memref_squeeze %dma_start3A_763 : memref<1x192xi32, #tpu.memory_space<vmem>> -> memref<192xi32, #tpu.memory_space<vmem>>
        %dma_start3A_765 = arith.constant 0 : i32
        %dma_start3A_766 = tpu.memref_slice %arg2[%add3A_759, %dma_start3A_765] : memref<5120x192xi32, #tpu.memory_space<hbm>> -> memref<1x192xi32, #tpu.memory_space<hbm>>
        %dma_start3A_767 = tpu.memref_squeeze %dma_start3A_766 : memref<1x192xi32, #tpu.memory_space<hbm>> -> memref<192xi32, #tpu.memory_space<hbm>>
        %dma_start3A_768 = tpu.memref_slice %arg17[%dma_start3A_761] : memref<4x!tpu.dma_semaphore, #tpu.memory_space<semaphore_mem>> -> memref<1x!tpu.dma_semaphore, #tpu.memory_space<semaphore_mem>>
        %dma_start3A_769 = tpu.memref_squeeze %dma_start3A_768 : memref<1x!tpu.dma_semaphore, #tpu.memory_space<semaphore_mem>> -> memref<!tpu.dma_semaphore, #tpu.memory_space<semaphore_mem>>
        %dma_start3A_770 = arith.constant 0 : i32
        %dma_start3A_771 = tpu.memref_slice %arg6[%dma_start3A_760, %dma_start3A_770] : memref<4x192xi32, #tpu.memory_space<vmem>> -> memref<1x192xi32, #tpu.memory_space<vmem>>
        %dma_start3A_772 = tpu.memref_squeeze %dma_start3A_771 : memref<1x192xi32, #tpu.memory_space<vmem>> -> memref<192xi32, #tpu.memory_space<vmem>>
        %dma_start3A_773 = arith.constant 0 : i32
        %dma_start3A_774 = tpu.memref_slice %arg2[%add3A_759, %dma_start3A_773] : memref<5120x192xi32, #tpu.memory_space<hbm>> -> memref<1x192xi32, #tpu.memory_space<hbm>>
        %dma_start3A_775 = tpu.memref_squeeze %dma_start3A_774 : memref<1x192xi32, #tpu.memory_space<hbm>> -> memref<192xi32, #tpu.memory_space<hbm>>
        tpu.enqueue_dma source(%dma_start3A_775 : memref<192xi32, #tpu.memory_space<hbm>>) target(%dma_start3A_772 : memref<192xi32, #tpu.memory_space<vmem>>) target_semaphore(%dma_start3A_769 : memref<!tpu.dma_semaphore, #tpu.memory_space<semaphore_mem>>)
      } else {
      }
      %gt3A_521 = arith.constant 0 : i32
      %gt3A_522 = arith.cmpi sgt, %add3A_341, %gt3A_521 : i32
      %convert_element_type3A_523 = arith.extui %gt3A_522 : i1 to i32
      %cond3A_524 = arith.constant 0 : i32
      %cond3A_525 = arith.cmpi ne, %convert_element_type3A_523, %cond3A_524 : i32
      scf.if %cond3A_525 {
        %dma_wait3A_757 = arith.constant 2 : i32
        %dma_wait3A_758 = arith.constant 2 : i32
        %dma_wait3A_759 = arith.constant 2 : i32
        %dma_wait3A_760 = arith.constant 0 : i32
        %dma_wait3A_761 = arith.constant 0 : i32
        %dma_wait3A_762 = tpu.memref_slice %arg11[%dma_wait3A_758, %dma_wait3A_760, %dma_wait3A_761] : memref<4x64x128xf32, #tpu.memory_space<vmem>> -> memref<1x64x128xf32, #tpu.memory_space<vmem>>
        %dma_wait3A_763 = tpu.memref_squeeze %dma_wait3A_762 : memref<1x64x128xf32, #tpu.memory_space<vmem>> -> memref<64x128xf32, #tpu.memory_space<vmem>>
        %dma_wait3A_764 = arith.constant 0 : i32
        %dma_wait3A_765 = tpu.memref_slice %arg7[%dma_wait3A_757, %dma_wait3A_764] : memref<4x64xi32, #tpu.memory_space<vmem>> -> memref<1x64xi32, #tpu.memory_space<vmem>>
        %dma_wait3A_766 = tpu.memref_squeeze %dma_wait3A_765 : memref<1x64xi32, #tpu.memory_space<vmem>> -> memref<64xi32, #tpu.memory_space<vmem>>
        %dma_wait3A_767 = arith.constant 0 : i32
        %dma_wait3A_768 = arith.constant 0 : i32
        %dma_wait3A_769 = tpu.memref_slice %arg4[%dma_wait3A_767, %dma_wait3A_768] : memref<40000x128xf32, #tpu.memory_space<hbm>> -> memref<40000x128xf32, #tpu.memory_space<hbm>>
        %dma_wait3A_770 = tpu.memref_slice %arg18[%dma_wait3A_759] : memref<4x!tpu.dma_semaphore, #tpu.memory_space<semaphore_mem>> -> memref<1x!tpu.dma_semaphore, #tpu.memory_space<semaphore_mem>>
        %dma_wait3A_771 = tpu.memref_squeeze %dma_wait3A_770 : memref<1x!tpu.dma_semaphore, #tpu.memory_space<semaphore_mem>> -> memref<!tpu.dma_semaphore, #tpu.memory_space<semaphore_mem>>
        tpu.wait_indirect_dma semaphore(%dma_wait3A_771 : memref<!tpu.dma_semaphore, #tpu.memory_space<semaphore_mem>>) src(%dma_wait3A_769 : memref<40000x128xf32, #tpu.memory_space<hbm>>) dst(%dma_wait3A_763 : memref<64x128xf32, #tpu.memory_space<vmem>>)
        %dma_wait3A_772 = arith.constant 2 : i32
        %dma_wait3A_773 = arith.constant 2 : i32
        %dma_wait3A_774 = arith.constant 2 : i32
        %dma_wait3A_775 = arith.constant 0 : i32
        %dma_wait3A_776 = tpu.memref_slice %arg10[%dma_wait3A_773, %dma_wait3A_775] : memref<4x64xf32, #tpu.memory_space<vmem>> -> memref<1x64xf32, #tpu.memory_space<vmem>>
        %dma_wait3A_777 = tpu.memref_squeeze %dma_wait3A_776 : memref<1x64xf32, #tpu.memory_space<vmem>> -> memref<64xf32, #tpu.memory_space<vmem>>
        %dma_wait3A_778 = arith.constant 0 : i32
        %dma_wait3A_779 = tpu.memref_slice %arg8[%dma_wait3A_772, %dma_wait3A_778] : memref<4x64xi32, #tpu.memory_space<vmem>> -> memref<1x64xi32, #tpu.memory_space<vmem>>
        %dma_wait3A_780 = tpu.memref_squeeze %dma_wait3A_779 : memref<1x64xi32, #tpu.memory_space<vmem>> -> memref<64xi32, #tpu.memory_space<vmem>>
        %dma_wait3A_781 = arith.constant 0 : i32
        %dma_wait3A_782 = tpu.memref_slice %arg15[%dma_wait3A_781] : memref<40960xf32, #tpu.memory_space<vmem_shared>> -> memref<40960xf32, #tpu.memory_space<vmem_shared>>
        %dma_wait3A_783 = tpu.memref_slice %arg19[%dma_wait3A_774] : memref<4x!tpu.dma_semaphore, #tpu.memory_space<semaphore_mem>> -> memref<1x!tpu.dma_semaphore, #tpu.memory_space<semaphore_mem>>
        %dma_wait3A_784 = tpu.memref_squeeze %dma_wait3A_783 : memref<1x!tpu.dma_semaphore, #tpu.memory_space<semaphore_mem>> -> memref<!tpu.dma_semaphore, #tpu.memory_space<semaphore_mem>>
        tpu.wait_indirect_dma semaphore(%dma_wait3A_784 : memref<!tpu.dma_semaphore, #tpu.memory_space<semaphore_mem>>) src(%dma_wait3A_782 : memref<40960xf32, #tpu.memory_space<vmem_shared>>) dst(%dma_wait3A_777 : memref<64xf32, #tpu.memory_space<vmem>>)
        %scan3A_785 = arith.constant 0 : i32
        %scan3A_786 = arith.constant 64 : i32
        %scan3A_787 = arith.addi %scan3A_785, %scan3A_786 : i32
        %scan3A_788 = arith.constant 1 : i32
        scf.for %scan3A_805 = %scan3A_785 to %scan3A_787 step %scan3A_788  : i32 {
          %mul3A_806 = arith.constant 1 : i32
          %mul3A_807 = arith.muli %scan3A_805, %mul3A_806 : i32
          %add3A_808 = arith.constant 0 : i32
          %add3A_809 = arith.addi %add3A_808, %mul3A_807 : i32
          %broadcast_in_dim3A = vector.broadcast %add3A_809 : i32 to vector<16xi32>
          %gather3A = arith.constant 2 : i32
          %gather3A_810 = arith.constant 0 : i32
          %gather3A_811 = tpu.memref_slice %arg10[%gather3A, %gather3A_810] : memref<4x64xf32, #tpu.memory_space<vmem>> -> memref<1x64xf32, #tpu.memory_space<vmem>>
          %gather3A_812 = tpu.memref_squeeze %gather3A_811 : memref<1x64xf32, #tpu.memory_space<vmem>> -> memref<64xf32, #tpu.memory_space<vmem>>
          %gather3A_813 = tpu.vector_load_idx %gather3A_812[%broadcast_in_dim3A] : memref<64xf32, #tpu.memory_space<vmem>>[vector<16xi32>], vector<16xf32>,
          %get3A = arith.constant 2 : i32
          %get3A_814 = arith.index_cast %get3A : i32 to index
          %get3A_815 = arith.index_cast %add3A_809 : i32 to index
          %get3A_816 = arith.constant 0 : index
          %get3A_817 = tpu.vector_load %arg11[%get3A_814, %get3A_815, %get3A_816] {strides = array<i32>} : memref<4x64x128xf32, #tpu.memory_space<vmem>>, vector<16xf32>,
          %mul3A_818 = arith.mulf %get3A_817, %gather3A_813 : vector<16xf32>
          %swap3A = arith.constant 2 : i32
          %swap3A_819 = arith.index_cast %swap3A : i32 to index
          %swap3A_820 = arith.index_cast %add3A_809 : i32 to index
          %swap3A_821 = arith.constant 0 : index
          %swap3A_822 = tpu.vector_load %arg11[%swap3A_819, %swap3A_820, %swap3A_821] {strides = array<i32>} : memref<4x64x128xf32, #tpu.memory_space<vmem>>, vector<16xf32>,
          tpu.vector_store %arg11[%swap3A_819, %swap3A_820, %swap3A_821], %mul3A_818 {strides = array<i32>} : memref<4x64x128xf32, #tpu.memory_space<vmem>>, vector<16xf32>,
          %get3A_823 = arith.constant 2 : i32
          %get3A_824 = arith.index_cast %get3A_823 : i32 to index
          %get3A_825 = arith.index_cast %add3A_809 : i32 to index
          %get3A_826 = arith.constant 16 : index
          %get3A_827 = tpu.vector_load %arg11[%get3A_824, %get3A_825, %get3A_826] {strides = array<i32>} : memref<4x64x128xf32, #tpu.memory_space<vmem>>, vector<16xf32>,
          %mul3A_828 = arith.mulf %get3A_827, %gather3A_813 : vector<16xf32>
          %swap3A_829 = arith.constant 2 : i32
          %swap3A_830 = arith.index_cast %swap3A_829 : i32 to index
          %swap3A_831 = arith.index_cast %add3A_809 : i32 to index
          %swap3A_832 = arith.constant 16 : index
          %swap3A_833 = tpu.vector_load %arg11[%swap3A_830, %swap3A_831, %swap3A_832] {strides = array<i32>} : memref<4x64x128xf32, #tpu.memory_space<vmem>>, vector<16xf32>,
          tpu.vector_store %arg11[%swap3A_830, %swap3A_831, %swap3A_832], %mul3A_828 {strides = array<i32>} : memref<4x64x128xf32, #tpu.memory_space<vmem>>, vector<16xf32>,
          %get3A_834 = arith.constant 2 : i32
          %get3A_835 = arith.index_cast %get3A_834 : i32 to index
          %get3A_836 = arith.index_cast %add3A_809 : i32 to index
          %get3A_837 = arith.constant 32 : index
          %get3A_838 = tpu.vector_load %arg11[%get3A_835, %get3A_836, %get3A_837] {strides = array<i32>} : memref<4x64x128xf32, #tpu.memory_space<vmem>>, vector<16xf32>,
          %mul3A_839 = arith.mulf %get3A_838, %gather3A_813 : vector<16xf32>
          %swap3A_840 = arith.constant 2 : i32
          %swap3A_841 = arith.index_cast %swap3A_840 : i32 to index
          %swap3A_842 = arith.index_cast %add3A_809 : i32 to index
          %swap3A_843 = arith.constant 32 : index
          %swap3A_844 = tpu.vector_load %arg11[%swap3A_841, %swap3A_842, %swap3A_843] {strides = array<i32>} : memref<4x64x128xf32, #tpu.memory_space<vmem>>, vector<16xf32>,
          tpu.vector_store %arg11[%swap3A_841, %swap3A_842, %swap3A_843], %mul3A_839 {strides = array<i32>} : memref<4x64x128xf32, #tpu.memory_space<vmem>>, vector<16xf32>,
          %get3A_845 = arith.constant 2 : i32
          %get3A_846 = arith.index_cast %get3A_845 : i32 to index
          %get3A_847 = arith.index_cast %add3A_809 : i32 to index
          %get3A_848 = arith.constant 48 : index
          %get3A_849 = tpu.vector_load %arg11[%get3A_846, %get3A_847, %get3A_848] {strides = array<i32>} : memref<4x64x128xf32, #tpu.memory_space<vmem>>, vector<16xf32>,
          %mul3A_850 = arith.mulf %get3A_849, %gather3A_813 : vector<16xf32>
          %swap3A_851 = arith.constant 2 : i32
          %swap3A_852 = arith.index_cast %swap3A_851 : i32 to index
          %swap3A_853 = arith.index_cast %add3A_809 : i32 to index
          %swap3A_854 = arith.constant 48 : index
          %swap3A_855 = tpu.vector_load %arg11[%swap3A_852, %swap3A_853, %swap3A_854] {strides = array<i32>} : memref<4x64x128xf32, #tpu.memory_space<vmem>>, vector<16xf32>,
          tpu.vector_store %arg11[%swap3A_852, %swap3A_853, %swap3A_854], %mul3A_850 {strides = array<i32>} : memref<4x64x128xf32, #tpu.memory_space<vmem>>, vector<16xf32>,
          %get3A_856 = arith.constant 2 : i32
          %get3A_857 = arith.index_cast %get3A_856 : i32 to index
          %get3A_858 = arith.index_cast %add3A_809 : i32 to index
          %get3A_859 = arith.constant 64 : index
          %get3A_860 = tpu.vector_load %arg11[%get3A_857, %get3A_858, %get3A_859] {strides = array<i32>} : memref<4x64x128xf32, #tpu.memory_space<vmem>>, vector<16xf32>,
          %mul3A_861 = arith.mulf %get3A_860, %gather3A_813 : vector<16xf32>
          %swap3A_862 = arith.constant 2 : i32
          %swap3A_863 = arith.index_cast %swap3A_862 : i32 to index
          %swap3A_864 = arith.index_cast %add3A_809 : i32 to index
          %swap3A_865 = arith.constant 64 : index
          %swap3A_866 = tpu.vector_load %arg11[%swap3A_863, %swap3A_864, %swap3A_865] {strides = array<i32>} : memref<4x64x128xf32, #tpu.memory_space<vmem>>, vector<16xf32>,
          tpu.vector_store %arg11[%swap3A_863, %swap3A_864, %swap3A_865], %mul3A_861 {strides = array<i32>} : memref<4x64x128xf32, #tpu.memory_space<vmem>>, vector<16xf32>,
          %get3A_867 = arith.constant 2 : i32
          %get3A_868 = arith.index_cast %get3A_867 : i32 to index
          %get3A_869 = arith.index_cast %add3A_809 : i32 to index
          %get3A_870 = arith.constant 80 : index
          %get3A_871 = tpu.vector_load %arg11[%get3A_868, %get3A_869, %get3A_870] {strides = array<i32>} : memref<4x64x128xf32, #tpu.memory_space<vmem>>, vector<16xf32>,
          %mul3A_872 = arith.mulf %get3A_871, %gather3A_813 : vector<16xf32>
          %swap3A_873 = arith.constant 2 : i32
          %swap3A_874 = arith.index_cast %swap3A_873 : i32 to index
          %swap3A_875 = arith.index_cast %add3A_809 : i32 to index
          %swap3A_876 = arith.constant 80 : index
          %swap3A_877 = tpu.vector_load %arg11[%swap3A_874, %swap3A_875, %swap3A_876] {strides = array<i32>} : memref<4x64x128xf32, #tpu.memory_space<vmem>>, vector<16xf32>,
          tpu.vector_store %arg11[%swap3A_874, %swap3A_875, %swap3A_876], %mul3A_872 {strides = array<i32>} : memref<4x64x128xf32, #tpu.memory_space<vmem>>, vector<16xf32>,
          %get3A_878 = arith.constant 2 : i32
          %get3A_879 = arith.index_cast %get3A_878 : i32 to index
          %get3A_880 = arith.index_cast %add3A_809 : i32 to index
          %get3A_881 = arith.constant 96 : index
          %get3A_882 = tpu.vector_load %arg11[%get3A_879, %get3A_880, %get3A_881] {strides = array<i32>} : memref<4x64x128xf32, #tpu.memory_space<vmem>>, vector<16xf32>,
          %mul3A_883 = arith.mulf %get3A_882, %gather3A_813 : vector<16xf32>
          %swap3A_884 = arith.constant 2 : i32
          %swap3A_885 = arith.index_cast %swap3A_884 : i32 to index
          %swap3A_886 = arith.index_cast %add3A_809 : i32 to index
          %swap3A_887 = arith.constant 96 : index
          %swap3A_888 = tpu.vector_load %arg11[%swap3A_885, %swap3A_886, %swap3A_887] {strides = array<i32>} : memref<4x64x128xf32, #tpu.memory_space<vmem>>, vector<16xf32>,
          tpu.vector_store %arg11[%swap3A_885, %swap3A_886, %swap3A_887], %mul3A_883 {strides = array<i32>} : memref<4x64x128xf32, #tpu.memory_space<vmem>>, vector<16xf32>,
          %get3A_889 = arith.constant 2 : i32
          %get3A_890 = arith.index_cast %get3A_889 : i32 to index
          %get3A_891 = arith.index_cast %add3A_809 : i32 to index
          %get3A_892 = arith.constant 112 : index
          %get3A_893 = tpu.vector_load %arg11[%get3A_890, %get3A_891, %get3A_892] {strides = array<i32>} : memref<4x64x128xf32, #tpu.memory_space<vmem>>, vector<16xf32>,
          %mul3A_894 = arith.mulf %get3A_893, %gather3A_813 : vector<16xf32>
          %swap3A_895 = arith.constant 2 : i32
          %swap3A_896 = arith.index_cast %swap3A_895 : i32 to index
          %swap3A_897 = arith.index_cast %add3A_809 : i32 to index
          %swap3A_898 = arith.constant 112 : index
          %swap3A_899 = tpu.vector_load %arg11[%swap3A_896, %swap3A_897, %swap3A_898] {strides = array<i32>} : memref<4x64x128xf32, #tpu.memory_space<vmem>>, vector<16xf32>,
          tpu.vector_store %arg11[%swap3A_896, %swap3A_897, %swap3A_898], %mul3A_894 {strides = array<i32>} : memref<4x64x128xf32, #tpu.memory_space<vmem>>, vector<16xf32>,
        }
        %scan3A_789 = arith.constant 64 : i32
        %dma_start3A_790 = arith.constant 2 : i32
        %dma_start3A_791 = arith.constant 2 : i32
        %dma_start3A_792 = arith.constant 2 : i32
        %dma_start3A_793 = arith.constant 0 : i32
        %dma_start3A_794 = arith.constant 0 : i32
        %dma_start3A_795 = tpu.memref_slice %arg11[%dma_start3A_790, %dma_start3A_793, %dma_start3A_794] : memref<4x64x128xf32, #tpu.memory_space<vmem>> -> memref<1x64x128xf32, #tpu.memory_space<vmem>>
        %dma_start3A_796 = tpu.memref_squeeze %dma_start3A_795 : memref<1x64x128xf32, #tpu.memory_space<vmem>> -> memref<64x128xf32, #tpu.memory_space<vmem>>
        %dma_start3A_797 = arith.constant 0 : i32
        %dma_start3A_798 = tpu.memref_slice %arg9[%dma_start3A_791, %dma_start3A_797] : memref<4x64xi32, #tpu.memory_space<vmem>> -> memref<1x64xi32, #tpu.memory_space<vmem>>
        %dma_start3A_799 = tpu.memref_squeeze %dma_start3A_798 : memref<1x64xi32, #tpu.memory_space<vmem>> -> memref<64xi32, #tpu.memory_space<vmem>>
        %dma_start3A_800 = arith.constant 0 : i32
        %dma_start3A_801 = arith.constant 0 : i32
        %dma_start3A_802 = tpu.memref_slice %arg16[%dma_start3A_800, %dma_start3A_801] : memref<10240x128xf32, #tpu.memory_space<vmem_shared>> -> memref<10240x128xf32, #tpu.memory_space<vmem_shared>>
        %dma_start3A_803 = tpu.memref_slice %arg20[%dma_start3A_792] : memref<4x!tpu.dma_semaphore, #tpu.memory_space<semaphore_mem>> -> memref<1x!tpu.dma_semaphore, #tpu.memory_space<semaphore_mem>>
        %dma_start3A_804 = tpu.memref_squeeze %dma_start3A_803 : memref<1x!tpu.dma_semaphore, #tpu.memory_space<semaphore_mem>> -> memref<!tpu.dma_semaphore, #tpu.memory_space<semaphore_mem>>
        tpu.enqueue_indirect_dma source(%dma_start3A_796 : memref<64x128xf32, #tpu.memory_space<vmem>>) target(%dma_start3A_802 : memref<10240x128xf32, #tpu.memory_space<vmem_shared>>) offsets(%dma_start3A_799 : memref<64xi32, #tpu.memory_space<vmem>>) semaphore(%dma_start3A_804 : memref<!tpu.dma_semaphore, #tpu.memory_space<semaphore_mem>>) {add = true}
      } else {
      }
      %mul3A_526 = arith.constant 4 : i32
      %mul3A_527 = arith.muli %mul3A_526, %add3A_341 : i32
      %add3A_528 = arith.constant 2 : i32
      %add3A_529 = arith.addi %mul3A_527, %add3A_528 : i32
      %add3A_530 = arith.addi %select_n3A, %add3A_529 : i32
      %dma_wait3A_531 = arith.constant 2 : i32
      %dma_wait3A_532 = arith.constant 2 : i32
      %dma_wait3A_533 = arith.constant 0 : i32
      %dma_wait3A_534 = tpu.memref_slice %arg6[%dma_wait3A_531, %dma_wait3A_533] : memref<4x192xi32, #tpu.memory_space<vmem>> -> memref<1x192xi32, #tpu.memory_space<vmem>>
      %dma_wait3A_535 = tpu.memref_squeeze %dma_wait3A_534 : memref<1x192xi32, #tpu.memory_space<vmem>> -> memref<192xi32, #tpu.memory_space<vmem>>
      %dma_wait3A_536 = arith.constant 0 : i32
      %dma_wait3A_537 = tpu.memref_slice %arg2[%add3A_530, %dma_wait3A_536] : memref<5120x192xi32, #tpu.memory_space<hbm>> -> memref<1x192xi32, #tpu.memory_space<hbm>>
      %dma_wait3A_538 = tpu.memref_squeeze %dma_wait3A_537 : memref<1x192xi32, #tpu.memory_space<hbm>> -> memref<192xi32, #tpu.memory_space<hbm>>
      %dma_wait3A_539 = tpu.memref_slice %arg17[%dma_wait3A_532] : memref<4x!tpu.dma_semaphore, #tpu.memory_space<semaphore_mem>> -> memref<1x!tpu.dma_semaphore, #tpu.memory_space<semaphore_mem>>
      %dma_wait3A_540 = tpu.memref_squeeze %dma_wait3A_539 : memref<1x!tpu.dma_semaphore, #tpu.memory_space<semaphore_mem>> -> memref<!tpu.dma_semaphore, #tpu.memory_space<semaphore_mem>>
      %dma_wait3A_541 = arith.constant 0 : i32
      %dma_wait3A_542 = tpu.memref_slice %arg6[%dma_wait3A_531, %dma_wait3A_541] : memref<4x192xi32, #tpu.memory_space<vmem>> -> memref<1x192xi32, #tpu.memory_space<vmem>>
      %dma_wait3A_543 = tpu.memref_squeeze %dma_wait3A_542 : memref<1x192xi32, #tpu.memory_space<vmem>> -> memref<192xi32, #tpu.memory_space<vmem>>
      %dma_wait3A_544 = arith.constant 0 : i32
      %dma_wait3A_545 = tpu.memref_slice %arg2[%add3A_530, %dma_wait3A_544] : memref<5120x192xi32, #tpu.memory_space<hbm>> -> memref<1x192xi32, #tpu.memory_space<hbm>>
      %dma_wait3A_546 = tpu.memref_squeeze %dma_wait3A_545 : memref<1x192xi32, #tpu.memory_space<hbm>> -> memref<192xi32, #tpu.memory_space<hbm>>
      tpu.wait_dma2 semaphore(%dma_wait3A_540 : memref<!tpu.dma_semaphore, #tpu.memory_space<semaphore_mem>>) src(%dma_wait3A_546 : memref<192xi32, #tpu.memory_space<hbm>>) dst(%dma_wait3A_543 : memref<192xi32, #tpu.memory_space<vmem>>)
      %gt3A_547 = arith.constant 0 : i32
      %gt3A_548 = arith.cmpi sgt, %add3A_341, %gt3A_547 : i32
      %convert_element_type3A_549 = arith.extui %gt3A_548 : i1 to i32
      %cond3A_550 = arith.constant 0 : i32
      %cond3A_551 = arith.cmpi ne, %convert_element_type3A_549, %cond3A_550 : i32
      scf.if %cond3A_551 {
        %dma_wait3A_757 = arith.constant 2 : i32
        %dma_wait3A_758 = arith.constant 2 : i32
        %dma_wait3A_759 = arith.constant 2 : i32
        %dma_wait3A_760 = arith.constant 0 : i32
        %dma_wait3A_761 = arith.constant 0 : i32
        %dma_wait3A_762 = tpu.memref_slice %arg11[%dma_wait3A_757, %dma_wait3A_760, %dma_wait3A_761] : memref<4x64x128xf32, #tpu.memory_space<vmem>> -> memref<1x64x128xf32, #tpu.memory_space<vmem>>
        %dma_wait3A_763 = tpu.memref_squeeze %dma_wait3A_762 : memref<1x64x128xf32, #tpu.memory_space<vmem>> -> memref<64x128xf32, #tpu.memory_space<vmem>>
        %dma_wait3A_764 = arith.constant 0 : i32
        %dma_wait3A_765 = tpu.memref_slice %arg9[%dma_wait3A_758, %dma_wait3A_764] : memref<4x64xi32, #tpu.memory_space<vmem>> -> memref<1x64xi32, #tpu.memory_space<vmem>>
        %dma_wait3A_766 = tpu.memref_squeeze %dma_wait3A_765 : memref<1x64xi32, #tpu.memory_space<vmem>> -> memref<64xi32, #tpu.memory_space<vmem>>
        %dma_wait3A_767 = arith.constant 0 : i32
        %dma_wait3A_768 = arith.constant 0 : i32
        %dma_wait3A_769 = tpu.memref_slice %arg16[%dma_wait3A_767, %dma_wait3A_768] : memref<10240x128xf32, #tpu.memory_space<vmem_shared>> -> memref<10240x128xf32, #tpu.memory_space<vmem_shared>>
        %dma_wait3A_770 = tpu.memref_slice %arg20[%dma_wait3A_759] : memref<4x!tpu.dma_semaphore, #tpu.memory_space<semaphore_mem>> -> memref<1x!tpu.dma_semaphore, #tpu.memory_space<semaphore_mem>>
        %dma_wait3A_771 = tpu.memref_squeeze %dma_wait3A_770 : memref<1x!tpu.dma_semaphore, #tpu.memory_space<semaphore_mem>> -> memref<!tpu.dma_semaphore, #tpu.memory_space<semaphore_mem>>
        tpu.wait_indirect_dma semaphore(%dma_wait3A_771 : memref<!tpu.dma_semaphore, #tpu.memory_space<semaphore_mem>>) src(%dma_wait3A_763 : memref<64x128xf32, #tpu.memory_space<vmem>>) dst(%dma_wait3A_769 : memref<10240x128xf32, #tpu.memory_space<vmem_shared>>)
      } else {
      }
      %scan3A_552 = arith.constant 0 : i32
      %scan3A_553 = arith.constant 4 : i32
      %scan3A_554 = arith.addi %scan3A_552, %scan3A_553 : i32
      %scan3A_555 = arith.constant 1 : i32
      scf.for %scan3A_757 = %scan3A_552 to %scan3A_554 step %scan3A_555  : i32 {
        %mul3A_758 = arith.constant 1 : i32
        %mul3A_759 = arith.muli %scan3A_757, %mul3A_758 : i32
        %add3A_760 = arith.constant 0 : i32
        %add3A_761 = arith.addi %add3A_760, %mul3A_759 : i32
        %mul3A_762 = arith.constant 16 : i32
        %mul3A_763 = arith.muli %add3A_761, %mul3A_762 : i32
        %mul3A_764 = arith.constant 16 : i32
        %mul3A_765 = arith.muli %add3A_761, %mul3A_764 : i32
        %add3A_766 = arith.constant 64 : i32
        %add3A_767 = arith.addi %add3A_766, %mul3A_765 : i32
        %get3A = arith.constant 2 : i32
        %get3A_768 = arith.index_cast %get3A : i32 to index
        %get3A_769 = arith.index_cast %add3A_767 : i32 to index
        %get3A_770 = tpu.vector_load %arg6[%get3A_768, %get3A_769] {strides = array<i32>} : memref<4x192xi32, #tpu.memory_space<vmem>>, vector<16xi32>,
        %mul3A_771 = arith.constant 16 : i32
        %mul3A_772 = arith.muli %add3A_761, %mul3A_771 : i32
        %add3A_773 = arith.constant 128 : i32
        %add3A_774 = arith.addi %add3A_773, %mul3A_772 : i32
        %get3A_775 = arith.constant 2 : i32
        %get3A_776 = arith.index_cast %get3A_775 : i32 to index
        %get3A_777 = arith.index_cast %add3A_774 : i32 to index
        %get3A_778 = tpu.vector_load %arg6[%get3A_776, %get3A_777] {strides = array<i32>} : memref<4x192xi32, #tpu.memory_space<vmem>>, vector<16xi32>,
        %mul3A_779 = arith.constant 10000 : i32
        %mul3A_780 = vector.broadcast %mul3A_779 : i32 to vector<16xi32>
        %mul3A_781 = arith.muli %get3A_770, %mul3A_780 : vector<16xi32>
        %mul3A_782 = arith.constant 16 : i32
        %mul3A_783 = arith.muli %add3A_761, %mul3A_782 : i32
        %get3A_784 = arith.constant 2 : i32
        %get3A_785 = arith.index_cast %get3A_784 : i32 to index
        %get3A_786 = arith.index_cast %mul3A_783 : i32 to index
        %get3A_787 = tpu.vector_load %arg6[%get3A_785, %get3A_786] {strides = array<i32>} : memref<4x192xi32, #tpu.memory_space<vmem>>, vector<16xi32>,
        %add3A_788 = arith.addi %mul3A_781, %get3A_787 : vector<16xi32>
        %swap3A = arith.constant 2 : i32
        %swap3A_789 = arith.index_cast %swap3A : i32 to index
        %swap3A_790 = arith.index_cast %mul3A_763 : i32 to index
        %swap3A_791 = tpu.vector_load %arg7[%swap3A_789, %swap3A_790] {strides = array<i32>} : memref<4x64xi32, #tpu.memory_space<vmem>>, vector<16xi32>,
        tpu.vector_store %arg7[%swap3A_789, %swap3A_790], %add3A_788 {strides = array<i32>} : memref<4x64xi32, #tpu.memory_space<vmem>>, vector<16xi32>,
        %mul3A_792 = arith.constant 4 : i32
        %mul3A_793 = vector.broadcast %mul3A_792 : i32 to vector<16xi32>
        %mul3A_794 = arith.muli %get3A_778, %mul3A_793 : vector<16xi32>
        %add3A_795 = arith.addi %mul3A_794, %get3A_770 : vector<16xi32>
        %swap3A_796 = arith.constant 2 : i32
        %swap3A_797 = arith.index_cast %swap3A_796 : i32 to index
        %swap3A_798 = arith.index_cast %mul3A_763 : i32 to index
        %swap3A_799 = tpu.vector_load %arg8[%swap3A_797, %swap3A_798] {strides = array<i32>} : memref<4x64xi32, #tpu.memory_space<vmem>>, vector<16xi32>,
        tpu.vector_store %arg8[%swap3A_797, %swap3A_798], %add3A_795 {strides = array<i32>} : memref<4x64xi32, #tpu.memory_space<vmem>>, vector<16xi32>,
        %swap3A_800 = arith.constant 2 : i32
        %swap3A_801 = arith.index_cast %swap3A_800 : i32 to index
        %swap3A_802 = arith.index_cast %mul3A_763 : i32 to index
        %swap3A_803 = tpu.vector_load %arg9[%swap3A_801, %swap3A_802] {strides = array<i32>} : memref<4x64xi32, #tpu.memory_space<vmem>>, vector<16xi32>,
        tpu.vector_store %arg9[%swap3A_801, %swap3A_802], %get3A_778 {strides = array<i32>} : memref<4x64xi32, #tpu.memory_space<vmem>>, vector<16xi32>,
      }
      %scan3A_556 = arith.constant 4 : i32
      %dma_start3A_557 = arith.constant 2 : i32
      %dma_start3A_558 = arith.constant 2 : i32
      %dma_start3A_559 = arith.constant 2 : i32
      %dma_start3A_560 = arith.constant 0 : i32
      %dma_start3A_561 = arith.constant 0 : i32
      %dma_start3A_562 = tpu.memref_slice %arg11[%dma_start3A_558, %dma_start3A_560, %dma_start3A_561] : memref<4x64x128xf32, #tpu.memory_space<vmem>> -> memref<1x64x128xf32, #tpu.memory_space<vmem>>
      %dma_start3A_563 = tpu.memref_squeeze %dma_start3A_562 : memref<1x64x128xf32, #tpu.memory_space<vmem>> -> memref<64x128xf32, #tpu.memory_space<vmem>>
      %dma_start3A_564 = arith.constant 0 : i32
      %dma_start3A_565 = tpu.memref_slice %arg7[%dma_start3A_557, %dma_start3A_564] : memref<4x64xi32, #tpu.memory_space<vmem>> -> memref<1x64xi32, #tpu.memory_space<vmem>>
      %dma_start3A_566 = tpu.memref_squeeze %dma_start3A_565 : memref<1x64xi32, #tpu.memory_space<vmem>> -> memref<64xi32, #tpu.memory_space<vmem>>
      %dma_start3A_567 = arith.constant 0 : i32
      %dma_start3A_568 = arith.constant 0 : i32
      %dma_start3A_569 = tpu.memref_slice %arg4[%dma_start3A_567, %dma_start3A_568] : memref<40000x128xf32, #tpu.memory_space<hbm>> -> memref<40000x128xf32, #tpu.memory_space<hbm>>
      %dma_start3A_570 = tpu.memref_slice %arg18[%dma_start3A_559] : memref<4x!tpu.dma_semaphore, #tpu.memory_space<semaphore_mem>> -> memref<1x!tpu.dma_semaphore, #tpu.memory_space<semaphore_mem>>
      %dma_start3A_571 = tpu.memref_squeeze %dma_start3A_570 : memref<1x!tpu.dma_semaphore, #tpu.memory_space<semaphore_mem>> -> memref<!tpu.dma_semaphore, #tpu.memory_space<semaphore_mem>>
      tpu.enqueue_indirect_dma source(%dma_start3A_569 : memref<40000x128xf32, #tpu.memory_space<hbm>>) target(%dma_start3A_563 : memref<64x128xf32, #tpu.memory_space<vmem>>) offsets(%dma_start3A_566 : memref<64xi32, #tpu.memory_space<vmem>>) semaphore(%dma_start3A_571 : memref<!tpu.dma_semaphore, #tpu.memory_space<semaphore_mem>>)
      %dma_start3A_572 = arith.constant 2 : i32
      %dma_start3A_573 = arith.constant 2 : i32
      %dma_start3A_574 = arith.constant 2 : i32
      %dma_start3A_575 = arith.constant 0 : i32
      %dma_start3A_576 = tpu.memref_slice %arg10[%dma_start3A_573, %dma_start3A_575] : memref<4x64xf32, #tpu.memory_space<vmem>> -> memref<1x64xf32, #tpu.memory_space<vmem>>
      %dma_start3A_577 = tpu.memref_squeeze %dma_start3A_576 : memref<1x64xf32, #tpu.memory_space<vmem>> -> memref<64xf32, #tpu.memory_space<vmem>>
      %dma_start3A_578 = arith.constant 0 : i32
      %dma_start3A_579 = tpu.memref_slice %arg8[%dma_start3A_572, %dma_start3A_578] : memref<4x64xi32, #tpu.memory_space<vmem>> -> memref<1x64xi32, #tpu.memory_space<vmem>>
      %dma_start3A_580 = tpu.memref_squeeze %dma_start3A_579 : memref<1x64xi32, #tpu.memory_space<vmem>> -> memref<64xi32, #tpu.memory_space<vmem>>
      %dma_start3A_581 = arith.constant 0 : i32
      %dma_start3A_582 = tpu.memref_slice %arg15[%dma_start3A_581] : memref<40960xf32, #tpu.memory_space<vmem_shared>> -> memref<40960xf32, #tpu.memory_space<vmem_shared>>
      %dma_start3A_583 = tpu.memref_slice %arg19[%dma_start3A_574] : memref<4x!tpu.dma_semaphore, #tpu.memory_space<semaphore_mem>> -> memref<1x!tpu.dma_semaphore, #tpu.memory_space<semaphore_mem>>
      %dma_start3A_584 = tpu.memref_squeeze %dma_start3A_583 : memref<1x!tpu.dma_semaphore, #tpu.memory_space<semaphore_mem>> -> memref<!tpu.dma_semaphore, #tpu.memory_space<semaphore_mem>>
      tpu.enqueue_indirect_dma source(%dma_start3A_582 : memref<40960xf32, #tpu.memory_space<vmem_shared>>) target(%dma_start3A_577 : memref<64xf32, #tpu.memory_space<vmem>>) offsets(%dma_start3A_580 : memref<64xi32, #tpu.memory_space<vmem>>) semaphore(%dma_start3A_584 : memref<!tpu.dma_semaphore, #tpu.memory_space<semaphore_mem>>)
      %jit3A_585 = arith.constant 4 : i32
      %div3A_586 = arith.divsi %select_n3A_8, %jit3A_585 : i32
      %sign3A_587 = arith.constant 0 : i32
      %sign3A_588 = arith.cmpi sgt, %select_n3A_8, %sign3A_587 : i32
      %sign3A_589 = arith.extui %sign3A_588 : i1 to i32
      %sign3A_590 = arith.constant 0 : i32
      %sign3A_591 = arith.cmpi slt, %select_n3A_8, %sign3A_590 : i32
      %sign3A_592 = arith.extui %sign3A_591 : i1 to i32
      %sign3A_593 = arith.subi %sign3A_589, %sign3A_592 : i32
      %sign3A_594 = arith.constant 0 : i32
      %sign3A_595 = arith.cmpi sgt, %jit3A_585, %sign3A_594 : i32
      %sign3A_596 = arith.extui %sign3A_595 : i1 to i32
      %sign3A_597 = arith.constant 0 : i32
      %sign3A_598 = arith.cmpi slt, %jit3A_585, %sign3A_597 : i32
      %sign3A_599 = arith.extui %sign3A_598 : i1 to i32
      %sign3A_600 = arith.subi %sign3A_596, %sign3A_599 : i32
      %ne3A_601 = arith.cmpi ne, %sign3A_593, %sign3A_600 : i32
      %rem3A_602 = arith.remsi %select_n3A_8, %jit3A_585 : i32
      %ne3A_603 = arith.constant 0 : i32
      %ne3A_604 = arith.cmpi ne, %rem3A_602, %ne3A_603 : i32
      %and3A_605 = arith.andi %ne3A_601, %ne3A_604 : i1
      %sub3A_606 = arith.constant 1 : i32
      %sub3A_607 = arith.subi %div3A_586, %sub3A_606 : i32
      %select_n3A_608 = arith.select %and3A_605, %sub3A_607, %div3A_586 : i32
      %sub3A_609 = arith.constant 1 : i32
      %sub3A_610 = arith.subi %select_n3A_608, %sub3A_609 : i32
      %lt3A_611 = arith.cmpi slt, %add3A_341, %sub3A_610 : i32
      %convert_element_type3A_612 = arith.extui %lt3A_611 : i1 to i32
      %cond3A_613 = arith.constant 0 : i32
      %cond3A_614 = arith.cmpi ne, %convert_element_type3A_612, %cond3A_613 : i32
      scf.if %cond3A_614 {
        %add3A_757 = arith.constant 4 : i32
        %add3A_758 = arith.addi %add3A_529, %add3A_757 : i32
        %add3A_759 = arith.addi %select_n3A, %add3A_758 : i32
        %dma_start3A_760 = arith.constant 2 : i32
        %dma_start3A_761 = arith.constant 2 : i32
        %dma_start3A_762 = arith.constant 0 : i32
        %dma_start3A_763 = tpu.memref_slice %arg6[%dma_start3A_760, %dma_start3A_762] : memref<4x192xi32, #tpu.memory_space<vmem>> -> memref<1x192xi32, #tpu.memory_space<vmem>>
        %dma_start3A_764 = tpu.memref_squeeze %dma_start3A_763 : memref<1x192xi32, #tpu.memory_space<vmem>> -> memref<192xi32, #tpu.memory_space<vmem>>
        %dma_start3A_765 = arith.constant 0 : i32
        %dma_start3A_766 = tpu.memref_slice %arg2[%add3A_759, %dma_start3A_765] : memref<5120x192xi32, #tpu.memory_space<hbm>> -> memref<1x192xi32, #tpu.memory_space<hbm>>
        %dma_start3A_767 = tpu.memref_squeeze %dma_start3A_766 : memref<1x192xi32, #tpu.memory_space<hbm>> -> memref<192xi32, #tpu.memory_space<hbm>>
        %dma_start3A_768 = tpu.memref_slice %arg17[%dma_start3A_761] : memref<4x!tpu.dma_semaphore, #tpu.memory_space<semaphore_mem>> -> memref<1x!tpu.dma_semaphore, #tpu.memory_space<semaphore_mem>>
        %dma_start3A_769 = tpu.memref_squeeze %dma_start3A_768 : memref<1x!tpu.dma_semaphore, #tpu.memory_space<semaphore_mem>> -> memref<!tpu.dma_semaphore, #tpu.memory_space<semaphore_mem>>
        %dma_start3A_770 = arith.constant 0 : i32
        %dma_start3A_771 = tpu.memref_slice %arg6[%dma_start3A_760, %dma_start3A_770] : memref<4x192xi32, #tpu.memory_space<vmem>> -> memref<1x192xi32, #tpu.memory_space<vmem>>
        %dma_start3A_772 = tpu.memref_squeeze %dma_start3A_771 : memref<1x192xi32, #tpu.memory_space<vmem>> -> memref<192xi32, #tpu.memory_space<vmem>>
        %dma_start3A_773 = arith.constant 0 : i32
        %dma_start3A_774 = tpu.memref_slice %arg2[%add3A_759, %dma_start3A_773] : memref<5120x192xi32, #tpu.memory_space<hbm>> -> memref<1x192xi32, #tpu.memory_space<hbm>>
        %dma_start3A_775 = tpu.memref_squeeze %dma_start3A_774 : memref<1x192xi32, #tpu.memory_space<hbm>> -> memref<192xi32, #tpu.memory_space<hbm>>
        tpu.enqueue_dma source(%dma_start3A_775 : memref<192xi32, #tpu.memory_space<hbm>>) target(%dma_start3A_772 : memref<192xi32, #tpu.memory_space<vmem>>) target_semaphore(%dma_start3A_769 : memref<!tpu.dma_semaphore, #tpu.memory_space<semaphore_mem>>)
      } else {
      }
      %gt3A_615 = arith.constant 0 : i32
      %gt3A_616 = arith.cmpi sgt, %add3A_341, %gt3A_615 : i32
      %convert_element_type3A_617 = arith.extui %gt3A_616 : i1 to i32
      %cond3A_618 = arith.constant 0 : i32
      %cond3A_619 = arith.cmpi ne, %convert_element_type3A_617, %cond3A_618 : i32
      scf.if %cond3A_619 {
        %dma_wait3A_757 = arith.constant 3 : i32
        %dma_wait3A_758 = arith.constant 3 : i32
        %dma_wait3A_759 = arith.constant 3 : i32
        %dma_wait3A_760 = arith.constant 0 : i32
        %dma_wait3A_761 = arith.constant 0 : i32
        %dma_wait3A_762 = tpu.memref_slice %arg11[%dma_wait3A_758, %dma_wait3A_760, %dma_wait3A_761] : memref<4x64x128xf32, #tpu.memory_space<vmem>> -> memref<1x64x128xf32, #tpu.memory_space<vmem>>
        %dma_wait3A_763 = tpu.memref_squeeze %dma_wait3A_762 : memref<1x64x128xf32, #tpu.memory_space<vmem>> -> memref<64x128xf32, #tpu.memory_space<vmem>>
        %dma_wait3A_764 = arith.constant 0 : i32
        %dma_wait3A_765 = tpu.memref_slice %arg7[%dma_wait3A_757, %dma_wait3A_764] : memref<4x64xi32, #tpu.memory_space<vmem>> -> memref<1x64xi32, #tpu.memory_space<vmem>>
        %dma_wait3A_766 = tpu.memref_squeeze %dma_wait3A_765 : memref<1x64xi32, #tpu.memory_space<vmem>> -> memref<64xi32, #tpu.memory_space<vmem>>
        %dma_wait3A_767 = arith.constant 0 : i32
        %dma_wait3A_768 = arith.constant 0 : i32
        %dma_wait3A_769 = tpu.memref_slice %arg4[%dma_wait3A_767, %dma_wait3A_768] : memref<40000x128xf32, #tpu.memory_space<hbm>> -> memref<40000x128xf32, #tpu.memory_space<hbm>>
        %dma_wait3A_770 = tpu.memref_slice %arg18[%dma_wait3A_759] : memref<4x!tpu.dma_semaphore, #tpu.memory_space<semaphore_mem>> -> memref<1x!tpu.dma_semaphore, #tpu.memory_space<semaphore_mem>>
        %dma_wait3A_771 = tpu.memref_squeeze %dma_wait3A_770 : memref<1x!tpu.dma_semaphore, #tpu.memory_space<semaphore_mem>> -> memref<!tpu.dma_semaphore, #tpu.memory_space<semaphore_mem>>
        tpu.wait_indirect_dma semaphore(%dma_wait3A_771 : memref<!tpu.dma_semaphore, #tpu.memory_space<semaphore_mem>>) src(%dma_wait3A_769 : memref<40000x128xf32, #tpu.memory_space<hbm>>) dst(%dma_wait3A_763 : memref<64x128xf32, #tpu.memory_space<vmem>>)
        %dma_wait3A_772 = arith.constant 3 : i32
        %dma_wait3A_773 = arith.constant 3 : i32
        %dma_wait3A_774 = arith.constant 3 : i32
        %dma_wait3A_775 = arith.constant 0 : i32
        %dma_wait3A_776 = tpu.memref_slice %arg10[%dma_wait3A_773, %dma_wait3A_775] : memref<4x64xf32, #tpu.memory_space<vmem>> -> memref<1x64xf32, #tpu.memory_space<vmem>>
        %dma_wait3A_777 = tpu.memref_squeeze %dma_wait3A_776 : memref<1x64xf32, #tpu.memory_space<vmem>> -> memref<64xf32, #tpu.memory_space<vmem>>
        %dma_wait3A_778 = arith.constant 0 : i32
        %dma_wait3A_779 = tpu.memref_slice %arg8[%dma_wait3A_772, %dma_wait3A_778] : memref<4x64xi32, #tpu.memory_space<vmem>> -> memref<1x64xi32, #tpu.memory_space<vmem>>
        %dma_wait3A_780 = tpu.memref_squeeze %dma_wait3A_779 : memref<1x64xi32, #tpu.memory_space<vmem>> -> memref<64xi32, #tpu.memory_space<vmem>>
        %dma_wait3A_781 = arith.constant 0 : i32
        %dma_wait3A_782 = tpu.memref_slice %arg15[%dma_wait3A_781] : memref<40960xf32, #tpu.memory_space<vmem_shared>> -> memref<40960xf32, #tpu.memory_space<vmem_shared>>
        %dma_wait3A_783 = tpu.memref_slice %arg19[%dma_wait3A_774] : memref<4x!tpu.dma_semaphore, #tpu.memory_space<semaphore_mem>> -> memref<1x!tpu.dma_semaphore, #tpu.memory_space<semaphore_mem>>
        %dma_wait3A_784 = tpu.memref_squeeze %dma_wait3A_783 : memref<1x!tpu.dma_semaphore, #tpu.memory_space<semaphore_mem>> -> memref<!tpu.dma_semaphore, #tpu.memory_space<semaphore_mem>>
        tpu.wait_indirect_dma semaphore(%dma_wait3A_784 : memref<!tpu.dma_semaphore, #tpu.memory_space<semaphore_mem>>) src(%dma_wait3A_782 : memref<40960xf32, #tpu.memory_space<vmem_shared>>) dst(%dma_wait3A_777 : memref<64xf32, #tpu.memory_space<vmem>>)
        %scan3A_785 = arith.constant 0 : i32
        %scan3A_786 = arith.constant 64 : i32
        %scan3A_787 = arith.addi %scan3A_785, %scan3A_786 : i32
        %scan3A_788 = arith.constant 1 : i32
        scf.for %scan3A_805 = %scan3A_785 to %scan3A_787 step %scan3A_788  : i32 {
          %mul3A_806 = arith.constant 1 : i32
          %mul3A_807 = arith.muli %scan3A_805, %mul3A_806 : i32
          %add3A_808 = arith.constant 0 : i32
          %add3A_809 = arith.addi %add3A_808, %mul3A_807 : i32
          %broadcast_in_dim3A = vector.broadcast %add3A_809 : i32 to vector<16xi32>
          %gather3A = arith.constant 3 : i32
          %gather3A_810 = arith.constant 0 : i32
          %gather3A_811 = tpu.memref_slice %arg10[%gather3A, %gather3A_810] : memref<4x64xf32, #tpu.memory_space<vmem>> -> memref<1x64xf32, #tpu.memory_space<vmem>>
          %gather3A_812 = tpu.memref_squeeze %gather3A_811 : memref<1x64xf32, #tpu.memory_space<vmem>> -> memref<64xf32, #tpu.memory_space<vmem>>
          %gather3A_813 = tpu.vector_load_idx %gather3A_812[%broadcast_in_dim3A] : memref<64xf32, #tpu.memory_space<vmem>>[vector<16xi32>], vector<16xf32>,
          %get3A = arith.constant 3 : i32
          %get3A_814 = arith.index_cast %get3A : i32 to index
          %get3A_815 = arith.index_cast %add3A_809 : i32 to index
          %get3A_816 = arith.constant 0 : index
          %get3A_817 = tpu.vector_load %arg11[%get3A_814, %get3A_815, %get3A_816] {strides = array<i32>} : memref<4x64x128xf32, #tpu.memory_space<vmem>>, vector<16xf32>,
          %mul3A_818 = arith.mulf %get3A_817, %gather3A_813 : vector<16xf32>
          %swap3A = arith.constant 3 : i32
          %swap3A_819 = arith.index_cast %swap3A : i32 to index
          %swap3A_820 = arith.index_cast %add3A_809 : i32 to index
          %swap3A_821 = arith.constant 0 : index
          %swap3A_822 = tpu.vector_load %arg11[%swap3A_819, %swap3A_820, %swap3A_821] {strides = array<i32>} : memref<4x64x128xf32, #tpu.memory_space<vmem>>, vector<16xf32>,
          tpu.vector_store %arg11[%swap3A_819, %swap3A_820, %swap3A_821], %mul3A_818 {strides = array<i32>} : memref<4x64x128xf32, #tpu.memory_space<vmem>>, vector<16xf32>,
          %get3A_823 = arith.constant 3 : i32
          %get3A_824 = arith.index_cast %get3A_823 : i32 to index
          %get3A_825 = arith.index_cast %add3A_809 : i32 to index
          %get3A_826 = arith.constant 16 : index
          %get3A_827 = tpu.vector_load %arg11[%get3A_824, %get3A_825, %get3A_826] {strides = array<i32>} : memref<4x64x128xf32, #tpu.memory_space<vmem>>, vector<16xf32>,
          %mul3A_828 = arith.mulf %get3A_827, %gather3A_813 : vector<16xf32>
          %swap3A_829 = arith.constant 3 : i32
          %swap3A_830 = arith.index_cast %swap3A_829 : i32 to index
          %swap3A_831 = arith.index_cast %add3A_809 : i32 to index
          %swap3A_832 = arith.constant 16 : index
          %swap3A_833 = tpu.vector_load %arg11[%swap3A_830, %swap3A_831, %swap3A_832] {strides = array<i32>} : memref<4x64x128xf32, #tpu.memory_space<vmem>>, vector<16xf32>,
          tpu.vector_store %arg11[%swap3A_830, %swap3A_831, %swap3A_832], %mul3A_828 {strides = array<i32>} : memref<4x64x128xf32, #tpu.memory_space<vmem>>, vector<16xf32>,
          %get3A_834 = arith.constant 3 : i32
          %get3A_835 = arith.index_cast %get3A_834 : i32 to index
          %get3A_836 = arith.index_cast %add3A_809 : i32 to index
          %get3A_837 = arith.constant 32 : index
          %get3A_838 = tpu.vector_load %arg11[%get3A_835, %get3A_836, %get3A_837] {strides = array<i32>} : memref<4x64x128xf32, #tpu.memory_space<vmem>>, vector<16xf32>,
          %mul3A_839 = arith.mulf %get3A_838, %gather3A_813 : vector<16xf32>
          %swap3A_840 = arith.constant 3 : i32
          %swap3A_841 = arith.index_cast %swap3A_840 : i32 to index
          %swap3A_842 = arith.index_cast %add3A_809 : i32 to index
          %swap3A_843 = arith.constant 32 : index
          %swap3A_844 = tpu.vector_load %arg11[%swap3A_841, %swap3A_842, %swap3A_843] {strides = array<i32>} : memref<4x64x128xf32, #tpu.memory_space<vmem>>, vector<16xf32>,
          tpu.vector_store %arg11[%swap3A_841, %swap3A_842, %swap3A_843], %mul3A_839 {strides = array<i32>} : memref<4x64x128xf32, #tpu.memory_space<vmem>>, vector<16xf32>,
          %get3A_845 = arith.constant 3 : i32
          %get3A_846 = arith.index_cast %get3A_845 : i32 to index
          %get3A_847 = arith.index_cast %add3A_809 : i32 to index
          %get3A_848 = arith.constant 48 : index
          %get3A_849 = tpu.vector_load %arg11[%get3A_846, %get3A_847, %get3A_848] {strides = array<i32>} : memref<4x64x128xf32, #tpu.memory_space<vmem>>, vector<16xf32>,
          %mul3A_850 = arith.mulf %get3A_849, %gather3A_813 : vector<16xf32>
          %swap3A_851 = arith.constant 3 : i32
          %swap3A_852 = arith.index_cast %swap3A_851 : i32 to index
          %swap3A_853 = arith.index_cast %add3A_809 : i32 to index
          %swap3A_854 = arith.constant 48 : index
          %swap3A_855 = tpu.vector_load %arg11[%swap3A_852, %swap3A_853, %swap3A_854] {strides = array<i32>} : memref<4x64x128xf32, #tpu.memory_space<vmem>>, vector<16xf32>,
          tpu.vector_store %arg11[%swap3A_852, %swap3A_853, %swap3A_854], %mul3A_850 {strides = array<i32>} : memref<4x64x128xf32, #tpu.memory_space<vmem>>, vector<16xf32>,
          %get3A_856 = arith.constant 3 : i32
          %get3A_857 = arith.index_cast %get3A_856 : i32 to index
          %get3A_858 = arith.index_cast %add3A_809 : i32 to index
          %get3A_859 = arith.constant 64 : index
          %get3A_860 = tpu.vector_load %arg11[%get3A_857, %get3A_858, %get3A_859] {strides = array<i32>} : memref<4x64x128xf32, #tpu.memory_space<vmem>>, vector<16xf32>,
          %mul3A_861 = arith.mulf %get3A_860, %gather3A_813 : vector<16xf32>
          %swap3A_862 = arith.constant 3 : i32
          %swap3A_863 = arith.index_cast %swap3A_862 : i32 to index
          %swap3A_864 = arith.index_cast %add3A_809 : i32 to index
          %swap3A_865 = arith.constant 64 : index
          %swap3A_866 = tpu.vector_load %arg11[%swap3A_863, %swap3A_864, %swap3A_865] {strides = array<i32>} : memref<4x64x128xf32, #tpu.memory_space<vmem>>, vector<16xf32>,
          tpu.vector_store %arg11[%swap3A_863, %swap3A_864, %swap3A_865], %mul3A_861 {strides = array<i32>} : memref<4x64x128xf32, #tpu.memory_space<vmem>>, vector<16xf32>,
          %get3A_867 = arith.constant 3 : i32
          %get3A_868 = arith.index_cast %get3A_867 : i32 to index
          %get3A_869 = arith.index_cast %add3A_809 : i32 to index
          %get3A_870 = arith.constant 80 : index
          %get3A_871 = tpu.vector_load %arg11[%get3A_868, %get3A_869, %get3A_870] {strides = array<i32>} : memref<4x64x128xf32, #tpu.memory_space<vmem>>, vector<16xf32>,
          %mul3A_872 = arith.mulf %get3A_871, %gather3A_813 : vector<16xf32>
          %swap3A_873 = arith.constant 3 : i32
          %swap3A_874 = arith.index_cast %swap3A_873 : i32 to index
          %swap3A_875 = arith.index_cast %add3A_809 : i32 to index
          %swap3A_876 = arith.constant 80 : index
          %swap3A_877 = tpu.vector_load %arg11[%swap3A_874, %swap3A_875, %swap3A_876] {strides = array<i32>} : memref<4x64x128xf32, #tpu.memory_space<vmem>>, vector<16xf32>,
          tpu.vector_store %arg11[%swap3A_874, %swap3A_875, %swap3A_876], %mul3A_872 {strides = array<i32>} : memref<4x64x128xf32, #tpu.memory_space<vmem>>, vector<16xf32>,
          %get3A_878 = arith.constant 3 : i32
          %get3A_879 = arith.index_cast %get3A_878 : i32 to index
          %get3A_880 = arith.index_cast %add3A_809 : i32 to index
          %get3A_881 = arith.constant 96 : index
          %get3A_882 = tpu.vector_load %arg11[%get3A_879, %get3A_880, %get3A_881] {strides = array<i32>} : memref<4x64x128xf32, #tpu.memory_space<vmem>>, vector<16xf32>,
          %mul3A_883 = arith.mulf %get3A_882, %gather3A_813 : vector<16xf32>
          %swap3A_884 = arith.constant 3 : i32
          %swap3A_885 = arith.index_cast %swap3A_884 : i32 to index
          %swap3A_886 = arith.index_cast %add3A_809 : i32 to index
          %swap3A_887 = arith.constant 96 : index
          %swap3A_888 = tpu.vector_load %arg11[%swap3A_885, %swap3A_886, %swap3A_887] {strides = array<i32>} : memref<4x64x128xf32, #tpu.memory_space<vmem>>, vector<16xf32>,
          tpu.vector_store %arg11[%swap3A_885, %swap3A_886, %swap3A_887], %mul3A_883 {strides = array<i32>} : memref<4x64x128xf32, #tpu.memory_space<vmem>>, vector<16xf32>,
          %get3A_889 = arith.constant 3 : i32
          %get3A_890 = arith.index_cast %get3A_889 : i32 to index
          %get3A_891 = arith.index_cast %add3A_809 : i32 to index
          %get3A_892 = arith.constant 112 : index
          %get3A_893 = tpu.vector_load %arg11[%get3A_890, %get3A_891, %get3A_892] {strides = array<i32>} : memref<4x64x128xf32, #tpu.memory_space<vmem>>, vector<16xf32>,
          %mul3A_894 = arith.mulf %get3A_893, %gather3A_813 : vector<16xf32>
          %swap3A_895 = arith.constant 3 : i32
          %swap3A_896 = arith.index_cast %swap3A_895 : i32 to index
          %swap3A_897 = arith.index_cast %add3A_809 : i32 to index
          %swap3A_898 = arith.constant 112 : index
          %swap3A_899 = tpu.vector_load %arg11[%swap3A_896, %swap3A_897, %swap3A_898] {strides = array<i32>} : memref<4x64x128xf32, #tpu.memory_space<vmem>>, vector<16xf32>,
          tpu.vector_store %arg11[%swap3A_896, %swap3A_897, %swap3A_898], %mul3A_894 {strides = array<i32>} : memref<4x64x128xf32, #tpu.memory_space<vmem>>, vector<16xf32>,
        }
        %scan3A_789 = arith.constant 64 : i32
        %dma_start3A_790 = arith.constant 3 : i32
        %dma_start3A_791 = arith.constant 3 : i32
        %dma_start3A_792 = arith.constant 3 : i32
        %dma_start3A_793 = arith.constant 0 : i32
        %dma_start3A_794 = arith.constant 0 : i32
        %dma_start3A_795 = tpu.memref_slice %arg11[%dma_start3A_790, %dma_start3A_793, %dma_start3A_794] : memref<4x64x128xf32, #tpu.memory_space<vmem>> -> memref<1x64x128xf32, #tpu.memory_space<vmem>>
        %dma_start3A_796 = tpu.memref_squeeze %dma_start3A_795 : memref<1x64x128xf32, #tpu.memory_space<vmem>> -> memref<64x128xf32, #tpu.memory_space<vmem>>
        %dma_start3A_797 = arith.constant 0 : i32
        %dma_start3A_798 = tpu.memref_slice %arg9[%dma_start3A_791, %dma_start3A_797] : memref<4x64xi32, #tpu.memory_space<vmem>> -> memref<1x64xi32, #tpu.memory_space<vmem>>
        %dma_start3A_799 = tpu.memref_squeeze %dma_start3A_798 : memref<1x64xi32, #tpu.memory_space<vmem>> -> memref<64xi32, #tpu.memory_space<vmem>>
        %dma_start3A_800 = arith.constant 0 : i32
        %dma_start3A_801 = arith.constant 0 : i32
        %dma_start3A_802 = tpu.memref_slice %arg16[%dma_start3A_800, %dma_start3A_801] : memref<10240x128xf32, #tpu.memory_space<vmem_shared>> -> memref<10240x128xf32, #tpu.memory_space<vmem_shared>>
        %dma_start3A_803 = tpu.memref_slice %arg20[%dma_start3A_792] : memref<4x!tpu.dma_semaphore, #tpu.memory_space<semaphore_mem>> -> memref<1x!tpu.dma_semaphore, #tpu.memory_space<semaphore_mem>>
        %dma_start3A_804 = tpu.memref_squeeze %dma_start3A_803 : memref<1x!tpu.dma_semaphore, #tpu.memory_space<semaphore_mem>> -> memref<!tpu.dma_semaphore, #tpu.memory_space<semaphore_mem>>
        tpu.enqueue_indirect_dma source(%dma_start3A_796 : memref<64x128xf32, #tpu.memory_space<vmem>>) target(%dma_start3A_802 : memref<10240x128xf32, #tpu.memory_space<vmem_shared>>) offsets(%dma_start3A_799 : memref<64xi32, #tpu.memory_space<vmem>>) semaphore(%dma_start3A_804 : memref<!tpu.dma_semaphore, #tpu.memory_space<semaphore_mem>>) {add = true}
      } else {
      }
      %mul3A_620 = arith.constant 4 : i32
      %mul3A_621 = arith.muli %mul3A_620, %add3A_341 : i32
      %add3A_622 = arith.constant 3 : i32
      %add3A_623 = arith.addi %mul3A_621, %add3A_622 : i32
      %add3A_624 = arith.addi %select_n3A, %add3A_623 : i32
      %dma_wait3A_625 = arith.constant 3 : i32
      %dma_wait3A_626 = arith.constant 3 : i32
      %dma_wait3A_627 = arith.constant 0 : i32
      %dma_wait3A_628 = tpu.memref_slice %arg6[%dma_wait3A_625, %dma_wait3A_627] : memref<4x192xi32, #tpu.memory_space<vmem>> -> memref<1x192xi32, #tpu.memory_space<vmem>>
      %dma_wait3A_629 = tpu.memref_squeeze %dma_wait3A_628 : memref<1x192xi32, #tpu.memory_space<vmem>> -> memref<192xi32, #tpu.memory_space<vmem>>
      %dma_wait3A_630 = arith.constant 0 : i32
      %dma_wait3A_631 = tpu.memref_slice %arg2[%add3A_624, %dma_wait3A_630] : memref<5120x192xi32, #tpu.memory_space<hbm>> -> memref<1x192xi32, #tpu.memory_space<hbm>>
      %dma_wait3A_632 = tpu.memref_squeeze %dma_wait3A_631 : memref<1x192xi32, #tpu.memory_space<hbm>> -> memref<192xi32, #tpu.memory_space<hbm>>
      %dma_wait3A_633 = tpu.memref_slice %arg17[%dma_wait3A_626] : memref<4x!tpu.dma_semaphore, #tpu.memory_space<semaphore_mem>> -> memref<1x!tpu.dma_semaphore, #tpu.memory_space<semaphore_mem>>
      %dma_wait3A_634 = tpu.memref_squeeze %dma_wait3A_633 : memref<1x!tpu.dma_semaphore, #tpu.memory_space<semaphore_mem>> -> memref<!tpu.dma_semaphore, #tpu.memory_space<semaphore_mem>>
      %dma_wait3A_635 = arith.constant 0 : i32
      %dma_wait3A_636 = tpu.memref_slice %arg6[%dma_wait3A_625, %dma_wait3A_635] : memref<4x192xi32, #tpu.memory_space<vmem>> -> memref<1x192xi32, #tpu.memory_space<vmem>>
      %dma_wait3A_637 = tpu.memref_squeeze %dma_wait3A_636 : memref<1x192xi32, #tpu.memory_space<vmem>> -> memref<192xi32, #tpu.memory_space<vmem>>
      %dma_wait3A_638 = arith.constant 0 : i32
      %dma_wait3A_639 = tpu.memref_slice %arg2[%add3A_624, %dma_wait3A_638] : memref<5120x192xi32, #tpu.memory_space<hbm>> -> memref<1x192xi32, #tpu.memory_space<hbm>>
      %dma_wait3A_640 = tpu.memref_squeeze %dma_wait3A_639 : memref<1x192xi32, #tpu.memory_space<hbm>> -> memref<192xi32, #tpu.memory_space<hbm>>
      tpu.wait_dma2 semaphore(%dma_wait3A_634 : memref<!tpu.dma_semaphore, #tpu.memory_space<semaphore_mem>>) src(%dma_wait3A_640 : memref<192xi32, #tpu.memory_space<hbm>>) dst(%dma_wait3A_637 : memref<192xi32, #tpu.memory_space<vmem>>)
      %gt3A_641 = arith.constant 0 : i32
      %gt3A_642 = arith.cmpi sgt, %add3A_341, %gt3A_641 : i32
      %convert_element_type3A_643 = arith.extui %gt3A_642 : i1 to i32
      %cond3A_644 = arith.constant 0 : i32
      %cond3A_645 = arith.cmpi ne, %convert_element_type3A_643, %cond3A_644 : i32
      scf.if %cond3A_645 {
        %dma_wait3A_757 = arith.constant 3 : i32
        %dma_wait3A_758 = arith.constant 3 : i32
        %dma_wait3A_759 = arith.constant 3 : i32
        %dma_wait3A_760 = arith.constant 0 : i32
        %dma_wait3A_761 = arith.constant 0 : i32
        %dma_wait3A_762 = tpu.memref_slice %arg11[%dma_wait3A_757, %dma_wait3A_760, %dma_wait3A_761] : memref<4x64x128xf32, #tpu.memory_space<vmem>> -> memref<1x64x128xf32, #tpu.memory_space<vmem>>
        %dma_wait3A_763 = tpu.memref_squeeze %dma_wait3A_762 : memref<1x64x128xf32, #tpu.memory_space<vmem>> -> memref<64x128xf32, #tpu.memory_space<vmem>>
        %dma_wait3A_764 = arith.constant 0 : i32
        %dma_wait3A_765 = tpu.memref_slice %arg9[%dma_wait3A_758, %dma_wait3A_764] : memref<4x64xi32, #tpu.memory_space<vmem>> -> memref<1x64xi32, #tpu.memory_space<vmem>>
        %dma_wait3A_766 = tpu.memref_squeeze %dma_wait3A_765 : memref<1x64xi32, #tpu.memory_space<vmem>> -> memref<64xi32, #tpu.memory_space<vmem>>
        %dma_wait3A_767 = arith.constant 0 : i32
        %dma_wait3A_768 = arith.constant 0 : i32
        %dma_wait3A_769 = tpu.memref_slice %arg16[%dma_wait3A_767, %dma_wait3A_768] : memref<10240x128xf32, #tpu.memory_space<vmem_shared>> -> memref<10240x128xf32, #tpu.memory_space<vmem_shared>>
        %dma_wait3A_770 = tpu.memref_slice %arg20[%dma_wait3A_759] : memref<4x!tpu.dma_semaphore, #tpu.memory_space<semaphore_mem>> -> memref<1x!tpu.dma_semaphore, #tpu.memory_space<semaphore_mem>>
        %dma_wait3A_771 = tpu.memref_squeeze %dma_wait3A_770 : memref<1x!tpu.dma_semaphore, #tpu.memory_space<semaphore_mem>> -> memref<!tpu.dma_semaphore, #tpu.memory_space<semaphore_mem>>
        tpu.wait_indirect_dma semaphore(%dma_wait3A_771 : memref<!tpu.dma_semaphore, #tpu.memory_space<semaphore_mem>>) src(%dma_wait3A_763 : memref<64x128xf32, #tpu.memory_space<vmem>>) dst(%dma_wait3A_769 : memref<10240x128xf32, #tpu.memory_space<vmem_shared>>)
      } else {
      }
      %scan3A_646 = arith.constant 0 : i32
      %scan3A_647 = arith.constant 4 : i32
      %scan3A_648 = arith.addi %scan3A_646, %scan3A_647 : i32
      %scan3A_649 = arith.constant 1 : i32
      scf.for %scan3A_757 = %scan3A_646 to %scan3A_648 step %scan3A_649  : i32 {
        %mul3A_758 = arith.constant 1 : i32
        %mul3A_759 = arith.muli %scan3A_757, %mul3A_758 : i32
        %add3A_760 = arith.constant 0 : i32
        %add3A_761 = arith.addi %add3A_760, %mul3A_759 : i32
        %mul3A_762 = arith.constant 16 : i32
        %mul3A_763 = arith.muli %add3A_761, %mul3A_762 : i32
        %mul3A_764 = arith.constant 16 : i32
        %mul3A_765 = arith.muli %add3A_761, %mul3A_764 : i32
        %add3A_766 = arith.constant 64 : i32
        %add3A_767 = arith.addi %add3A_766, %mul3A_765 : i32
        %get3A = arith.constant 3 : i32
        %get3A_768 = arith.index_cast %get3A : i32 to index
        %get3A_769 = arith.index_cast %add3A_767 : i32 to index
        %get3A_770 = tpu.vector_load %arg6[%get3A_768, %get3A_769] {strides = array<i32>} : memref<4x192xi32, #tpu.memory_space<vmem>>, vector<16xi32>,
        %mul3A_771 = arith.constant 16 : i32
        %mul3A_772 = arith.muli %add3A_761, %mul3A_771 : i32
        %add3A_773 = arith.constant 128 : i32
        %add3A_774 = arith.addi %add3A_773, %mul3A_772 : i32
        %get3A_775 = arith.constant 3 : i32
        %get3A_776 = arith.index_cast %get3A_775 : i32 to index
        %get3A_777 = arith.index_cast %add3A_774 : i32 to index
        %get3A_778 = tpu.vector_load %arg6[%get3A_776, %get3A_777] {strides = array<i32>} : memref<4x192xi32, #tpu.memory_space<vmem>>, vector<16xi32>,
        %mul3A_779 = arith.constant 10000 : i32
        %mul3A_780 = vector.broadcast %mul3A_779 : i32 to vector<16xi32>
        %mul3A_781 = arith.muli %get3A_770, %mul3A_780 : vector<16xi32>
        %mul3A_782 = arith.constant 16 : i32
        %mul3A_783 = arith.muli %add3A_761, %mul3A_782 : i32
        %get3A_784 = arith.constant 3 : i32
        %get3A_785 = arith.index_cast %get3A_784 : i32 to index
        %get3A_786 = arith.index_cast %mul3A_783 : i32 to index
        %get3A_787 = tpu.vector_load %arg6[%get3A_785, %get3A_786] {strides = array<i32>} : memref<4x192xi32, #tpu.memory_space<vmem>>, vector<16xi32>,
        %add3A_788 = arith.addi %mul3A_781, %get3A_787 : vector<16xi32>
        %swap3A = arith.constant 3 : i32
        %swap3A_789 = arith.index_cast %swap3A : i32 to index
        %swap3A_790 = arith.index_cast %mul3A_763 : i32 to index
        %swap3A_791 = tpu.vector_load %arg7[%swap3A_789, %swap3A_790] {strides = array<i32>} : memref<4x64xi32, #tpu.memory_space<vmem>>, vector<16xi32>,
        tpu.vector_store %arg7[%swap3A_789, %swap3A_790], %add3A_788 {strides = array<i32>} : memref<4x64xi32, #tpu.memory_space<vmem>>, vector<16xi32>,
        %mul3A_792 = arith.constant 4 : i32
        %mul3A_793 = vector.broadcast %mul3A_792 : i32 to vector<16xi32>
        %mul3A_794 = arith.muli %get3A_778, %mul3A_793 : vector<16xi32>
        %add3A_795 = arith.addi %mul3A_794, %get3A_770 : vector<16xi32>
        %swap3A_796 = arith.constant 3 : i32
        %swap3A_797 = arith.index_cast %swap3A_796 : i32 to index
        %swap3A_798 = arith.index_cast %mul3A_763 : i32 to index
        %swap3A_799 = tpu.vector_load %arg8[%swap3A_797, %swap3A_798] {strides = array<i32>} : memref<4x64xi32, #tpu.memory_space<vmem>>, vector<16xi32>,
        tpu.vector_store %arg8[%swap3A_797, %swap3A_798], %add3A_795 {strides = array<i32>} : memref<4x64xi32, #tpu.memory_space<vmem>>, vector<16xi32>,
        %swap3A_800 = arith.constant 3 : i32
        %swap3A_801 = arith.index_cast %swap3A_800 : i32 to index
        %swap3A_802 = arith.index_cast %mul3A_763 : i32 to index
        %swap3A_803 = tpu.vector_load %arg9[%swap3A_801, %swap3A_802] {strides = array<i32>} : memref<4x64xi32, #tpu.memory_space<vmem>>, vector<16xi32>,
        tpu.vector_store %arg9[%swap3A_801, %swap3A_802], %get3A_778 {strides = array<i32>} : memref<4x64xi32, #tpu.memory_space<vmem>>, vector<16xi32>,
      }
      %scan3A_650 = arith.constant 4 : i32
      %dma_start3A_651 = arith.constant 3 : i32
      %dma_start3A_652 = arith.constant 3 : i32
      %dma_start3A_653 = arith.constant 3 : i32
      %dma_start3A_654 = arith.constant 0 : i32
      %dma_start3A_655 = arith.constant 0 : i32
      %dma_start3A_656 = tpu.memref_slice %arg11[%dma_start3A_652, %dma_start3A_654, %dma_start3A_655] : memref<4x64x128xf32, #tpu.memory_space<vmem>> -> memref<1x64x128xf32, #tpu.memory_space<vmem>>
      %dma_start3A_657 = tpu.memref_squeeze %dma_start3A_656 : memref<1x64x128xf32, #tpu.memory_space<vmem>> -> memref<64x128xf32, #tpu.memory_space<vmem>>
      %dma_start3A_658 = arith.constant 0 : i32
      %dma_start3A_659 = tpu.memref_slice %arg7[%dma_start3A_651, %dma_start3A_658] : memref<4x64xi32, #tpu.memory_space<vmem>> -> memref<1x64xi32, #tpu.memory_space<vmem>>
      %dma_start3A_660 = tpu.memref_squeeze %dma_start3A_659 : memref<1x64xi32, #tpu.memory_space<vmem>> -> memref<64xi32, #tpu.memory_space<vmem>>
      %dma_start3A_661 = arith.constant 0 : i32
      %dma_start3A_662 = arith.constant 0 : i32
      %dma_start3A_663 = tpu.memref_slice %arg4[%dma_start3A_661, %dma_start3A_662] : memref<40000x128xf32, #tpu.memory_space<hbm>> -> memref<40000x128xf32, #tpu.memory_space<hbm>>
      %dma_start3A_664 = tpu.memref_slice %arg18[%dma_start3A_653] : memref<4x!tpu.dma_semaphore, #tpu.memory_space<semaphore_mem>> -> memref<1x!tpu.dma_semaphore, #tpu.memory_space<semaphore_mem>>
      %dma_start3A_665 = tpu.memref_squeeze %dma_start3A_664 : memref<1x!tpu.dma_semaphore, #tpu.memory_space<semaphore_mem>> -> memref<!tpu.dma_semaphore, #tpu.memory_space<semaphore_mem>>
      tpu.enqueue_indirect_dma source(%dma_start3A_663 : memref<40000x128xf32, #tpu.memory_space<hbm>>) target(%dma_start3A_657 : memref<64x128xf32, #tpu.memory_space<vmem>>) offsets(%dma_start3A_660 : memref<64xi32, #tpu.memory_space<vmem>>) semaphore(%dma_start3A_665 : memref<!tpu.dma_semaphore, #tpu.memory_space<semaphore_mem>>)
      %dma_start3A_666 = arith.constant 3 : i32
      %dma_start3A_667 = arith.constant 3 : i32
      %dma_start3A_668 = arith.constant 3 : i32
      %dma_start3A_669 = arith.constant 0 : i32
      %dma_start3A_670 = tpu.memref_slice %arg10[%dma_start3A_667, %dma_start3A_669] : memref<4x64xf32, #tpu.memory_space<vmem>> -> memref<1x64xf32, #tpu.memory_space<vmem>>
      %dma_start3A_671 = tpu.memref_squeeze %dma_start3A_670 : memref<1x64xf32, #tpu.memory_space<vmem>> -> memref<64xf32, #tpu.memory_space<vmem>>
      %dma_start3A_672 = arith.constant 0 : i32
      %dma_start3A_673 = tpu.memref_slice %arg8[%dma_start3A_666, %dma_start3A_672] : memref<4x64xi32, #tpu.memory_space<vmem>> -> memref<1x64xi32, #tpu.memory_space<vmem>>
      %dma_start3A_674 = tpu.memref_squeeze %dma_start3A_673 : memref<1x64xi32, #tpu.memory_space<vmem>> -> memref<64xi32, #tpu.memory_space<vmem>>
      %dma_start3A_675 = arith.constant 0 : i32
      %dma_start3A_676 = tpu.memref_slice %arg15[%dma_start3A_675] : memref<40960xf32, #tpu.memory_space<vmem_shared>> -> memref<40960xf32, #tpu.memory_space<vmem_shared>>
      %dma_start3A_677 = tpu.memref_slice %arg19[%dma_start3A_668] : memref<4x!tpu.dma_semaphore, #tpu.memory_space<semaphore_mem>> -> memref<1x!tpu.dma_semaphore, #tpu.memory_space<semaphore_mem>>
      %dma_start3A_678 = tpu.memref_squeeze %dma_start3A_677 : memref<1x!tpu.dma_semaphore, #tpu.memory_space<semaphore_mem>> -> memref<!tpu.dma_semaphore, #tpu.memory_space<semaphore_mem>>
      tpu.enqueue_indirect_dma source(%dma_start3A_676 : memref<40960xf32, #tpu.memory_space<vmem_shared>>) target(%dma_start3A_671 : memref<64xf32, #tpu.memory_space<vmem>>) offsets(%dma_start3A_674 : memref<64xi32, #tpu.memory_space<vmem>>) semaphore(%dma_start3A_678 : memref<!tpu.dma_semaphore, #tpu.memory_space<semaphore_mem>>)
      %jit3A_679 = arith.constant 4 : i32
      %div3A_680 = arith.divsi %select_n3A_8, %jit3A_679 : i32
      %sign3A_681 = arith.constant 0 : i32
      %sign3A_682 = arith.cmpi sgt, %select_n3A_8, %sign3A_681 : i32
      %sign3A_683 = arith.extui %sign3A_682 : i1 to i32
      %sign3A_684 = arith.constant 0 : i32
      %sign3A_685 = arith.cmpi slt, %select_n3A_8, %sign3A_684 : i32
      %sign3A_686 = arith.extui %sign3A_685 : i1 to i32
      %sign3A_687 = arith.subi %sign3A_683, %sign3A_686 : i32
      %sign3A_688 = arith.constant 0 : i32
      %sign3A_689 = arith.cmpi sgt, %jit3A_679, %sign3A_688 : i32
      %sign3A_690 = arith.extui %sign3A_689 : i1 to i32
      %sign3A_691 = arith.constant 0 : i32
      %sign3A_692 = arith.cmpi slt, %jit3A_679, %sign3A_691 : i32
      %sign3A_693 = arith.extui %sign3A_692 : i1 to i32
      %sign3A_694 = arith.subi %sign3A_690, %sign3A_693 : i32
      %ne3A_695 = arith.cmpi ne, %sign3A_687, %sign3A_694 : i32
      %rem3A_696 = arith.remsi %select_n3A_8, %jit3A_679 : i32
      %ne3A_697 = arith.constant 0 : i32
      %ne3A_698 = arith.cmpi ne, %rem3A_696, %ne3A_697 : i32
      %and3A_699 = arith.andi %ne3A_695, %ne3A_698 : i1
      %sub3A_700 = arith.constant 1 : i32
      %sub3A_701 = arith.subi %div3A_680, %sub3A_700 : i32
      %select_n3A_702 = arith.select %and3A_699, %sub3A_701, %div3A_680 : i32
      %sub3A_703 = arith.constant 1 : i32
      %sub3A_704 = arith.subi %select_n3A_702, %sub3A_703 : i32
      %lt3A_705 = arith.cmpi slt, %add3A_341, %sub3A_704 : i32
      %convert_element_type3A_706 = arith.extui %lt3A_705 : i1 to i32
      %cond3A_707 = arith.constant 0 : i32
      %cond3A_708 = arith.cmpi ne, %convert_element_type3A_706, %cond3A_707 : i32
      scf.if %cond3A_708 {
        %add3A_757 = arith.constant 4 : i32
        %add3A_758 = arith.addi %add3A_623, %add3A_757 : i32
        %add3A_759 = arith.addi %select_n3A, %add3A_758 : i32
        %dma_start3A_760 = arith.constant 3 : i32
        %dma_start3A_761 = arith.constant 3 : i32
        %dma_start3A_762 = arith.constant 0 : i32
        %dma_start3A_763 = tpu.memref_slice %arg6[%dma_start3A_760, %dma_start3A_762] : memref<4x192xi32, #tpu.memory_space<vmem>> -> memref<1x192xi32, #tpu.memory_space<vmem>>
        %dma_start3A_764 = tpu.memref_squeeze %dma_start3A_763 : memref<1x192xi32, #tpu.memory_space<vmem>> -> memref<192xi32, #tpu.memory_space<vmem>>
        %dma_start3A_765 = arith.constant 0 : i32
        %dma_start3A_766 = tpu.memref_slice %arg2[%add3A_759, %dma_start3A_765] : memref<5120x192xi32, #tpu.memory_space<hbm>> -> memref<1x192xi32, #tpu.memory_space<hbm>>
        %dma_start3A_767 = tpu.memref_squeeze %dma_start3A_766 : memref<1x192xi32, #tpu.memory_space<hbm>> -> memref<192xi32, #tpu.memory_space<hbm>>
        %dma_start3A_768 = tpu.memref_slice %arg17[%dma_start3A_761] : memref<4x!tpu.dma_semaphore, #tpu.memory_space<semaphore_mem>> -> memref<1x!tpu.dma_semaphore, #tpu.memory_space<semaphore_mem>>
        %dma_start3A_769 = tpu.memref_squeeze %dma_start3A_768 : memref<1x!tpu.dma_semaphore, #tpu.memory_space<semaphore_mem>> -> memref<!tpu.dma_semaphore, #tpu.memory_space<semaphore_mem>>
        %dma_start3A_770 = arith.constant 0 : i32
        %dma_start3A_771 = tpu.memref_slice %arg6[%dma_start3A_760, %dma_start3A_770] : memref<4x192xi32, #tpu.memory_space<vmem>> -> memref<1x192xi32, #tpu.memory_space<vmem>>
        %dma_start3A_772 = tpu.memref_squeeze %dma_start3A_771 : memref<1x192xi32, #tpu.memory_space<vmem>> -> memref<192xi32, #tpu.memory_space<vmem>>
        %dma_start3A_773 = arith.constant 0 : i32
        %dma_start3A_774 = tpu.memref_slice %arg2[%add3A_759, %dma_start3A_773] : memref<5120x192xi32, #tpu.memory_space<hbm>> -> memref<1x192xi32, #tpu.memory_space<hbm>>
        %dma_start3A_775 = tpu.memref_squeeze %dma_start3A_774 : memref<1x192xi32, #tpu.memory_space<hbm>> -> memref<192xi32, #tpu.memory_space<hbm>>
        tpu.enqueue_dma source(%dma_start3A_775 : memref<192xi32, #tpu.memory_space<hbm>>) target(%dma_start3A_772 : memref<192xi32, #tpu.memory_space<vmem>>) target_semaphore(%dma_start3A_769 : memref<!tpu.dma_semaphore, #tpu.memory_space<semaphore_mem>>)
      } else {
      }
      %dma_wait3A_709 = arith.constant 0 : i32
      %dma_wait3A_710 = arith.constant 0 : i32
      %dma_wait3A_711 = arith.constant 0 : i32
      %dma_wait3A_712 = arith.constant 0 : i32
      %dma_wait3A_713 = arith.constant 0 : i32
      %dma_wait3A_714 = tpu.memref_slice %arg11[%dma_wait3A_710, %dma_wait3A_712, %dma_wait3A_713] : memref<4x64x128xf32, #tpu.memory_space<vmem>> -> memref<1x64x128xf32, #tpu.memory_space<vmem>>
      %dma_wait3A_715 = tpu.memref_squeeze %dma_wait3A_714 : memref<1x64x128xf32, #tpu.memory_space<vmem>> -> memref<64x128xf32, #tpu.memory_space<vmem>>
      %dma_wait3A_716 = arith.constant 0 : i32
      %dma_wait3A_717 = tpu.memref_slice %arg7[%dma_wait3A_709, %dma_wait3A_716] : memref<4x64xi32, #tpu.memory_space<vmem>> -> memref<1x64xi32, #tpu.memory_space<vmem>>
      %dma_wait3A_718 = tpu.memref_squeeze %dma_wait3A_717 : memref<1x64xi32, #tpu.memory_space<vmem>> -> memref<64xi32, #tpu.memory_space<vmem>>
      %dma_wait3A_719 = arith.constant 0 : i32
      %dma_wait3A_720 = arith.constant 0 : i32
      %dma_wait3A_721 = tpu.memref_slice %arg4[%dma_wait3A_719, %dma_wait3A_720] : memref<40000x128xf32, #tpu.memory_space<hbm>> -> memref<40000x128xf32, #tpu.memory_space<hbm>>
      %dma_wait3A_722 = tpu.memref_slice %arg18[%dma_wait3A_711] : memref<4x!tpu.dma_semaphore, #tpu.memory_space<semaphore_mem>> -> memref<1x!tpu.dma_semaphore, #tpu.memory_space<semaphore_mem>>
      %dma_wait3A_723 = tpu.memref_squeeze %dma_wait3A_722 : memref<1x!tpu.dma_semaphore, #tpu.memory_space<semaphore_mem>> -> memref<!tpu.dma_semaphore, #tpu.memory_space<semaphore_mem>>
      tpu.wait_indirect_dma semaphore(%dma_wait3A_723 : memref<!tpu.dma_semaphore, #tpu.memory_space<semaphore_mem>>) src(%dma_wait3A_721 : memref<40000x128xf32, #tpu.memory_space<hbm>>) dst(%dma_wait3A_715 : memref<64x128xf32, #tpu.memory_space<vmem>>)
      %dma_wait3A_724 = arith.constant 0 : i32
      %dma_wait3A_725 = arith.constant 0 : i32
      %dma_wait3A_726 = arith.constant 0 : i32
      %dma_wait3A_727 = arith.constant 0 : i32
      %dma_wait3A_728 = tpu.memref_slice %arg10[%dma_wait3A_725, %dma_wait3A_727] : memref<4x64xf32, #tpu.memory_space<vmem>> -> memref<1x64xf32, #tpu.memory_space<vmem>>
      %dma_wait3A_729 = tpu.memref_squeeze %dma_wait3A_728 : memref<1x64xf32, #tpu.memory_space<vmem>> -> memref<64xf32, #tpu.memory_space<vmem>>
      %dma_wait3A_730 = arith.constant 0 : i32
      %dma_wait3A_731 = tpu.memref_slice %arg8[%dma_wait3A_724, %dma_wait3A_730] : memref<4x64xi32, #tpu.memory_space<vmem>> -> memref<1x64xi32, #tpu.memory_space<vmem>>
      %dma_wait3A_732 = tpu.memref_squeeze %dma_wait3A_731 : memref<1x64xi32, #tpu.memory_space<vmem>> -> memref<64xi32, #tpu.memory_space<vmem>>
      %dma_wait3A_733 = arith.constant 0 : i32
      %dma_wait3A_734 = tpu.memref_slice %arg15[%dma_wait3A_733] : memref<40960xf32, #tpu.memory_space<vmem_shared>> -> memref<40960xf32, #tpu.memory_space<vmem_shared>>
      %dma_wait3A_735 = tpu.memref_slice %arg19[%dma_wait3A_726] : memref<4x!tpu.dma_semaphore, #tpu.memory_space<semaphore_mem>> -> memref<1x!tpu.dma_semaphore, #tpu.memory_space<semaphore_mem>>
      %dma_wait3A_736 = tpu.memref_squeeze %dma_wait3A_735 : memref<1x!tpu.dma_semaphore, #tpu.memory_space<semaphore_mem>> -> memref<!tpu.dma_semaphore, #tpu.memory_space<semaphore_mem>>
      tpu.wait_indirect_dma semaphore(%dma_wait3A_736 : memref<!tpu.dma_semaphore, #tpu.memory_space<semaphore_mem>>) src(%dma_wait3A_734 : memref<40960xf32, #tpu.memory_space<vmem_shared>>) dst(%dma_wait3A_729 : memref<64xf32, #tpu.memory_space<vmem>>)
      %scan3A_737 = arith.constant 0 : i32
      %scan3A_738 = arith.constant 64 : i32
      %scan3A_739 = arith.addi %scan3A_737, %scan3A_738 : i32
      %scan3A_740 = arith.constant 1 : i32
      scf.for %scan3A_757 = %scan3A_737 to %scan3A_739 step %scan3A_740  : i32 {
        %mul3A_758 = arith.constant 1 : i32
        %mul3A_759 = arith.muli %scan3A_757, %mul3A_758 : i32
        %add3A_760 = arith.constant 0 : i32
        %add3A_761 = arith.addi %add3A_760, %mul3A_759 : i32
        %broadcast_in_dim3A = vector.broadcast %add3A_761 : i32 to vector<16xi32>
        %gather3A = arith.constant 0 : i32
        %gather3A_762 = arith.constant 0 : i32
        %gather3A_763 = tpu.memref_slice %arg10[%gather3A, %gather3A_762] : memref<4x64xf32, #tpu.memory_space<vmem>> -> memref<1x64xf32, #tpu.memory_space<vmem>>
        %gather3A_764 = tpu.memref_squeeze %gather3A_763 : memref<1x64xf32, #tpu.memory_space<vmem>> -> memref<64xf32, #tpu.memory_space<vmem>>
        %gather3A_765 = tpu.vector_load_idx %gather3A_764[%broadcast_in_dim3A] : memref<64xf32, #tpu.memory_space<vmem>>[vector<16xi32>], vector<16xf32>,
        %get3A = arith.constant 0 : i32
        %get3A_766 = arith.index_cast %get3A : i32 to index
        %get3A_767 = arith.index_cast %add3A_761 : i32 to index
        %get3A_768 = arith.constant 0 : index
        %get3A_769 = tpu.vector_load %arg11[%get3A_766, %get3A_767, %get3A_768] {strides = array<i32>} : memref<4x64x128xf32, #tpu.memory_space<vmem>>, vector<16xf32>,
        %mul3A_770 = arith.mulf %get3A_769, %gather3A_765 : vector<16xf32>
        %swap3A = arith.constant 0 : i32
        %swap3A_771 = arith.index_cast %swap3A : i32 to index
        %swap3A_772 = arith.index_cast %add3A_761 : i32 to index
        %swap3A_773 = arith.constant 0 : index
        %swap3A_774 = tpu.vector_load %arg11[%swap3A_771, %swap3A_772, %swap3A_773] {strides = array<i32>} : memref<4x64x128xf32, #tpu.memory_space<vmem>>, vector<16xf32>,
        tpu.vector_store %arg11[%swap3A_771, %swap3A_772, %swap3A_773], %mul3A_770 {strides = array<i32>} : memref<4x64x128xf32, #tpu.memory_space<vmem>>, vector<16xf32>,
        %get3A_775 = arith.constant 0 : i32
        %get3A_776 = arith.index_cast %get3A_775 : i32 to index
        %get3A_777 = arith.index_cast %add3A_761 : i32 to index
        %get3A_778 = arith.constant 16 : index
        %get3A_779 = tpu.vector_load %arg11[%get3A_776, %get3A_777, %get3A_778] {strides = array<i32>} : memref<4x64x128xf32, #tpu.memory_space<vmem>>, vector<16xf32>,
        %mul3A_780 = arith.mulf %get3A_779, %gather3A_765 : vector<16xf32>
        %swap3A_781 = arith.constant 0 : i32
        %swap3A_782 = arith.index_cast %swap3A_781 : i32 to index
        %swap3A_783 = arith.index_cast %add3A_761 : i32 to index
        %swap3A_784 = arith.constant 16 : index
        %swap3A_785 = tpu.vector_load %arg11[%swap3A_782, %swap3A_783, %swap3A_784] {strides = array<i32>} : memref<4x64x128xf32, #tpu.memory_space<vmem>>, vector<16xf32>,
        tpu.vector_store %arg11[%swap3A_782, %swap3A_783, %swap3A_784], %mul3A_780 {strides = array<i32>} : memref<4x64x128xf32, #tpu.memory_space<vmem>>, vector<16xf32>,
        %get3A_786 = arith.constant 0 : i32
        %get3A_787 = arith.index_cast %get3A_786 : i32 to index
        %get3A_788 = arith.index_cast %add3A_761 : i32 to index
        %get3A_789 = arith.constant 32 : index
        %get3A_790 = tpu.vector_load %arg11[%get3A_787, %get3A_788, %get3A_789] {strides = array<i32>} : memref<4x64x128xf32, #tpu.memory_space<vmem>>, vector<16xf32>,
        %mul3A_791 = arith.mulf %get3A_790, %gather3A_765 : vector<16xf32>
        %swap3A_792 = arith.constant 0 : i32
        %swap3A_793 = arith.index_cast %swap3A_792 : i32 to index
        %swap3A_794 = arith.index_cast %add3A_761 : i32 to index
        %swap3A_795 = arith.constant 32 : index
        %swap3A_796 = tpu.vector_load %arg11[%swap3A_793, %swap3A_794, %swap3A_795] {strides = array<i32>} : memref<4x64x128xf32, #tpu.memory_space<vmem>>, vector<16xf32>,
        tpu.vector_store %arg11[%swap3A_793, %swap3A_794, %swap3A_795], %mul3A_791 {strides = array<i32>} : memref<4x64x128xf32, #tpu.memory_space<vmem>>, vector<16xf32>,
        %get3A_797 = arith.constant 0 : i32
        %get3A_798 = arith.index_cast %get3A_797 : i32 to index
        %get3A_799 = arith.index_cast %add3A_761 : i32 to index
        %get3A_800 = arith.constant 48 : index
        %get3A_801 = tpu.vector_load %arg11[%get3A_798, %get3A_799, %get3A_800] {strides = array<i32>} : memref<4x64x128xf32, #tpu.memory_space<vmem>>, vector<16xf32>,
        %mul3A_802 = arith.mulf %get3A_801, %gather3A_765 : vector<16xf32>
        %swap3A_803 = arith.constant 0 : i32
        %swap3A_804 = arith.index_cast %swap3A_803 : i32 to index
        %swap3A_805 = arith.index_cast %add3A_761 : i32 to index
        %swap3A_806 = arith.constant 48 : index
        %swap3A_807 = tpu.vector_load %arg11[%swap3A_804, %swap3A_805, %swap3A_806] {strides = array<i32>} : memref<4x64x128xf32, #tpu.memory_space<vmem>>, vector<16xf32>,
        tpu.vector_store %arg11[%swap3A_804, %swap3A_805, %swap3A_806], %mul3A_802 {strides = array<i32>} : memref<4x64x128xf32, #tpu.memory_space<vmem>>, vector<16xf32>,
        %get3A_808 = arith.constant 0 : i32
        %get3A_809 = arith.index_cast %get3A_808 : i32 to index
        %get3A_810 = arith.index_cast %add3A_761 : i32 to index
        %get3A_811 = arith.constant 64 : index
        %get3A_812 = tpu.vector_load %arg11[%get3A_809, %get3A_810, %get3A_811] {strides = array<i32>} : memref<4x64x128xf32, #tpu.memory_space<vmem>>, vector<16xf32>,
        %mul3A_813 = arith.mulf %get3A_812, %gather3A_765 : vector<16xf32>
        %swap3A_814 = arith.constant 0 : i32
        %swap3A_815 = arith.index_cast %swap3A_814 : i32 to index
        %swap3A_816 = arith.index_cast %add3A_761 : i32 to index
        %swap3A_817 = arith.constant 64 : index
        %swap3A_818 = tpu.vector_load %arg11[%swap3A_815, %swap3A_816, %swap3A_817] {strides = array<i32>} : memref<4x64x128xf32, #tpu.memory_space<vmem>>, vector<16xf32>,
        tpu.vector_store %arg11[%swap3A_815, %swap3A_816, %swap3A_817], %mul3A_813 {strides = array<i32>} : memref<4x64x128xf32, #tpu.memory_space<vmem>>, vector<16xf32>,
        %get3A_819 = arith.constant 0 : i32
        %get3A_820 = arith.index_cast %get3A_819 : i32 to index
        %get3A_821 = arith.index_cast %add3A_761 : i32 to index
        %get3A_822 = arith.constant 80 : index
        %get3A_823 = tpu.vector_load %arg11[%get3A_820, %get3A_821, %get3A_822] {strides = array<i32>} : memref<4x64x128xf32, #tpu.memory_space<vmem>>, vector<16xf32>,
        %mul3A_824 = arith.mulf %get3A_823, %gather3A_765 : vector<16xf32>
        %swap3A_825 = arith.constant 0 : i32
        %swap3A_826 = arith.index_cast %swap3A_825 : i32 to index
        %swap3A_827 = arith.index_cast %add3A_761 : i32 to index
        %swap3A_828 = arith.constant 80 : index
        %swap3A_829 = tpu.vector_load %arg11[%swap3A_826, %swap3A_827, %swap3A_828] {strides = array<i32>} : memref<4x64x128xf32, #tpu.memory_space<vmem>>, vector<16xf32>,
        tpu.vector_store %arg11[%swap3A_826, %swap3A_827, %swap3A_828], %mul3A_824 {strides = array<i32>} : memref<4x64x128xf32, #tpu.memory_space<vmem>>, vector<16xf32>,
        %get3A_830 = arith.constant 0 : i32
        %get3A_831 = arith.index_cast %get3A_830 : i32 to index
        %get3A_832 = arith.index_cast %add3A_761 : i32 to index
        %get3A_833 = arith.constant 96 : index
        %get3A_834 = tpu.vector_load %arg11[%get3A_831, %get3A_832, %get3A_833] {strides = array<i32>} : memref<4x64x128xf32, #tpu.memory_space<vmem>>, vector<16xf32>,
        %mul3A_835 = arith.mulf %get3A_834, %gather3A_765 : vector<16xf32>
        %swap3A_836 = arith.constant 0 : i32
        %swap3A_837 = arith.index_cast %swap3A_836 : i32 to index
        %swap3A_838 = arith.index_cast %add3A_761 : i32 to index
        %swap3A_839 = arith.constant 96 : index
        %swap3A_840 = tpu.vector_load %arg11[%swap3A_837, %swap3A_838, %swap3A_839] {strides = array<i32>} : memref<4x64x128xf32, #tpu.memory_space<vmem>>, vector<16xf32>,
        tpu.vector_store %arg11[%swap3A_837, %swap3A_838, %swap3A_839], %mul3A_835 {strides = array<i32>} : memref<4x64x128xf32, #tpu.memory_space<vmem>>, vector<16xf32>,
        %get3A_841 = arith.constant 0 : i32
        %get3A_842 = arith.index_cast %get3A_841 : i32 to index
        %get3A_843 = arith.index_cast %add3A_761 : i32 to index
        %get3A_844 = arith.constant 112 : index
        %get3A_845 = tpu.vector_load %arg11[%get3A_842, %get3A_843, %get3A_844] {strides = array<i32>} : memref<4x64x128xf32, #tpu.memory_space<vmem>>, vector<16xf32>,
        %mul3A_846 = arith.mulf %get3A_845, %gather3A_765 : vector<16xf32>
        %swap3A_847 = arith.constant 0 : i32
        %swap3A_848 = arith.index_cast %swap3A_847 : i32 to index
        %swap3A_849 = arith.index_cast %add3A_761 : i32 to index
        %swap3A_850 = arith.constant 112 : index
        %swap3A_851 = tpu.vector_load %arg11[%swap3A_848, %swap3A_849, %swap3A_850] {strides = array<i32>} : memref<4x64x128xf32, #tpu.memory_space<vmem>>, vector<16xf32>,
        tpu.vector_store %arg11[%swap3A_848, %swap3A_849, %swap3A_850], %mul3A_846 {strides = array<i32>} : memref<4x64x128xf32, #tpu.memory_space<vmem>>, vector<16xf32>,
      }
      %scan3A_741 = arith.constant 64 : i32
      %dma_start3A_742 = arith.constant 0 : i32
      %dma_start3A_743 = arith.constant 0 : i32
      %dma_start3A_744 = arith.constant 0 : i32
      %dma_start3A_745 = arith.constant 0 : i32
      %dma_start3A_746 = arith.constant 0 : i32
      %dma_start3A_747 = tpu.memref_slice %arg11[%dma_start3A_742, %dma_start3A_745, %dma_start3A_746] : memref<4x64x128xf32, #tpu.memory_space<vmem>> -> memref<1x64x128xf32, #tpu.memory_space<vmem>>
      %dma_start3A_748 = tpu.memref_squeeze %dma_start3A_747 : memref<1x64x128xf32, #tpu.memory_space<vmem>> -> memref<64x128xf32, #tpu.memory_space<vmem>>
      %dma_start3A_749 = arith.constant 0 : i32
      %dma_start3A_750 = tpu.memref_slice %arg9[%dma_start3A_743, %dma_start3A_749] : memref<4x64xi32, #tpu.memory_space<vmem>> -> memref<1x64xi32, #tpu.memory_space<vmem>>
      %dma_start3A_751 = tpu.memref_squeeze %dma_start3A_750 : memref<1x64xi32, #tpu.memory_space<vmem>> -> memref<64xi32, #tpu.memory_space<vmem>>
      %dma_start3A_752 = arith.constant 0 : i32
      %dma_start3A_753 = arith.constant 0 : i32
      %dma_start3A_754 = tpu.memref_slice %arg16[%dma_start3A_752, %dma_start3A_753] : memref<10240x128xf32, #tpu.memory_space<vmem_shared>> -> memref<10240x128xf32, #tpu.memory_space<vmem_shared>>
      %dma_start3A_755 = tpu.memref_slice %arg20[%dma_start3A_744] : memref<4x!tpu.dma_semaphore, #tpu.memory_space<semaphore_mem>> -> memref<1x!tpu.dma_semaphore, #tpu.memory_space<semaphore_mem>>
      %dma_start3A_756 = tpu.memref_squeeze %dma_start3A_755 : memref<1x!tpu.dma_semaphore, #tpu.memory_space<semaphore_mem>> -> memref<!tpu.dma_semaphore, #tpu.memory_space<semaphore_mem>>
      tpu.enqueue_indirect_dma source(%dma_start3A_748 : memref<64x128xf32, #tpu.memory_space<vmem>>) target(%dma_start3A_754 : memref<10240x128xf32, #tpu.memory_space<vmem_shared>>) offsets(%dma_start3A_751 : memref<64xi32, #tpu.memory_space<vmem>>) semaphore(%dma_start3A_756 : memref<!tpu.dma_semaphore, #tpu.memory_space<semaphore_mem>>) {add = true}
    }
    %while3A_129 = arith.constant 1 : i32
    scf.for %while3A_339 = %while3A_127 to %while3A_123 step %while3A_129  : i32 {
      %mul3A_340 = arith.muli %while3A_339, %while3A : i32
      %add3A_341 = arith.addi %while3A_120, %mul3A_340 : i32
      %mul3A_342 = arith.constant 4 : i32
      %mul3A_343 = arith.muli %mul3A_342, %add3A_341 : i32
      %add3A_344 = arith.constant 0 : i32
      %add3A_345 = arith.addi %mul3A_343, %add3A_344 : i32
      %add3A_346 = arith.addi %select_n3A, %add3A_345 : i32
      %dma_wait3A_347 = arith.constant 0 : i32
      %dma_wait3A_348 = arith.constant 0 : i32
      %dma_wait3A_349 = arith.constant 0 : i32
      %dma_wait3A_350 = tpu.memref_slice %arg6[%dma_wait3A_347, %dma_wait3A_349] : memref<4x192xi32, #tpu.memory_space<vmem>> -> memref<1x192xi32, #tpu.memory_space<vmem>>
      %dma_wait3A_351 = tpu.memref_squeeze %dma_wait3A_350 : memref<1x192xi32, #tpu.memory_space<vmem>> -> memref<192xi32, #tpu.memory_space<vmem>>
      %dma_wait3A_352 = arith.constant 0 : i32
      %dma_wait3A_353 = tpu.memref_slice %arg2[%add3A_346, %dma_wait3A_352] : memref<5120x192xi32, #tpu.memory_space<hbm>> -> memref<1x192xi32, #tpu.memory_space<hbm>>
      %dma_wait3A_354 = tpu.memref_squeeze %dma_wait3A_353 : memref<1x192xi32, #tpu.memory_space<hbm>> -> memref<192xi32, #tpu.memory_space<hbm>>
      %dma_wait3A_355 = tpu.memref_slice %arg17[%dma_wait3A_348] : memref<4x!tpu.dma_semaphore, #tpu.memory_space<semaphore_mem>> -> memref<1x!tpu.dma_semaphore, #tpu.memory_space<semaphore_mem>>
      %dma_wait3A_356 = tpu.memref_squeeze %dma_wait3A_355 : memref<1x!tpu.dma_semaphore, #tpu.memory_space<semaphore_mem>> -> memref<!tpu.dma_semaphore, #tpu.memory_space<semaphore_mem>>
      %dma_wait3A_357 = arith.constant 0 : i32
      %dma_wait3A_358 = tpu.memref_slice %arg6[%dma_wait3A_347, %dma_wait3A_357] : memref<4x192xi32, #tpu.memory_space<vmem>> -> memref<1x192xi32, #tpu.memory_space<vmem>>
      %dma_wait3A_359 = tpu.memref_squeeze %dma_wait3A_358 : memref<1x192xi32, #tpu.memory_space<vmem>> -> memref<192xi32, #tpu.memory_space<vmem>>
      %dma_wait3A_360 = arith.constant 0 : i32
      %dma_wait3A_361 = tpu.memref_slice %arg2[%add3A_346, %dma_wait3A_360] : memref<5120x192xi32, #tpu.memory_space<hbm>> -> memref<1x192xi32, #tpu.memory_space<hbm>>
      %dma_wait3A_362 = tpu.memref_squeeze %dma_wait3A_361 : memref<1x192xi32, #tpu.memory_space<hbm>> -> memref<192xi32, #tpu.memory_space<hbm>>
      tpu.wait_dma2 semaphore(%dma_wait3A_356 : memref<!tpu.dma_semaphore, #tpu.memory_space<semaphore_mem>>) src(%dma_wait3A_362 : memref<192xi32, #tpu.memory_space<hbm>>) dst(%dma_wait3A_359 : memref<192xi32, #tpu.memory_space<vmem>>)
      %gt3A = arith.constant 0 : i32
      %gt3A_363 = arith.cmpi sgt, %add3A_341, %gt3A : i32
      %convert_element_type3A = arith.extui %gt3A_363 : i1 to i32
      %cond3A = arith.constant 0 : i32
      %cond3A_364 = arith.cmpi ne, %convert_element_type3A, %cond3A : i32
      scf.if %cond3A_364 {
        %dma_wait3A_757 = arith.constant 0 : i32
        %dma_wait3A_758 = arith.constant 0 : i32
        %dma_wait3A_759 = arith.constant 0 : i32
        %dma_wait3A_760 = arith.constant 0 : i32
        %dma_wait3A_761 = arith.constant 0 : i32
        %dma_wait3A_762 = tpu.memref_slice %arg11[%dma_wait3A_757, %dma_wait3A_760, %dma_wait3A_761] : memref<4x64x128xf32, #tpu.memory_space<vmem>> -> memref<1x64x128xf32, #tpu.memory_space<vmem>>
        %dma_wait3A_763 = tpu.memref_squeeze %dma_wait3A_762 : memref<1x64x128xf32, #tpu.memory_space<vmem>> -> memref<64x128xf32, #tpu.memory_space<vmem>>
        %dma_wait3A_764 = arith.constant 0 : i32
        %dma_wait3A_765 = tpu.memref_slice %arg9[%dma_wait3A_758, %dma_wait3A_764] : memref<4x64xi32, #tpu.memory_space<vmem>> -> memref<1x64xi32, #tpu.memory_space<vmem>>
        %dma_wait3A_766 = tpu.memref_squeeze %dma_wait3A_765 : memref<1x64xi32, #tpu.memory_space<vmem>> -> memref<64xi32, #tpu.memory_space<vmem>>
        %dma_wait3A_767 = arith.constant 0 : i32
        %dma_wait3A_768 = arith.constant 0 : i32
        %dma_wait3A_769 = tpu.memref_slice %arg16[%dma_wait3A_767, %dma_wait3A_768] : memref<10240x128xf32, #tpu.memory_space<vmem_shared>> -> memref<10240x128xf32, #tpu.memory_space<vmem_shared>>
        %dma_wait3A_770 = tpu.memref_slice %arg20[%dma_wait3A_759] : memref<4x!tpu.dma_semaphore, #tpu.memory_space<semaphore_mem>> -> memref<1x!tpu.dma_semaphore, #tpu.memory_space<semaphore_mem>>
        %dma_wait3A_771 = tpu.memref_squeeze %dma_wait3A_770 : memref<1x!tpu.dma_semaphore, #tpu.memory_space<semaphore_mem>> -> memref<!tpu.dma_semaphore, #tpu.memory_space<semaphore_mem>>
        tpu.wait_indirect_dma semaphore(%dma_wait3A_771 : memref<!tpu.dma_semaphore, #tpu.memory_space<semaphore_mem>>) src(%dma_wait3A_763 : memref<64x128xf32, #tpu.memory_space<vmem>>) dst(%dma_wait3A_769 : memref<10240x128xf32, #tpu.memory_space<vmem_shared>>)
      } else {
      }
      %scan3A_365 = arith.constant 0 : i32
      %scan3A_366 = arith.constant 4 : i32
      %scan3A_367 = arith.addi %scan3A_365, %scan3A_366 : i32
      %scan3A_368 = arith.constant 1 : i32
      scf.for %scan3A_757 = %scan3A_365 to %scan3A_367 step %scan3A_368  : i32 {
        %mul3A_758 = arith.constant 1 : i32
        %mul3A_759 = arith.muli %scan3A_757, %mul3A_758 : i32
        %add3A_760 = arith.constant 0 : i32
        %add3A_761 = arith.addi %add3A_760, %mul3A_759 : i32
        %mul3A_762 = arith.constant 16 : i32
        %mul3A_763 = arith.muli %add3A_761, %mul3A_762 : i32
        %mul3A_764 = arith.constant 16 : i32
        %mul3A_765 = arith.muli %add3A_761, %mul3A_764 : i32
        %add3A_766 = arith.constant 64 : i32
        %add3A_767 = arith.addi %add3A_766, %mul3A_765 : i32
        %get3A = arith.constant 0 : i32
        %get3A_768 = arith.index_cast %get3A : i32 to index
        %get3A_769 = arith.index_cast %add3A_767 : i32 to index
        %get3A_770 = tpu.vector_load %arg6[%get3A_768, %get3A_769] {strides = array<i32>} : memref<4x192xi32, #tpu.memory_space<vmem>>, vector<16xi32>,
        %mul3A_771 = arith.constant 16 : i32
        %mul3A_772 = arith.muli %add3A_761, %mul3A_771 : i32
        %add3A_773 = arith.constant 128 : i32
        %add3A_774 = arith.addi %add3A_773, %mul3A_772 : i32
        %get3A_775 = arith.constant 0 : i32
        %get3A_776 = arith.index_cast %get3A_775 : i32 to index
        %get3A_777 = arith.index_cast %add3A_774 : i32 to index
        %get3A_778 = tpu.vector_load %arg6[%get3A_776, %get3A_777] {strides = array<i32>} : memref<4x192xi32, #tpu.memory_space<vmem>>, vector<16xi32>,
        %mul3A_779 = arith.constant 10000 : i32
        %mul3A_780 = vector.broadcast %mul3A_779 : i32 to vector<16xi32>
        %mul3A_781 = arith.muli %get3A_770, %mul3A_780 : vector<16xi32>
        %mul3A_782 = arith.constant 16 : i32
        %mul3A_783 = arith.muli %add3A_761, %mul3A_782 : i32
        %get3A_784 = arith.constant 0 : i32
        %get3A_785 = arith.index_cast %get3A_784 : i32 to index
        %get3A_786 = arith.index_cast %mul3A_783 : i32 to index
        %get3A_787 = tpu.vector_load %arg6[%get3A_785, %get3A_786] {strides = array<i32>} : memref<4x192xi32, #tpu.memory_space<vmem>>, vector<16xi32>,
        %add3A_788 = arith.addi %mul3A_781, %get3A_787 : vector<16xi32>
        %swap3A = arith.constant 0 : i32
        %swap3A_789 = arith.index_cast %swap3A : i32 to index
        %swap3A_790 = arith.index_cast %mul3A_763 : i32 to index
        %swap3A_791 = tpu.vector_load %arg7[%swap3A_789, %swap3A_790] {strides = array<i32>} : memref<4x64xi32, #tpu.memory_space<vmem>>, vector<16xi32>,
        tpu.vector_store %arg7[%swap3A_789, %swap3A_790], %add3A_788 {strides = array<i32>} : memref<4x64xi32, #tpu.memory_space<vmem>>, vector<16xi32>,
        %mul3A_792 = arith.constant 4 : i32
        %mul3A_793 = vector.broadcast %mul3A_792 : i32 to vector<16xi32>
        %mul3A_794 = arith.muli %get3A_778, %mul3A_793 : vector<16xi32>
        %add3A_795 = arith.addi %mul3A_794, %get3A_770 : vector<16xi32>
        %swap3A_796 = arith.constant 0 : i32
        %swap3A_797 = arith.index_cast %swap3A_796 : i32 to index
        %swap3A_798 = arith.index_cast %mul3A_763 : i32 to index
        %swap3A_799 = tpu.vector_load %arg8[%swap3A_797, %swap3A_798] {strides = array<i32>} : memref<4x64xi32, #tpu.memory_space<vmem>>, vector<16xi32>,
        tpu.vector_store %arg8[%swap3A_797, %swap3A_798], %add3A_795 {strides = array<i32>} : memref<4x64xi32, #tpu.memory_space<vmem>>, vector<16xi32>,
        %swap3A_800 = arith.constant 0 : i32
        %swap3A_801 = arith.index_cast %swap3A_800 : i32 to index
        %swap3A_802 = arith.index_cast %mul3A_763 : i32 to index
        %swap3A_803 = tpu.vector_load %arg9[%swap3A_801, %swap3A_802] {strides = array<i32>} : memref<4x64xi32, #tpu.memory_space<vmem>>, vector<16xi32>,
        tpu.vector_store %arg9[%swap3A_801, %swap3A_802], %get3A_778 {strides = array<i32>} : memref<4x64xi32, #tpu.memory_space<vmem>>, vector<16xi32>,
      }
      %scan3A_369 = arith.constant 4 : i32
      %dma_start3A_370 = arith.constant 0 : i32
      %dma_start3A_371 = arith.constant 0 : i32
      %dma_start3A_372 = arith.constant 0 : i32
      %dma_start3A_373 = arith.constant 0 : i32
      %dma_start3A_374 = arith.constant 0 : i32
      %dma_start3A_375 = tpu.memref_slice %arg11[%dma_start3A_371, %dma_start3A_373, %dma_start3A_374] : memref<4x64x128xf32, #tpu.memory_space<vmem>> -> memref<1x64x128xf32, #tpu.memory_space<vmem>>
      %dma_start3A_376 = tpu.memref_squeeze %dma_start3A_375 : memref<1x64x128xf32, #tpu.memory_space<vmem>> -> memref<64x128xf32, #tpu.memory_space<vmem>>
      %dma_start3A_377 = arith.constant 0 : i32
      %dma_start3A_378 = tpu.memref_slice %arg7[%dma_start3A_370, %dma_start3A_377] : memref<4x64xi32, #tpu.memory_space<vmem>> -> memref<1x64xi32, #tpu.memory_space<vmem>>
      %dma_start3A_379 = tpu.memref_squeeze %dma_start3A_378 : memref<1x64xi32, #tpu.memory_space<vmem>> -> memref<64xi32, #tpu.memory_space<vmem>>
      %dma_start3A_380 = arith.constant 0 : i32
      %dma_start3A_381 = arith.constant 0 : i32
      %dma_start3A_382 = tpu.memref_slice %arg4[%dma_start3A_380, %dma_start3A_381] : memref<40000x128xf32, #tpu.memory_space<hbm>> -> memref<40000x128xf32, #tpu.memory_space<hbm>>
      %dma_start3A_383 = tpu.memref_slice %arg18[%dma_start3A_372] : memref<4x!tpu.dma_semaphore, #tpu.memory_space<semaphore_mem>> -> memref<1x!tpu.dma_semaphore, #tpu.memory_space<semaphore_mem>>
      %dma_start3A_384 = tpu.memref_squeeze %dma_start3A_383 : memref<1x!tpu.dma_semaphore, #tpu.memory_space<semaphore_mem>> -> memref<!tpu.dma_semaphore, #tpu.memory_space<semaphore_mem>>
      tpu.enqueue_indirect_dma source(%dma_start3A_382 : memref<40000x128xf32, #tpu.memory_space<hbm>>) target(%dma_start3A_376 : memref<64x128xf32, #tpu.memory_space<vmem>>) offsets(%dma_start3A_379 : memref<64xi32, #tpu.memory_space<vmem>>) semaphore(%dma_start3A_384 : memref<!tpu.dma_semaphore, #tpu.memory_space<semaphore_mem>>)
      %dma_start3A_385 = arith.constant 0 : i32
      %dma_start3A_386 = arith.constant 0 : i32
      %dma_start3A_387 = arith.constant 0 : i32
      %dma_start3A_388 = arith.constant 0 : i32
      %dma_start3A_389 = tpu.memref_slice %arg10[%dma_start3A_386, %dma_start3A_388] : memref<4x64xf32, #tpu.memory_space<vmem>> -> memref<1x64xf32, #tpu.memory_space<vmem>>
      %dma_start3A_390 = tpu.memref_squeeze %dma_start3A_389 : memref<1x64xf32, #tpu.memory_space<vmem>> -> memref<64xf32, #tpu.memory_space<vmem>>
      %dma_start3A_391 = arith.constant 0 : i32
      %dma_start3A_392 = tpu.memref_slice %arg8[%dma_start3A_385, %dma_start3A_391] : memref<4x64xi32, #tpu.memory_space<vmem>> -> memref<1x64xi32, #tpu.memory_space<vmem>>
      %dma_start3A_393 = tpu.memref_squeeze %dma_start3A_392 : memref<1x64xi32, #tpu.memory_space<vmem>> -> memref<64xi32, #tpu.memory_space<vmem>>
      %dma_start3A_394 = arith.constant 0 : i32
      %dma_start3A_395 = tpu.memref_slice %arg15[%dma_start3A_394] : memref<40960xf32, #tpu.memory_space<vmem_shared>> -> memref<40960xf32, #tpu.memory_space<vmem_shared>>
      %dma_start3A_396 = tpu.memref_slice %arg19[%dma_start3A_387] : memref<4x!tpu.dma_semaphore, #tpu.memory_space<semaphore_mem>> -> memref<1x!tpu.dma_semaphore, #tpu.memory_space<semaphore_mem>>
      %dma_start3A_397 = tpu.memref_squeeze %dma_start3A_396 : memref<1x!tpu.dma_semaphore, #tpu.memory_space<semaphore_mem>> -> memref<!tpu.dma_semaphore, #tpu.memory_space<semaphore_mem>>
      tpu.enqueue_indirect_dma source(%dma_start3A_395 : memref<40960xf32, #tpu.memory_space<vmem_shared>>) target(%dma_start3A_390 : memref<64xf32, #tpu.memory_space<vmem>>) offsets(%dma_start3A_393 : memref<64xi32, #tpu.memory_space<vmem>>) semaphore(%dma_start3A_397 : memref<!tpu.dma_semaphore, #tpu.memory_space<semaphore_mem>>)
      %jit3A_398 = arith.constant 4 : i32
      %div3A_399 = arith.divsi %select_n3A_8, %jit3A_398 : i32
      %sign3A_400 = arith.constant 0 : i32
      %sign3A_401 = arith.cmpi sgt, %select_n3A_8, %sign3A_400 : i32
      %sign3A_402 = arith.extui %sign3A_401 : i1 to i32
      %sign3A_403 = arith.constant 0 : i32
      %sign3A_404 = arith.cmpi slt, %select_n3A_8, %sign3A_403 : i32
      %sign3A_405 = arith.extui %sign3A_404 : i1 to i32
      %sign3A_406 = arith.subi %sign3A_402, %sign3A_405 : i32
      %sign3A_407 = arith.constant 0 : i32
      %sign3A_408 = arith.cmpi sgt, %jit3A_398, %sign3A_407 : i32
      %sign3A_409 = arith.extui %sign3A_408 : i1 to i32
      %sign3A_410 = arith.constant 0 : i32
      %sign3A_411 = arith.cmpi slt, %jit3A_398, %sign3A_410 : i32
      %sign3A_412 = arith.extui %sign3A_411 : i1 to i32
      %sign3A_413 = arith.subi %sign3A_409, %sign3A_412 : i32
      %ne3A_414 = arith.cmpi ne, %sign3A_406, %sign3A_413 : i32
      %rem3A_415 = arith.remsi %select_n3A_8, %jit3A_398 : i32
      %ne3A_416 = arith.constant 0 : i32
      %ne3A_417 = arith.cmpi ne, %rem3A_415, %ne3A_416 : i32
      %and3A_418 = arith.andi %ne3A_414, %ne3A_417 : i1
      %sub3A_419 = arith.constant 1 : i32
      %sub3A_420 = arith.subi %div3A_399, %sub3A_419 : i32
      %select_n3A_421 = arith.select %and3A_418, %sub3A_420, %div3A_399 : i32
      %sub3A_422 = arith.constant 1 : i32
      %sub3A_423 = arith.subi %select_n3A_421, %sub3A_422 : i32
      %lt3A = arith.cmpi slt, %add3A_341, %sub3A_423 : i32
      %convert_element_type3A_424 = arith.extui %lt3A : i1 to i32
      %cond3A_425 = arith.constant 0 : i32
      %cond3A_426 = arith.cmpi ne, %convert_element_type3A_424, %cond3A_425 : i32
      scf.if %cond3A_426 {
        %add3A_757 = arith.constant 4 : i32
        %add3A_758 = arith.addi %add3A_345, %add3A_757 : i32
        %add3A_759 = arith.addi %select_n3A, %add3A_758 : i32
        %dma_start3A_760 = arith.constant 0 : i32
        %dma_start3A_761 = arith.constant 0 : i32
        %dma_start3A_762 = arith.constant 0 : i32
        %dma_start3A_763 = tpu.memref_slice %arg6[%dma_start3A_760, %dma_start3A_762] : memref<4x192xi32, #tpu.memory_space<vmem>> -> memref<1x192xi32, #tpu.memory_space<vmem>>
        %dma_start3A_764 = tpu.memref_squeeze %dma_start3A_763 : memref<1x192xi32, #tpu.memory_space<vmem>> -> memref<192xi32, #tpu.memory_space<vmem>>
        %dma_start3A_765 = arith.constant 0 : i32
        %dma_start3A_766 = tpu.memref_slice %arg2[%add3A_759, %dma_start3A_765] : memref<5120x192xi32, #tpu.memory_space<hbm>> -> memref<1x192xi32, #tpu.memory_space<hbm>>
        %dma_start3A_767 = tpu.memref_squeeze %dma_start3A_766 : memref<1x192xi32, #tpu.memory_space<hbm>> -> memref<192xi32, #tpu.memory_space<hbm>>
        %dma_start3A_768 = tpu.memref_slice %arg17[%dma_start3A_761] : memref<4x!tpu.dma_semaphore, #tpu.memory_space<semaphore_mem>> -> memref<1x!tpu.dma_semaphore, #tpu.memory_space<semaphore_mem>>
        %dma_start3A_769 = tpu.memref_squeeze %dma_start3A_768 : memref<1x!tpu.dma_semaphore, #tpu.memory_space<semaphore_mem>> -> memref<!tpu.dma_semaphore, #tpu.memory_space<semaphore_mem>>
        %dma_start3A_770 = arith.constant 0 : i32
        %dma_start3A_771 = tpu.memref_slice %arg6[%dma_start3A_760, %dma_start3A_770] : memref<4x192xi32, #tpu.memory_space<vmem>> -> memref<1x192xi32, #tpu.memory_space<vmem>>
        %dma_start3A_772 = tpu.memref_squeeze %dma_start3A_771 : memref<1x192xi32, #tpu.memory_space<vmem>> -> memref<192xi32, #tpu.memory_space<vmem>>
        %dma_start3A_773 = arith.constant 0 : i32
        %dma_start3A_774 = tpu.memref_slice %arg2[%add3A_759, %dma_start3A_773] : memref<5120x192xi32, #tpu.memory_space<hbm>> -> memref<1x192xi32, #tpu.memory_space<hbm>>
        %dma_start3A_775 = tpu.memref_squeeze %dma_start3A_774 : memref<1x192xi32, #tpu.memory_space<hbm>> -> memref<192xi32, #tpu.memory_space<hbm>>
        tpu.enqueue_dma source(%dma_start3A_775 : memref<192xi32, #tpu.memory_space<hbm>>) target(%dma_start3A_772 : memref<192xi32, #tpu.memory_space<vmem>>) target_semaphore(%dma_start3A_769 : memref<!tpu.dma_semaphore, #tpu.memory_space<semaphore_mem>>)
      } else {
      }
      %gt3A_427 = arith.constant 0 : i32
      %gt3A_428 = arith.cmpi sgt, %add3A_341, %gt3A_427 : i32
      %convert_element_type3A_429 = arith.extui %gt3A_428 : i1 to i32
      %cond3A_430 = arith.constant 0 : i32
      %cond3A_431 = arith.cmpi ne, %convert_element_type3A_429, %cond3A_430 : i32
      scf.if %cond3A_431 {
        %dma_wait3A_757 = arith.constant 1 : i32
        %dma_wait3A_758 = arith.constant 1 : i32
        %dma_wait3A_759 = arith.constant 1 : i32
        %dma_wait3A_760 = arith.constant 0 : i32
        %dma_wait3A_761 = arith.constant 0 : i32
        %dma_wait3A_762 = tpu.memref_slice %arg11[%dma_wait3A_758, %dma_wait3A_760, %dma_wait3A_761] : memref<4x64x128xf32, #tpu.memory_space<vmem>> -> memref<1x64x128xf32, #tpu.memory_space<vmem>>
        %dma_wait3A_763 = tpu.memref_squeeze %dma_wait3A_762 : memref<1x64x128xf32, #tpu.memory_space<vmem>> -> memref<64x128xf32, #tpu.memory_space<vmem>>
        %dma_wait3A_764 = arith.constant 0 : i32
        %dma_wait3A_765 = tpu.memref_slice %arg7[%dma_wait3A_757, %dma_wait3A_764] : memref<4x64xi32, #tpu.memory_space<vmem>> -> memref<1x64xi32, #tpu.memory_space<vmem>>
        %dma_wait3A_766 = tpu.memref_squeeze %dma_wait3A_765 : memref<1x64xi32, #tpu.memory_space<vmem>> -> memref<64xi32, #tpu.memory_space<vmem>>
        %dma_wait3A_767 = arith.constant 0 : i32
        %dma_wait3A_768 = arith.constant 0 : i32
        %dma_wait3A_769 = tpu.memref_slice %arg4[%dma_wait3A_767, %dma_wait3A_768] : memref<40000x128xf32, #tpu.memory_space<hbm>> -> memref<40000x128xf32, #tpu.memory_space<hbm>>
        %dma_wait3A_770 = tpu.memref_slice %arg18[%dma_wait3A_759] : memref<4x!tpu.dma_semaphore, #tpu.memory_space<semaphore_mem>> -> memref<1x!tpu.dma_semaphore, #tpu.memory_space<semaphore_mem>>
        %dma_wait3A_771 = tpu.memref_squeeze %dma_wait3A_770 : memref<1x!tpu.dma_semaphore, #tpu.memory_space<semaphore_mem>> -> memref<!tpu.dma_semaphore, #tpu.memory_space<semaphore_mem>>
        tpu.wait_indirect_dma semaphore(%dma_wait3A_771 : memref<!tpu.dma_semaphore, #tpu.memory_space<semaphore_mem>>) src(%dma_wait3A_769 : memref<40000x128xf32, #tpu.memory_space<hbm>>) dst(%dma_wait3A_763 : memref<64x128xf32, #tpu.memory_space<vmem>>)
        %dma_wait3A_772 = arith.constant 1 : i32
        %dma_wait3A_773 = arith.constant 1 : i32
        %dma_wait3A_774 = arith.constant 1 : i32
        %dma_wait3A_775 = arith.constant 0 : i32
        %dma_wait3A_776 = tpu.memref_slice %arg10[%dma_wait3A_773, %dma_wait3A_775] : memref<4x64xf32, #tpu.memory_space<vmem>> -> memref<1x64xf32, #tpu.memory_space<vmem>>
        %dma_wait3A_777 = tpu.memref_squeeze %dma_wait3A_776 : memref<1x64xf32, #tpu.memory_space<vmem>> -> memref<64xf32, #tpu.memory_space<vmem>>
        %dma_wait3A_778 = arith.constant 0 : i32
        %dma_wait3A_779 = tpu.memref_slice %arg8[%dma_wait3A_772, %dma_wait3A_778] : memref<4x64xi32, #tpu.memory_space<vmem>> -> memref<1x64xi32, #tpu.memory_space<vmem>>
        %dma_wait3A_780 = tpu.memref_squeeze %dma_wait3A_779 : memref<1x64xi32, #tpu.memory_space<vmem>> -> memref<64xi32, #tpu.memory_space<vmem>>
        %dma_wait3A_781 = arith.constant 0 : i32
        %dma_wait3A_782 = tpu.memref_slice %arg15[%dma_wait3A_781] : memref<40960xf32, #tpu.memory_space<vmem_shared>> -> memref<40960xf32, #tpu.memory_space<vmem_shared>>
        %dma_wait3A_783 = tpu.memref_slice %arg19[%dma_wait3A_774] : memref<4x!tpu.dma_semaphore, #tpu.memory_space<semaphore_mem>> -> memref<1x!tpu.dma_semaphore, #tpu.memory_space<semaphore_mem>>
        %dma_wait3A_784 = tpu.memref_squeeze %dma_wait3A_783 : memref<1x!tpu.dma_semaphore, #tpu.memory_space<semaphore_mem>> -> memref<!tpu.dma_semaphore, #tpu.memory_space<semaphore_mem>>
        tpu.wait_indirect_dma semaphore(%dma_wait3A_784 : memref<!tpu.dma_semaphore, #tpu.memory_space<semaphore_mem>>) src(%dma_wait3A_782 : memref<40960xf32, #tpu.memory_space<vmem_shared>>) dst(%dma_wait3A_777 : memref<64xf32, #tpu.memory_space<vmem>>)
        %scan3A_785 = arith.constant 0 : i32
        %scan3A_786 = arith.constant 64 : i32
        %scan3A_787 = arith.addi %scan3A_785, %scan3A_786 : i32
        %scan3A_788 = arith.constant 1 : i32
        scf.for %scan3A_805 = %scan3A_785 to %scan3A_787 step %scan3A_788  : i32 {
          %mul3A_806 = arith.constant 1 : i32
          %mul3A_807 = arith.muli %scan3A_805, %mul3A_806 : i32
          %add3A_808 = arith.constant 0 : i32
          %add3A_809 = arith.addi %add3A_808, %mul3A_807 : i32
          %broadcast_in_dim3A = vector.broadcast %add3A_809 : i32 to vector<16xi32>
          %gather3A = arith.constant 1 : i32
          %gather3A_810 = arith.constant 0 : i32
          %gather3A_811 = tpu.memref_slice %arg10[%gather3A, %gather3A_810] : memref<4x64xf32, #tpu.memory_space<vmem>> -> memref<1x64xf32, #tpu.memory_space<vmem>>
          %gather3A_812 = tpu.memref_squeeze %gather3A_811 : memref<1x64xf32, #tpu.memory_space<vmem>> -> memref<64xf32, #tpu.memory_space<vmem>>
          %gather3A_813 = tpu.vector_load_idx %gather3A_812[%broadcast_in_dim3A] : memref<64xf32, #tpu.memory_space<vmem>>[vector<16xi32>], vector<16xf32>,
          %get3A = arith.constant 1 : i32
          %get3A_814 = arith.index_cast %get3A : i32 to index
          %get3A_815 = arith.index_cast %add3A_809 : i32 to index
          %get3A_816 = arith.constant 0 : index
          %get3A_817 = tpu.vector_load %arg11[%get3A_814, %get3A_815, %get3A_816] {strides = array<i32>} : memref<4x64x128xf32, #tpu.memory_space<vmem>>, vector<16xf32>,
          %mul3A_818 = arith.mulf %get3A_817, %gather3A_813 : vector<16xf32>
          %swap3A = arith.constant 1 : i32
          %swap3A_819 = arith.index_cast %swap3A : i32 to index
          %swap3A_820 = arith.index_cast %add3A_809 : i32 to index
          %swap3A_821 = arith.constant 0 : index
          %swap3A_822 = tpu.vector_load %arg11[%swap3A_819, %swap3A_820, %swap3A_821] {strides = array<i32>} : memref<4x64x128xf32, #tpu.memory_space<vmem>>, vector<16xf32>,
          tpu.vector_store %arg11[%swap3A_819, %swap3A_820, %swap3A_821], %mul3A_818 {strides = array<i32>} : memref<4x64x128xf32, #tpu.memory_space<vmem>>, vector<16xf32>,
          %get3A_823 = arith.constant 1 : i32
          %get3A_824 = arith.index_cast %get3A_823 : i32 to index
          %get3A_825 = arith.index_cast %add3A_809 : i32 to index
          %get3A_826 = arith.constant 16 : index
          %get3A_827 = tpu.vector_load %arg11[%get3A_824, %get3A_825, %get3A_826] {strides = array<i32>} : memref<4x64x128xf32, #tpu.memory_space<vmem>>, vector<16xf32>,
          %mul3A_828 = arith.mulf %get3A_827, %gather3A_813 : vector<16xf32>
          %swap3A_829 = arith.constant 1 : i32
          %swap3A_830 = arith.index_cast %swap3A_829 : i32 to index
          %swap3A_831 = arith.index_cast %add3A_809 : i32 to index
          %swap3A_832 = arith.constant 16 : index
          %swap3A_833 = tpu.vector_load %arg11[%swap3A_830, %swap3A_831, %swap3A_832] {strides = array<i32>} : memref<4x64x128xf32, #tpu.memory_space<vmem>>, vector<16xf32>,
          tpu.vector_store %arg11[%swap3A_830, %swap3A_831, %swap3A_832], %mul3A_828 {strides = array<i32>} : memref<4x64x128xf32, #tpu.memory_space<vmem>>, vector<16xf32>,
          %get3A_834 = arith.constant 1 : i32
          %get3A_835 = arith.index_cast %get3A_834 : i32 to index
          %get3A_836 = arith.index_cast %add3A_809 : i32 to index
          %get3A_837 = arith.constant 32 : index
          %get3A_838 = tpu.vector_load %arg11[%get3A_835, %get3A_836, %get3A_837] {strides = array<i32>} : memref<4x64x128xf32, #tpu.memory_space<vmem>>, vector<16xf32>,
          %mul3A_839 = arith.mulf %get3A_838, %gather3A_813 : vector<16xf32>
          %swap3A_840 = arith.constant 1 : i32
          %swap3A_841 = arith.index_cast %swap3A_840 : i32 to index
          %swap3A_842 = arith.index_cast %add3A_809 : i32 to index
          %swap3A_843 = arith.constant 32 : index
          %swap3A_844 = tpu.vector_load %arg11[%swap3A_841, %swap3A_842, %swap3A_843] {strides = array<i32>} : memref<4x64x128xf32, #tpu.memory_space<vmem>>, vector<16xf32>,
          tpu.vector_store %arg11[%swap3A_841, %swap3A_842, %swap3A_843], %mul3A_839 {strides = array<i32>} : memref<4x64x128xf32, #tpu.memory_space<vmem>>, vector<16xf32>,
          %get3A_845 = arith.constant 1 : i32
          %get3A_846 = arith.index_cast %get3A_845 : i32 to index
          %get3A_847 = arith.index_cast %add3A_809 : i32 to index
          %get3A_848 = arith.constant 48 : index
          %get3A_849 = tpu.vector_load %arg11[%get3A_846, %get3A_847, %get3A_848] {strides = array<i32>} : memref<4x64x128xf32, #tpu.memory_space<vmem>>, vector<16xf32>,
          %mul3A_850 = arith.mulf %get3A_849, %gather3A_813 : vector<16xf32>
          %swap3A_851 = arith.constant 1 : i32
          %swap3A_852 = arith.index_cast %swap3A_851 : i32 to index
          %swap3A_853 = arith.index_cast %add3A_809 : i32 to index
          %swap3A_854 = arith.constant 48 : index
          %swap3A_855 = tpu.vector_load %arg11[%swap3A_852, %swap3A_853, %swap3A_854] {strides = array<i32>} : memref<4x64x128xf32, #tpu.memory_space<vmem>>, vector<16xf32>,
          tpu.vector_store %arg11[%swap3A_852, %swap3A_853, %swap3A_854], %mul3A_850 {strides = array<i32>} : memref<4x64x128xf32, #tpu.memory_space<vmem>>, vector<16xf32>,
          %get3A_856 = arith.constant 1 : i32
          %get3A_857 = arith.index_cast %get3A_856 : i32 to index
          %get3A_858 = arith.index_cast %add3A_809 : i32 to index
          %get3A_859 = arith.constant 64 : index
          %get3A_860 = tpu.vector_load %arg11[%get3A_857, %get3A_858, %get3A_859] {strides = array<i32>} : memref<4x64x128xf32, #tpu.memory_space<vmem>>, vector<16xf32>,
          %mul3A_861 = arith.mulf %get3A_860, %gather3A_813 : vector<16xf32>
          %swap3A_862 = arith.constant 1 : i32
          %swap3A_863 = arith.index_cast %swap3A_862 : i32 to index
          %swap3A_864 = arith.index_cast %add3A_809 : i32 to index
          %swap3A_865 = arith.constant 64 : index
          %swap3A_866 = tpu.vector_load %arg11[%swap3A_863, %swap3A_864, %swap3A_865] {strides = array<i32>} : memref<4x64x128xf32, #tpu.memory_space<vmem>>, vector<16xf32>,
          tpu.vector_store %arg11[%swap3A_863, %swap3A_864, %swap3A_865], %mul3A_861 {strides = array<i32>} : memref<4x64x128xf32, #tpu.memory_space<vmem>>, vector<16xf32>,
          %get3A_867 = arith.constant 1 : i32
          %get3A_868 = arith.index_cast %get3A_867 : i32 to index
          %get3A_869 = arith.index_cast %add3A_809 : i32 to index
          %get3A_870 = arith.constant 80 : index
          %get3A_871 = tpu.vector_load %arg11[%get3A_868, %get3A_869, %get3A_870] {strides = array<i32>} : memref<4x64x128xf32, #tpu.memory_space<vmem>>, vector<16xf32>,
          %mul3A_872 = arith.mulf %get3A_871, %gather3A_813 : vector<16xf32>
          %swap3A_873 = arith.constant 1 : i32
          %swap3A_874 = arith.index_cast %swap3A_873 : i32 to index
          %swap3A_875 = arith.index_cast %add3A_809 : i32 to index
          %swap3A_876 = arith.constant 80 : index
          %swap3A_877 = tpu.vector_load %arg11[%swap3A_874, %swap3A_875, %swap3A_876] {strides = array<i32>} : memref<4x64x128xf32, #tpu.memory_space<vmem>>, vector<16xf32>,
          tpu.vector_store %arg11[%swap3A_874, %swap3A_875, %swap3A_876], %mul3A_872 {strides = array<i32>} : memref<4x64x128xf32, #tpu.memory_space<vmem>>, vector<16xf32>,
          %get3A_878 = arith.constant 1 : i32
          %get3A_879 = arith.index_cast %get3A_878 : i32 to index
          %get3A_880 = arith.index_cast %add3A_809 : i32 to index
          %get3A_881 = arith.constant 96 : index
          %get3A_882 = tpu.vector_load %arg11[%get3A_879, %get3A_880, %get3A_881] {strides = array<i32>} : memref<4x64x128xf32, #tpu.memory_space<vmem>>, vector<16xf32>,
          %mul3A_883 = arith.mulf %get3A_882, %gather3A_813 : vector<16xf32>
          %swap3A_884 = arith.constant 1 : i32
          %swap3A_885 = arith.index_cast %swap3A_884 : i32 to index
          %swap3A_886 = arith.index_cast %add3A_809 : i32 to index
          %swap3A_887 = arith.constant 96 : index
          %swap3A_888 = tpu.vector_load %arg11[%swap3A_885, %swap3A_886, %swap3A_887] {strides = array<i32>} : memref<4x64x128xf32, #tpu.memory_space<vmem>>, vector<16xf32>,
          tpu.vector_store %arg11[%swap3A_885, %swap3A_886, %swap3A_887], %mul3A_883 {strides = array<i32>} : memref<4x64x128xf32, #tpu.memory_space<vmem>>, vector<16xf32>,
          %get3A_889 = arith.constant 1 : i32
          %get3A_890 = arith.index_cast %get3A_889 : i32 to index
          %get3A_891 = arith.index_cast %add3A_809 : i32 to index
          %get3A_892 = arith.constant 112 : index
          %get3A_893 = tpu.vector_load %arg11[%get3A_890, %get3A_891, %get3A_892] {strides = array<i32>} : memref<4x64x128xf32, #tpu.memory_space<vmem>>, vector<16xf32>,
          %mul3A_894 = arith.mulf %get3A_893, %gather3A_813 : vector<16xf32>
          %swap3A_895 = arith.constant 1 : i32
          %swap3A_896 = arith.index_cast %swap3A_895 : i32 to index
          %swap3A_897 = arith.index_cast %add3A_809 : i32 to index
          %swap3A_898 = arith.constant 112 : index
          %swap3A_899 = tpu.vector_load %arg11[%swap3A_896, %swap3A_897, %swap3A_898] {strides = array<i32>} : memref<4x64x128xf32, #tpu.memory_space<vmem>>, vector<16xf32>,
          tpu.vector_store %arg11[%swap3A_896, %swap3A_897, %swap3A_898], %mul3A_894 {strides = array<i32>} : memref<4x64x128xf32, #tpu.memory_space<vmem>>, vector<16xf32>,
        }
        %scan3A_789 = arith.constant 64 : i32
        %dma_start3A_790 = arith.constant 1 : i32
        %dma_start3A_791 = arith.constant 1 : i32
        %dma_start3A_792 = arith.constant 1 : i32
        %dma_start3A_793 = arith.constant 0 : i32
        %dma_start3A_794 = arith.constant 0 : i32
        %dma_start3A_795 = tpu.memref_slice %arg11[%dma_start3A_790, %dma_start3A_793, %dma_start3A_794] : memref<4x64x128xf32, #tpu.memory_space<vmem>> -> memref<1x64x128xf32, #tpu.memory_space<vmem>>
        %dma_start3A_796 = tpu.memref_squeeze %dma_start3A_795 : memref<1x64x128xf32, #tpu.memory_space<vmem>> -> memref<64x128xf32, #tpu.memory_space<vmem>>
        %dma_start3A_797 = arith.constant 0 : i32
        %dma_start3A_798 = tpu.memref_slice %arg9[%dma_start3A_791, %dma_start3A_797] : memref<4x64xi32, #tpu.memory_space<vmem>> -> memref<1x64xi32, #tpu.memory_space<vmem>>
        %dma_start3A_799 = tpu.memref_squeeze %dma_start3A_798 : memref<1x64xi32, #tpu.memory_space<vmem>> -> memref<64xi32, #tpu.memory_space<vmem>>
        %dma_start3A_800 = arith.constant 0 : i32
        %dma_start3A_801 = arith.constant 0 : i32
        %dma_start3A_802 = tpu.memref_slice %arg16[%dma_start3A_800, %dma_start3A_801] : memref<10240x128xf32, #tpu.memory_space<vmem_shared>> -> memref<10240x128xf32, #tpu.memory_space<vmem_shared>>
        %dma_start3A_803 = tpu.memref_slice %arg20[%dma_start3A_792] : memref<4x!tpu.dma_semaphore, #tpu.memory_space<semaphore_mem>> -> memref<1x!tpu.dma_semaphore, #tpu.memory_space<semaphore_mem>>
        %dma_start3A_804 = tpu.memref_squeeze %dma_start3A_803 : memref<1x!tpu.dma_semaphore, #tpu.memory_space<semaphore_mem>> -> memref<!tpu.dma_semaphore, #tpu.memory_space<semaphore_mem>>
        tpu.enqueue_indirect_dma source(%dma_start3A_796 : memref<64x128xf32, #tpu.memory_space<vmem>>) target(%dma_start3A_802 : memref<10240x128xf32, #tpu.memory_space<vmem_shared>>) offsets(%dma_start3A_799 : memref<64xi32, #tpu.memory_space<vmem>>) semaphore(%dma_start3A_804 : memref<!tpu.dma_semaphore, #tpu.memory_space<semaphore_mem>>) {add = true}
      } else {
      }
      %mul3A_432 = arith.constant 4 : i32
      %mul3A_433 = arith.muli %mul3A_432, %add3A_341 : i32
      %add3A_434 = arith.constant 1 : i32
      %add3A_435 = arith.addi %mul3A_433, %add3A_434 : i32
      %add3A_436 = arith.addi %select_n3A, %add3A_435 : i32
      %dma_wait3A_437 = arith.constant 1 : i32
      %dma_wait3A_438 = arith.constant 1 : i32
      %dma_wait3A_439 = arith.constant 0 : i32
      %dma_wait3A_440 = tpu.memref_slice %arg6[%dma_wait3A_437, %dma_wait3A_439] : memref<4x192xi32, #tpu.memory_space<vmem>> -> memref<1x192xi32, #tpu.memory_space<vmem>>
      %dma_wait3A_441 = tpu.memref_squeeze %dma_wait3A_440 : memref<1x192xi32, #tpu.memory_space<vmem>> -> memref<192xi32, #tpu.memory_space<vmem>>
      %dma_wait3A_442 = arith.constant 0 : i32
      %dma_wait3A_443 = tpu.memref_slice %arg2[%add3A_436, %dma_wait3A_442] : memref<5120x192xi32, #tpu.memory_space<hbm>> -> memref<1x192xi32, #tpu.memory_space<hbm>>
      %dma_wait3A_444 = tpu.memref_squeeze %dma_wait3A_443 : memref<1x192xi32, #tpu.memory_space<hbm>> -> memref<192xi32, #tpu.memory_space<hbm>>
      %dma_wait3A_445 = tpu.memref_slice %arg17[%dma_wait3A_438] : memref<4x!tpu.dma_semaphore, #tpu.memory_space<semaphore_mem>> -> memref<1x!tpu.dma_semaphore, #tpu.memory_space<semaphore_mem>>
      %dma_wait3A_446 = tpu.memref_squeeze %dma_wait3A_445 : memref<1x!tpu.dma_semaphore, #tpu.memory_space<semaphore_mem>> -> memref<!tpu.dma_semaphore, #tpu.memory_space<semaphore_mem>>
      %dma_wait3A_447 = arith.constant 0 : i32
      %dma_wait3A_448 = tpu.memref_slice %arg6[%dma_wait3A_437, %dma_wait3A_447] : memref<4x192xi32, #tpu.memory_space<vmem>> -> memref<1x192xi32, #tpu.memory_space<vmem>>
      %dma_wait3A_449 = tpu.memref_squeeze %dma_wait3A_448 : memref<1x192xi32, #tpu.memory_space<vmem>> -> memref<192xi32, #tpu.memory_space<vmem>>
      %dma_wait3A_450 = arith.constant 0 : i32
      %dma_wait3A_451 = tpu.memref_slice %arg2[%add3A_436, %dma_wait3A_450] : memref<5120x192xi32, #tpu.memory_space<hbm>> -> memref<1x192xi32, #tpu.memory_space<hbm>>
      %dma_wait3A_452 = tpu.memref_squeeze %dma_wait3A_451 : memref<1x192xi32, #tpu.memory_space<hbm>> -> memref<192xi32, #tpu.memory_space<hbm>>
      tpu.wait_dma2 semaphore(%dma_wait3A_446 : memref<!tpu.dma_semaphore, #tpu.memory_space<semaphore_mem>>) src(%dma_wait3A_452 : memref<192xi32, #tpu.memory_space<hbm>>) dst(%dma_wait3A_449 : memref<192xi32, #tpu.memory_space<vmem>>)
      %gt3A_453 = arith.constant 0 : i32
      %gt3A_454 = arith.cmpi sgt, %add3A_341, %gt3A_453 : i32
      %convert_element_type3A_455 = arith.extui %gt3A_454 : i1 to i32
      %cond3A_456 = arith.constant 0 : i32
      %cond3A_457 = arith.cmpi ne, %convert_element_type3A_455, %cond3A_456 : i32
      scf.if %cond3A_457 {
        %dma_wait3A_757 = arith.constant 1 : i32
        %dma_wait3A_758 = arith.constant 1 : i32
        %dma_wait3A_759 = arith.constant 1 : i32
        %dma_wait3A_760 = arith.constant 0 : i32
        %dma_wait3A_761 = arith.constant 0 : i32
        %dma_wait3A_762 = tpu.memref_slice %arg11[%dma_wait3A_757, %dma_wait3A_760, %dma_wait3A_761] : memref<4x64x128xf32, #tpu.memory_space<vmem>> -> memref<1x64x128xf32, #tpu.memory_space<vmem>>
        %dma_wait3A_763 = tpu.memref_squeeze %dma_wait3A_762 : memref<1x64x128xf32, #tpu.memory_space<vmem>> -> memref<64x128xf32, #tpu.memory_space<vmem>>
        %dma_wait3A_764 = arith.constant 0 : i32
        %dma_wait3A_765 = tpu.memref_slice %arg9[%dma_wait3A_758, %dma_wait3A_764] : memref<4x64xi32, #tpu.memory_space<vmem>> -> memref<1x64xi32, #tpu.memory_space<vmem>>
        %dma_wait3A_766 = tpu.memref_squeeze %dma_wait3A_765 : memref<1x64xi32, #tpu.memory_space<vmem>> -> memref<64xi32, #tpu.memory_space<vmem>>
        %dma_wait3A_767 = arith.constant 0 : i32
        %dma_wait3A_768 = arith.constant 0 : i32
        %dma_wait3A_769 = tpu.memref_slice %arg16[%dma_wait3A_767, %dma_wait3A_768] : memref<10240x128xf32, #tpu.memory_space<vmem_shared>> -> memref<10240x128xf32, #tpu.memory_space<vmem_shared>>
        %dma_wait3A_770 = tpu.memref_slice %arg20[%dma_wait3A_759] : memref<4x!tpu.dma_semaphore, #tpu.memory_space<semaphore_mem>> -> memref<1x!tpu.dma_semaphore, #tpu.memory_space<semaphore_mem>>
        %dma_wait3A_771 = tpu.memref_squeeze %dma_wait3A_770 : memref<1x!tpu.dma_semaphore, #tpu.memory_space<semaphore_mem>> -> memref<!tpu.dma_semaphore, #tpu.memory_space<semaphore_mem>>
        tpu.wait_indirect_dma semaphore(%dma_wait3A_771 : memref<!tpu.dma_semaphore, #tpu.memory_space<semaphore_mem>>) src(%dma_wait3A_763 : memref<64x128xf32, #tpu.memory_space<vmem>>) dst(%dma_wait3A_769 : memref<10240x128xf32, #tpu.memory_space<vmem_shared>>)
      } else {
      }
      %scan3A_458 = arith.constant 0 : i32
      %scan3A_459 = arith.constant 4 : i32
      %scan3A_460 = arith.addi %scan3A_458, %scan3A_459 : i32
      %scan3A_461 = arith.constant 1 : i32
      scf.for %scan3A_757 = %scan3A_458 to %scan3A_460 step %scan3A_461  : i32 {
        %mul3A_758 = arith.constant 1 : i32
        %mul3A_759 = arith.muli %scan3A_757, %mul3A_758 : i32
        %add3A_760 = arith.constant 0 : i32
        %add3A_761 = arith.addi %add3A_760, %mul3A_759 : i32
        %mul3A_762 = arith.constant 16 : i32
        %mul3A_763 = arith.muli %add3A_761, %mul3A_762 : i32
        %mul3A_764 = arith.constant 16 : i32
        %mul3A_765 = arith.muli %add3A_761, %mul3A_764 : i32
        %add3A_766 = arith.constant 64 : i32
        %add3A_767 = arith.addi %add3A_766, %mul3A_765 : i32
        %get3A = arith.constant 1 : i32
        %get3A_768 = arith.index_cast %get3A : i32 to index
        %get3A_769 = arith.index_cast %add3A_767 : i32 to index
        %get3A_770 = tpu.vector_load %arg6[%get3A_768, %get3A_769] {strides = array<i32>} : memref<4x192xi32, #tpu.memory_space<vmem>>, vector<16xi32>,
        %mul3A_771 = arith.constant 16 : i32
        %mul3A_772 = arith.muli %add3A_761, %mul3A_771 : i32
        %add3A_773 = arith.constant 128 : i32
        %add3A_774 = arith.addi %add3A_773, %mul3A_772 : i32
        %get3A_775 = arith.constant 1 : i32
        %get3A_776 = arith.index_cast %get3A_775 : i32 to index
        %get3A_777 = arith.index_cast %add3A_774 : i32 to index
        %get3A_778 = tpu.vector_load %arg6[%get3A_776, %get3A_777] {strides = array<i32>} : memref<4x192xi32, #tpu.memory_space<vmem>>, vector<16xi32>,
        %mul3A_779 = arith.constant 10000 : i32
        %mul3A_780 = vector.broadcast %mul3A_779 : i32 to vector<16xi32>
        %mul3A_781 = arith.muli %get3A_770, %mul3A_780 : vector<16xi32>
        %mul3A_782 = arith.constant 16 : i32
        %mul3A_783 = arith.muli %add3A_761, %mul3A_782 : i32
        %get3A_784 = arith.constant 1 : i32
        %get3A_785 = arith.index_cast %get3A_784 : i32 to index
        %get3A_786 = arith.index_cast %mul3A_783 : i32 to index
        %get3A_787 = tpu.vector_load %arg6[%get3A_785, %get3A_786] {strides = array<i32>} : memref<4x192xi32, #tpu.memory_space<vmem>>, vector<16xi32>,
        %add3A_788 = arith.addi %mul3A_781, %get3A_787 : vector<16xi32>
        %swap3A = arith.constant 1 : i32
        %swap3A_789 = arith.index_cast %swap3A : i32 to index
        %swap3A_790 = arith.index_cast %mul3A_763 : i32 to index
        %swap3A_791 = tpu.vector_load %arg7[%swap3A_789, %swap3A_790] {strides = array<i32>} : memref<4x64xi32, #tpu.memory_space<vmem>>, vector<16xi32>,
        tpu.vector_store %arg7[%swap3A_789, %swap3A_790], %add3A_788 {strides = array<i32>} : memref<4x64xi32, #tpu.memory_space<vmem>>, vector<16xi32>,
        %mul3A_792 = arith.constant 4 : i32
        %mul3A_793 = vector.broadcast %mul3A_792 : i32 to vector<16xi32>
        %mul3A_794 = arith.muli %get3A_778, %mul3A_793 : vector<16xi32>
        %add3A_795 = arith.addi %mul3A_794, %get3A_770 : vector<16xi32>
        %swap3A_796 = arith.constant 1 : i32
        %swap3A_797 = arith.index_cast %swap3A_796 : i32 to index
        %swap3A_798 = arith.index_cast %mul3A_763 : i32 to index
        %swap3A_799 = tpu.vector_load %arg8[%swap3A_797, %swap3A_798] {strides = array<i32>} : memref<4x64xi32, #tpu.memory_space<vmem>>, vector<16xi32>,
        tpu.vector_store %arg8[%swap3A_797, %swap3A_798], %add3A_795 {strides = array<i32>} : memref<4x64xi32, #tpu.memory_space<vmem>>, vector<16xi32>,
        %swap3A_800 = arith.constant 1 : i32
        %swap3A_801 = arith.index_cast %swap3A_800 : i32 to index
        %swap3A_802 = arith.index_cast %mul3A_763 : i32 to index
        %swap3A_803 = tpu.vector_load %arg9[%swap3A_801, %swap3A_802] {strides = array<i32>} : memref<4x64xi32, #tpu.memory_space<vmem>>, vector<16xi32>,
        tpu.vector_store %arg9[%swap3A_801, %swap3A_802], %get3A_778 {strides = array<i32>} : memref<4x64xi32, #tpu.memory_space<vmem>>, vector<16xi32>,
      }
      %scan3A_462 = arith.constant 4 : i32
      %dma_start3A_463 = arith.constant 1 : i32
      %dma_start3A_464 = arith.constant 1 : i32
      %dma_start3A_465 = arith.constant 1 : i32
      %dma_start3A_466 = arith.constant 0 : i32
      %dma_start3A_467 = arith.constant 0 : i32
      %dma_start3A_468 = tpu.memref_slice %arg11[%dma_start3A_464, %dma_start3A_466, %dma_start3A_467] : memref<4x64x128xf32, #tpu.memory_space<vmem>> -> memref<1x64x128xf32, #tpu.memory_space<vmem>>
      %dma_start3A_469 = tpu.memref_squeeze %dma_start3A_468 : memref<1x64x128xf32, #tpu.memory_space<vmem>> -> memref<64x128xf32, #tpu.memory_space<vmem>>
      %dma_start3A_470 = arith.constant 0 : i32
      %dma_start3A_471 = tpu.memref_slice %arg7[%dma_start3A_463, %dma_start3A_470] : memref<4x64xi32, #tpu.memory_space<vmem>> -> memref<1x64xi32, #tpu.memory_space<vmem>>
      %dma_start3A_472 = tpu.memref_squeeze %dma_start3A_471 : memref<1x64xi32, #tpu.memory_space<vmem>> -> memref<64xi32, #tpu.memory_space<vmem>>
      %dma_start3A_473 = arith.constant 0 : i32
      %dma_start3A_474 = arith.constant 0 : i32
      %dma_start3A_475 = tpu.memref_slice %arg4[%dma_start3A_473, %dma_start3A_474] : memref<40000x128xf32, #tpu.memory_space<hbm>> -> memref<40000x128xf32, #tpu.memory_space<hbm>>
      %dma_start3A_476 = tpu.memref_slice %arg18[%dma_start3A_465] : memref<4x!tpu.dma_semaphore, #tpu.memory_space<semaphore_mem>> -> memref<1x!tpu.dma_semaphore, #tpu.memory_space<semaphore_mem>>
      %dma_start3A_477 = tpu.memref_squeeze %dma_start3A_476 : memref<1x!tpu.dma_semaphore, #tpu.memory_space<semaphore_mem>> -> memref<!tpu.dma_semaphore, #tpu.memory_space<semaphore_mem>>
      tpu.enqueue_indirect_dma source(%dma_start3A_475 : memref<40000x128xf32, #tpu.memory_space<hbm>>) target(%dma_start3A_469 : memref<64x128xf32, #tpu.memory_space<vmem>>) offsets(%dma_start3A_472 : memref<64xi32, #tpu.memory_space<vmem>>) semaphore(%dma_start3A_477 : memref<!tpu.dma_semaphore, #tpu.memory_space<semaphore_mem>>)
      %dma_start3A_478 = arith.constant 1 : i32
      %dma_start3A_479 = arith.constant 1 : i32
      %dma_start3A_480 = arith.constant 1 : i32
      %dma_start3A_481 = arith.constant 0 : i32
      %dma_start3A_482 = tpu.memref_slice %arg10[%dma_start3A_479, %dma_start3A_481] : memref<4x64xf32, #tpu.memory_space<vmem>> -> memref<1x64xf32, #tpu.memory_space<vmem>>
      %dma_start3A_483 = tpu.memref_squeeze %dma_start3A_482 : memref<1x64xf32, #tpu.memory_space<vmem>> -> memref<64xf32, #tpu.memory_space<vmem>>
      %dma_start3A_484 = arith.constant 0 : i32
      %dma_start3A_485 = tpu.memref_slice %arg8[%dma_start3A_478, %dma_start3A_484] : memref<4x64xi32, #tpu.memory_space<vmem>> -> memref<1x64xi32, #tpu.memory_space<vmem>>
      %dma_start3A_486 = tpu.memref_squeeze %dma_start3A_485 : memref<1x64xi32, #tpu.memory_space<vmem>> -> memref<64xi32, #tpu.memory_space<vmem>>
      %dma_start3A_487 = arith.constant 0 : i32
      %dma_start3A_488 = tpu.memref_slice %arg15[%dma_start3A_487] : memref<40960xf32, #tpu.memory_space<vmem_shared>> -> memref<40960xf32, #tpu.memory_space<vmem_shared>>
      %dma_start3A_489 = tpu.memref_slice %arg19[%dma_start3A_480] : memref<4x!tpu.dma_semaphore, #tpu.memory_space<semaphore_mem>> -> memref<1x!tpu.dma_semaphore, #tpu.memory_space<semaphore_mem>>
      %dma_start3A_490 = tpu.memref_squeeze %dma_start3A_489 : memref<1x!tpu.dma_semaphore, #tpu.memory_space<semaphore_mem>> -> memref<!tpu.dma_semaphore, #tpu.memory_space<semaphore_mem>>
      tpu.enqueue_indirect_dma source(%dma_start3A_488 : memref<40960xf32, #tpu.memory_space<vmem_shared>>) target(%dma_start3A_483 : memref<64xf32, #tpu.memory_space<vmem>>) offsets(%dma_start3A_486 : memref<64xi32, #tpu.memory_space<vmem>>) semaphore(%dma_start3A_490 : memref<!tpu.dma_semaphore, #tpu.memory_space<semaphore_mem>>)
      %jit3A_491 = arith.constant 4 : i32
      %div3A_492 = arith.divsi %select_n3A_8, %jit3A_491 : i32
      %sign3A_493 = arith.constant 0 : i32
      %sign3A_494 = arith.cmpi sgt, %select_n3A_8, %sign3A_493 : i32
      %sign3A_495 = arith.extui %sign3A_494 : i1 to i32
      %sign3A_496 = arith.constant 0 : i32
      %sign3A_497 = arith.cmpi slt, %select_n3A_8, %sign3A_496 : i32
      %sign3A_498 = arith.extui %sign3A_497 : i1 to i32
      %sign3A_499 = arith.subi %sign3A_495, %sign3A_498 : i32
      %sign3A_500 = arith.constant 0 : i32
      %sign3A_501 = arith.cmpi sgt, %jit3A_491, %sign3A_500 : i32
      %sign3A_502 = arith.extui %sign3A_501 : i1 to i32
      %sign3A_503 = arith.constant 0 : i32
      %sign3A_504 = arith.cmpi slt, %jit3A_491, %sign3A_503 : i32
      %sign3A_505 = arith.extui %sign3A_504 : i1 to i32
      %sign3A_506 = arith.subi %sign3A_502, %sign3A_505 : i32
      %ne3A_507 = arith.cmpi ne, %sign3A_499, %sign3A_506 : i32
      %rem3A_508 = arith.remsi %select_n3A_8, %jit3A_491 : i32
      %ne3A_509 = arith.constant 0 : i32
      %ne3A_510 = arith.cmpi ne, %rem3A_508, %ne3A_509 : i32
      %and3A_511 = arith.andi %ne3A_507, %ne3A_510 : i1
      %sub3A_512 = arith.constant 1 : i32
      %sub3A_513 = arith.subi %div3A_492, %sub3A_512 : i32
      %select_n3A_514 = arith.select %and3A_511, %sub3A_513, %div3A_492 : i32
      %sub3A_515 = arith.constant 1 : i32
      %sub3A_516 = arith.subi %select_n3A_514, %sub3A_515 : i32
      %lt3A_517 = arith.cmpi slt, %add3A_341, %sub3A_516 : i32
      %convert_element_type3A_518 = arith.extui %lt3A_517 : i1 to i32
      %cond3A_519 = arith.constant 0 : i32
      %cond3A_520 = arith.cmpi ne, %convert_element_type3A_518, %cond3A_519 : i32
      scf.if %cond3A_520 {
        %add3A_757 = arith.constant 4 : i32
        %add3A_758 = arith.addi %add3A_435, %add3A_757 : i32
        %add3A_759 = arith.addi %select_n3A, %add3A_758 : i32
        %dma_start3A_760 = arith.constant 1 : i32
        %dma_start3A_761 = arith.constant 1 : i32
        %dma_start3A_762 = arith.constant 0 : i32
        %dma_start3A_763 = tpu.memref_slice %arg6[%dma_start3A_760, %dma_start3A_762] : memref<4x192xi32, #tpu.memory_space<vmem>> -> memref<1x192xi32, #tpu.memory_space<vmem>>
        %dma_start3A_764 = tpu.memref_squeeze %dma_start3A_763 : memref<1x192xi32, #tpu.memory_space<vmem>> -> memref<192xi32, #tpu.memory_space<vmem>>
        %dma_start3A_765 = arith.constant 0 : i32
        %dma_start3A_766 = tpu.memref_slice %arg2[%add3A_759, %dma_start3A_765] : memref<5120x192xi32, #tpu.memory_space<hbm>> -> memref<1x192xi32, #tpu.memory_space<hbm>>
        %dma_start3A_767 = tpu.memref_squeeze %dma_start3A_766 : memref<1x192xi32, #tpu.memory_space<hbm>> -> memref<192xi32, #tpu.memory_space<hbm>>
        %dma_start3A_768 = tpu.memref_slice %arg17[%dma_start3A_761] : memref<4x!tpu.dma_semaphore, #tpu.memory_space<semaphore_mem>> -> memref<1x!tpu.dma_semaphore, #tpu.memory_space<semaphore_mem>>
        %dma_start3A_769 = tpu.memref_squeeze %dma_start3A_768 : memref<1x!tpu.dma_semaphore, #tpu.memory_space<semaphore_mem>> -> memref<!tpu.dma_semaphore, #tpu.memory_space<semaphore_mem>>
        %dma_start3A_770 = arith.constant 0 : i32
        %dma_start3A_771 = tpu.memref_slice %arg6[%dma_start3A_760, %dma_start3A_770] : memref<4x192xi32, #tpu.memory_space<vmem>> -> memref<1x192xi32, #tpu.memory_space<vmem>>
        %dma_start3A_772 = tpu.memref_squeeze %dma_start3A_771 : memref<1x192xi32, #tpu.memory_space<vmem>> -> memref<192xi32, #tpu.memory_space<vmem>>
        %dma_start3A_773 = arith.constant 0 : i32
        %dma_start3A_774 = tpu.memref_slice %arg2[%add3A_759, %dma_start3A_773] : memref<5120x192xi32, #tpu.memory_space<hbm>> -> memref<1x192xi32, #tpu.memory_space<hbm>>
        %dma_start3A_775 = tpu.memref_squeeze %dma_start3A_774 : memref<1x192xi32, #tpu.memory_space<hbm>> -> memref<192xi32, #tpu.memory_space<hbm>>
        tpu.enqueue_dma source(%dma_start3A_775 : memref<192xi32, #tpu.memory_space<hbm>>) target(%dma_start3A_772 : memref<192xi32, #tpu.memory_space<vmem>>) target_semaphore(%dma_start3A_769 : memref<!tpu.dma_semaphore, #tpu.memory_space<semaphore_mem>>)
      } else {
      }
      %gt3A_521 = arith.constant 0 : i32
      %gt3A_522 = arith.cmpi sgt, %add3A_341, %gt3A_521 : i32
      %convert_element_type3A_523 = arith.extui %gt3A_522 : i1 to i32
      %cond3A_524 = arith.constant 0 : i32
      %cond3A_525 = arith.cmpi ne, %convert_element_type3A_523, %cond3A_524 : i32
      scf.if %cond3A_525 {
        %dma_wait3A_757 = arith.constant 2 : i32
        %dma_wait3A_758 = arith.constant 2 : i32
        %dma_wait3A_759 = arith.constant 2 : i32
        %dma_wait3A_760 = arith.constant 0 : i32
        %dma_wait3A_761 = arith.constant 0 : i32
        %dma_wait3A_762 = tpu.memref_slice %arg11[%dma_wait3A_758, %dma_wait3A_760, %dma_wait3A_761] : memref<4x64x128xf32, #tpu.memory_space<vmem>> -> memref<1x64x128xf32, #tpu.memory_space<vmem>>
        %dma_wait3A_763 = tpu.memref_squeeze %dma_wait3A_762 : memref<1x64x128xf32, #tpu.memory_space<vmem>> -> memref<64x128xf32, #tpu.memory_space<vmem>>
        %dma_wait3A_764 = arith.constant 0 : i32
        %dma_wait3A_765 = tpu.memref_slice %arg7[%dma_wait3A_757, %dma_wait3A_764] : memref<4x64xi32, #tpu.memory_space<vmem>> -> memref<1x64xi32, #tpu.memory_space<vmem>>
        %dma_wait3A_766 = tpu.memref_squeeze %dma_wait3A_765 : memref<1x64xi32, #tpu.memory_space<vmem>> -> memref<64xi32, #tpu.memory_space<vmem>>
        %dma_wait3A_767 = arith.constant 0 : i32
        %dma_wait3A_768 = arith.constant 0 : i32
        %dma_wait3A_769 = tpu.memref_slice %arg4[%dma_wait3A_767, %dma_wait3A_768] : memref<40000x128xf32, #tpu.memory_space<hbm>> -> memref<40000x128xf32, #tpu.memory_space<hbm>>
        %dma_wait3A_770 = tpu.memref_slice %arg18[%dma_wait3A_759] : memref<4x!tpu.dma_semaphore, #tpu.memory_space<semaphore_mem>> -> memref<1x!tpu.dma_semaphore, #tpu.memory_space<semaphore_mem>>
        %dma_wait3A_771 = tpu.memref_squeeze %dma_wait3A_770 : memref<1x!tpu.dma_semaphore, #tpu.memory_space<semaphore_mem>> -> memref<!tpu.dma_semaphore, #tpu.memory_space<semaphore_mem>>
        tpu.wait_indirect_dma semaphore(%dma_wait3A_771 : memref<!tpu.dma_semaphore, #tpu.memory_space<semaphore_mem>>) src(%dma_wait3A_769 : memref<40000x128xf32, #tpu.memory_space<hbm>>) dst(%dma_wait3A_763 : memref<64x128xf32, #tpu.memory_space<vmem>>)
        %dma_wait3A_772 = arith.constant 2 : i32
        %dma_wait3A_773 = arith.constant 2 : i32
        %dma_wait3A_774 = arith.constant 2 : i32
        %dma_wait3A_775 = arith.constant 0 : i32
        %dma_wait3A_776 = tpu.memref_slice %arg10[%dma_wait3A_773, %dma_wait3A_775] : memref<4x64xf32, #tpu.memory_space<vmem>> -> memref<1x64xf32, #tpu.memory_space<vmem>>
        %dma_wait3A_777 = tpu.memref_squeeze %dma_wait3A_776 : memref<1x64xf32, #tpu.memory_space<vmem>> -> memref<64xf32, #tpu.memory_space<vmem>>
        %dma_wait3A_778 = arith.constant 0 : i32
        %dma_wait3A_779 = tpu.memref_slice %arg8[%dma_wait3A_772, %dma_wait3A_778] : memref<4x64xi32, #tpu.memory_space<vmem>> -> memref<1x64xi32, #tpu.memory_space<vmem>>
        %dma_wait3A_780 = tpu.memref_squeeze %dma_wait3A_779 : memref<1x64xi32, #tpu.memory_space<vmem>> -> memref<64xi32, #tpu.memory_space<vmem>>
        %dma_wait3A_781 = arith.constant 0 : i32
        %dma_wait3A_782 = tpu.memref_slice %arg15[%dma_wait3A_781] : memref<40960xf32, #tpu.memory_space<vmem_shared>> -> memref<40960xf32, #tpu.memory_space<vmem_shared>>
        %dma_wait3A_783 = tpu.memref_slice %arg19[%dma_wait3A_774] : memref<4x!tpu.dma_semaphore, #tpu.memory_space<semaphore_mem>> -> memref<1x!tpu.dma_semaphore, #tpu.memory_space<semaphore_mem>>
        %dma_wait3A_784 = tpu.memref_squeeze %dma_wait3A_783 : memref<1x!tpu.dma_semaphore, #tpu.memory_space<semaphore_mem>> -> memref<!tpu.dma_semaphore, #tpu.memory_space<semaphore_mem>>
        tpu.wait_indirect_dma semaphore(%dma_wait3A_784 : memref<!tpu.dma_semaphore, #tpu.memory_space<semaphore_mem>>) src(%dma_wait3A_782 : memref<40960xf32, #tpu.memory_space<vmem_shared>>) dst(%dma_wait3A_777 : memref<64xf32, #tpu.memory_space<vmem>>)
        %scan3A_785 = arith.constant 0 : i32
        %scan3A_786 = arith.constant 64 : i32
        %scan3A_787 = arith.addi %scan3A_785, %scan3A_786 : i32
        %scan3A_788 = arith.constant 1 : i32
        scf.for %scan3A_805 = %scan3A_785 to %scan3A_787 step %scan3A_788  : i32 {
          %mul3A_806 = arith.constant 1 : i32
          %mul3A_807 = arith.muli %scan3A_805, %mul3A_806 : i32
          %add3A_808 = arith.constant 0 : i32
          %add3A_809 = arith.addi %add3A_808, %mul3A_807 : i32
          %broadcast_in_dim3A = vector.broadcast %add3A_809 : i32 to vector<16xi32>
          %gather3A = arith.constant 2 : i32
          %gather3A_810 = arith.constant 0 : i32
          %gather3A_811 = tpu.memref_slice %arg10[%gather3A, %gather3A_810] : memref<4x64xf32, #tpu.memory_space<vmem>> -> memref<1x64xf32, #tpu.memory_space<vmem>>
          %gather3A_812 = tpu.memref_squeeze %gather3A_811 : memref<1x64xf32, #tpu.memory_space<vmem>> -> memref<64xf32, #tpu.memory_space<vmem>>
          %gather3A_813 = tpu.vector_load_idx %gather3A_812[%broadcast_in_dim3A] : memref<64xf32, #tpu.memory_space<vmem>>[vector<16xi32>], vector<16xf32>,
          %get3A = arith.constant 2 : i32
          %get3A_814 = arith.index_cast %get3A : i32 to index
          %get3A_815 = arith.index_cast %add3A_809 : i32 to index
          %get3A_816 = arith.constant 0 : index
          %get3A_817 = tpu.vector_load %arg11[%get3A_814, %get3A_815, %get3A_816] {strides = array<i32>} : memref<4x64x128xf32, #tpu.memory_space<vmem>>, vector<16xf32>,
          %mul3A_818 = arith.mulf %get3A_817, %gather3A_813 : vector<16xf32>
          %swap3A = arith.constant 2 : i32
          %swap3A_819 = arith.index_cast %swap3A : i32 to index
          %swap3A_820 = arith.index_cast %add3A_809 : i32 to index
          %swap3A_821 = arith.constant 0 : index
          %swap3A_822 = tpu.vector_load %arg11[%swap3A_819, %swap3A_820, %swap3A_821] {strides = array<i32>} : memref<4x64x128xf32, #tpu.memory_space<vmem>>, vector<16xf32>,
          tpu.vector_store %arg11[%swap3A_819, %swap3A_820, %swap3A_821], %mul3A_818 {strides = array<i32>} : memref<4x64x128xf32, #tpu.memory_space<vmem>>, vector<16xf32>,
          %get3A_823 = arith.constant 2 : i32
          %get3A_824 = arith.index_cast %get3A_823 : i32 to index
          %get3A_825 = arith.index_cast %add3A_809 : i32 to index
          %get3A_826 = arith.constant 16 : index
          %get3A_827 = tpu.vector_load %arg11[%get3A_824, %get3A_825, %get3A_826] {strides = array<i32>} : memref<4x64x128xf32, #tpu.memory_space<vmem>>, vector<16xf32>,
          %mul3A_828 = arith.mulf %get3A_827, %gather3A_813 : vector<16xf32>
          %swap3A_829 = arith.constant 2 : i32
          %swap3A_830 = arith.index_cast %swap3A_829 : i32 to index
          %swap3A_831 = arith.index_cast %add3A_809 : i32 to index
          %swap3A_832 = arith.constant 16 : index
          %swap3A_833 = tpu.vector_load %arg11[%swap3A_830, %swap3A_831, %swap3A_832] {strides = array<i32>} : memref<4x64x128xf32, #tpu.memory_space<vmem>>, vector<16xf32>,
          tpu.vector_store %arg11[%swap3A_830, %swap3A_831, %swap3A_832], %mul3A_828 {strides = array<i32>} : memref<4x64x128xf32, #tpu.memory_space<vmem>>, vector<16xf32>,
          %get3A_834 = arith.constant 2 : i32
          %get3A_835 = arith.index_cast %get3A_834 : i32 to index
          %get3A_836 = arith.index_cast %add3A_809 : i32 to index
          %get3A_837 = arith.constant 32 : index
          %get3A_838 = tpu.vector_load %arg11[%get3A_835, %get3A_836, %get3A_837] {strides = array<i32>} : memref<4x64x128xf32, #tpu.memory_space<vmem>>, vector<16xf32>,
          %mul3A_839 = arith.mulf %get3A_838, %gather3A_813 : vector<16xf32>
          %swap3A_840 = arith.constant 2 : i32
          %swap3A_841 = arith.index_cast %swap3A_840 : i32 to index
          %swap3A_842 = arith.index_cast %add3A_809 : i32 to index
          %swap3A_843 = arith.constant 32 : index
          %swap3A_844 = tpu.vector_load %arg11[%swap3A_841, %swap3A_842, %swap3A_843] {strides = array<i32>} : memref<4x64x128xf32, #tpu.memory_space<vmem>>, vector<16xf32>,
          tpu.vector_store %arg11[%swap3A_841, %swap3A_842, %swap3A_843], %mul3A_839 {strides = array<i32>} : memref<4x64x128xf32, #tpu.memory_space<vmem>>, vector<16xf32>,
          %get3A_845 = arith.constant 2 : i32
          %get3A_846 = arith.index_cast %get3A_845 : i32 to index
          %get3A_847 = arith.index_cast %add3A_809 : i32 to index
          %get3A_848 = arith.constant 48 : index
          %get3A_849 = tpu.vector_load %arg11[%get3A_846, %get3A_847, %get3A_848] {strides = array<i32>} : memref<4x64x128xf32, #tpu.memory_space<vmem>>, vector<16xf32>,
          %mul3A_850 = arith.mulf %get3A_849, %gather3A_813 : vector<16xf32>
          %swap3A_851 = arith.constant 2 : i32
          %swap3A_852 = arith.index_cast %swap3A_851 : i32 to index
          %swap3A_853 = arith.index_cast %add3A_809 : i32 to index
          %swap3A_854 = arith.constant 48 : index
          %swap3A_855 = tpu.vector_load %arg11[%swap3A_852, %swap3A_853, %swap3A_854] {strides = array<i32>} : memref<4x64x128xf32, #tpu.memory_space<vmem>>, vector<16xf32>,
          tpu.vector_store %arg11[%swap3A_852, %swap3A_853, %swap3A_854], %mul3A_850 {strides = array<i32>} : memref<4x64x128xf32, #tpu.memory_space<vmem>>, vector<16xf32>,
          %get3A_856 = arith.constant 2 : i32
          %get3A_857 = arith.index_cast %get3A_856 : i32 to index
          %get3A_858 = arith.index_cast %add3A_809 : i32 to index
          %get3A_859 = arith.constant 64 : index
          %get3A_860 = tpu.vector_load %arg11[%get3A_857, %get3A_858, %get3A_859] {strides = array<i32>} : memref<4x64x128xf32, #tpu.memory_space<vmem>>, vector<16xf32>,
          %mul3A_861 = arith.mulf %get3A_860, %gather3A_813 : vector<16xf32>
          %swap3A_862 = arith.constant 2 : i32
          %swap3A_863 = arith.index_cast %swap3A_862 : i32 to index
          %swap3A_864 = arith.index_cast %add3A_809 : i32 to index
          %swap3A_865 = arith.constant 64 : index
          %swap3A_866 = tpu.vector_load %arg11[%swap3A_863, %swap3A_864, %swap3A_865] {strides = array<i32>} : memref<4x64x128xf32, #tpu.memory_space<vmem>>, vector<16xf32>,
          tpu.vector_store %arg11[%swap3A_863, %swap3A_864, %swap3A_865], %mul3A_861 {strides = array<i32>} : memref<4x64x128xf32, #tpu.memory_space<vmem>>, vector<16xf32>,
          %get3A_867 = arith.constant 2 : i32
          %get3A_868 = arith.index_cast %get3A_867 : i32 to index
          %get3A_869 = arith.index_cast %add3A_809 : i32 to index
          %get3A_870 = arith.constant 80 : index
          %get3A_871 = tpu.vector_load %arg11[%get3A_868, %get3A_869, %get3A_870] {strides = array<i32>} : memref<4x64x128xf32, #tpu.memory_space<vmem>>, vector<16xf32>,
          %mul3A_872 = arith.mulf %get3A_871, %gather3A_813 : vector<16xf32>
          %swap3A_873 = arith.constant 2 : i32
          %swap3A_874 = arith.index_cast %swap3A_873 : i32 to index
          %swap3A_875 = arith.index_cast %add3A_809 : i32 to index
          %swap3A_876 = arith.constant 80 : index
          %swap3A_877 = tpu.vector_load %arg11[%swap3A_874, %swap3A_875, %swap3A_876] {strides = array<i32>} : memref<4x64x128xf32, #tpu.memory_space<vmem>>, vector<16xf32>,
          tpu.vector_store %arg11[%swap3A_874, %swap3A_875, %swap3A_876], %mul3A_872 {strides = array<i32>} : memref<4x64x128xf32, #tpu.memory_space<vmem>>, vector<16xf32>,
          %get3A_878 = arith.constant 2 : i32
          %get3A_879 = arith.index_cast %get3A_878 : i32 to index
          %get3A_880 = arith.index_cast %add3A_809 : i32 to index
          %get3A_881 = arith.constant 96 : index
          %get3A_882 = tpu.vector_load %arg11[%get3A_879, %get3A_880, %get3A_881] {strides = array<i32>} : memref<4x64x128xf32, #tpu.memory_space<vmem>>, vector<16xf32>,
          %mul3A_883 = arith.mulf %get3A_882, %gather3A_813 : vector<16xf32>
          %swap3A_884 = arith.constant 2 : i32
          %swap3A_885 = arith.index_cast %swap3A_884 : i32 to index
          %swap3A_886 = arith.index_cast %add3A_809 : i32 to index
          %swap3A_887 = arith.constant 96 : index
          %swap3A_888 = tpu.vector_load %arg11[%swap3A_885, %swap3A_886, %swap3A_887] {strides = array<i32>} : memref<4x64x128xf32, #tpu.memory_space<vmem>>, vector<16xf32>,
          tpu.vector_store %arg11[%swap3A_885, %swap3A_886, %swap3A_887], %mul3A_883 {strides = array<i32>} : memref<4x64x128xf32, #tpu.memory_space<vmem>>, vector<16xf32>,
          %get3A_889 = arith.constant 2 : i32
          %get3A_890 = arith.index_cast %get3A_889 : i32 to index
          %get3A_891 = arith.index_cast %add3A_809 : i32 to index
          %get3A_892 = arith.constant 112 : index
          %get3A_893 = tpu.vector_load %arg11[%get3A_890, %get3A_891, %get3A_892] {strides = array<i32>} : memref<4x64x128xf32, #tpu.memory_space<vmem>>, vector<16xf32>,
          %mul3A_894 = arith.mulf %get3A_893, %gather3A_813 : vector<16xf32>
          %swap3A_895 = arith.constant 2 : i32
          %swap3A_896 = arith.index_cast %swap3A_895 : i32 to index
          %swap3A_897 = arith.index_cast %add3A_809 : i32 to index
          %swap3A_898 = arith.constant 112 : index
          %swap3A_899 = tpu.vector_load %arg11[%swap3A_896, %swap3A_897, %swap3A_898] {strides = array<i32>} : memref<4x64x128xf32, #tpu.memory_space<vmem>>, vector<16xf32>,
          tpu.vector_store %arg11[%swap3A_896, %swap3A_897, %swap3A_898], %mul3A_894 {strides = array<i32>} : memref<4x64x128xf32, #tpu.memory_space<vmem>>, vector<16xf32>,
        }
        %scan3A_789 = arith.constant 64 : i32
        %dma_start3A_790 = arith.constant 2 : i32
        %dma_start3A_791 = arith.constant 2 : i32
        %dma_start3A_792 = arith.constant 2 : i32
        %dma_start3A_793 = arith.constant 0 : i32
        %dma_start3A_794 = arith.constant 0 : i32
        %dma_start3A_795 = tpu.memref_slice %arg11[%dma_start3A_790, %dma_start3A_793, %dma_start3A_794] : memref<4x64x128xf32, #tpu.memory_space<vmem>> -> memref<1x64x128xf32, #tpu.memory_space<vmem>>
        %dma_start3A_796 = tpu.memref_squeeze %dma_start3A_795 : memref<1x64x128xf32, #tpu.memory_space<vmem>> -> memref<64x128xf32, #tpu.memory_space<vmem>>
        %dma_start3A_797 = arith.constant 0 : i32
        %dma_start3A_798 = tpu.memref_slice %arg9[%dma_start3A_791, %dma_start3A_797] : memref<4x64xi32, #tpu.memory_space<vmem>> -> memref<1x64xi32, #tpu.memory_space<vmem>>
        %dma_start3A_799 = tpu.memref_squeeze %dma_start3A_798 : memref<1x64xi32, #tpu.memory_space<vmem>> -> memref<64xi32, #tpu.memory_space<vmem>>
        %dma_start3A_800 = arith.constant 0 : i32
        %dma_start3A_801 = arith.constant 0 : i32
        %dma_start3A_802 = tpu.memref_slice %arg16[%dma_start3A_800, %dma_start3A_801] : memref<10240x128xf32, #tpu.memory_space<vmem_shared>> -> memref<10240x128xf32, #tpu.memory_space<vmem_shared>>
        %dma_start3A_803 = tpu.memref_slice %arg20[%dma_start3A_792] : memref<4x!tpu.dma_semaphore, #tpu.memory_space<semaphore_mem>> -> memref<1x!tpu.dma_semaphore, #tpu.memory_space<semaphore_mem>>
        %dma_start3A_804 = tpu.memref_squeeze %dma_start3A_803 : memref<1x!tpu.dma_semaphore, #tpu.memory_space<semaphore_mem>> -> memref<!tpu.dma_semaphore, #tpu.memory_space<semaphore_mem>>
        tpu.enqueue_indirect_dma source(%dma_start3A_796 : memref<64x128xf32, #tpu.memory_space<vmem>>) target(%dma_start3A_802 : memref<10240x128xf32, #tpu.memory_space<vmem_shared>>) offsets(%dma_start3A_799 : memref<64xi32, #tpu.memory_space<vmem>>) semaphore(%dma_start3A_804 : memref<!tpu.dma_semaphore, #tpu.memory_space<semaphore_mem>>) {add = true}
      } else {
      }
      %mul3A_526 = arith.constant 4 : i32
      %mul3A_527 = arith.muli %mul3A_526, %add3A_341 : i32
      %add3A_528 = arith.constant 2 : i32
      %add3A_529 = arith.addi %mul3A_527, %add3A_528 : i32
      %add3A_530 = arith.addi %select_n3A, %add3A_529 : i32
      %dma_wait3A_531 = arith.constant 2 : i32
      %dma_wait3A_532 = arith.constant 2 : i32
      %dma_wait3A_533 = arith.constant 0 : i32
      %dma_wait3A_534 = tpu.memref_slice %arg6[%dma_wait3A_531, %dma_wait3A_533] : memref<4x192xi32, #tpu.memory_space<vmem>> -> memref<1x192xi32, #tpu.memory_space<vmem>>
      %dma_wait3A_535 = tpu.memref_squeeze %dma_wait3A_534 : memref<1x192xi32, #tpu.memory_space<vmem>> -> memref<192xi32, #tpu.memory_space<vmem>>
      %dma_wait3A_536 = arith.constant 0 : i32
      %dma_wait3A_537 = tpu.memref_slice %arg2[%add3A_530, %dma_wait3A_536] : memref<5120x192xi32, #tpu.memory_space<hbm>> -> memref<1x192xi32, #tpu.memory_space<hbm>>
      %dma_wait3A_538 = tpu.memref_squeeze %dma_wait3A_537 : memref<1x192xi32, #tpu.memory_space<hbm>> -> memref<192xi32, #tpu.memory_space<hbm>>
      %dma_wait3A_539 = tpu.memref_slice %arg17[%dma_wait3A_532] : memref<4x!tpu.dma_semaphore, #tpu.memory_space<semaphore_mem>> -> memref<1x!tpu.dma_semaphore, #tpu.memory_space<semaphore_mem>>
      %dma_wait3A_540 = tpu.memref_squeeze %dma_wait3A_539 : memref<1x!tpu.dma_semaphore, #tpu.memory_space<semaphore_mem>> -> memref<!tpu.dma_semaphore, #tpu.memory_space<semaphore_mem>>
      %dma_wait3A_541 = arith.constant 0 : i32
      %dma_wait3A_542 = tpu.memref_slice %arg6[%dma_wait3A_531, %dma_wait3A_541] : memref<4x192xi32, #tpu.memory_space<vmem>> -> memref<1x192xi32, #tpu.memory_space<vmem>>
      %dma_wait3A_543 = tpu.memref_squeeze %dma_wait3A_542 : memref<1x192xi32, #tpu.memory_space<vmem>> -> memref<192xi32, #tpu.memory_space<vmem>>
      %dma_wait3A_544 = arith.constant 0 : i32
      %dma_wait3A_545 = tpu.memref_slice %arg2[%add3A_530, %dma_wait3A_544] : memref<5120x192xi32, #tpu.memory_space<hbm>> -> memref<1x192xi32, #tpu.memory_space<hbm>>
      %dma_wait3A_546 = tpu.memref_squeeze %dma_wait3A_545 : memref<1x192xi32, #tpu.memory_space<hbm>> -> memref<192xi32, #tpu.memory_space<hbm>>
      tpu.wait_dma2 semaphore(%dma_wait3A_540 : memref<!tpu.dma_semaphore, #tpu.memory_space<semaphore_mem>>) src(%dma_wait3A_546 : memref<192xi32, #tpu.memory_space<hbm>>) dst(%dma_wait3A_543 : memref<192xi32, #tpu.memory_space<vmem>>)
      %gt3A_547 = arith.constant 0 : i32
      %gt3A_548 = arith.cmpi sgt, %add3A_341, %gt3A_547 : i32
      %convert_element_type3A_549 = arith.extui %gt3A_548 : i1 to i32
      %cond3A_550 = arith.constant 0 : i32
      %cond3A_551 = arith.cmpi ne, %convert_element_type3A_549, %cond3A_550 : i32
      scf.if %cond3A_551 {
        %dma_wait3A_757 = arith.constant 2 : i32
        %dma_wait3A_758 = arith.constant 2 : i32
        %dma_wait3A_759 = arith.constant 2 : i32
        %dma_wait3A_760 = arith.constant 0 : i32
        %dma_wait3A_761 = arith.constant 0 : i32
        %dma_wait3A_762 = tpu.memref_slice %arg11[%dma_wait3A_757, %dma_wait3A_760, %dma_wait3A_761] : memref<4x64x128xf32, #tpu.memory_space<vmem>> -> memref<1x64x128xf32, #tpu.memory_space<vmem>>
        %dma_wait3A_763 = tpu.memref_squeeze %dma_wait3A_762 : memref<1x64x128xf32, #tpu.memory_space<vmem>> -> memref<64x128xf32, #tpu.memory_space<vmem>>
        %dma_wait3A_764 = arith.constant 0 : i32
        %dma_wait3A_765 = tpu.memref_slice %arg9[%dma_wait3A_758, %dma_wait3A_764] : memref<4x64xi32, #tpu.memory_space<vmem>> -> memref<1x64xi32, #tpu.memory_space<vmem>>
        %dma_wait3A_766 = tpu.memref_squeeze %dma_wait3A_765 : memref<1x64xi32, #tpu.memory_space<vmem>> -> memref<64xi32, #tpu.memory_space<vmem>>
        %dma_wait3A_767 = arith.constant 0 : i32
        %dma_wait3A_768 = arith.constant 0 : i32
        %dma_wait3A_769 = tpu.memref_slice %arg16[%dma_wait3A_767, %dma_wait3A_768] : memref<10240x128xf32, #tpu.memory_space<vmem_shared>> -> memref<10240x128xf32, #tpu.memory_space<vmem_shared>>
        %dma_wait3A_770 = tpu.memref_slice %arg20[%dma_wait3A_759] : memref<4x!tpu.dma_semaphore, #tpu.memory_space<semaphore_mem>> -> memref<1x!tpu.dma_semaphore, #tpu.memory_space<semaphore_mem>>
        %dma_wait3A_771 = tpu.memref_squeeze %dma_wait3A_770 : memref<1x!tpu.dma_semaphore, #tpu.memory_space<semaphore_mem>> -> memref<!tpu.dma_semaphore, #tpu.memory_space<semaphore_mem>>
        tpu.wait_indirect_dma semaphore(%dma_wait3A_771 : memref<!tpu.dma_semaphore, #tpu.memory_space<semaphore_mem>>) src(%dma_wait3A_763 : memref<64x128xf32, #tpu.memory_space<vmem>>) dst(%dma_wait3A_769 : memref<10240x128xf32, #tpu.memory_space<vmem_shared>>)
      } else {
      }
      %scan3A_552 = arith.constant 0 : i32
      %scan3A_553 = arith.constant 4 : i32
      %scan3A_554 = arith.addi %scan3A_552, %scan3A_553 : i32
      %scan3A_555 = arith.constant 1 : i32
      scf.for %scan3A_757 = %scan3A_552 to %scan3A_554 step %scan3A_555  : i32 {
        %mul3A_758 = arith.constant 1 : i32
        %mul3A_759 = arith.muli %scan3A_757, %mul3A_758 : i32
        %add3A_760 = arith.constant 0 : i32
        %add3A_761 = arith.addi %add3A_760, %mul3A_759 : i32
        %mul3A_762 = arith.constant 16 : i32
        %mul3A_763 = arith.muli %add3A_761, %mul3A_762 : i32
        %mul3A_764 = arith.constant 16 : i32
        %mul3A_765 = arith.muli %add3A_761, %mul3A_764 : i32
        %add3A_766 = arith.constant 64 : i32
        %add3A_767 = arith.addi %add3A_766, %mul3A_765 : i32
        %get3A = arith.constant 2 : i32
        %get3A_768 = arith.index_cast %get3A : i32 to index
        %get3A_769 = arith.index_cast %add3A_767 : i32 to index
        %get3A_770 = tpu.vector_load %arg6[%get3A_768, %get3A_769] {strides = array<i32>} : memref<4x192xi32, #tpu.memory_space<vmem>>, vector<16xi32>,
        %mul3A_771 = arith.constant 16 : i32
        %mul3A_772 = arith.muli %add3A_761, %mul3A_771 : i32
        %add3A_773 = arith.constant 128 : i32
        %add3A_774 = arith.addi %add3A_773, %mul3A_772 : i32
        %get3A_775 = arith.constant 2 : i32
        %get3A_776 = arith.index_cast %get3A_775 : i32 to index
        %get3A_777 = arith.index_cast %add3A_774 : i32 to index
        %get3A_778 = tpu.vector_load %arg6[%get3A_776, %get3A_777] {strides = array<i32>} : memref<4x192xi32, #tpu.memory_space<vmem>>, vector<16xi32>,
        %mul3A_779 = arith.constant 10000 : i32
        %mul3A_780 = vector.broadcast %mul3A_779 : i32 to vector<16xi32>
        %mul3A_781 = arith.muli %get3A_770, %mul3A_780 : vector<16xi32>
        %mul3A_782 = arith.constant 16 : i32
        %mul3A_783 = arith.muli %add3A_761, %mul3A_782 : i32
        %get3A_784 = arith.constant 2 : i32
        %get3A_785 = arith.index_cast %get3A_784 : i32 to index
        %get3A_786 = arith.index_cast %mul3A_783 : i32 to index
        %get3A_787 = tpu.vector_load %arg6[%get3A_785, %get3A_786] {strides = array<i32>} : memref<4x192xi32, #tpu.memory_space<vmem>>, vector<16xi32>,
        %add3A_788 = arith.addi %mul3A_781, %get3A_787 : vector<16xi32>
        %swap3A = arith.constant 2 : i32
        %swap3A_789 = arith.index_cast %swap3A : i32 to index
        %swap3A_790 = arith.index_cast %mul3A_763 : i32 to index
        %swap3A_791 = tpu.vector_load %arg7[%swap3A_789, %swap3A_790] {strides = array<i32>} : memref<4x64xi32, #tpu.memory_space<vmem>>, vector<16xi32>,
        tpu.vector_store %arg7[%swap3A_789, %swap3A_790], %add3A_788 {strides = array<i32>} : memref<4x64xi32, #tpu.memory_space<vmem>>, vector<16xi32>,
        %mul3A_792 = arith.constant 4 : i32
        %mul3A_793 = vector.broadcast %mul3A_792 : i32 to vector<16xi32>
        %mul3A_794 = arith.muli %get3A_778, %mul3A_793 : vector<16xi32>
        %add3A_795 = arith.addi %mul3A_794, %get3A_770 : vector<16xi32>
        %swap3A_796 = arith.constant 2 : i32
        %swap3A_797 = arith.index_cast %swap3A_796 : i32 to index
        %swap3A_798 = arith.index_cast %mul3A_763 : i32 to index
        %swap3A_799 = tpu.vector_load %arg8[%swap3A_797, %swap3A_798] {strides = array<i32>} : memref<4x64xi32, #tpu.memory_space<vmem>>, vector<16xi32>,
        tpu.vector_store %arg8[%swap3A_797, %swap3A_798], %add3A_795 {strides = array<i32>} : memref<4x64xi32, #tpu.memory_space<vmem>>, vector<16xi32>,
        %swap3A_800 = arith.constant 2 : i32
        %swap3A_801 = arith.index_cast %swap3A_800 : i32 to index
        %swap3A_802 = arith.index_cast %mul3A_763 : i32 to index
        %swap3A_803 = tpu.vector_load %arg9[%swap3A_801, %swap3A_802] {strides = array<i32>} : memref<4x64xi32, #tpu.memory_space<vmem>>, vector<16xi32>,
        tpu.vector_store %arg9[%swap3A_801, %swap3A_802], %get3A_778 {strides = array<i32>} : memref<4x64xi32, #tpu.memory_space<vmem>>, vector<16xi32>,
      }
      %scan3A_556 = arith.constant 4 : i32
      %dma_start3A_557 = arith.constant 2 : i32
      %dma_start3A_558 = arith.constant 2 : i32
      %dma_start3A_559 = arith.constant 2 : i32
      %dma_start3A_560 = arith.constant 0 : i32
      %dma_start3A_561 = arith.constant 0 : i32
      %dma_start3A_562 = tpu.memref_slice %arg11[%dma_start3A_558, %dma_start3A_560, %dma_start3A_561] : memref<4x64x128xf32, #tpu.memory_space<vmem>> -> memref<1x64x128xf32, #tpu.memory_space<vmem>>
      %dma_start3A_563 = tpu.memref_squeeze %dma_start3A_562 : memref<1x64x128xf32, #tpu.memory_space<vmem>> -> memref<64x128xf32, #tpu.memory_space<vmem>>
      %dma_start3A_564 = arith.constant 0 : i32
      %dma_start3A_565 = tpu.memref_slice %arg7[%dma_start3A_557, %dma_start3A_564] : memref<4x64xi32, #tpu.memory_space<vmem>> -> memref<1x64xi32, #tpu.memory_space<vmem>>
      %dma_start3A_566 = tpu.memref_squeeze %dma_start3A_565 : memref<1x64xi32, #tpu.memory_space<vmem>> -> memref<64xi32, #tpu.memory_space<vmem>>
      %dma_start3A_567 = arith.constant 0 : i32
      %dma_start3A_568 = arith.constant 0 : i32
      %dma_start3A_569 = tpu.memref_slice %arg4[%dma_start3A_567, %dma_start3A_568] : memref<40000x128xf32, #tpu.memory_space<hbm>> -> memref<40000x128xf32, #tpu.memory_space<hbm>>
      %dma_start3A_570 = tpu.memref_slice %arg18[%dma_start3A_559] : memref<4x!tpu.dma_semaphore, #tpu.memory_space<semaphore_mem>> -> memref<1x!tpu.dma_semaphore, #tpu.memory_space<semaphore_mem>>
      %dma_start3A_571 = tpu.memref_squeeze %dma_start3A_570 : memref<1x!tpu.dma_semaphore, #tpu.memory_space<semaphore_mem>> -> memref<!tpu.dma_semaphore, #tpu.memory_space<semaphore_mem>>
      tpu.enqueue_indirect_dma source(%dma_start3A_569 : memref<40000x128xf32, #tpu.memory_space<hbm>>) target(%dma_start3A_563 : memref<64x128xf32, #tpu.memory_space<vmem>>) offsets(%dma_start3A_566 : memref<64xi32, #tpu.memory_space<vmem>>) semaphore(%dma_start3A_571 : memref<!tpu.dma_semaphore, #tpu.memory_space<semaphore_mem>>)
      %dma_start3A_572 = arith.constant 2 : i32
      %dma_start3A_573 = arith.constant 2 : i32
      %dma_start3A_574 = arith.constant 2 : i32
      %dma_start3A_575 = arith.constant 0 : i32
      %dma_start3A_576 = tpu.memref_slice %arg10[%dma_start3A_573, %dma_start3A_575] : memref<4x64xf32, #tpu.memory_space<vmem>> -> memref<1x64xf32, #tpu.memory_space<vmem>>
      %dma_start3A_577 = tpu.memref_squeeze %dma_start3A_576 : memref<1x64xf32, #tpu.memory_space<vmem>> -> memref<64xf32, #tpu.memory_space<vmem>>
      %dma_start3A_578 = arith.constant 0 : i32
      %dma_start3A_579 = tpu.memref_slice %arg8[%dma_start3A_572, %dma_start3A_578] : memref<4x64xi32, #tpu.memory_space<vmem>> -> memref<1x64xi32, #tpu.memory_space<vmem>>
      %dma_start3A_580 = tpu.memref_squeeze %dma_start3A_579 : memref<1x64xi32, #tpu.memory_space<vmem>> -> memref<64xi32, #tpu.memory_space<vmem>>
      %dma_start3A_581 = arith.constant 0 : i32
      %dma_start3A_582 = tpu.memref_slice %arg15[%dma_start3A_581] : memref<40960xf32, #tpu.memory_space<vmem_shared>> -> memref<40960xf32, #tpu.memory_space<vmem_shared>>
      %dma_start3A_583 = tpu.memref_slice %arg19[%dma_start3A_574] : memref<4x!tpu.dma_semaphore, #tpu.memory_space<semaphore_mem>> -> memref<1x!tpu.dma_semaphore, #tpu.memory_space<semaphore_mem>>
      %dma_start3A_584 = tpu.memref_squeeze %dma_start3A_583 : memref<1x!tpu.dma_semaphore, #tpu.memory_space<semaphore_mem>> -> memref<!tpu.dma_semaphore, #tpu.memory_space<semaphore_mem>>
      tpu.enqueue_indirect_dma source(%dma_start3A_582 : memref<40960xf32, #tpu.memory_space<vmem_shared>>) target(%dma_start3A_577 : memref<64xf32, #tpu.memory_space<vmem>>) offsets(%dma_start3A_580 : memref<64xi32, #tpu.memory_space<vmem>>) semaphore(%dma_start3A_584 : memref<!tpu.dma_semaphore, #tpu.memory_space<semaphore_mem>>)
      %jit3A_585 = arith.constant 4 : i32
      %div3A_586 = arith.divsi %select_n3A_8, %jit3A_585 : i32
      %sign3A_587 = arith.constant 0 : i32
      %sign3A_588 = arith.cmpi sgt, %select_n3A_8, %sign3A_587 : i32
      %sign3A_589 = arith.extui %sign3A_588 : i1 to i32
      %sign3A_590 = arith.constant 0 : i32
      %sign3A_591 = arith.cmpi slt, %select_n3A_8, %sign3A_590 : i32
      %sign3A_592 = arith.extui %sign3A_591 : i1 to i32
      %sign3A_593 = arith.subi %sign3A_589, %sign3A_592 : i32
      %sign3A_594 = arith.constant 0 : i32
      %sign3A_595 = arith.cmpi sgt, %jit3A_585, %sign3A_594 : i32
      %sign3A_596 = arith.extui %sign3A_595 : i1 to i32
      %sign3A_597 = arith.constant 0 : i32
      %sign3A_598 = arith.cmpi slt, %jit3A_585, %sign3A_597 : i32
      %sign3A_599 = arith.extui %sign3A_598 : i1 to i32
      %sign3A_600 = arith.subi %sign3A_596, %sign3A_599 : i32
      %ne3A_601 = arith.cmpi ne, %sign3A_593, %sign3A_600 : i32
      %rem3A_602 = arith.remsi %select_n3A_8, %jit3A_585 : i32
      %ne3A_603 = arith.constant 0 : i32
      %ne3A_604 = arith.cmpi ne, %rem3A_602, %ne3A_603 : i32
      %and3A_605 = arith.andi %ne3A_601, %ne3A_604 : i1
      %sub3A_606 = arith.constant 1 : i32
      %sub3A_607 = arith.subi %div3A_586, %sub3A_606 : i32
      %select_n3A_608 = arith.select %and3A_605, %sub3A_607, %div3A_586 : i32
      %sub3A_609 = arith.constant 1 : i32
      %sub3A_610 = arith.subi %select_n3A_608, %sub3A_609 : i32
      %lt3A_611 = arith.cmpi slt, %add3A_341, %sub3A_610 : i32
      %convert_element_type3A_612 = arith.extui %lt3A_611 : i1 to i32
      %cond3A_613 = arith.constant 0 : i32
      %cond3A_614 = arith.cmpi ne, %convert_element_type3A_612, %cond3A_613 : i32
      scf.if %cond3A_614 {
        %add3A_757 = arith.constant 4 : i32
        %add3A_758 = arith.addi %add3A_529, %add3A_757 : i32
        %add3A_759 = arith.addi %select_n3A, %add3A_758 : i32
        %dma_start3A_760 = arith.constant 2 : i32
        %dma_start3A_761 = arith.constant 2 : i32
        %dma_start3A_762 = arith.constant 0 : i32
        %dma_start3A_763 = tpu.memref_slice %arg6[%dma_start3A_760, %dma_start3A_762] : memref<4x192xi32, #tpu.memory_space<vmem>> -> memref<1x192xi32, #tpu.memory_space<vmem>>
        %dma_start3A_764 = tpu.memref_squeeze %dma_start3A_763 : memref<1x192xi32, #tpu.memory_space<vmem>> -> memref<192xi32, #tpu.memory_space<vmem>>
        %dma_start3A_765 = arith.constant 0 : i32
        %dma_start3A_766 = tpu.memref_slice %arg2[%add3A_759, %dma_start3A_765] : memref<5120x192xi32, #tpu.memory_space<hbm>> -> memref<1x192xi32, #tpu.memory_space<hbm>>
        %dma_start3A_767 = tpu.memref_squeeze %dma_start3A_766 : memref<1x192xi32, #tpu.memory_space<hbm>> -> memref<192xi32, #tpu.memory_space<hbm>>
        %dma_start3A_768 = tpu.memref_slice %arg17[%dma_start3A_761] : memref<4x!tpu.dma_semaphore, #tpu.memory_space<semaphore_mem>> -> memref<1x!tpu.dma_semaphore, #tpu.memory_space<semaphore_mem>>
        %dma_start3A_769 = tpu.memref_squeeze %dma_start3A_768 : memref<1x!tpu.dma_semaphore, #tpu.memory_space<semaphore_mem>> -> memref<!tpu.dma_semaphore, #tpu.memory_space<semaphore_mem>>
        %dma_start3A_770 = arith.constant 0 : i32
        %dma_start3A_771 = tpu.memref_slice %arg6[%dma_start3A_760, %dma_start3A_770] : memref<4x192xi32, #tpu.memory_space<vmem>> -> memref<1x192xi32, #tpu.memory_space<vmem>>
        %dma_start3A_772 = tpu.memref_squeeze %dma_start3A_771 : memref<1x192xi32, #tpu.memory_space<vmem>> -> memref<192xi32, #tpu.memory_space<vmem>>
        %dma_start3A_773 = arith.constant 0 : i32
        %dma_start3A_774 = tpu.memref_slice %arg2[%add3A_759, %dma_start3A_773] : memref<5120x192xi32, #tpu.memory_space<hbm>> -> memref<1x192xi32, #tpu.memory_space<hbm>>
        %dma_start3A_775 = tpu.memref_squeeze %dma_start3A_774 : memref<1x192xi32, #tpu.memory_space<hbm>> -> memref<192xi32, #tpu.memory_space<hbm>>
        tpu.enqueue_dma source(%dma_start3A_775 : memref<192xi32, #tpu.memory_space<hbm>>) target(%dma_start3A_772 : memref<192xi32, #tpu.memory_space<vmem>>) target_semaphore(%dma_start3A_769 : memref<!tpu.dma_semaphore, #tpu.memory_space<semaphore_mem>>)
      } else {
      }
      %gt3A_615 = arith.constant 0 : i32
      %gt3A_616 = arith.cmpi sgt, %add3A_341, %gt3A_615 : i32
      %convert_element_type3A_617 = arith.extui %gt3A_616 : i1 to i32
      %cond3A_618 = arith.constant 0 : i32
      %cond3A_619 = arith.cmpi ne, %convert_element_type3A_617, %cond3A_618 : i32
      scf.if %cond3A_619 {
        %dma_wait3A_757 = arith.constant 3 : i32
        %dma_wait3A_758 = arith.constant 3 : i32
        %dma_wait3A_759 = arith.constant 3 : i32
        %dma_wait3A_760 = arith.constant 0 : i32
        %dma_wait3A_761 = arith.constant 0 : i32
        %dma_wait3A_762 = tpu.memref_slice %arg11[%dma_wait3A_758, %dma_wait3A_760, %dma_wait3A_761] : memref<4x64x128xf32, #tpu.memory_space<vmem>> -> memref<1x64x128xf32, #tpu.memory_space<vmem>>
        %dma_wait3A_763 = tpu.memref_squeeze %dma_wait3A_762 : memref<1x64x128xf32, #tpu.memory_space<vmem>> -> memref<64x128xf32, #tpu.memory_space<vmem>>
        %dma_wait3A_764 = arith.constant 0 : i32
        %dma_wait3A_765 = tpu.memref_slice %arg7[%dma_wait3A_757, %dma_wait3A_764] : memref<4x64xi32, #tpu.memory_space<vmem>> -> memref<1x64xi32, #tpu.memory_space<vmem>>
        %dma_wait3A_766 = tpu.memref_squeeze %dma_wait3A_765 : memref<1x64xi32, #tpu.memory_space<vmem>> -> memref<64xi32, #tpu.memory_space<vmem>>
        %dma_wait3A_767 = arith.constant 0 : i32
        %dma_wait3A_768 = arith.constant 0 : i32
        %dma_wait3A_769 = tpu.memref_slice %arg4[%dma_wait3A_767, %dma_wait3A_768] : memref<40000x128xf32, #tpu.memory_space<hbm>> -> memref<40000x128xf32, #tpu.memory_space<hbm>>
        %dma_wait3A_770 = tpu.memref_slice %arg18[%dma_wait3A_759] : memref<4x!tpu.dma_semaphore, #tpu.memory_space<semaphore_mem>> -> memref<1x!tpu.dma_semaphore, #tpu.memory_space<semaphore_mem>>
        %dma_wait3A_771 = tpu.memref_squeeze %dma_wait3A_770 : memref<1x!tpu.dma_semaphore, #tpu.memory_space<semaphore_mem>> -> memref<!tpu.dma_semaphore, #tpu.memory_space<semaphore_mem>>
        tpu.wait_indirect_dma semaphore(%dma_wait3A_771 : memref<!tpu.dma_semaphore, #tpu.memory_space<semaphore_mem>>) src(%dma_wait3A_769 : memref<40000x128xf32, #tpu.memory_space<hbm>>) dst(%dma_wait3A_763 : memref<64x128xf32, #tpu.memory_space<vmem>>)
        %dma_wait3A_772 = arith.constant 3 : i32
        %dma_wait3A_773 = arith.constant 3 : i32
        %dma_wait3A_774 = arith.constant 3 : i32
        %dma_wait3A_775 = arith.constant 0 : i32
        %dma_wait3A_776 = tpu.memref_slice %arg10[%dma_wait3A_773, %dma_wait3A_775] : memref<4x64xf32, #tpu.memory_space<vmem>> -> memref<1x64xf32, #tpu.memory_space<vmem>>
        %dma_wait3A_777 = tpu.memref_squeeze %dma_wait3A_776 : memref<1x64xf32, #tpu.memory_space<vmem>> -> memref<64xf32, #tpu.memory_space<vmem>>
        %dma_wait3A_778 = arith.constant 0 : i32
        %dma_wait3A_779 = tpu.memref_slice %arg8[%dma_wait3A_772, %dma_wait3A_778] : memref<4x64xi32, #tpu.memory_space<vmem>> -> memref<1x64xi32, #tpu.memory_space<vmem>>
        %dma_wait3A_780 = tpu.memref_squeeze %dma_wait3A_779 : memref<1x64xi32, #tpu.memory_space<vmem>> -> memref<64xi32, #tpu.memory_space<vmem>>
        %dma_wait3A_781 = arith.constant 0 : i32
        %dma_wait3A_782 = tpu.memref_slice %arg15[%dma_wait3A_781] : memref<40960xf32, #tpu.memory_space<vmem_shared>> -> memref<40960xf32, #tpu.memory_space<vmem_shared>>
        %dma_wait3A_783 = tpu.memref_slice %arg19[%dma_wait3A_774] : memref<4x!tpu.dma_semaphore, #tpu.memory_space<semaphore_mem>> -> memref<1x!tpu.dma_semaphore, #tpu.memory_space<semaphore_mem>>
        %dma_wait3A_784 = tpu.memref_squeeze %dma_wait3A_783 : memref<1x!tpu.dma_semaphore, #tpu.memory_space<semaphore_mem>> -> memref<!tpu.dma_semaphore, #tpu.memory_space<semaphore_mem>>
        tpu.wait_indirect_dma semaphore(%dma_wait3A_784 : memref<!tpu.dma_semaphore, #tpu.memory_space<semaphore_mem>>) src(%dma_wait3A_782 : memref<40960xf32, #tpu.memory_space<vmem_shared>>) dst(%dma_wait3A_777 : memref<64xf32, #tpu.memory_space<vmem>>)
        %scan3A_785 = arith.constant 0 : i32
        %scan3A_786 = arith.constant 64 : i32
        %scan3A_787 = arith.addi %scan3A_785, %scan3A_786 : i32
        %scan3A_788 = arith.constant 1 : i32
        scf.for %scan3A_805 = %scan3A_785 to %scan3A_787 step %scan3A_788  : i32 {
          %mul3A_806 = arith.constant 1 : i32
          %mul3A_807 = arith.muli %scan3A_805, %mul3A_806 : i32
          %add3A_808 = arith.constant 0 : i32
          %add3A_809 = arith.addi %add3A_808, %mul3A_807 : i32
          %broadcast_in_dim3A = vector.broadcast %add3A_809 : i32 to vector<16xi32>
          %gather3A = arith.constant 3 : i32
          %gather3A_810 = arith.constant 0 : i32
          %gather3A_811 = tpu.memref_slice %arg10[%gather3A, %gather3A_810] : memref<4x64xf32, #tpu.memory_space<vmem>> -> memref<1x64xf32, #tpu.memory_space<vmem>>
          %gather3A_812 = tpu.memref_squeeze %gather3A_811 : memref<1x64xf32, #tpu.memory_space<vmem>> -> memref<64xf32, #tpu.memory_space<vmem>>
          %gather3A_813 = tpu.vector_load_idx %gather3A_812[%broadcast_in_dim3A] : memref<64xf32, #tpu.memory_space<vmem>>[vector<16xi32>], vector<16xf32>,
          %get3A = arith.constant 3 : i32
          %get3A_814 = arith.index_cast %get3A : i32 to index
          %get3A_815 = arith.index_cast %add3A_809 : i32 to index
          %get3A_816 = arith.constant 0 : index
          %get3A_817 = tpu.vector_load %arg11[%get3A_814, %get3A_815, %get3A_816] {strides = array<i32>} : memref<4x64x128xf32, #tpu.memory_space<vmem>>, vector<16xf32>,
          %mul3A_818 = arith.mulf %get3A_817, %gather3A_813 : vector<16xf32>
          %swap3A = arith.constant 3 : i32
          %swap3A_819 = arith.index_cast %swap3A : i32 to index
          %swap3A_820 = arith.index_cast %add3A_809 : i32 to index
          %swap3A_821 = arith.constant 0 : index
          %swap3A_822 = tpu.vector_load %arg11[%swap3A_819, %swap3A_820, %swap3A_821] {strides = array<i32>} : memref<4x64x128xf32, #tpu.memory_space<vmem>>, vector<16xf32>,
          tpu.vector_store %arg11[%swap3A_819, %swap3A_820, %swap3A_821], %mul3A_818 {strides = array<i32>} : memref<4x64x128xf32, #tpu.memory_space<vmem>>, vector<16xf32>,
          %get3A_823 = arith.constant 3 : i32
          %get3A_824 = arith.index_cast %get3A_823 : i32 to index
          %get3A_825 = arith.index_cast %add3A_809 : i32 to index
          %get3A_826 = arith.constant 16 : index
          %get3A_827 = tpu.vector_load %arg11[%get3A_824, %get3A_825, %get3A_826] {strides = array<i32>} : memref<4x64x128xf32, #tpu.memory_space<vmem>>, vector<16xf32>,
          %mul3A_828 = arith.mulf %get3A_827, %gather3A_813 : vector<16xf32>
          %swap3A_829 = arith.constant 3 : i32
          %swap3A_830 = arith.index_cast %swap3A_829 : i32 to index
          %swap3A_831 = arith.index_cast %add3A_809 : i32 to index
          %swap3A_832 = arith.constant 16 : index
          %swap3A_833 = tpu.vector_load %arg11[%swap3A_830, %swap3A_831, %swap3A_832] {strides = array<i32>} : memref<4x64x128xf32, #tpu.memory_space<vmem>>, vector<16xf32>,
          tpu.vector_store %arg11[%swap3A_830, %swap3A_831, %swap3A_832], %mul3A_828 {strides = array<i32>} : memref<4x64x128xf32, #tpu.memory_space<vmem>>, vector<16xf32>,
          %get3A_834 = arith.constant 3 : i32
          %get3A_835 = arith.index_cast %get3A_834 : i32 to index
          %get3A_836 = arith.index_cast %add3A_809 : i32 to index
          %get3A_837 = arith.constant 32 : index
          %get3A_838 = tpu.vector_load %arg11[%get3A_835, %get3A_836, %get3A_837] {strides = array<i32>} : memref<4x64x128xf32, #tpu.memory_space<vmem>>, vector<16xf32>,
          %mul3A_839 = arith.mulf %get3A_838, %gather3A_813 : vector<16xf32>
          %swap3A_840 = arith.constant 3 : i32
          %swap3A_841 = arith.index_cast %swap3A_840 : i32 to index
          %swap3A_842 = arith.index_cast %add3A_809 : i32 to index
          %swap3A_843 = arith.constant 32 : index
          %swap3A_844 = tpu.vector_load %arg11[%swap3A_841, %swap3A_842, %swap3A_843] {strides = array<i32>} : memref<4x64x128xf32, #tpu.memory_space<vmem>>, vector<16xf32>,
          tpu.vector_store %arg11[%swap3A_841, %swap3A_842, %swap3A_843], %mul3A_839 {strides = array<i32>} : memref<4x64x128xf32, #tpu.memory_space<vmem>>, vector<16xf32>,
          %get3A_845 = arith.constant 3 : i32
          %get3A_846 = arith.index_cast %get3A_845 : i32 to index
          %get3A_847 = arith.index_cast %add3A_809 : i32 to index
          %get3A_848 = arith.constant 48 : index
          %get3A_849 = tpu.vector_load %arg11[%get3A_846, %get3A_847, %get3A_848] {strides = array<i32>} : memref<4x64x128xf32, #tpu.memory_space<vmem>>, vector<16xf32>,
          %mul3A_850 = arith.mulf %get3A_849, %gather3A_813 : vector<16xf32>
          %swap3A_851 = arith.constant 3 : i32
          %swap3A_852 = arith.index_cast %swap3A_851 : i32 to index
          %swap3A_853 = arith.index_cast %add3A_809 : i32 to index
          %swap3A_854 = arith.constant 48 : index
          %swap3A_855 = tpu.vector_load %arg11[%swap3A_852, %swap3A_853, %swap3A_854] {strides = array<i32>} : memref<4x64x128xf32, #tpu.memory_space<vmem>>, vector<16xf32>,
          tpu.vector_store %arg11[%swap3A_852, %swap3A_853, %swap3A_854], %mul3A_850 {strides = array<i32>} : memref<4x64x128xf32, #tpu.memory_space<vmem>>, vector<16xf32>,
          %get3A_856 = arith.constant 3 : i32
          %get3A_857 = arith.index_cast %get3A_856 : i32 to index
          %get3A_858 = arith.index_cast %add3A_809 : i32 to index
          %get3A_859 = arith.constant 64 : index
          %get3A_860 = tpu.vector_load %arg11[%get3A_857, %get3A_858, %get3A_859] {strides = array<i32>} : memref<4x64x128xf32, #tpu.memory_space<vmem>>, vector<16xf32>,
          %mul3A_861 = arith.mulf %get3A_860, %gather3A_813 : vector<16xf32>
          %swap3A_862 = arith.constant 3 : i32
          %swap3A_863 = arith.index_cast %swap3A_862 : i32 to index
          %swap3A_864 = arith.index_cast %add3A_809 : i32 to index
          %swap3A_865 = arith.constant 64 : index
          %swap3A_866 = tpu.vector_load %arg11[%swap3A_863, %swap3A_864, %swap3A_865] {strides = array<i32>} : memref<4x64x128xf32, #tpu.memory_space<vmem>>, vector<16xf32>,
          tpu.vector_store %arg11[%swap3A_863, %swap3A_864, %swap3A_865], %mul3A_861 {strides = array<i32>} : memref<4x64x128xf32, #tpu.memory_space<vmem>>, vector<16xf32>,
          %get3A_867 = arith.constant 3 : i32
          %get3A_868 = arith.index_cast %get3A_867 : i32 to index
          %get3A_869 = arith.index_cast %add3A_809 : i32 to index
          %get3A_870 = arith.constant 80 : index
          %get3A_871 = tpu.vector_load %arg11[%get3A_868, %get3A_869, %get3A_870] {strides = array<i32>} : memref<4x64x128xf32, #tpu.memory_space<vmem>>, vector<16xf32>,
          %mul3A_872 = arith.mulf %get3A_871, %gather3A_813 : vector<16xf32>
          %swap3A_873 = arith.constant 3 : i32
          %swap3A_874 = arith.index_cast %swap3A_873 : i32 to index
          %swap3A_875 = arith.index_cast %add3A_809 : i32 to index
          %swap3A_876 = arith.constant 80 : index
          %swap3A_877 = tpu.vector_load %arg11[%swap3A_874, %swap3A_875, %swap3A_876] {strides = array<i32>} : memref<4x64x128xf32, #tpu.memory_space<vmem>>, vector<16xf32>,
          tpu.vector_store %arg11[%swap3A_874, %swap3A_875, %swap3A_876], %mul3A_872 {strides = array<i32>} : memref<4x64x128xf32, #tpu.memory_space<vmem>>, vector<16xf32>,
          %get3A_878 = arith.constant 3 : i32
          %get3A_879 = arith.index_cast %get3A_878 : i32 to index
          %get3A_880 = arith.index_cast %add3A_809 : i32 to index
          %get3A_881 = arith.constant 96 : index
          %get3A_882 = tpu.vector_load %arg11[%get3A_879, %get3A_880, %get3A_881] {strides = array<i32>} : memref<4x64x128xf32, #tpu.memory_space<vmem>>, vector<16xf32>,
          %mul3A_883 = arith.mulf %get3A_882, %gather3A_813 : vector<16xf32>
          %swap3A_884 = arith.constant 3 : i32
          %swap3A_885 = arith.index_cast %swap3A_884 : i32 to index
          %swap3A_886 = arith.index_cast %add3A_809 : i32 to index
          %swap3A_887 = arith.constant 96 : index
          %swap3A_888 = tpu.vector_load %arg11[%swap3A_885, %swap3A_886, %swap3A_887] {strides = array<i32>} : memref<4x64x128xf32, #tpu.memory_space<vmem>>, vector<16xf32>,
          tpu.vector_store %arg11[%swap3A_885, %swap3A_886, %swap3A_887], %mul3A_883 {strides = array<i32>} : memref<4x64x128xf32, #tpu.memory_space<vmem>>, vector<16xf32>,
          %get3A_889 = arith.constant 3 : i32
          %get3A_890 = arith.index_cast %get3A_889 : i32 to index
          %get3A_891 = arith.index_cast %add3A_809 : i32 to index
          %get3A_892 = arith.constant 112 : index
          %get3A_893 = tpu.vector_load %arg11[%get3A_890, %get3A_891, %get3A_892] {strides = array<i32>} : memref<4x64x128xf32, #tpu.memory_space<vmem>>, vector<16xf32>,
          %mul3A_894 = arith.mulf %get3A_893, %gather3A_813 : vector<16xf32>
          %swap3A_895 = arith.constant 3 : i32
          %swap3A_896 = arith.index_cast %swap3A_895 : i32 to index
          %swap3A_897 = arith.index_cast %add3A_809 : i32 to index
          %swap3A_898 = arith.constant 112 : index
          %swap3A_899 = tpu.vector_load %arg11[%swap3A_896, %swap3A_897, %swap3A_898] {strides = array<i32>} : memref<4x64x128xf32, #tpu.memory_space<vmem>>, vector<16xf32>,
          tpu.vector_store %arg11[%swap3A_896, %swap3A_897, %swap3A_898], %mul3A_894 {strides = array<i32>} : memref<4x64x128xf32, #tpu.memory_space<vmem>>, vector<16xf32>,
        }
        %scan3A_789 = arith.constant 64 : i32
        %dma_start3A_790 = arith.constant 3 : i32
        %dma_start3A_791 = arith.constant 3 : i32
        %dma_start3A_792 = arith.constant 3 : i32
        %dma_start3A_793 = arith.constant 0 : i32
        %dma_start3A_794 = arith.constant 0 : i32
        %dma_start3A_795 = tpu.memref_slice %arg11[%dma_start3A_790, %dma_start3A_793, %dma_start3A_794] : memref<4x64x128xf32, #tpu.memory_space<vmem>> -> memref<1x64x128xf32, #tpu.memory_space<vmem>>
        %dma_start3A_796 = tpu.memref_squeeze %dma_start3A_795 : memref<1x64x128xf32, #tpu.memory_space<vmem>> -> memref<64x128xf32, #tpu.memory_space<vmem>>
        %dma_start3A_797 = arith.constant 0 : i32
        %dma_start3A_798 = tpu.memref_slice %arg9[%dma_start3A_791, %dma_start3A_797] : memref<4x64xi32, #tpu.memory_space<vmem>> -> memref<1x64xi32, #tpu.memory_space<vmem>>
        %dma_start3A_799 = tpu.memref_squeeze %dma_start3A_798 : memref<1x64xi32, #tpu.memory_space<vmem>> -> memref<64xi32, #tpu.memory_space<vmem>>
        %dma_start3A_800 = arith.constant 0 : i32
        %dma_start3A_801 = arith.constant 0 : i32
        %dma_start3A_802 = tpu.memref_slice %arg16[%dma_start3A_800, %dma_start3A_801] : memref<10240x128xf32, #tpu.memory_space<vmem_shared>> -> memref<10240x128xf32, #tpu.memory_space<vmem_shared>>
        %dma_start3A_803 = tpu.memref_slice %arg20[%dma_start3A_792] : memref<4x!tpu.dma_semaphore, #tpu.memory_space<semaphore_mem>> -> memref<1x!tpu.dma_semaphore, #tpu.memory_space<semaphore_mem>>
        %dma_start3A_804 = tpu.memref_squeeze %dma_start3A_803 : memref<1x!tpu.dma_semaphore, #tpu.memory_space<semaphore_mem>> -> memref<!tpu.dma_semaphore, #tpu.memory_space<semaphore_mem>>
        tpu.enqueue_indirect_dma source(%dma_start3A_796 : memref<64x128xf32, #tpu.memory_space<vmem>>) target(%dma_start3A_802 : memref<10240x128xf32, #tpu.memory_space<vmem_shared>>) offsets(%dma_start3A_799 : memref<64xi32, #tpu.memory_space<vmem>>) semaphore(%dma_start3A_804 : memref<!tpu.dma_semaphore, #tpu.memory_space<semaphore_mem>>) {add = true}
      } else {
      }
      %mul3A_620 = arith.constant 4 : i32
      %mul3A_621 = arith.muli %mul3A_620, %add3A_341 : i32
      %add3A_622 = arith.constant 3 : i32
      %add3A_623 = arith.addi %mul3A_621, %add3A_622 : i32
      %add3A_624 = arith.addi %select_n3A, %add3A_623 : i32
      %dma_wait3A_625 = arith.constant 3 : i32
      %dma_wait3A_626 = arith.constant 3 : i32
      %dma_wait3A_627 = arith.constant 0 : i32
      %dma_wait3A_628 = tpu.memref_slice %arg6[%dma_wait3A_625, %dma_wait3A_627] : memref<4x192xi32, #tpu.memory_space<vmem>> -> memref<1x192xi32, #tpu.memory_space<vmem>>
      %dma_wait3A_629 = tpu.memref_squeeze %dma_wait3A_628 : memref<1x192xi32, #tpu.memory_space<vmem>> -> memref<192xi32, #tpu.memory_space<vmem>>
      %dma_wait3A_630 = arith.constant 0 : i32
      %dma_wait3A_631 = tpu.memref_slice %arg2[%add3A_624, %dma_wait3A_630] : memref<5120x192xi32, #tpu.memory_space<hbm>> -> memref<1x192xi32, #tpu.memory_space<hbm>>
      %dma_wait3A_632 = tpu.memref_squeeze %dma_wait3A_631 : memref<1x192xi32, #tpu.memory_space<hbm>> -> memref<192xi32, #tpu.memory_space<hbm>>
      %dma_wait3A_633 = tpu.memref_slice %arg17[%dma_wait3A_626] : memref<4x!tpu.dma_semaphore, #tpu.memory_space<semaphore_mem>> -> memref<1x!tpu.dma_semaphore, #tpu.memory_space<semaphore_mem>>
      %dma_wait3A_634 = tpu.memref_squeeze %dma_wait3A_633 : memref<1x!tpu.dma_semaphore, #tpu.memory_space<semaphore_mem>> -> memref<!tpu.dma_semaphore, #tpu.memory_space<semaphore_mem>>
      %dma_wait3A_635 = arith.constant 0 : i32
      %dma_wait3A_636 = tpu.memref_slice %arg6[%dma_wait3A_625, %dma_wait3A_635] : memref<4x192xi32, #tpu.memory_space<vmem>> -> memref<1x192xi32, #tpu.memory_space<vmem>>
      %dma_wait3A_637 = tpu.memref_squeeze %dma_wait3A_636 : memref<1x192xi32, #tpu.memory_space<vmem>> -> memref<192xi32, #tpu.memory_space<vmem>>
      %dma_wait3A_638 = arith.constant 0 : i32
      %dma_wait3A_639 = tpu.memref_slice %arg2[%add3A_624, %dma_wait3A_638] : memref<5120x192xi32, #tpu.memory_space<hbm>> -> memref<1x192xi32, #tpu.memory_space<hbm>>
      %dma_wait3A_640 = tpu.memref_squeeze %dma_wait3A_639 : memref<1x192xi32, #tpu.memory_space<hbm>> -> memref<192xi32, #tpu.memory_space<hbm>>
      tpu.wait_dma2 semaphore(%dma_wait3A_634 : memref<!tpu.dma_semaphore, #tpu.memory_space<semaphore_mem>>) src(%dma_wait3A_640 : memref<192xi32, #tpu.memory_space<hbm>>) dst(%dma_wait3A_637 : memref<192xi32, #tpu.memory_space<vmem>>)
      %gt3A_641 = arith.constant 0 : i32
      %gt3A_642 = arith.cmpi sgt, %add3A_341, %gt3A_641 : i32
      %convert_element_type3A_643 = arith.extui %gt3A_642 : i1 to i32
      %cond3A_644 = arith.constant 0 : i32
      %cond3A_645 = arith.cmpi ne, %convert_element_type3A_643, %cond3A_644 : i32
      scf.if %cond3A_645 {
        %dma_wait3A_757 = arith.constant 3 : i32
        %dma_wait3A_758 = arith.constant 3 : i32
        %dma_wait3A_759 = arith.constant 3 : i32
        %dma_wait3A_760 = arith.constant 0 : i32
        %dma_wait3A_761 = arith.constant 0 : i32
        %dma_wait3A_762 = tpu.memref_slice %arg11[%dma_wait3A_757, %dma_wait3A_760, %dma_wait3A_761] : memref<4x64x128xf32, #tpu.memory_space<vmem>> -> memref<1x64x128xf32, #tpu.memory_space<vmem>>
        %dma_wait3A_763 = tpu.memref_squeeze %dma_wait3A_762 : memref<1x64x128xf32, #tpu.memory_space<vmem>> -> memref<64x128xf32, #tpu.memory_space<vmem>>
        %dma_wait3A_764 = arith.constant 0 : i32
        %dma_wait3A_765 = tpu.memref_slice %arg9[%dma_wait3A_758, %dma_wait3A_764] : memref<4x64xi32, #tpu.memory_space<vmem>> -> memref<1x64xi32, #tpu.memory_space<vmem>>
        %dma_wait3A_766 = tpu.memref_squeeze %dma_wait3A_765 : memref<1x64xi32, #tpu.memory_space<vmem>> -> memref<64xi32, #tpu.memory_space<vmem>>
        %dma_wait3A_767 = arith.constant 0 : i32
        %dma_wait3A_768 = arith.constant 0 : i32
        %dma_wait3A_769 = tpu.memref_slice %arg16[%dma_wait3A_767, %dma_wait3A_768] : memref<10240x128xf32, #tpu.memory_space<vmem_shared>> -> memref<10240x128xf32, #tpu.memory_space<vmem_shared>>
        %dma_wait3A_770 = tpu.memref_slice %arg20[%dma_wait3A_759] : memref<4x!tpu.dma_semaphore, #tpu.memory_space<semaphore_mem>> -> memref<1x!tpu.dma_semaphore, #tpu.memory_space<semaphore_mem>>
        %dma_wait3A_771 = tpu.memref_squeeze %dma_wait3A_770 : memref<1x!tpu.dma_semaphore, #tpu.memory_space<semaphore_mem>> -> memref<!tpu.dma_semaphore, #tpu.memory_space<semaphore_mem>>
        tpu.wait_indirect_dma semaphore(%dma_wait3A_771 : memref<!tpu.dma_semaphore, #tpu.memory_space<semaphore_mem>>) src(%dma_wait3A_763 : memref<64x128xf32, #tpu.memory_space<vmem>>) dst(%dma_wait3A_769 : memref<10240x128xf32, #tpu.memory_space<vmem_shared>>)
      } else {
      }
      %scan3A_646 = arith.constant 0 : i32
      %scan3A_647 = arith.constant 4 : i32
      %scan3A_648 = arith.addi %scan3A_646, %scan3A_647 : i32
      %scan3A_649 = arith.constant 1 : i32
      scf.for %scan3A_757 = %scan3A_646 to %scan3A_648 step %scan3A_649  : i32 {
        %mul3A_758 = arith.constant 1 : i32
        %mul3A_759 = arith.muli %scan3A_757, %mul3A_758 : i32
        %add3A_760 = arith.constant 0 : i32
        %add3A_761 = arith.addi %add3A_760, %mul3A_759 : i32
        %mul3A_762 = arith.constant 16 : i32
        %mul3A_763 = arith.muli %add3A_761, %mul3A_762 : i32
        %mul3A_764 = arith.constant 16 : i32
        %mul3A_765 = arith.muli %add3A_761, %mul3A_764 : i32
        %add3A_766 = arith.constant 64 : i32
        %add3A_767 = arith.addi %add3A_766, %mul3A_765 : i32
        %get3A = arith.constant 3 : i32
        %get3A_768 = arith.index_cast %get3A : i32 to index
        %get3A_769 = arith.index_cast %add3A_767 : i32 to index
        %get3A_770 = tpu.vector_load %arg6[%get3A_768, %get3A_769] {strides = array<i32>} : memref<4x192xi32, #tpu.memory_space<vmem>>, vector<16xi32>,
        %mul3A_771 = arith.constant 16 : i32
        %mul3A_772 = arith.muli %add3A_761, %mul3A_771 : i32
        %add3A_773 = arith.constant 128 : i32
        %add3A_774 = arith.addi %add3A_773, %mul3A_772 : i32
        %get3A_775 = arith.constant 3 : i32
        %get3A_776 = arith.index_cast %get3A_775 : i32 to index
        %get3A_777 = arith.index_cast %add3A_774 : i32 to index
        %get3A_778 = tpu.vector_load %arg6[%get3A_776, %get3A_777] {strides = array<i32>} : memref<4x192xi32, #tpu.memory_space<vmem>>, vector<16xi32>,
        %mul3A_779 = arith.constant 10000 : i32
        %mul3A_780 = vector.broadcast %mul3A_779 : i32 to vector<16xi32>
        %mul3A_781 = arith.muli %get3A_770, %mul3A_780 : vector<16xi32>
        %mul3A_782 = arith.constant 16 : i32
        %mul3A_783 = arith.muli %add3A_761, %mul3A_782 : i32
        %get3A_784 = arith.constant 3 : i32
        %get3A_785 = arith.index_cast %get3A_784 : i32 to index
        %get3A_786 = arith.index_cast %mul3A_783 : i32 to index
        %get3A_787 = tpu.vector_load %arg6[%get3A_785, %get3A_786] {strides = array<i32>} : memref<4x192xi32, #tpu.memory_space<vmem>>, vector<16xi32>,
        %add3A_788 = arith.addi %mul3A_781, %get3A_787 : vector<16xi32>
        %swap3A = arith.constant 3 : i32
        %swap3A_789 = arith.index_cast %swap3A : i32 to index
        %swap3A_790 = arith.index_cast %mul3A_763 : i32 to index
        %swap3A_791 = tpu.vector_load %arg7[%swap3A_789, %swap3A_790] {strides = array<i32>} : memref<4x64xi32, #tpu.memory_space<vmem>>, vector<16xi32>,
        tpu.vector_store %arg7[%swap3A_789, %swap3A_790], %add3A_788 {strides = array<i32>} : memref<4x64xi32, #tpu.memory_space<vmem>>, vector<16xi32>,
        %mul3A_792 = arith.constant 4 : i32
        %mul3A_793 = vector.broadcast %mul3A_792 : i32 to vector<16xi32>
        %mul3A_794 = arith.muli %get3A_778, %mul3A_793 : vector<16xi32>
        %add3A_795 = arith.addi %mul3A_794, %get3A_770 : vector<16xi32>
        %swap3A_796 = arith.constant 3 : i32
        %swap3A_797 = arith.index_cast %swap3A_796 : i32 to index
        %swap3A_798 = arith.index_cast %mul3A_763 : i32 to index
        %swap3A_799 = tpu.vector_load %arg8[%swap3A_797, %swap3A_798] {strides = array<i32>} : memref<4x64xi32, #tpu.memory_space<vmem>>, vector<16xi32>,
        tpu.vector_store %arg8[%swap3A_797, %swap3A_798], %add3A_795 {strides = array<i32>} : memref<4x64xi32, #tpu.memory_space<vmem>>, vector<16xi32>,
        %swap3A_800 = arith.constant 3 : i32
        %swap3A_801 = arith.index_cast %swap3A_800 : i32 to index
        %swap3A_802 = arith.index_cast %mul3A_763 : i32 to index
        %swap3A_803 = tpu.vector_load %arg9[%swap3A_801, %swap3A_802] {strides = array<i32>} : memref<4x64xi32, #tpu.memory_space<vmem>>, vector<16xi32>,
        tpu.vector_store %arg9[%swap3A_801, %swap3A_802], %get3A_778 {strides = array<i32>} : memref<4x64xi32, #tpu.memory_space<vmem>>, vector<16xi32>,
      }
      %scan3A_650 = arith.constant 4 : i32
      %dma_start3A_651 = arith.constant 3 : i32
      %dma_start3A_652 = arith.constant 3 : i32
      %dma_start3A_653 = arith.constant 3 : i32
      %dma_start3A_654 = arith.constant 0 : i32
      %dma_start3A_655 = arith.constant 0 : i32
      %dma_start3A_656 = tpu.memref_slice %arg11[%dma_start3A_652, %dma_start3A_654, %dma_start3A_655] : memref<4x64x128xf32, #tpu.memory_space<vmem>> -> memref<1x64x128xf32, #tpu.memory_space<vmem>>
      %dma_start3A_657 = tpu.memref_squeeze %dma_start3A_656 : memref<1x64x128xf32, #tpu.memory_space<vmem>> -> memref<64x128xf32, #tpu.memory_space<vmem>>
      %dma_start3A_658 = arith.constant 0 : i32
      %dma_start3A_659 = tpu.memref_slice %arg7[%dma_start3A_651, %dma_start3A_658] : memref<4x64xi32, #tpu.memory_space<vmem>> -> memref<1x64xi32, #tpu.memory_space<vmem>>
      %dma_start3A_660 = tpu.memref_squeeze %dma_start3A_659 : memref<1x64xi32, #tpu.memory_space<vmem>> -> memref<64xi32, #tpu.memory_space<vmem>>
      %dma_start3A_661 = arith.constant 0 : i32
      %dma_start3A_662 = arith.constant 0 : i32
      %dma_start3A_663 = tpu.memref_slice %arg4[%dma_start3A_661, %dma_start3A_662] : memref<40000x128xf32, #tpu.memory_space<hbm>> -> memref<40000x128xf32, #tpu.memory_space<hbm>>
      %dma_start3A_664 = tpu.memref_slice %arg18[%dma_start3A_653] : memref<4x!tpu.dma_semaphore, #tpu.memory_space<semaphore_mem>> -> memref<1x!tpu.dma_semaphore, #tpu.memory_space<semaphore_mem>>
      %dma_start3A_665 = tpu.memref_squeeze %dma_start3A_664 : memref<1x!tpu.dma_semaphore, #tpu.memory_space<semaphore_mem>> -> memref<!tpu.dma_semaphore, #tpu.memory_space<semaphore_mem>>
      tpu.enqueue_indirect_dma source(%dma_start3A_663 : memref<40000x128xf32, #tpu.memory_space<hbm>>) target(%dma_start3A_657 : memref<64x128xf32, #tpu.memory_space<vmem>>) offsets(%dma_start3A_660 : memref<64xi32, #tpu.memory_space<vmem>>) semaphore(%dma_start3A_665 : memref<!tpu.dma_semaphore, #tpu.memory_space<semaphore_mem>>)
      %dma_start3A_666 = arith.constant 3 : i32
      %dma_start3A_667 = arith.constant 3 : i32
      %dma_start3A_668 = arith.constant 3 : i32
      %dma_start3A_669 = arith.constant 0 : i32
      %dma_start3A_670 = tpu.memref_slice %arg10[%dma_start3A_667, %dma_start3A_669] : memref<4x64xf32, #tpu.memory_space<vmem>> -> memref<1x64xf32, #tpu.memory_space<vmem>>
      %dma_start3A_671 = tpu.memref_squeeze %dma_start3A_670 : memref<1x64xf32, #tpu.memory_space<vmem>> -> memref<64xf32, #tpu.memory_space<vmem>>
      %dma_start3A_672 = arith.constant 0 : i32
      %dma_start3A_673 = tpu.memref_slice %arg8[%dma_start3A_666, %dma_start3A_672] : memref<4x64xi32, #tpu.memory_space<vmem>> -> memref<1x64xi32, #tpu.memory_space<vmem>>
      %dma_start3A_674 = tpu.memref_squeeze %dma_start3A_673 : memref<1x64xi32, #tpu.memory_space<vmem>> -> memref<64xi32, #tpu.memory_space<vmem>>
      %dma_start3A_675 = arith.constant 0 : i32
      %dma_start3A_676 = tpu.memref_slice %arg15[%dma_start3A_675] : memref<40960xf32, #tpu.memory_space<vmem_shared>> -> memref<40960xf32, #tpu.memory_space<vmem_shared>>
      %dma_start3A_677 = tpu.memref_slice %arg19[%dma_start3A_668] : memref<4x!tpu.dma_semaphore, #tpu.memory_space<semaphore_mem>> -> memref<1x!tpu.dma_semaphore, #tpu.memory_space<semaphore_mem>>
      %dma_start3A_678 = tpu.memref_squeeze %dma_start3A_677 : memref<1x!tpu.dma_semaphore, #tpu.memory_space<semaphore_mem>> -> memref<!tpu.dma_semaphore, #tpu.memory_space<semaphore_mem>>
      tpu.enqueue_indirect_dma source(%dma_start3A_676 : memref<40960xf32, #tpu.memory_space<vmem_shared>>) target(%dma_start3A_671 : memref<64xf32, #tpu.memory_space<vmem>>) offsets(%dma_start3A_674 : memref<64xi32, #tpu.memory_space<vmem>>) semaphore(%dma_start3A_678 : memref<!tpu.dma_semaphore, #tpu.memory_space<semaphore_mem>>)
      %jit3A_679 = arith.constant 4 : i32
      %div3A_680 = arith.divsi %select_n3A_8, %jit3A_679 : i32
      %sign3A_681 = arith.constant 0 : i32
      %sign3A_682 = arith.cmpi sgt, %select_n3A_8, %sign3A_681 : i32
      %sign3A_683 = arith.extui %sign3A_682 : i1 to i32
      %sign3A_684 = arith.constant 0 : i32
      %sign3A_685 = arith.cmpi slt, %select_n3A_8, %sign3A_684 : i32
      %sign3A_686 = arith.extui %sign3A_685 : i1 to i32
      %sign3A_687 = arith.subi %sign3A_683, %sign3A_686 : i32
      %sign3A_688 = arith.constant 0 : i32
      %sign3A_689 = arith.cmpi sgt, %jit3A_679, %sign3A_688 : i32
      %sign3A_690 = arith.extui %sign3A_689 : i1 to i32
      %sign3A_691 = arith.constant 0 : i32
      %sign3A_692 = arith.cmpi slt, %jit3A_679, %sign3A_691 : i32
      %sign3A_693 = arith.extui %sign3A_692 : i1 to i32
      %sign3A_694 = arith.subi %sign3A_690, %sign3A_693 : i32
      %ne3A_695 = arith.cmpi ne, %sign3A_687, %sign3A_694 : i32
      %rem3A_696 = arith.remsi %select_n3A_8, %jit3A_679 : i32
      %ne3A_697 = arith.constant 0 : i32
      %ne3A_698 = arith.cmpi ne, %rem3A_696, %ne3A_697 : i32
      %and3A_699 = arith.andi %ne3A_695, %ne3A_698 : i1
      %sub3A_700 = arith.constant 1 : i32
      %sub3A_701 = arith.subi %div3A_680, %sub3A_700 : i32
      %select_n3A_702 = arith.select %and3A_699, %sub3A_701, %div3A_680 : i32
      %sub3A_703 = arith.constant 1 : i32
      %sub3A_704 = arith.subi %select_n3A_702, %sub3A_703 : i32
      %lt3A_705 = arith.cmpi slt, %add3A_341, %sub3A_704 : i32
      %convert_element_type3A_706 = arith.extui %lt3A_705 : i1 to i32
      %cond3A_707 = arith.constant 0 : i32
      %cond3A_708 = arith.cmpi ne, %convert_element_type3A_706, %cond3A_707 : i32
      scf.if %cond3A_708 {
        %add3A_757 = arith.constant 4 : i32
        %add3A_758 = arith.addi %add3A_623, %add3A_757 : i32
        %add3A_759 = arith.addi %select_n3A, %add3A_758 : i32
        %dma_start3A_760 = arith.constant 3 : i32
        %dma_start3A_761 = arith.constant 3 : i32
        %dma_start3A_762 = arith.constant 0 : i32
        %dma_start3A_763 = tpu.memref_slice %arg6[%dma_start3A_760, %dma_start3A_762] : memref<4x192xi32, #tpu.memory_space<vmem>> -> memref<1x192xi32, #tpu.memory_space<vmem>>
        %dma_start3A_764 = tpu.memref_squeeze %dma_start3A_763 : memref<1x192xi32, #tpu.memory_space<vmem>> -> memref<192xi32, #tpu.memory_space<vmem>>
        %dma_start3A_765 = arith.constant 0 : i32
        %dma_start3A_766 = tpu.memref_slice %arg2[%add3A_759, %dma_start3A_765] : memref<5120x192xi32, #tpu.memory_space<hbm>> -> memref<1x192xi32, #tpu.memory_space<hbm>>
        %dma_start3A_767 = tpu.memref_squeeze %dma_start3A_766 : memref<1x192xi32, #tpu.memory_space<hbm>> -> memref<192xi32, #tpu.memory_space<hbm>>
        %dma_start3A_768 = tpu.memref_slice %arg17[%dma_start3A_761] : memref<4x!tpu.dma_semaphore, #tpu.memory_space<semaphore_mem>> -> memref<1x!tpu.dma_semaphore, #tpu.memory_space<semaphore_mem>>
        %dma_start3A_769 = tpu.memref_squeeze %dma_start3A_768 : memref<1x!tpu.dma_semaphore, #tpu.memory_space<semaphore_mem>> -> memref<!tpu.dma_semaphore, #tpu.memory_space<semaphore_mem>>
        %dma_start3A_770 = arith.constant 0 : i32
        %dma_start3A_771 = tpu.memref_slice %arg6[%dma_start3A_760, %dma_start3A_770] : memref<4x192xi32, #tpu.memory_space<vmem>> -> memref<1x192xi32, #tpu.memory_space<vmem>>
        %dma_start3A_772 = tpu.memref_squeeze %dma_start3A_771 : memref<1x192xi32, #tpu.memory_space<vmem>> -> memref<192xi32, #tpu.memory_space<vmem>>
        %dma_start3A_773 = arith.constant 0 : i32
        %dma_start3A_774 = tpu.memref_slice %arg2[%add3A_759, %dma_start3A_773] : memref<5120x192xi32, #tpu.memory_space<hbm>> -> memref<1x192xi32, #tpu.memory_space<hbm>>
        %dma_start3A_775 = tpu.memref_squeeze %dma_start3A_774 : memref<1x192xi32, #tpu.memory_space<hbm>> -> memref<192xi32, #tpu.memory_space<hbm>>
        tpu.enqueue_dma source(%dma_start3A_775 : memref<192xi32, #tpu.memory_space<hbm>>) target(%dma_start3A_772 : memref<192xi32, #tpu.memory_space<vmem>>) target_semaphore(%dma_start3A_769 : memref<!tpu.dma_semaphore, #tpu.memory_space<semaphore_mem>>)
      } else {
      }
      %dma_wait3A_709 = arith.constant 0 : i32
      %dma_wait3A_710 = arith.constant 0 : i32
      %dma_wait3A_711 = arith.constant 0 : i32
      %dma_wait3A_712 = arith.constant 0 : i32
      %dma_wait3A_713 = arith.constant 0 : i32
      %dma_wait3A_714 = tpu.memref_slice %arg11[%dma_wait3A_710, %dma_wait3A_712, %dma_wait3A_713] : memref<4x64x128xf32, #tpu.memory_space<vmem>> -> memref<1x64x128xf32, #tpu.memory_space<vmem>>
      %dma_wait3A_715 = tpu.memref_squeeze %dma_wait3A_714 : memref<1x64x128xf32, #tpu.memory_space<vmem>> -> memref<64x128xf32, #tpu.memory_space<vmem>>
      %dma_wait3A_716 = arith.constant 0 : i32
      %dma_wait3A_717 = tpu.memref_slice %arg7[%dma_wait3A_709, %dma_wait3A_716] : memref<4x64xi32, #tpu.memory_space<vmem>> -> memref<1x64xi32, #tpu.memory_space<vmem>>
      %dma_wait3A_718 = tpu.memref_squeeze %dma_wait3A_717 : memref<1x64xi32, #tpu.memory_space<vmem>> -> memref<64xi32, #tpu.memory_space<vmem>>
      %dma_wait3A_719 = arith.constant 0 : i32
      %dma_wait3A_720 = arith.constant 0 : i32
      %dma_wait3A_721 = tpu.memref_slice %arg4[%dma_wait3A_719, %dma_wait3A_720] : memref<40000x128xf32, #tpu.memory_space<hbm>> -> memref<40000x128xf32, #tpu.memory_space<hbm>>
      %dma_wait3A_722 = tpu.memref_slice %arg18[%dma_wait3A_711] : memref<4x!tpu.dma_semaphore, #tpu.memory_space<semaphore_mem>> -> memref<1x!tpu.dma_semaphore, #tpu.memory_space<semaphore_mem>>
      %dma_wait3A_723 = tpu.memref_squeeze %dma_wait3A_722 : memref<1x!tpu.dma_semaphore, #tpu.memory_space<semaphore_mem>> -> memref<!tpu.dma_semaphore, #tpu.memory_space<semaphore_mem>>
      tpu.wait_indirect_dma semaphore(%dma_wait3A_723 : memref<!tpu.dma_semaphore, #tpu.memory_space<semaphore_mem>>) src(%dma_wait3A_721 : memref<40000x128xf32, #tpu.memory_space<hbm>>) dst(%dma_wait3A_715 : memref<64x128xf32, #tpu.memory_space<vmem>>)
      %dma_wait3A_724 = arith.constant 0 : i32
      %dma_wait3A_725 = arith.constant 0 : i32
      %dma_wait3A_726 = arith.constant 0 : i32
      %dma_wait3A_727 = arith.constant 0 : i32
      %dma_wait3A_728 = tpu.memref_slice %arg10[%dma_wait3A_725, %dma_wait3A_727] : memref<4x64xf32, #tpu.memory_space<vmem>> -> memref<1x64xf32, #tpu.memory_space<vmem>>
      %dma_wait3A_729 = tpu.memref_squeeze %dma_wait3A_728 : memref<1x64xf32, #tpu.memory_space<vmem>> -> memref<64xf32, #tpu.memory_space<vmem>>
      %dma_wait3A_730 = arith.constant 0 : i32
      %dma_wait3A_731 = tpu.memref_slice %arg8[%dma_wait3A_724, %dma_wait3A_730] : memref<4x64xi32, #tpu.memory_space<vmem>> -> memref<1x64xi32, #tpu.memory_space<vmem>>
      %dma_wait3A_732 = tpu.memref_squeeze %dma_wait3A_731 : memref<1x64xi32, #tpu.memory_space<vmem>> -> memref<64xi32, #tpu.memory_space<vmem>>
      %dma_wait3A_733 = arith.constant 0 : i32
      %dma_wait3A_734 = tpu.memref_slice %arg15[%dma_wait3A_733] : memref<40960xf32, #tpu.memory_space<vmem_shared>> -> memref<40960xf32, #tpu.memory_space<vmem_shared>>
      %dma_wait3A_735 = tpu.memref_slice %arg19[%dma_wait3A_726] : memref<4x!tpu.dma_semaphore, #tpu.memory_space<semaphore_mem>> -> memref<1x!tpu.dma_semaphore, #tpu.memory_space<semaphore_mem>>
      %dma_wait3A_736 = tpu.memref_squeeze %dma_wait3A_735 : memref<1x!tpu.dma_semaphore, #tpu.memory_space<semaphore_mem>> -> memref<!tpu.dma_semaphore, #tpu.memory_space<semaphore_mem>>
      tpu.wait_indirect_dma semaphore(%dma_wait3A_736 : memref<!tpu.dma_semaphore, #tpu.memory_space<semaphore_mem>>) src(%dma_wait3A_734 : memref<40960xf32, #tpu.memory_space<vmem_shared>>) dst(%dma_wait3A_729 : memref<64xf32, #tpu.memory_space<vmem>>)
      %scan3A_737 = arith.constant 0 : i32
      %scan3A_738 = arith.constant 64 : i32
      %scan3A_739 = arith.addi %scan3A_737, %scan3A_738 : i32
      %scan3A_740 = arith.constant 1 : i32
      scf.for %scan3A_757 = %scan3A_737 to %scan3A_739 step %scan3A_740  : i32 {
        %mul3A_758 = arith.constant 1 : i32
        %mul3A_759 = arith.muli %scan3A_757, %mul3A_758 : i32
        %add3A_760 = arith.constant 0 : i32
        %add3A_761 = arith.addi %add3A_760, %mul3A_759 : i32
        %broadcast_in_dim3A = vector.broadcast %add3A_761 : i32 to vector<16xi32>
        %gather3A = arith.constant 0 : i32
        %gather3A_762 = arith.constant 0 : i32
        %gather3A_763 = tpu.memref_slice %arg10[%gather3A, %gather3A_762] : memref<4x64xf32, #tpu.memory_space<vmem>> -> memref<1x64xf32, #tpu.memory_space<vmem>>
        %gather3A_764 = tpu.memref_squeeze %gather3A_763 : memref<1x64xf32, #tpu.memory_space<vmem>> -> memref<64xf32, #tpu.memory_space<vmem>>
        %gather3A_765 = tpu.vector_load_idx %gather3A_764[%broadcast_in_dim3A] : memref<64xf32, #tpu.memory_space<vmem>>[vector<16xi32>], vector<16xf32>,
        %get3A = arith.constant 0 : i32
        %get3A_766 = arith.index_cast %get3A : i32 to index
        %get3A_767 = arith.index_cast %add3A_761 : i32 to index
        %get3A_768 = arith.constant 0 : index
        %get3A_769 = tpu.vector_load %arg11[%get3A_766, %get3A_767, %get3A_768] {strides = array<i32>} : memref<4x64x128xf32, #tpu.memory_space<vmem>>, vector<16xf32>,
        %mul3A_770 = arith.mulf %get3A_769, %gather3A_765 : vector<16xf32>
        %swap3A = arith.constant 0 : i32
        %swap3A_771 = arith.index_cast %swap3A : i32 to index
        %swap3A_772 = arith.index_cast %add3A_761 : i32 to index
        %swap3A_773 = arith.constant 0 : index
        %swap3A_774 = tpu.vector_load %arg11[%swap3A_771, %swap3A_772, %swap3A_773] {strides = array<i32>} : memref<4x64x128xf32, #tpu.memory_space<vmem>>, vector<16xf32>,
        tpu.vector_store %arg11[%swap3A_771, %swap3A_772, %swap3A_773], %mul3A_770 {strides = array<i32>} : memref<4x64x128xf32, #tpu.memory_space<vmem>>, vector<16xf32>,
        %get3A_775 = arith.constant 0 : i32
        %get3A_776 = arith.index_cast %get3A_775 : i32 to index
        %get3A_777 = arith.index_cast %add3A_761 : i32 to index
        %get3A_778 = arith.constant 16 : index
        %get3A_779 = tpu.vector_load %arg11[%get3A_776, %get3A_777, %get3A_778] {strides = array<i32>} : memref<4x64x128xf32, #tpu.memory_space<vmem>>, vector<16xf32>,
        %mul3A_780 = arith.mulf %get3A_779, %gather3A_765 : vector<16xf32>
        %swap3A_781 = arith.constant 0 : i32
        %swap3A_782 = arith.index_cast %swap3A_781 : i32 to index
        %swap3A_783 = arith.index_cast %add3A_761 : i32 to index
        %swap3A_784 = arith.constant 16 : index
        %swap3A_785 = tpu.vector_load %arg11[%swap3A_782, %swap3A_783, %swap3A_784] {strides = array<i32>} : memref<4x64x128xf32, #tpu.memory_space<vmem>>, vector<16xf32>,
        tpu.vector_store %arg11[%swap3A_782, %swap3A_783, %swap3A_784], %mul3A_780 {strides = array<i32>} : memref<4x64x128xf32, #tpu.memory_space<vmem>>, vector<16xf32>,
        %get3A_786 = arith.constant 0 : i32
        %get3A_787 = arith.index_cast %get3A_786 : i32 to index
        %get3A_788 = arith.index_cast %add3A_761 : i32 to index
        %get3A_789 = arith.constant 32 : index
        %get3A_790 = tpu.vector_load %arg11[%get3A_787, %get3A_788, %get3A_789] {strides = array<i32>} : memref<4x64x128xf32, #tpu.memory_space<vmem>>, vector<16xf32>,
        %mul3A_791 = arith.mulf %get3A_790, %gather3A_765 : vector<16xf32>
        %swap3A_792 = arith.constant 0 : i32
        %swap3A_793 = arith.index_cast %swap3A_792 : i32 to index
        %swap3A_794 = arith.index_cast %add3A_761 : i32 to index
        %swap3A_795 = arith.constant 32 : index
        %swap3A_796 = tpu.vector_load %arg11[%swap3A_793, %swap3A_794, %swap3A_795] {strides = array<i32>} : memref<4x64x128xf32, #tpu.memory_space<vmem>>, vector<16xf32>,
        tpu.vector_store %arg11[%swap3A_793, %swap3A_794, %swap3A_795], %mul3A_791 {strides = array<i32>} : memref<4x64x128xf32, #tpu.memory_space<vmem>>, vector<16xf32>,
        %get3A_797 = arith.constant 0 : i32
        %get3A_798 = arith.index_cast %get3A_797 : i32 to index
        %get3A_799 = arith.index_cast %add3A_761 : i32 to index
        %get3A_800 = arith.constant 48 : index
        %get3A_801 = tpu.vector_load %arg11[%get3A_798, %get3A_799, %get3A_800] {strides = array<i32>} : memref<4x64x128xf32, #tpu.memory_space<vmem>>, vector<16xf32>,
        %mul3A_802 = arith.mulf %get3A_801, %gather3A_765 : vector<16xf32>
        %swap3A_803 = arith.constant 0 : i32
        %swap3A_804 = arith.index_cast %swap3A_803 : i32 to index
        %swap3A_805 = arith.index_cast %add3A_761 : i32 to index
        %swap3A_806 = arith.constant 48 : index
        %swap3A_807 = tpu.vector_load %arg11[%swap3A_804, %swap3A_805, %swap3A_806] {strides = array<i32>} : memref<4x64x128xf32, #tpu.memory_space<vmem>>, vector<16xf32>,
        tpu.vector_store %arg11[%swap3A_804, %swap3A_805, %swap3A_806], %mul3A_802 {strides = array<i32>} : memref<4x64x128xf32, #tpu.memory_space<vmem>>, vector<16xf32>,
        %get3A_808 = arith.constant 0 : i32
        %get3A_809 = arith.index_cast %get3A_808 : i32 to index
        %get3A_810 = arith.index_cast %add3A_761 : i32 to index
        %get3A_811 = arith.constant 64 : index
        %get3A_812 = tpu.vector_load %arg11[%get3A_809, %get3A_810, %get3A_811] {strides = array<i32>} : memref<4x64x128xf32, #tpu.memory_space<vmem>>, vector<16xf32>,
        %mul3A_813 = arith.mulf %get3A_812, %gather3A_765 : vector<16xf32>
        %swap3A_814 = arith.constant 0 : i32
        %swap3A_815 = arith.index_cast %swap3A_814 : i32 to index
        %swap3A_816 = arith.index_cast %add3A_761 : i32 to index
        %swap3A_817 = arith.constant 64 : index
        %swap3A_818 = tpu.vector_load %arg11[%swap3A_815, %swap3A_816, %swap3A_817] {strides = array<i32>} : memref<4x64x128xf32, #tpu.memory_space<vmem>>, vector<16xf32>,
        tpu.vector_store %arg11[%swap3A_815, %swap3A_816, %swap3A_817], %mul3A_813 {strides = array<i32>} : memref<4x64x128xf32, #tpu.memory_space<vmem>>, vector<16xf32>,
        %get3A_819 = arith.constant 0 : i32
        %get3A_820 = arith.index_cast %get3A_819 : i32 to index
        %get3A_821 = arith.index_cast %add3A_761 : i32 to index
        %get3A_822 = arith.constant 80 : index
        %get3A_823 = tpu.vector_load %arg11[%get3A_820, %get3A_821, %get3A_822] {strides = array<i32>} : memref<4x64x128xf32, #tpu.memory_space<vmem>>, vector<16xf32>,
        %mul3A_824 = arith.mulf %get3A_823, %gather3A_765 : vector<16xf32>
        %swap3A_825 = arith.constant 0 : i32
        %swap3A_826 = arith.index_cast %swap3A_825 : i32 to index
        %swap3A_827 = arith.index_cast %add3A_761 : i32 to index
        %swap3A_828 = arith.constant 80 : index
        %swap3A_829 = tpu.vector_load %arg11[%swap3A_826, %swap3A_827, %swap3A_828] {strides = array<i32>} : memref<4x64x128xf32, #tpu.memory_space<vmem>>, vector<16xf32>,
        tpu.vector_store %arg11[%swap3A_826, %swap3A_827, %swap3A_828], %mul3A_824 {strides = array<i32>} : memref<4x64x128xf32, #tpu.memory_space<vmem>>, vector<16xf32>,
        %get3A_830 = arith.constant 0 : i32
        %get3A_831 = arith.index_cast %get3A_830 : i32 to index
        %get3A_832 = arith.index_cast %add3A_761 : i32 to index
        %get3A_833 = arith.constant 96 : index
        %get3A_834 = tpu.vector_load %arg11[%get3A_831, %get3A_832, %get3A_833] {strides = array<i32>} : memref<4x64x128xf32, #tpu.memory_space<vmem>>, vector<16xf32>,
        %mul3A_835 = arith.mulf %get3A_834, %gather3A_765 : vector<16xf32>
        %swap3A_836 = arith.constant 0 : i32
        %swap3A_837 = arith.index_cast %swap3A_836 : i32 to index
        %swap3A_838 = arith.index_cast %add3A_761 : i32 to index
        %swap3A_839 = arith.constant 96 : index
        %swap3A_840 = tpu.vector_load %arg11[%swap3A_837, %swap3A_838, %swap3A_839] {strides = array<i32>} : memref<4x64x128xf32, #tpu.memory_space<vmem>>, vector<16xf32>,
        tpu.vector_store %arg11[%swap3A_837, %swap3A_838, %swap3A_839], %mul3A_835 {strides = array<i32>} : memref<4x64x128xf32, #tpu.memory_space<vmem>>, vector<16xf32>,
        %get3A_841 = arith.constant 0 : i32
        %get3A_842 = arith.index_cast %get3A_841 : i32 to index
        %get3A_843 = arith.index_cast %add3A_761 : i32 to index
        %get3A_844 = arith.constant 112 : index
        %get3A_845 = tpu.vector_load %arg11[%get3A_842, %get3A_843, %get3A_844] {strides = array<i32>} : memref<4x64x128xf32, #tpu.memory_space<vmem>>, vector<16xf32>,
        %mul3A_846 = arith.mulf %get3A_845, %gather3A_765 : vector<16xf32>
        %swap3A_847 = arith.constant 0 : i32
        %swap3A_848 = arith.index_cast %swap3A_847 : i32 to index
        %swap3A_849 = arith.index_cast %add3A_761 : i32 to index
        %swap3A_850 = arith.constant 112 : index
        %swap3A_851 = tpu.vector_load %arg11[%swap3A_848, %swap3A_849, %swap3A_850] {strides = array<i32>} : memref<4x64x128xf32, #tpu.memory_space<vmem>>, vector<16xf32>,
        tpu.vector_store %arg11[%swap3A_848, %swap3A_849, %swap3A_850], %mul3A_846 {strides = array<i32>} : memref<4x64x128xf32, #tpu.memory_space<vmem>>, vector<16xf32>,
      }
      %scan3A_741 = arith.constant 64 : i32
      %dma_start3A_742 = arith.constant 0 : i32
      %dma_start3A_743 = arith.constant 0 : i32
      %dma_start3A_744 = arith.constant 0 : i32
      %dma_start3A_745 = arith.constant 0 : i32
      %dma_start3A_746 = arith.constant 0 : i32
      %dma_start3A_747 = tpu.memref_slice %arg11[%dma_start3A_742, %dma_start3A_745, %dma_start3A_746] : memref<4x64x128xf32, #tpu.memory_space<vmem>> -> memref<1x64x128xf32, #tpu.memory_space<vmem>>
      %dma_start3A_748 = tpu.memref_squeeze %dma_start3A_747 : memref<1x64x128xf32, #tpu.memory_space<vmem>> -> memref<64x128xf32, #tpu.memory_space<vmem>>
      %dma_start3A_749 = arith.constant 0 : i32
      %dma_start3A_750 = tpu.memref_slice %arg9[%dma_start3A_743, %dma_start3A_749] : memref<4x64xi32, #tpu.memory_space<vmem>> -> memref<1x64xi32, #tpu.memory_space<vmem>>
      %dma_start3A_751 = tpu.memref_squeeze %dma_start3A_750 : memref<1x64xi32, #tpu.memory_space<vmem>> -> memref<64xi32, #tpu.memory_space<vmem>>
      %dma_start3A_752 = arith.constant 0 : i32
      %dma_start3A_753 = arith.constant 0 : i32
      %dma_start3A_754 = tpu.memref_slice %arg16[%dma_start3A_752, %dma_start3A_753] : memref<10240x128xf32, #tpu.memory_space<vmem_shared>> -> memref<10240x128xf32, #tpu.memory_space<vmem_shared>>
      %dma_start3A_755 = tpu.memref_slice %arg20[%dma_start3A_744] : memref<4x!tpu.dma_semaphore, #tpu.memory_space<semaphore_mem>> -> memref<1x!tpu.dma_semaphore, #tpu.memory_space<semaphore_mem>>
      %dma_start3A_756 = tpu.memref_squeeze %dma_start3A_755 : memref<1x!tpu.dma_semaphore, #tpu.memory_space<semaphore_mem>> -> memref<!tpu.dma_semaphore, #tpu.memory_space<semaphore_mem>>
      tpu.enqueue_indirect_dma source(%dma_start3A_748 : memref<64x128xf32, #tpu.memory_space<vmem>>) target(%dma_start3A_754 : memref<10240x128xf32, #tpu.memory_space<vmem_shared>>) offsets(%dma_start3A_751 : memref<64xi32, #tpu.memory_space<vmem>>) semaphore(%dma_start3A_756 : memref<!tpu.dma_semaphore, #tpu.memory_space<semaphore_mem>>) {add = true}
    }
    %dma_wait3A = arith.constant 1 : i32
    %dma_wait3A_130 = arith.constant 1 : i32
    %dma_wait3A_131 = arith.constant 1 : i32
    %dma_wait3A_132 = arith.constant 0 : i32
    %dma_wait3A_133 = arith.constant 0 : i32
    %dma_wait3A_134 = tpu.memref_slice %arg11[%dma_wait3A_130, %dma_wait3A_132, %dma_wait3A_133] : memref<4x64x128xf32, #tpu.memory_space<vmem>> -> memref<1x64x128xf32, #tpu.memory_space<vmem>>
    %dma_wait3A_135 = tpu.memref_squeeze %dma_wait3A_134 : memref<1x64x128xf32, #tpu.memory_space<vmem>> -> memref<64x128xf32, #tpu.memory_space<vmem>>
    %dma_wait3A_136 = arith.constant 0 : i32
    %dma_wait3A_137 = tpu.memref_slice %arg7[%dma_wait3A, %dma_wait3A_136] : memref<4x64xi32, #tpu.memory_space<vmem>> -> memref<1x64xi32, #tpu.memory_space<vmem>>
    %dma_wait3A_138 = tpu.memref_squeeze %dma_wait3A_137 : memref<1x64xi32, #tpu.memory_space<vmem>> -> memref<64xi32, #tpu.memory_space<vmem>>
    %dma_wait3A_139 = arith.constant 0 : i32
    %dma_wait3A_140 = arith.constant 0 : i32
    %dma_wait3A_141 = tpu.memref_slice %arg4[%dma_wait3A_139, %dma_wait3A_140] : memref<40000x128xf32, #tpu.memory_space<hbm>> -> memref<40000x128xf32, #tpu.memory_space<hbm>>
    %dma_wait3A_142 = tpu.memref_slice %arg18[%dma_wait3A_131] : memref<4x!tpu.dma_semaphore, #tpu.memory_space<semaphore_mem>> -> memref<1x!tpu.dma_semaphore, #tpu.memory_space<semaphore_mem>>
    %dma_wait3A_143 = tpu.memref_squeeze %dma_wait3A_142 : memref<1x!tpu.dma_semaphore, #tpu.memory_space<semaphore_mem>> -> memref<!tpu.dma_semaphore, #tpu.memory_space<semaphore_mem>>
    tpu.wait_indirect_dma semaphore(%dma_wait3A_143 : memref<!tpu.dma_semaphore, #tpu.memory_space<semaphore_mem>>) src(%dma_wait3A_141 : memref<40000x128xf32, #tpu.memory_space<hbm>>) dst(%dma_wait3A_135 : memref<64x128xf32, #tpu.memory_space<vmem>>)
    %dma_wait3A_144 = arith.constant 1 : i32
    %dma_wait3A_145 = arith.constant 1 : i32
    %dma_wait3A_146 = arith.constant 1 : i32
    %dma_wait3A_147 = arith.constant 0 : i32
    %dma_wait3A_148 = tpu.memref_slice %arg10[%dma_wait3A_145, %dma_wait3A_147] : memref<4x64xf32, #tpu.memory_space<vmem>> -> memref<1x64xf32, #tpu.memory_space<vmem>>
    %dma_wait3A_149 = tpu.memref_squeeze %dma_wait3A_148 : memref<1x64xf32, #tpu.memory_space<vmem>> -> memref<64xf32, #tpu.memory_space<vmem>>
    %dma_wait3A_150 = arith.constant 0 : i32
    %dma_wait3A_151 = tpu.memref_slice %arg8[%dma_wait3A_144, %dma_wait3A_150] : memref<4x64xi32, #tpu.memory_space<vmem>> -> memref<1x64xi32, #tpu.memory_space<vmem>>
    %dma_wait3A_152 = tpu.memref_squeeze %dma_wait3A_151 : memref<1x64xi32, #tpu.memory_space<vmem>> -> memref<64xi32, #tpu.memory_space<vmem>>
    %dma_wait3A_153 = arith.constant 0 : i32
    %dma_wait3A_154 = tpu.memref_slice %arg15[%dma_wait3A_153] : memref<40960xf32, #tpu.memory_space<vmem_shared>> -> memref<40960xf32, #tpu.memory_space<vmem_shared>>
    %dma_wait3A_155 = tpu.memref_slice %arg19[%dma_wait3A_146] : memref<4x!tpu.dma_semaphore, #tpu.memory_space<semaphore_mem>> -> memref<1x!tpu.dma_semaphore, #tpu.memory_space<semaphore_mem>>
    %dma_wait3A_156 = tpu.memref_squeeze %dma_wait3A_155 : memref<1x!tpu.dma_semaphore, #tpu.memory_space<semaphore_mem>> -> memref<!tpu.dma_semaphore, #tpu.memory_space<semaphore_mem>>
    tpu.wait_indirect_dma semaphore(%dma_wait3A_156 : memref<!tpu.dma_semaphore, #tpu.memory_space<semaphore_mem>>) src(%dma_wait3A_154 : memref<40960xf32, #tpu.memory_space<vmem_shared>>) dst(%dma_wait3A_149 : memref<64xf32, #tpu.memory_space<vmem>>)
    %scan3A_157 = arith.constant 0 : i32
    %scan3A_158 = arith.constant 64 : i32
    %scan3A_159 = arith.addi %scan3A_157, %scan3A_158 : i32
    %scan3A_160 = arith.constant 1 : i32
    scf.for %scan3A_339 = %scan3A_157 to %scan3A_159 step %scan3A_160  : i32 {
      %mul3A_340 = arith.constant 1 : i32
      %mul3A_341 = arith.muli %scan3A_339, %mul3A_340 : i32
      %add3A_342 = arith.constant 0 : i32
      %add3A_343 = arith.addi %add3A_342, %mul3A_341 : i32
      %broadcast_in_dim3A = vector.broadcast %add3A_343 : i32 to vector<16xi32>
      %gather3A = arith.constant 1 : i32
      %gather3A_344 = arith.constant 0 : i32
      %gather3A_345 = tpu.memref_slice %arg10[%gather3A, %gather3A_344] : memref<4x64xf32, #tpu.memory_space<vmem>> -> memref<1x64xf32, #tpu.memory_space<vmem>>
      %gather3A_346 = tpu.memref_squeeze %gather3A_345 : memref<1x64xf32, #tpu.memory_space<vmem>> -> memref<64xf32, #tpu.memory_space<vmem>>
      %gather3A_347 = tpu.vector_load_idx %gather3A_346[%broadcast_in_dim3A] : memref<64xf32, #tpu.memory_space<vmem>>[vector<16xi32>], vector<16xf32>,
      %get3A = arith.constant 1 : i32
      %get3A_348 = arith.index_cast %get3A : i32 to index
      %get3A_349 = arith.index_cast %add3A_343 : i32 to index
      %get3A_350 = arith.constant 0 : index
      %get3A_351 = tpu.vector_load %arg11[%get3A_348, %get3A_349, %get3A_350] {strides = array<i32>} : memref<4x64x128xf32, #tpu.memory_space<vmem>>, vector<16xf32>,
      %mul3A_352 = arith.mulf %get3A_351, %gather3A_347 : vector<16xf32>
      %swap3A = arith.constant 1 : i32
      %swap3A_353 = arith.index_cast %swap3A : i32 to index
      %swap3A_354 = arith.index_cast %add3A_343 : i32 to index
      %swap3A_355 = arith.constant 0 : index
      %swap3A_356 = tpu.vector_load %arg11[%swap3A_353, %swap3A_354, %swap3A_355] {strides = array<i32>} : memref<4x64x128xf32, #tpu.memory_space<vmem>>, vector<16xf32>,
      tpu.vector_store %arg11[%swap3A_353, %swap3A_354, %swap3A_355], %mul3A_352 {strides = array<i32>} : memref<4x64x128xf32, #tpu.memory_space<vmem>>, vector<16xf32>,
      %get3A_357 = arith.constant 1 : i32
      %get3A_358 = arith.index_cast %get3A_357 : i32 to index
      %get3A_359 = arith.index_cast %add3A_343 : i32 to index
      %get3A_360 = arith.constant 16 : index
      %get3A_361 = tpu.vector_load %arg11[%get3A_358, %get3A_359, %get3A_360] {strides = array<i32>} : memref<4x64x128xf32, #tpu.memory_space<vmem>>, vector<16xf32>,
      %mul3A_362 = arith.mulf %get3A_361, %gather3A_347 : vector<16xf32>
      %swap3A_363 = arith.constant 1 : i32
      %swap3A_364 = arith.index_cast %swap3A_363 : i32 to index
      %swap3A_365 = arith.index_cast %add3A_343 : i32 to index
      %swap3A_366 = arith.constant 16 : index
      %swap3A_367 = tpu.vector_load %arg11[%swap3A_364, %swap3A_365, %swap3A_366] {strides = array<i32>} : memref<4x64x128xf32, #tpu.memory_space<vmem>>, vector<16xf32>,
      tpu.vector_store %arg11[%swap3A_364, %swap3A_365, %swap3A_366], %mul3A_362 {strides = array<i32>} : memref<4x64x128xf32, #tpu.memory_space<vmem>>, vector<16xf32>,
      %get3A_368 = arith.constant 1 : i32
      %get3A_369 = arith.index_cast %get3A_368 : i32 to index
      %get3A_370 = arith.index_cast %add3A_343 : i32 to index
      %get3A_371 = arith.constant 32 : index
      %get3A_372 = tpu.vector_load %arg11[%get3A_369, %get3A_370, %get3A_371] {strides = array<i32>} : memref<4x64x128xf32, #tpu.memory_space<vmem>>, vector<16xf32>,
      %mul3A_373 = arith.mulf %get3A_372, %gather3A_347 : vector<16xf32>
      %swap3A_374 = arith.constant 1 : i32
      %swap3A_375 = arith.index_cast %swap3A_374 : i32 to index
      %swap3A_376 = arith.index_cast %add3A_343 : i32 to index
      %swap3A_377 = arith.constant 32 : index
      %swap3A_378 = tpu.vector_load %arg11[%swap3A_375, %swap3A_376, %swap3A_377] {strides = array<i32>} : memref<4x64x128xf32, #tpu.memory_space<vmem>>, vector<16xf32>,
      tpu.vector_store %arg11[%swap3A_375, %swap3A_376, %swap3A_377], %mul3A_373 {strides = array<i32>} : memref<4x64x128xf32, #tpu.memory_space<vmem>>, vector<16xf32>,
      %get3A_379 = arith.constant 1 : i32
      %get3A_380 = arith.index_cast %get3A_379 : i32 to index
      %get3A_381 = arith.index_cast %add3A_343 : i32 to index
      %get3A_382 = arith.constant 48 : index
      %get3A_383 = tpu.vector_load %arg11[%get3A_380, %get3A_381, %get3A_382] {strides = array<i32>} : memref<4x64x128xf32, #tpu.memory_space<vmem>>, vector<16xf32>,
      %mul3A_384 = arith.mulf %get3A_383, %gather3A_347 : vector<16xf32>
      %swap3A_385 = arith.constant 1 : i32
      %swap3A_386 = arith.index_cast %swap3A_385 : i32 to index
      %swap3A_387 = arith.index_cast %add3A_343 : i32 to index
      %swap3A_388 = arith.constant 48 : index
      %swap3A_389 = tpu.vector_load %arg11[%swap3A_386, %swap3A_387, %swap3A_388] {strides = array<i32>} : memref<4x64x128xf32, #tpu.memory_space<vmem>>, vector<16xf32>,
      tpu.vector_store %arg11[%swap3A_386, %swap3A_387, %swap3A_388], %mul3A_384 {strides = array<i32>} : memref<4x64x128xf32, #tpu.memory_space<vmem>>, vector<16xf32>,
      %get3A_390 = arith.constant 1 : i32
      %get3A_391 = arith.index_cast %get3A_390 : i32 to index
      %get3A_392 = arith.index_cast %add3A_343 : i32 to index
      %get3A_393 = arith.constant 64 : index
      %get3A_394 = tpu.vector_load %arg11[%get3A_391, %get3A_392, %get3A_393] {strides = array<i32>} : memref<4x64x128xf32, #tpu.memory_space<vmem>>, vector<16xf32>,
      %mul3A_395 = arith.mulf %get3A_394, %gather3A_347 : vector<16xf32>
      %swap3A_396 = arith.constant 1 : i32
      %swap3A_397 = arith.index_cast %swap3A_396 : i32 to index
      %swap3A_398 = arith.index_cast %add3A_343 : i32 to index
      %swap3A_399 = arith.constant 64 : index
      %swap3A_400 = tpu.vector_load %arg11[%swap3A_397, %swap3A_398, %swap3A_399] {strides = array<i32>} : memref<4x64x128xf32, #tpu.memory_space<vmem>>, vector<16xf32>,
      tpu.vector_store %arg11[%swap3A_397, %swap3A_398, %swap3A_399], %mul3A_395 {strides = array<i32>} : memref<4x64x128xf32, #tpu.memory_space<vmem>>, vector<16xf32>,
      %get3A_401 = arith.constant 1 : i32
      %get3A_402 = arith.index_cast %get3A_401 : i32 to index
      %get3A_403 = arith.index_cast %add3A_343 : i32 to index
      %get3A_404 = arith.constant 80 : index
      %get3A_405 = tpu.vector_load %arg11[%get3A_402, %get3A_403, %get3A_404] {strides = array<i32>} : memref<4x64x128xf32, #tpu.memory_space<vmem>>, vector<16xf32>,
      %mul3A_406 = arith.mulf %get3A_405, %gather3A_347 : vector<16xf32>
      %swap3A_407 = arith.constant 1 : i32
      %swap3A_408 = arith.index_cast %swap3A_407 : i32 to index
      %swap3A_409 = arith.index_cast %add3A_343 : i32 to index
      %swap3A_410 = arith.constant 80 : index
      %swap3A_411 = tpu.vector_load %arg11[%swap3A_408, %swap3A_409, %swap3A_410] {strides = array<i32>} : memref<4x64x128xf32, #tpu.memory_space<vmem>>, vector<16xf32>,
      tpu.vector_store %arg11[%swap3A_408, %swap3A_409, %swap3A_410], %mul3A_406 {strides = array<i32>} : memref<4x64x128xf32, #tpu.memory_space<vmem>>, vector<16xf32>,
      %get3A_412 = arith.constant 1 : i32
      %get3A_413 = arith.index_cast %get3A_412 : i32 to index
      %get3A_414 = arith.index_cast %add3A_343 : i32 to index
      %get3A_415 = arith.constant 96 : index
      %get3A_416 = tpu.vector_load %arg11[%get3A_413, %get3A_414, %get3A_415] {strides = array<i32>} : memref<4x64x128xf32, #tpu.memory_space<vmem>>, vector<16xf32>,
      %mul3A_417 = arith.mulf %get3A_416, %gather3A_347 : vector<16xf32>
      %swap3A_418 = arith.constant 1 : i32
      %swap3A_419 = arith.index_cast %swap3A_418 : i32 to index
      %swap3A_420 = arith.index_cast %add3A_343 : i32 to index
      %swap3A_421 = arith.constant 96 : index
      %swap3A_422 = tpu.vector_load %arg11[%swap3A_419, %swap3A_420, %swap3A_421] {strides = array<i32>} : memref<4x64x128xf32, #tpu.memory_space<vmem>>, vector<16xf32>,
      tpu.vector_store %arg11[%swap3A_419, %swap3A_420, %swap3A_421], %mul3A_417 {strides = array<i32>} : memref<4x64x128xf32, #tpu.memory_space<vmem>>, vector<16xf32>,
      %get3A_423 = arith.constant 1 : i32
      %get3A_424 = arith.index_cast %get3A_423 : i32 to index
      %get3A_425 = arith.index_cast %add3A_343 : i32 to index
      %get3A_426 = arith.constant 112 : index
      %get3A_427 = tpu.vector_load %arg11[%get3A_424, %get3A_425, %get3A_426] {strides = array<i32>} : memref<4x64x128xf32, #tpu.memory_space<vmem>>, vector<16xf32>,
      %mul3A_428 = arith.mulf %get3A_427, %gather3A_347 : vector<16xf32>
      %swap3A_429 = arith.constant 1 : i32
      %swap3A_430 = arith.index_cast %swap3A_429 : i32 to index
      %swap3A_431 = arith.index_cast %add3A_343 : i32 to index
      %swap3A_432 = arith.constant 112 : index
      %swap3A_433 = tpu.vector_load %arg11[%swap3A_430, %swap3A_431, %swap3A_432] {strides = array<i32>} : memref<4x64x128xf32, #tpu.memory_space<vmem>>, vector<16xf32>,
      tpu.vector_store %arg11[%swap3A_430, %swap3A_431, %swap3A_432], %mul3A_428 {strides = array<i32>} : memref<4x64x128xf32, #tpu.memory_space<vmem>>, vector<16xf32>,
    }
    %scan3A_161 = arith.constant 64 : i32
    %dma_start3A_162 = arith.constant 1 : i32
    %dma_start3A_163 = arith.constant 1 : i32
    %dma_start3A_164 = arith.constant 1 : i32
    %dma_start3A_165 = arith.constant 0 : i32
    %dma_start3A_166 = arith.constant 0 : i32
    %dma_start3A_167 = tpu.memref_slice %arg11[%dma_start3A_162, %dma_start3A_165, %dma_start3A_166] : memref<4x64x128xf32, #tpu.memory_space<vmem>> -> memref<1x64x128xf32, #tpu.memory_space<vmem>>
    %dma_start3A_168 = tpu.memref_squeeze %dma_start3A_167 : memref<1x64x128xf32, #tpu.memory_space<vmem>> -> memref<64x128xf32, #tpu.memory_space<vmem>>
    %dma_start3A_169 = arith.constant 0 : i32
    %dma_start3A_170 = tpu.memref_slice %arg9[%dma_start3A_163, %dma_start3A_169] : memref<4x64xi32, #tpu.memory_space<vmem>> -> memref<1x64xi32, #tpu.memory_space<vmem>>
    %dma_start3A_171 = tpu.memref_squeeze %dma_start3A_170 : memref<1x64xi32, #tpu.memory_space<vmem>> -> memref<64xi32, #tpu.memory_space<vmem>>
    %dma_start3A_172 = arith.constant 0 : i32
    %dma_start3A_173 = arith.constant 0 : i32
    %dma_start3A_174 = tpu.memref_slice %arg16[%dma_start3A_172, %dma_start3A_173] : memref<10240x128xf32, #tpu.memory_space<vmem_shared>> -> memref<10240x128xf32, #tpu.memory_space<vmem_shared>>
    %dma_start3A_175 = tpu.memref_slice %arg20[%dma_start3A_164] : memref<4x!tpu.dma_semaphore, #tpu.memory_space<semaphore_mem>> -> memref<1x!tpu.dma_semaphore, #tpu.memory_space<semaphore_mem>>
    %dma_start3A_176 = tpu.memref_squeeze %dma_start3A_175 : memref<1x!tpu.dma_semaphore, #tpu.memory_space<semaphore_mem>> -> memref<!tpu.dma_semaphore, #tpu.memory_space<semaphore_mem>>
    tpu.enqueue_indirect_dma source(%dma_start3A_168 : memref<64x128xf32, #tpu.memory_space<vmem>>) target(%dma_start3A_174 : memref<10240x128xf32, #tpu.memory_space<vmem_shared>>) offsets(%dma_start3A_171 : memref<64xi32, #tpu.memory_space<vmem>>) semaphore(%dma_start3A_176 : memref<!tpu.dma_semaphore, #tpu.memory_space<semaphore_mem>>) {add = true}
    %dma_wait3A_177 = arith.constant 2 : i32
    %dma_wait3A_178 = arith.constant 2 : i32
    %dma_wait3A_179 = arith.constant 2 : i32
    %dma_wait3A_180 = arith.constant 0 : i32
    %dma_wait3A_181 = arith.constant 0 : i32
    %dma_wait3A_182 = tpu.memref_slice %arg11[%dma_wait3A_178, %dma_wait3A_180, %dma_wait3A_181] : memref<4x64x128xf32, #tpu.memory_space<vmem>> -> memref<1x64x128xf32, #tpu.memory_space<vmem>>
    %dma_wait3A_183 = tpu.memref_squeeze %dma_wait3A_182 : memref<1x64x128xf32, #tpu.memory_space<vmem>> -> memref<64x128xf32, #tpu.memory_space<vmem>>
    %dma_wait3A_184 = arith.constant 0 : i32
    %dma_wait3A_185 = tpu.memref_slice %arg7[%dma_wait3A_177, %dma_wait3A_184] : memref<4x64xi32, #tpu.memory_space<vmem>> -> memref<1x64xi32, #tpu.memory_space<vmem>>
    %dma_wait3A_186 = tpu.memref_squeeze %dma_wait3A_185 : memref<1x64xi32, #tpu.memory_space<vmem>> -> memref<64xi32, #tpu.memory_space<vmem>>
    %dma_wait3A_187 = arith.constant 0 : i32
    %dma_wait3A_188 = arith.constant 0 : i32
    %dma_wait3A_189 = tpu.memref_slice %arg4[%dma_wait3A_187, %dma_wait3A_188] : memref<40000x128xf32, #tpu.memory_space<hbm>> -> memref<40000x128xf32, #tpu.memory_space<hbm>>
    %dma_wait3A_190 = tpu.memref_slice %arg18[%dma_wait3A_179] : memref<4x!tpu.dma_semaphore, #tpu.memory_space<semaphore_mem>> -> memref<1x!tpu.dma_semaphore, #tpu.memory_space<semaphore_mem>>
    %dma_wait3A_191 = tpu.memref_squeeze %dma_wait3A_190 : memref<1x!tpu.dma_semaphore, #tpu.memory_space<semaphore_mem>> -> memref<!tpu.dma_semaphore, #tpu.memory_space<semaphore_mem>>
    tpu.wait_indirect_dma semaphore(%dma_wait3A_191 : memref<!tpu.dma_semaphore, #tpu.memory_space<semaphore_mem>>) src(%dma_wait3A_189 : memref<40000x128xf32, #tpu.memory_space<hbm>>) dst(%dma_wait3A_183 : memref<64x128xf32, #tpu.memory_space<vmem>>)
    %dma_wait3A_192 = arith.constant 2 : i32
    %dma_wait3A_193 = arith.constant 2 : i32
    %dma_wait3A_194 = arith.constant 2 : i32
    %dma_wait3A_195 = arith.constant 0 : i32
    %dma_wait3A_196 = tpu.memref_slice %arg10[%dma_wait3A_193, %dma_wait3A_195] : memref<4x64xf32, #tpu.memory_space<vmem>> -> memref<1x64xf32, #tpu.memory_space<vmem>>
    %dma_wait3A_197 = tpu.memref_squeeze %dma_wait3A_196 : memref<1x64xf32, #tpu.memory_space<vmem>> -> memref<64xf32, #tpu.memory_space<vmem>>
    %dma_wait3A_198 = arith.constant 0 : i32
    %dma_wait3A_199 = tpu.memref_slice %arg8[%dma_wait3A_192, %dma_wait3A_198] : memref<4x64xi32, #tpu.memory_space<vmem>> -> memref<1x64xi32, #tpu.memory_space<vmem>>
    %dma_wait3A_200 = tpu.memref_squeeze %dma_wait3A_199 : memref<1x64xi32, #tpu.memory_space<vmem>> -> memref<64xi32, #tpu.memory_space<vmem>>
    %dma_wait3A_201 = arith.constant 0 : i32
    %dma_wait3A_202 = tpu.memref_slice %arg15[%dma_wait3A_201] : memref<40960xf32, #tpu.memory_space<vmem_shared>> -> memref<40960xf32, #tpu.memory_space<vmem_shared>>
    %dma_wait3A_203 = tpu.memref_slice %arg19[%dma_wait3A_194] : memref<4x!tpu.dma_semaphore, #tpu.memory_space<semaphore_mem>> -> memref<1x!tpu.dma_semaphore, #tpu.memory_space<semaphore_mem>>
    %dma_wait3A_204 = tpu.memref_squeeze %dma_wait3A_203 : memref<1x!tpu.dma_semaphore, #tpu.memory_space<semaphore_mem>> -> memref<!tpu.dma_semaphore, #tpu.memory_space<semaphore_mem>>
    tpu.wait_indirect_dma semaphore(%dma_wait3A_204 : memref<!tpu.dma_semaphore, #tpu.memory_space<semaphore_mem>>) src(%dma_wait3A_202 : memref<40960xf32, #tpu.memory_space<vmem_shared>>) dst(%dma_wait3A_197 : memref<64xf32, #tpu.memory_space<vmem>>)
    %scan3A_205 = arith.constant 0 : i32
    %scan3A_206 = arith.constant 64 : i32
    %scan3A_207 = arith.addi %scan3A_205, %scan3A_206 : i32
    %scan3A_208 = arith.constant 1 : i32
    scf.for %scan3A_339 = %scan3A_205 to %scan3A_207 step %scan3A_208  : i32 {
      %mul3A_340 = arith.constant 1 : i32
      %mul3A_341 = arith.muli %scan3A_339, %mul3A_340 : i32
      %add3A_342 = arith.constant 0 : i32
      %add3A_343 = arith.addi %add3A_342, %mul3A_341 : i32
      %broadcast_in_dim3A = vector.broadcast %add3A_343 : i32 to vector<16xi32>
      %gather3A = arith.constant 2 : i32
      %gather3A_344 = arith.constant 0 : i32
      %gather3A_345 = tpu.memref_slice %arg10[%gather3A, %gather3A_344] : memref<4x64xf32, #tpu.memory_space<vmem>> -> memref<1x64xf32, #tpu.memory_space<vmem>>
      %gather3A_346 = tpu.memref_squeeze %gather3A_345 : memref<1x64xf32, #tpu.memory_space<vmem>> -> memref<64xf32, #tpu.memory_space<vmem>>
      %gather3A_347 = tpu.vector_load_idx %gather3A_346[%broadcast_in_dim3A] : memref<64xf32, #tpu.memory_space<vmem>>[vector<16xi32>], vector<16xf32>,
      %get3A = arith.constant 2 : i32
      %get3A_348 = arith.index_cast %get3A : i32 to index
      %get3A_349 = arith.index_cast %add3A_343 : i32 to index
      %get3A_350 = arith.constant 0 : index
      %get3A_351 = tpu.vector_load %arg11[%get3A_348, %get3A_349, %get3A_350] {strides = array<i32>} : memref<4x64x128xf32, #tpu.memory_space<vmem>>, vector<16xf32>,
      %mul3A_352 = arith.mulf %get3A_351, %gather3A_347 : vector<16xf32>
      %swap3A = arith.constant 2 : i32
      %swap3A_353 = arith.index_cast %swap3A : i32 to index
      %swap3A_354 = arith.index_cast %add3A_343 : i32 to index
      %swap3A_355 = arith.constant 0 : index
      %swap3A_356 = tpu.vector_load %arg11[%swap3A_353, %swap3A_354, %swap3A_355] {strides = array<i32>} : memref<4x64x128xf32, #tpu.memory_space<vmem>>, vector<16xf32>,
      tpu.vector_store %arg11[%swap3A_353, %swap3A_354, %swap3A_355], %mul3A_352 {strides = array<i32>} : memref<4x64x128xf32, #tpu.memory_space<vmem>>, vector<16xf32>,
      %get3A_357 = arith.constant 2 : i32
      %get3A_358 = arith.index_cast %get3A_357 : i32 to index
      %get3A_359 = arith.index_cast %add3A_343 : i32 to index
      %get3A_360 = arith.constant 16 : index
      %get3A_361 = tpu.vector_load %arg11[%get3A_358, %get3A_359, %get3A_360] {strides = array<i32>} : memref<4x64x128xf32, #tpu.memory_space<vmem>>, vector<16xf32>,
      %mul3A_362 = arith.mulf %get3A_361, %gather3A_347 : vector<16xf32>
      %swap3A_363 = arith.constant 2 : i32
      %swap3A_364 = arith.index_cast %swap3A_363 : i32 to index
      %swap3A_365 = arith.index_cast %add3A_343 : i32 to index
      %swap3A_366 = arith.constant 16 : index
      %swap3A_367 = tpu.vector_load %arg11[%swap3A_364, %swap3A_365, %swap3A_366] {strides = array<i32>} : memref<4x64x128xf32, #tpu.memory_space<vmem>>, vector<16xf32>,
      tpu.vector_store %arg11[%swap3A_364, %swap3A_365, %swap3A_366], %mul3A_362 {strides = array<i32>} : memref<4x64x128xf32, #tpu.memory_space<vmem>>, vector<16xf32>,
      %get3A_368 = arith.constant 2 : i32
      %get3A_369 = arith.index_cast %get3A_368 : i32 to index
      %get3A_370 = arith.index_cast %add3A_343 : i32 to index
      %get3A_371 = arith.constant 32 : index
      %get3A_372 = tpu.vector_load %arg11[%get3A_369, %get3A_370, %get3A_371] {strides = array<i32>} : memref<4x64x128xf32, #tpu.memory_space<vmem>>, vector<16xf32>,
      %mul3A_373 = arith.mulf %get3A_372, %gather3A_347 : vector<16xf32>
      %swap3A_374 = arith.constant 2 : i32
      %swap3A_375 = arith.index_cast %swap3A_374 : i32 to index
      %swap3A_376 = arith.index_cast %add3A_343 : i32 to index
      %swap3A_377 = arith.constant 32 : index
      %swap3A_378 = tpu.vector_load %arg11[%swap3A_375, %swap3A_376, %swap3A_377] {strides = array<i32>} : memref<4x64x128xf32, #tpu.memory_space<vmem>>, vector<16xf32>,
      tpu.vector_store %arg11[%swap3A_375, %swap3A_376, %swap3A_377], %mul3A_373 {strides = array<i32>} : memref<4x64x128xf32, #tpu.memory_space<vmem>>, vector<16xf32>,
      %get3A_379 = arith.constant 2 : i32
      %get3A_380 = arith.index_cast %get3A_379 : i32 to index
      %get3A_381 = arith.index_cast %add3A_343 : i32 to index
      %get3A_382 = arith.constant 48 : index
      %get3A_383 = tpu.vector_load %arg11[%get3A_380, %get3A_381, %get3A_382] {strides = array<i32>} : memref<4x64x128xf32, #tpu.memory_space<vmem>>, vector<16xf32>,
      %mul3A_384 = arith.mulf %get3A_383, %gather3A_347 : vector<16xf32>
      %swap3A_385 = arith.constant 2 : i32
      %swap3A_386 = arith.index_cast %swap3A_385 : i32 to index
      %swap3A_387 = arith.index_cast %add3A_343 : i32 to index
      %swap3A_388 = arith.constant 48 : index
      %swap3A_389 = tpu.vector_load %arg11[%swap3A_386, %swap3A_387, %swap3A_388] {strides = array<i32>} : memref<4x64x128xf32, #tpu.memory_space<vmem>>, vector<16xf32>,
      tpu.vector_store %arg11[%swap3A_386, %swap3A_387, %swap3A_388], %mul3A_384 {strides = array<i32>} : memref<4x64x128xf32, #tpu.memory_space<vmem>>, vector<16xf32>,
      %get3A_390 = arith.constant 2 : i32
      %get3A_391 = arith.index_cast %get3A_390 : i32 to index
      %get3A_392 = arith.index_cast %add3A_343 : i32 to index
      %get3A_393 = arith.constant 64 : index
      %get3A_394 = tpu.vector_load %arg11[%get3A_391, %get3A_392, %get3A_393] {strides = array<i32>} : memref<4x64x128xf32, #tpu.memory_space<vmem>>, vector<16xf32>,
      %mul3A_395 = arith.mulf %get3A_394, %gather3A_347 : vector<16xf32>
      %swap3A_396 = arith.constant 2 : i32
      %swap3A_397 = arith.index_cast %swap3A_396 : i32 to index
      %swap3A_398 = arith.index_cast %add3A_343 : i32 to index
      %swap3A_399 = arith.constant 64 : index
      %swap3A_400 = tpu.vector_load %arg11[%swap3A_397, %swap3A_398, %swap3A_399] {strides = array<i32>} : memref<4x64x128xf32, #tpu.memory_space<vmem>>, vector<16xf32>,
      tpu.vector_store %arg11[%swap3A_397, %swap3A_398, %swap3A_399], %mul3A_395 {strides = array<i32>} : memref<4x64x128xf32, #tpu.memory_space<vmem>>, vector<16xf32>,
      %get3A_401 = arith.constant 2 : i32
      %get3A_402 = arith.index_cast %get3A_401 : i32 to index
      %get3A_403 = arith.index_cast %add3A_343 : i32 to index
      %get3A_404 = arith.constant 80 : index
      %get3A_405 = tpu.vector_load %arg11[%get3A_402, %get3A_403, %get3A_404] {strides = array<i32>} : memref<4x64x128xf32, #tpu.memory_space<vmem>>, vector<16xf32>,
      %mul3A_406 = arith.mulf %get3A_405, %gather3A_347 : vector<16xf32>
      %swap3A_407 = arith.constant 2 : i32
      %swap3A_408 = arith.index_cast %swap3A_407 : i32 to index
      %swap3A_409 = arith.index_cast %add3A_343 : i32 to index
      %swap3A_410 = arith.constant 80 : index
      %swap3A_411 = tpu.vector_load %arg11[%swap3A_408, %swap3A_409, %swap3A_410] {strides = array<i32>} : memref<4x64x128xf32, #tpu.memory_space<vmem>>, vector<16xf32>,
      tpu.vector_store %arg11[%swap3A_408, %swap3A_409, %swap3A_410], %mul3A_406 {strides = array<i32>} : memref<4x64x128xf32, #tpu.memory_space<vmem>>, vector<16xf32>,
      %get3A_412 = arith.constant 2 : i32
      %get3A_413 = arith.index_cast %get3A_412 : i32 to index
      %get3A_414 = arith.index_cast %add3A_343 : i32 to index
      %get3A_415 = arith.constant 96 : index
      %get3A_416 = tpu.vector_load %arg11[%get3A_413, %get3A_414, %get3A_415] {strides = array<i32>} : memref<4x64x128xf32, #tpu.memory_space<vmem>>, vector<16xf32>,
      %mul3A_417 = arith.mulf %get3A_416, %gather3A_347 : vector<16xf32>
      %swap3A_418 = arith.constant 2 : i32
      %swap3A_419 = arith.index_cast %swap3A_418 : i32 to index
      %swap3A_420 = arith.index_cast %add3A_343 : i32 to index
      %swap3A_421 = arith.constant 96 : index
      %swap3A_422 = tpu.vector_load %arg11[%swap3A_419, %swap3A_420, %swap3A_421] {strides = array<i32>} : memref<4x64x128xf32, #tpu.memory_space<vmem>>, vector<16xf32>,
      tpu.vector_store %arg11[%swap3A_419, %swap3A_420, %swap3A_421], %mul3A_417 {strides = array<i32>} : memref<4x64x128xf32, #tpu.memory_space<vmem>>, vector<16xf32>,
      %get3A_423 = arith.constant 2 : i32
      %get3A_424 = arith.index_cast %get3A_423 : i32 to index
      %get3A_425 = arith.index_cast %add3A_343 : i32 to index
      %get3A_426 = arith.constant 112 : index
      %get3A_427 = tpu.vector_load %arg11[%get3A_424, %get3A_425, %get3A_426] {strides = array<i32>} : memref<4x64x128xf32, #tpu.memory_space<vmem>>, vector<16xf32>,
      %mul3A_428 = arith.mulf %get3A_427, %gather3A_347 : vector<16xf32>
      %swap3A_429 = arith.constant 2 : i32
      %swap3A_430 = arith.index_cast %swap3A_429 : i32 to index
      %swap3A_431 = arith.index_cast %add3A_343 : i32 to index
      %swap3A_432 = arith.constant 112 : index
      %swap3A_433 = tpu.vector_load %arg11[%swap3A_430, %swap3A_431, %swap3A_432] {strides = array<i32>} : memref<4x64x128xf32, #tpu.memory_space<vmem>>, vector<16xf32>,
      tpu.vector_store %arg11[%swap3A_430, %swap3A_431, %swap3A_432], %mul3A_428 {strides = array<i32>} : memref<4x64x128xf32, #tpu.memory_space<vmem>>, vector<16xf32>,
    }
    %scan3A_209 = arith.constant 64 : i32
    %dma_start3A_210 = arith.constant 2 : i32
    %dma_start3A_211 = arith.constant 2 : i32
    %dma_start3A_212 = arith.constant 2 : i32
    %dma_start3A_213 = arith.constant 0 : i32
    %dma_start3A_214 = arith.constant 0 : i32
    %dma_start3A_215 = tpu.memref_slice %arg11[%dma_start3A_210, %dma_start3A_213, %dma_start3A_214] : memref<4x64x128xf32, #tpu.memory_space<vmem>> -> memref<1x64x128xf32, #tpu.memory_space<vmem>>
    %dma_start3A_216 = tpu.memref_squeeze %dma_start3A_215 : memref<1x64x128xf32, #tpu.memory_space<vmem>> -> memref<64x128xf32, #tpu.memory_space<vmem>>
    %dma_start3A_217 = arith.constant 0 : i32
    %dma_start3A_218 = tpu.memref_slice %arg9[%dma_start3A_211, %dma_start3A_217] : memref<4x64xi32, #tpu.memory_space<vmem>> -> memref<1x64xi32, #tpu.memory_space<vmem>>
    %dma_start3A_219 = tpu.memref_squeeze %dma_start3A_218 : memref<1x64xi32, #tpu.memory_space<vmem>> -> memref<64xi32, #tpu.memory_space<vmem>>
    %dma_start3A_220 = arith.constant 0 : i32
    %dma_start3A_221 = arith.constant 0 : i32
    %dma_start3A_222 = tpu.memref_slice %arg16[%dma_start3A_220, %dma_start3A_221] : memref<10240x128xf32, #tpu.memory_space<vmem_shared>> -> memref<10240x128xf32, #tpu.memory_space<vmem_shared>>
    %dma_start3A_223 = tpu.memref_slice %arg20[%dma_start3A_212] : memref<4x!tpu.dma_semaphore, #tpu.memory_space<semaphore_mem>> -> memref<1x!tpu.dma_semaphore, #tpu.memory_space<semaphore_mem>>
    %dma_start3A_224 = tpu.memref_squeeze %dma_start3A_223 : memref<1x!tpu.dma_semaphore, #tpu.memory_space<semaphore_mem>> -> memref<!tpu.dma_semaphore, #tpu.memory_space<semaphore_mem>>
    tpu.enqueue_indirect_dma source(%dma_start3A_216 : memref<64x128xf32, #tpu.memory_space<vmem>>) target(%dma_start3A_222 : memref<10240x128xf32, #tpu.memory_space<vmem_shared>>) offsets(%dma_start3A_219 : memref<64xi32, #tpu.memory_space<vmem>>) semaphore(%dma_start3A_224 : memref<!tpu.dma_semaphore, #tpu.memory_space<semaphore_mem>>) {add = true}
    %dma_wait3A_225 = arith.constant 3 : i32
    %dma_wait3A_226 = arith.constant 3 : i32
    %dma_wait3A_227 = arith.constant 3 : i32
    %dma_wait3A_228 = arith.constant 0 : i32
    %dma_wait3A_229 = arith.constant 0 : i32
    %dma_wait3A_230 = tpu.memref_slice %arg11[%dma_wait3A_226, %dma_wait3A_228, %dma_wait3A_229] : memref<4x64x128xf32, #tpu.memory_space<vmem>> -> memref<1x64x128xf32, #tpu.memory_space<vmem>>
    %dma_wait3A_231 = tpu.memref_squeeze %dma_wait3A_230 : memref<1x64x128xf32, #tpu.memory_space<vmem>> -> memref<64x128xf32, #tpu.memory_space<vmem>>
    %dma_wait3A_232 = arith.constant 0 : i32
    %dma_wait3A_233 = tpu.memref_slice %arg7[%dma_wait3A_225, %dma_wait3A_232] : memref<4x64xi32, #tpu.memory_space<vmem>> -> memref<1x64xi32, #tpu.memory_space<vmem>>
    %dma_wait3A_234 = tpu.memref_squeeze %dma_wait3A_233 : memref<1x64xi32, #tpu.memory_space<vmem>> -> memref<64xi32, #tpu.memory_space<vmem>>
    %dma_wait3A_235 = arith.constant 0 : i32
    %dma_wait3A_236 = arith.constant 0 : i32
    %dma_wait3A_237 = tpu.memref_slice %arg4[%dma_wait3A_235, %dma_wait3A_236] : memref<40000x128xf32, #tpu.memory_space<hbm>> -> memref<40000x128xf32, #tpu.memory_space<hbm>>
    %dma_wait3A_238 = tpu.memref_slice %arg18[%dma_wait3A_227] : memref<4x!tpu.dma_semaphore, #tpu.memory_space<semaphore_mem>> -> memref<1x!tpu.dma_semaphore, #tpu.memory_space<semaphore_mem>>
    %dma_wait3A_239 = tpu.memref_squeeze %dma_wait3A_238 : memref<1x!tpu.dma_semaphore, #tpu.memory_space<semaphore_mem>> -> memref<!tpu.dma_semaphore, #tpu.memory_space<semaphore_mem>>
    tpu.wait_indirect_dma semaphore(%dma_wait3A_239 : memref<!tpu.dma_semaphore, #tpu.memory_space<semaphore_mem>>) src(%dma_wait3A_237 : memref<40000x128xf32, #tpu.memory_space<hbm>>) dst(%dma_wait3A_231 : memref<64x128xf32, #tpu.memory_space<vmem>>)
    %dma_wait3A_240 = arith.constant 3 : i32
    %dma_wait3A_241 = arith.constant 3 : i32
    %dma_wait3A_242 = arith.constant 3 : i32
    %dma_wait3A_243 = arith.constant 0 : i32
    %dma_wait3A_244 = tpu.memref_slice %arg10[%dma_wait3A_241, %dma_wait3A_243] : memref<4x64xf32, #tpu.memory_space<vmem>> -> memref<1x64xf32, #tpu.memory_space<vmem>>
    %dma_wait3A_245 = tpu.memref_squeeze %dma_wait3A_244 : memref<1x64xf32, #tpu.memory_space<vmem>> -> memref<64xf32, #tpu.memory_space<vmem>>
    %dma_wait3A_246 = arith.constant 0 : i32
    %dma_wait3A_247 = tpu.memref_slice %arg8[%dma_wait3A_240, %dma_wait3A_246] : memref<4x64xi32, #tpu.memory_space<vmem>> -> memref<1x64xi32, #tpu.memory_space<vmem>>
    %dma_wait3A_248 = tpu.memref_squeeze %dma_wait3A_247 : memref<1x64xi32, #tpu.memory_space<vmem>> -> memref<64xi32, #tpu.memory_space<vmem>>
    %dma_wait3A_249 = arith.constant 0 : i32
    %dma_wait3A_250 = tpu.memref_slice %arg15[%dma_wait3A_249] : memref<40960xf32, #tpu.memory_space<vmem_shared>> -> memref<40960xf32, #tpu.memory_space<vmem_shared>>
    %dma_wait3A_251 = tpu.memref_slice %arg19[%dma_wait3A_242] : memref<4x!tpu.dma_semaphore, #tpu.memory_space<semaphore_mem>> -> memref<1x!tpu.dma_semaphore, #tpu.memory_space<semaphore_mem>>
    %dma_wait3A_252 = tpu.memref_squeeze %dma_wait3A_251 : memref<1x!tpu.dma_semaphore, #tpu.memory_space<semaphore_mem>> -> memref<!tpu.dma_semaphore, #tpu.memory_space<semaphore_mem>>
    tpu.wait_indirect_dma semaphore(%dma_wait3A_252 : memref<!tpu.dma_semaphore, #tpu.memory_space<semaphore_mem>>) src(%dma_wait3A_250 : memref<40960xf32, #tpu.memory_space<vmem_shared>>) dst(%dma_wait3A_245 : memref<64xf32, #tpu.memory_space<vmem>>)
    %scan3A_253 = arith.constant 0 : i32
    %scan3A_254 = arith.constant 64 : i32
    %scan3A_255 = arith.addi %scan3A_253, %scan3A_254 : i32
    %scan3A_256 = arith.constant 1 : i32
    scf.for %scan3A_339 = %scan3A_253 to %scan3A_255 step %scan3A_256  : i32 {
      %mul3A_340 = arith.constant 1 : i32
      %mul3A_341 = arith.muli %scan3A_339, %mul3A_340 : i32
      %add3A_342 = arith.constant 0 : i32
      %add3A_343 = arith.addi %add3A_342, %mul3A_341 : i32
      %broadcast_in_dim3A = vector.broadcast %add3A_343 : i32 to vector<16xi32>
      %gather3A = arith.constant 3 : i32
      %gather3A_344 = arith.constant 0 : i32
      %gather3A_345 = tpu.memref_slice %arg10[%gather3A, %gather3A_344] : memref<4x64xf32, #tpu.memory_space<vmem>> -> memref<1x64xf32, #tpu.memory_space<vmem>>
      %gather3A_346 = tpu.memref_squeeze %gather3A_345 : memref<1x64xf32, #tpu.memory_space<vmem>> -> memref<64xf32, #tpu.memory_space<vmem>>
      %gather3A_347 = tpu.vector_load_idx %gather3A_346[%broadcast_in_dim3A] : memref<64xf32, #tpu.memory_space<vmem>>[vector<16xi32>], vector<16xf32>,
      %get3A = arith.constant 3 : i32
      %get3A_348 = arith.index_cast %get3A : i32 to index
      %get3A_349 = arith.index_cast %add3A_343 : i32 to index
      %get3A_350 = arith.constant 0 : index
      %get3A_351 = tpu.vector_load %arg11[%get3A_348, %get3A_349, %get3A_350] {strides = array<i32>} : memref<4x64x128xf32, #tpu.memory_space<vmem>>, vector<16xf32>,
      %mul3A_352 = arith.mulf %get3A_351, %gather3A_347 : vector<16xf32>
      %swap3A = arith.constant 3 : i32
      %swap3A_353 = arith.index_cast %swap3A : i32 to index
      %swap3A_354 = arith.index_cast %add3A_343 : i32 to index
      %swap3A_355 = arith.constant 0 : index
      %swap3A_356 = tpu.vector_load %arg11[%swap3A_353, %swap3A_354, %swap3A_355] {strides = array<i32>} : memref<4x64x128xf32, #tpu.memory_space<vmem>>, vector<16xf32>,
      tpu.vector_store %arg11[%swap3A_353, %swap3A_354, %swap3A_355], %mul3A_352 {strides = array<i32>} : memref<4x64x128xf32, #tpu.memory_space<vmem>>, vector<16xf32>,
      %get3A_357 = arith.constant 3 : i32
      %get3A_358 = arith.index_cast %get3A_357 : i32 to index
      %get3A_359 = arith.index_cast %add3A_343 : i32 to index
      %get3A_360 = arith.constant 16 : index
      %get3A_361 = tpu.vector_load %arg11[%get3A_358, %get3A_359, %get3A_360] {strides = array<i32>} : memref<4x64x128xf32, #tpu.memory_space<vmem>>, vector<16xf32>,
      %mul3A_362 = arith.mulf %get3A_361, %gather3A_347 : vector<16xf32>
      %swap3A_363 = arith.constant 3 : i32
      %swap3A_364 = arith.index_cast %swap3A_363 : i32 to index
      %swap3A_365 = arith.index_cast %add3A_343 : i32 to index
      %swap3A_366 = arith.constant 16 : index
      %swap3A_367 = tpu.vector_load %arg11[%swap3A_364, %swap3A_365, %swap3A_366] {strides = array<i32>} : memref<4x64x128xf32, #tpu.memory_space<vmem>>, vector<16xf32>,
      tpu.vector_store %arg11[%swap3A_364, %swap3A_365, %swap3A_366], %mul3A_362 {strides = array<i32>} : memref<4x64x128xf32, #tpu.memory_space<vmem>>, vector<16xf32>,
      %get3A_368 = arith.constant 3 : i32
      %get3A_369 = arith.index_cast %get3A_368 : i32 to index
      %get3A_370 = arith.index_cast %add3A_343 : i32 to index
      %get3A_371 = arith.constant 32 : index
      %get3A_372 = tpu.vector_load %arg11[%get3A_369, %get3A_370, %get3A_371] {strides = array<i32>} : memref<4x64x128xf32, #tpu.memory_space<vmem>>, vector<16xf32>,
      %mul3A_373 = arith.mulf %get3A_372, %gather3A_347 : vector<16xf32>
      %swap3A_374 = arith.constant 3 : i32
      %swap3A_375 = arith.index_cast %swap3A_374 : i32 to index
      %swap3A_376 = arith.index_cast %add3A_343 : i32 to index
      %swap3A_377 = arith.constant 32 : index
      %swap3A_378 = tpu.vector_load %arg11[%swap3A_375, %swap3A_376, %swap3A_377] {strides = array<i32>} : memref<4x64x128xf32, #tpu.memory_space<vmem>>, vector<16xf32>,
      tpu.vector_store %arg11[%swap3A_375, %swap3A_376, %swap3A_377], %mul3A_373 {strides = array<i32>} : memref<4x64x128xf32, #tpu.memory_space<vmem>>, vector<16xf32>,
      %get3A_379 = arith.constant 3 : i32
      %get3A_380 = arith.index_cast %get3A_379 : i32 to index
      %get3A_381 = arith.index_cast %add3A_343 : i32 to index
      %get3A_382 = arith.constant 48 : index
      %get3A_383 = tpu.vector_load %arg11[%get3A_380, %get3A_381, %get3A_382] {strides = array<i32>} : memref<4x64x128xf32, #tpu.memory_space<vmem>>, vector<16xf32>,
      %mul3A_384 = arith.mulf %get3A_383, %gather3A_347 : vector<16xf32>
      %swap3A_385 = arith.constant 3 : i32
      %swap3A_386 = arith.index_cast %swap3A_385 : i32 to index
      %swap3A_387 = arith.index_cast %add3A_343 : i32 to index
      %swap3A_388 = arith.constant 48 : index
      %swap3A_389 = tpu.vector_load %arg11[%swap3A_386, %swap3A_387, %swap3A_388] {strides = array<i32>} : memref<4x64x128xf32, #tpu.memory_space<vmem>>, vector<16xf32>,
      tpu.vector_store %arg11[%swap3A_386, %swap3A_387, %swap3A_388], %mul3A_384 {strides = array<i32>} : memref<4x64x128xf32, #tpu.memory_space<vmem>>, vector<16xf32>,
      %get3A_390 = arith.constant 3 : i32
      %get3A_391 = arith.index_cast %get3A_390 : i32 to index
      %get3A_392 = arith.index_cast %add3A_343 : i32 to index
      %get3A_393 = arith.constant 64 : index
      %get3A_394 = tpu.vector_load %arg11[%get3A_391, %get3A_392, %get3A_393] {strides = array<i32>} : memref<4x64x128xf32, #tpu.memory_space<vmem>>, vector<16xf32>,
      %mul3A_395 = arith.mulf %get3A_394, %gather3A_347 : vector<16xf32>
      %swap3A_396 = arith.constant 3 : i32
      %swap3A_397 = arith.index_cast %swap3A_396 : i32 to index
      %swap3A_398 = arith.index_cast %add3A_343 : i32 to index
      %swap3A_399 = arith.constant 64 : index
      %swap3A_400 = tpu.vector_load %arg11[%swap3A_397, %swap3A_398, %swap3A_399] {strides = array<i32>} : memref<4x64x128xf32, #tpu.memory_space<vmem>>, vector<16xf32>,
      tpu.vector_store %arg11[%swap3A_397, %swap3A_398, %swap3A_399], %mul3A_395 {strides = array<i32>} : memref<4x64x128xf32, #tpu.memory_space<vmem>>, vector<16xf32>,
      %get3A_401 = arith.constant 3 : i32
      %get3A_402 = arith.index_cast %get3A_401 : i32 to index
      %get3A_403 = arith.index_cast %add3A_343 : i32 to index
      %get3A_404 = arith.constant 80 : index
      %get3A_405 = tpu.vector_load %arg11[%get3A_402, %get3A_403, %get3A_404] {strides = array<i32>} : memref<4x64x128xf32, #tpu.memory_space<vmem>>, vector<16xf32>,
      %mul3A_406 = arith.mulf %get3A_405, %gather3A_347 : vector<16xf32>
      %swap3A_407 = arith.constant 3 : i32
      %swap3A_408 = arith.index_cast %swap3A_407 : i32 to index
      %swap3A_409 = arith.index_cast %add3A_343 : i32 to index
      %swap3A_410 = arith.constant 80 : index
      %swap3A_411 = tpu.vector_load %arg11[%swap3A_408, %swap3A_409, %swap3A_410] {strides = array<i32>} : memref<4x64x128xf32, #tpu.memory_space<vmem>>, vector<16xf32>,
      tpu.vector_store %arg11[%swap3A_408, %swap3A_409, %swap3A_410], %mul3A_406 {strides = array<i32>} : memref<4x64x128xf32, #tpu.memory_space<vmem>>, vector<16xf32>,
      %get3A_412 = arith.constant 3 : i32
      %get3A_413 = arith.index_cast %get3A_412 : i32 to index
      %get3A_414 = arith.index_cast %add3A_343 : i32 to index
      %get3A_415 = arith.constant 96 : index
      %get3A_416 = tpu.vector_load %arg11[%get3A_413, %get3A_414, %get3A_415] {strides = array<i32>} : memref<4x64x128xf32, #tpu.memory_space<vmem>>, vector<16xf32>,
      %mul3A_417 = arith.mulf %get3A_416, %gather3A_347 : vector<16xf32>
      %swap3A_418 = arith.constant 3 : i32
      %swap3A_419 = arith.index_cast %swap3A_418 : i32 to index
      %swap3A_420 = arith.index_cast %add3A_343 : i32 to index
      %swap3A_421 = arith.constant 96 : index
      %swap3A_422 = tpu.vector_load %arg11[%swap3A_419, %swap3A_420, %swap3A_421] {strides = array<i32>} : memref<4x64x128xf32, #tpu.memory_space<vmem>>, vector<16xf32>,
      tpu.vector_store %arg11[%swap3A_419, %swap3A_420, %swap3A_421], %mul3A_417 {strides = array<i32>} : memref<4x64x128xf32, #tpu.memory_space<vmem>>, vector<16xf32>,
      %get3A_423 = arith.constant 3 : i32
      %get3A_424 = arith.index_cast %get3A_423 : i32 to index
      %get3A_425 = arith.index_cast %add3A_343 : i32 to index
      %get3A_426 = arith.constant 112 : index
      %get3A_427 = tpu.vector_load %arg11[%get3A_424, %get3A_425, %get3A_426] {strides = array<i32>} : memref<4x64x128xf32, #tpu.memory_space<vmem>>, vector<16xf32>,
      %mul3A_428 = arith.mulf %get3A_427, %gather3A_347 : vector<16xf32>
      %swap3A_429 = arith.constant 3 : i32
      %swap3A_430 = arith.index_cast %swap3A_429 : i32 to index
      %swap3A_431 = arith.index_cast %add3A_343 : i32 to index
      %swap3A_432 = arith.constant 112 : index
      %swap3A_433 = tpu.vector_load %arg11[%swap3A_430, %swap3A_431, %swap3A_432] {strides = array<i32>} : memref<4x64x128xf32, #tpu.memory_space<vmem>>, vector<16xf32>,
      tpu.vector_store %arg11[%swap3A_430, %swap3A_431, %swap3A_432], %mul3A_428 {strides = array<i32>} : memref<4x64x128xf32, #tpu.memory_space<vmem>>, vector<16xf32>,
    }
    %scan3A_257 = arith.constant 64 : i32
    %dma_start3A_258 = arith.constant 3 : i32
    %dma_start3A_259 = arith.constant 3 : i32
    %dma_start3A_260 = arith.constant 3 : i32
    %dma_start3A_261 = arith.constant 0 : i32
    %dma_start3A_262 = arith.constant 0 : i32
    %dma_start3A_263 = tpu.memref_slice %arg11[%dma_start3A_258, %dma_start3A_261, %dma_start3A_262] : memref<4x64x128xf32, #tpu.memory_space<vmem>> -> memref<1x64x128xf32, #tpu.memory_space<vmem>>
    %dma_start3A_264 = tpu.memref_squeeze %dma_start3A_263 : memref<1x64x128xf32, #tpu.memory_space<vmem>> -> memref<64x128xf32, #tpu.memory_space<vmem>>
    %dma_start3A_265 = arith.constant 0 : i32
    %dma_start3A_266 = tpu.memref_slice %arg9[%dma_start3A_259, %dma_start3A_265] : memref<4x64xi32, #tpu.memory_space<vmem>> -> memref<1x64xi32, #tpu.memory_space<vmem>>
    %dma_start3A_267 = tpu.memref_squeeze %dma_start3A_266 : memref<1x64xi32, #tpu.memory_space<vmem>> -> memref<64xi32, #tpu.memory_space<vmem>>
    %dma_start3A_268 = arith.constant 0 : i32
    %dma_start3A_269 = arith.constant 0 : i32
    %dma_start3A_270 = tpu.memref_slice %arg16[%dma_start3A_268, %dma_start3A_269] : memref<10240x128xf32, #tpu.memory_space<vmem_shared>> -> memref<10240x128xf32, #tpu.memory_space<vmem_shared>>
    %dma_start3A_271 = tpu.memref_slice %arg20[%dma_start3A_260] : memref<4x!tpu.dma_semaphore, #tpu.memory_space<semaphore_mem>> -> memref<1x!tpu.dma_semaphore, #tpu.memory_space<semaphore_mem>>
    %dma_start3A_272 = tpu.memref_squeeze %dma_start3A_271 : memref<1x!tpu.dma_semaphore, #tpu.memory_space<semaphore_mem>> -> memref<!tpu.dma_semaphore, #tpu.memory_space<semaphore_mem>>
    tpu.enqueue_indirect_dma source(%dma_start3A_264 : memref<64x128xf32, #tpu.memory_space<vmem>>) target(%dma_start3A_270 : memref<10240x128xf32, #tpu.memory_space<vmem_shared>>) offsets(%dma_start3A_267 : memref<64xi32, #tpu.memory_space<vmem>>) semaphore(%dma_start3A_272 : memref<!tpu.dma_semaphore, #tpu.memory_space<semaphore_mem>>) {add = true}
    %dma_wait3A_273 = arith.constant 0 : i32
    %dma_wait3A_274 = arith.constant 0 : i32
    %dma_wait3A_275 = arith.constant 0 : i32
    %dma_wait3A_276 = arith.constant 0 : i32
    %dma_wait3A_277 = arith.constant 0 : i32
    %dma_wait3A_278 = tpu.memref_slice %arg11[%dma_wait3A_273, %dma_wait3A_276, %dma_wait3A_277] : memref<4x64x128xf32, #tpu.memory_space<vmem>> -> memref<1x64x128xf32, #tpu.memory_space<vmem>>
    %dma_wait3A_279 = tpu.memref_squeeze %dma_wait3A_278 : memref<1x64x128xf32, #tpu.memory_space<vmem>> -> memref<64x128xf32, #tpu.memory_space<vmem>>
    %dma_wait3A_280 = arith.constant 0 : i32
    %dma_wait3A_281 = tpu.memref_slice %arg9[%dma_wait3A_274, %dma_wait3A_280] : memref<4x64xi32, #tpu.memory_space<vmem>> -> memref<1x64xi32, #tpu.memory_space<vmem>>
    %dma_wait3A_282 = tpu.memref_squeeze %dma_wait3A_281 : memref<1x64xi32, #tpu.memory_space<vmem>> -> memref<64xi32, #tpu.memory_space<vmem>>
    %dma_wait3A_283 = arith.constant 0 : i32
    %dma_wait3A_284 = arith.constant 0 : i32
    %dma_wait3A_285 = tpu.memref_slice %arg16[%dma_wait3A_283, %dma_wait3A_284] : memref<10240x128xf32, #tpu.memory_space<vmem_shared>> -> memref<10240x128xf32, #tpu.memory_space<vmem_shared>>
    %dma_wait3A_286 = tpu.memref_slice %arg20[%dma_wait3A_275] : memref<4x!tpu.dma_semaphore, #tpu.memory_space<semaphore_mem>> -> memref<1x!tpu.dma_semaphore, #tpu.memory_space<semaphore_mem>>
    %dma_wait3A_287 = tpu.memref_squeeze %dma_wait3A_286 : memref<1x!tpu.dma_semaphore, #tpu.memory_space<semaphore_mem>> -> memref<!tpu.dma_semaphore, #tpu.memory_space<semaphore_mem>>
    tpu.wait_indirect_dma semaphore(%dma_wait3A_287 : memref<!tpu.dma_semaphore, #tpu.memory_space<semaphore_mem>>) src(%dma_wait3A_279 : memref<64x128xf32, #tpu.memory_space<vmem>>) dst(%dma_wait3A_285 : memref<10240x128xf32, #tpu.memory_space<vmem_shared>>)
    %dma_wait3A_288 = arith.constant 1 : i32
    %dma_wait3A_289 = arith.constant 1 : i32
    %dma_wait3A_290 = arith.constant 1 : i32
    %dma_wait3A_291 = arith.constant 0 : i32
    %dma_wait3A_292 = arith.constant 0 : i32
    %dma_wait3A_293 = tpu.memref_slice %arg11[%dma_wait3A_288, %dma_wait3A_291, %dma_wait3A_292] : memref<4x64x128xf32, #tpu.memory_space<vmem>> -> memref<1x64x128xf32, #tpu.memory_space<vmem>>
    %dma_wait3A_294 = tpu.memref_squeeze %dma_wait3A_293 : memref<1x64x128xf32, #tpu.memory_space<vmem>> -> memref<64x128xf32, #tpu.memory_space<vmem>>
    %dma_wait3A_295 = arith.constant 0 : i32
    %dma_wait3A_296 = tpu.memref_slice %arg9[%dma_wait3A_289, %dma_wait3A_295] : memref<4x64xi32, #tpu.memory_space<vmem>> -> memref<1x64xi32, #tpu.memory_space<vmem>>
    %dma_wait3A_297 = tpu.memref_squeeze %dma_wait3A_296 : memref<1x64xi32, #tpu.memory_space<vmem>> -> memref<64xi32, #tpu.memory_space<vmem>>
    %dma_wait3A_298 = arith.constant 0 : i32
    %dma_wait3A_299 = arith.constant 0 : i32
    %dma_wait3A_300 = tpu.memref_slice %arg16[%dma_wait3A_298, %dma_wait3A_299] : memref<10240x128xf32, #tpu.memory_space<vmem_shared>> -> memref<10240x128xf32, #tpu.memory_space<vmem_shared>>
    %dma_wait3A_301 = tpu.memref_slice %arg20[%dma_wait3A_290] : memref<4x!tpu.dma_semaphore, #tpu.memory_space<semaphore_mem>> -> memref<1x!tpu.dma_semaphore, #tpu.memory_space<semaphore_mem>>
    %dma_wait3A_302 = tpu.memref_squeeze %dma_wait3A_301 : memref<1x!tpu.dma_semaphore, #tpu.memory_space<semaphore_mem>> -> memref<!tpu.dma_semaphore, #tpu.memory_space<semaphore_mem>>
    tpu.wait_indirect_dma semaphore(%dma_wait3A_302 : memref<!tpu.dma_semaphore, #tpu.memory_space<semaphore_mem>>) src(%dma_wait3A_294 : memref<64x128xf32, #tpu.memory_space<vmem>>) dst(%dma_wait3A_300 : memref<10240x128xf32, #tpu.memory_space<vmem_shared>>)
    %dma_wait3A_303 = arith.constant 2 : i32
    %dma_wait3A_304 = arith.constant 2 : i32
    %dma_wait3A_305 = arith.constant 2 : i32
    %dma_wait3A_306 = arith.constant 0 : i32
    %dma_wait3A_307 = arith.constant 0 : i32
    %dma_wait3A_308 = tpu.memref_slice %arg11[%dma_wait3A_303, %dma_wait3A_306, %dma_wait3A_307] : memref<4x64x128xf32, #tpu.memory_space<vmem>> -> memref<1x64x128xf32, #tpu.memory_space<vmem>>
    %dma_wait3A_309 = tpu.memref_squeeze %dma_wait3A_308 : memref<1x64x128xf32, #tpu.memory_space<vmem>> -> memref<64x128xf32, #tpu.memory_space<vmem>>
    %dma_wait3A_310 = arith.constant 0 : i32
    %dma_wait3A_311 = tpu.memref_slice %arg9[%dma_wait3A_304, %dma_wait3A_310] : memref<4x64xi32, #tpu.memory_space<vmem>> -> memref<1x64xi32, #tpu.memory_space<vmem>>
    %dma_wait3A_312 = tpu.memref_squeeze %dma_wait3A_311 : memref<1x64xi32, #tpu.memory_space<vmem>> -> memref<64xi32, #tpu.memory_space<vmem>>
    %dma_wait3A_313 = arith.constant 0 : i32
    %dma_wait3A_314 = arith.constant 0 : i32
    %dma_wait3A_315 = tpu.memref_slice %arg16[%dma_wait3A_313, %dma_wait3A_314] : memref<10240x128xf32, #tpu.memory_space<vmem_shared>> -> memref<10240x128xf32, #tpu.memory_space<vmem_shared>>
    %dma_wait3A_316 = tpu.memref_slice %arg20[%dma_wait3A_305] : memref<4x!tpu.dma_semaphore, #tpu.memory_space<semaphore_mem>> -> memref<1x!tpu.dma_semaphore, #tpu.memory_space<semaphore_mem>>
    %dma_wait3A_317 = tpu.memref_squeeze %dma_wait3A_316 : memref<1x!tpu.dma_semaphore, #tpu.memory_space<semaphore_mem>> -> memref<!tpu.dma_semaphore, #tpu.memory_space<semaphore_mem>>
    tpu.wait_indirect_dma semaphore(%dma_wait3A_317 : memref<!tpu.dma_semaphore, #tpu.memory_space<semaphore_mem>>) src(%dma_wait3A_309 : memref<64x128xf32, #tpu.memory_space<vmem>>) dst(%dma_wait3A_315 : memref<10240x128xf32, #tpu.memory_space<vmem_shared>>)
    %dma_wait3A_318 = arith.constant 3 : i32
    %dma_wait3A_319 = arith.constant 3 : i32
    %dma_wait3A_320 = arith.constant 3 : i32
    %dma_wait3A_321 = arith.constant 0 : i32
    %dma_wait3A_322 = arith.constant 0 : i32
    %dma_wait3A_323 = tpu.memref_slice %arg11[%dma_wait3A_318, %dma_wait3A_321, %dma_wait3A_322] : memref<4x64x128xf32, #tpu.memory_space<vmem>> -> memref<1x64x128xf32, #tpu.memory_space<vmem>>
    %dma_wait3A_324 = tpu.memref_squeeze %dma_wait3A_323 : memref<1x64x128xf32, #tpu.memory_space<vmem>> -> memref<64x128xf32, #tpu.memory_space<vmem>>
    %dma_wait3A_325 = arith.constant 0 : i32
    %dma_wait3A_326 = tpu.memref_slice %arg9[%dma_wait3A_319, %dma_wait3A_325] : memref<4x64xi32, #tpu.memory_space<vmem>> -> memref<1x64xi32, #tpu.memory_space<vmem>>
    %dma_wait3A_327 = tpu.memref_squeeze %dma_wait3A_326 : memref<1x64xi32, #tpu.memory_space<vmem>> -> memref<64xi32, #tpu.memory_space<vmem>>
    %dma_wait3A_328 = arith.constant 0 : i32
    %dma_wait3A_329 = arith.constant 0 : i32
    %dma_wait3A_330 = tpu.memref_slice %arg16[%dma_wait3A_328, %dma_wait3A_329] : memref<10240x128xf32, #tpu.memory_space<vmem_shared>> -> memref<10240x128xf32, #tpu.memory_space<vmem_shared>>
    %dma_wait3A_331 = tpu.memref_slice %arg20[%dma_wait3A_320] : memref<4x!tpu.dma_semaphore, #tpu.memory_space<semaphore_mem>> -> memref<1x!tpu.dma_semaphore, #tpu.memory_space<semaphore_mem>>
    %dma_wait3A_332 = tpu.memref_squeeze %dma_wait3A_331 : memref<1x!tpu.dma_semaphore, #tpu.memory_space<semaphore_mem>> -> memref<!tpu.dma_semaphore, #tpu.memory_space<semaphore_mem>>
    tpu.wait_indirect_dma semaphore(%dma_wait3A_332 : memref<!tpu.dma_semaphore, #tpu.memory_space<semaphore_mem>>) src(%dma_wait3A_324 : memref<64x128xf32, #tpu.memory_space<vmem>>) dst(%dma_wait3A_330 : memref<10240x128xf32, #tpu.memory_space<vmem_shared>>)
    %barrier3A_333 = arith.constant 0 : index
    tpu.barrier barrier_id(%barrier3A_333)
    %scan3A_334 = arith.constant 0 : i32
    %scan3A_335 = arith.constant 5 : i32
    %scan3A_336 = arith.addi %scan3A_334, %scan3A_335 : i32
    %scan3A_337 = arith.constant 1 : i32
    scf.for %scan3A_339 = %scan3A_334 to %scan3A_336 step %scan3A_337  : i32 {
      %mul3A_340 = arith.constant 1 : i32
      %mul3A_341 = arith.muli %scan3A_339, %mul3A_340 : i32
      %add3A_342 = arith.constant 0 : i32
      %add3A_343 = arith.addi %add3A_342, %mul3A_341 : i32
      %mul3A_344 = arith.constant 640 : i32
      %mul3A_345 = arith.muli %arg1, %mul3A_344 : i32
      %mul3A_346 = arith.constant 128 : i32
      %mul3A_347 = arith.muli %add3A_343, %mul3A_346 : i32
      %add3A_348 = arith.addi %mul3A_345, %mul3A_347 : i32
      %mul3A_349 = arith.constant 640 : i32
      %mul3A_350 = arith.muli %arg1, %mul3A_349 : i32
      %mul3A_351 = arith.constant 128 : i32
      %mul3A_352 = arith.muli %add3A_343, %mul3A_351 : i32
      %add3A_353 = arith.addi %mul3A_350, %mul3A_352 : i32
      "tpu.region"() ({
        %run_scoped3A = tpu.sem_alloc : memref<!tpu.dma_semaphore, #tpu.memory_space<semaphore_mem>>
        %dma_start3A_354 = arith.constant 0 : i32
        %dma_start3A_355 = tpu.memref_slice %arg5[%arg0, %add3A_353, %dma_start3A_354] : memref<2x10240x128xf32, #tpu.memory_space<hbm>> -> memref<1x128x128xf32, #tpu.memory_space<hbm>>
        %dma_start3A_356 = tpu.memref_squeeze %dma_start3A_355 : memref<1x128x128xf32, #tpu.memory_space<hbm>> -> memref<128x128xf32, #tpu.memory_space<hbm>>
        %dma_start3A_357 = arith.constant 0 : i32
        %dma_start3A_358 = tpu.memref_slice %arg16[%add3A_348, %dma_start3A_357] : memref<10240x128xf32, #tpu.memory_space<vmem_shared>> -> memref<128x128xf32, #tpu.memory_space<vmem_shared>>
        tpu.enqueue_dma source(%dma_start3A_358 : memref<128x128xf32, #tpu.memory_space<vmem_shared>>) target(%dma_start3A_356 : memref<128x128xf32, #tpu.memory_space<hbm>>) target_semaphore(%run_scoped3A : memref<!tpu.dma_semaphore, #tpu.memory_space<semaphore_mem>>)
        %dma_wait3A_359 = arith.constant 0 : i32
        %dma_wait3A_360 = tpu.memref_slice %arg5[%arg0, %add3A_353, %dma_wait3A_359] : memref<2x10240x128xf32, #tpu.memory_space<hbm>> -> memref<1x128x128xf32, #tpu.memory_space<hbm>>
        %dma_wait3A_361 = tpu.memref_squeeze %dma_wait3A_360 : memref<1x128x128xf32, #tpu.memory_space<hbm>> -> memref<128x128xf32, #tpu.memory_space<hbm>>
        %dma_wait3A_362 = arith.constant 0 : i32
        %dma_wait3A_363 = tpu.memref_slice %arg16[%add3A_348, %dma_wait3A_362] : memref<10240x128xf32, #tpu.memory_space<vmem_shared>> -> memref<128x128xf32, #tpu.memory_space<vmem_shared>>
        tpu.wait_dma2 semaphore(%run_scoped3A : memref<!tpu.dma_semaphore, #tpu.memory_space<semaphore_mem>>) src(%dma_wait3A_363 : memref<128x128xf32, #tpu.memory_space<vmem_shared>>) dst(%dma_wait3A_361 : memref<128x128xf32, #tpu.memory_space<hbm>>)
        tpu.yield
      }) : () -> ()
    }
    %scan3A_338 = arith.constant 5 : i32
    return
  }
}

module attributes {stable_mosaic.version = 14 : i64} {
  func.func @body(%arg0: i32, %arg1: i32, %arg2: memref<2000x128xf32, #tpu.memory_space<vmem>>, %arg3: memref<1x128x128xf32, #tpu.memory_space<vmem>>, %arg4: memref<1x2000x128xf32, #tpu.memory_space<vmem>>) attributes {dimension_semantics = [#tpu.dimension_semantics<arbitrary>, #tpu.dimension_semantics<arbitrary>], iteration_bounds = array<i64: 5, 5>, scalar_prefetch = 0 : i64, scratch_operands = 0 : i64, tpu.core_type = #tpu.core_type<tc>, window_params = [{transform_indices = @transform_0, window_bounds = array<i64: 2000, 128>}, {transform_indices = @transform_1, window_bounds = array<i64: 1, 128, 128>}, {transform_indices = @transform_2, window_bounds = array<i64: 1, 2000, 128>}]} {
    %get3A = arith.constant 0 : index
    %get3A_0 = arith.constant 0 : index
    %get3A_1 = vector.load %arg2[%get3A, %get3A_0] : memref<2000x128xf32, #tpu.memory_space<vmem>>, vector<2000x128xf32>
    %get3A_2 = arith.constant 0 : index
    %get3A_3 = arith.constant 0 : index
    %get3A_4 = arith.constant 0 : index
    %get3A_5 = vector.load %arg3[%get3A_2, %get3A_3, %get3A_4] : memref<1x128x128xf32, #tpu.memory_space<vmem>>, vector<1x128x128xf32>
    %get3A_6 = vector.shape_cast %get3A_5 : vector<1x128x128xf32> to vector<128x128xf32>
    %dot_general3A = arith.constant dense<0.000000e+00> : vector<2000x128xf32>
    %dot_general3A_7 = tpu.matmul %get3A_1, %get3A_6, %dot_general3A {dimension_numbers = #tpu.dot_dimension_numbers<[1], [0], [0], [1], [0, 0, 1, 1], [], []>, transpose_lhs_hint = false} : vector<2000x128xf32>, vector<128x128xf32>, vector<2000x128xf32> -> vector<2000x128xf32>
    %swap3A = arith.constant 0 : index
    %swap3A_8 = arith.constant 0 : index
    %swap3A_9 = arith.constant 0 : index
    %swap3A_10 = vector.load %arg4[%swap3A, %swap3A_8, %swap3A_9] : memref<1x2000x128xf32, #tpu.memory_space<vmem>>, vector<1x2000x128xf32>
    %swap3A_11 = vector.shape_cast %swap3A_10 : vector<1x2000x128xf32> to vector<2000x128xf32>
    %swap3A_12 = vector.shape_cast %dot_general3A_7 : vector<2000x128xf32> to vector<1x2000x128xf32>
    tpu.vector_store %arg4[%swap3A, %swap3A_8, %swap3A_9], %swap3A_12 {strides = array<i32>} : memref<1x2000x128xf32, #tpu.memory_space<vmem>>, vector<1x2000x128xf32>,
    return
  }
  func.func @transform_0(%arg0: i32, %arg1: i32) -> (i32, i32) {
    %c0_i32 = arith.constant 0 : i32
    %c0_i32_0 = arith.constant 0 : i32
    return %arg1, %c0_i32 : i32, i32
  }
  func.func @transform_1(%arg0: i32, %arg1: i32) -> (i32, i32, i32) {
    %c0_i32 = arith.constant 0 : i32
    %c0_i32_0 = arith.constant 0 : i32
    %c0_i32_1 = arith.constant 0 : i32
    return %arg0, %c0_i32, %c0_i32_0 : i32, i32, i32
  }
  func.func @transform_2(%arg0: i32, %arg1: i32) -> (i32, i32, i32) {
    %c0_i32 = arith.constant 0 : i32
    %c0_i32_0 = arith.constant 0 : i32
    return %arg0, %arg1, %c0_i32 : i32, i32, i32
  }
}

module attributes {stable_mosaic.version = 14 : i64} {
  func.func @body(%arg0: i32, %arg1: memref<1x2000x128xf32, #tpu.memory_space<vmem>>, %arg2: memref<1x2000x128xf32, #tpu.memory_space<vmem>>, %arg3: memref<2000x128xf32, #tpu.memory_space<vmem>>, %arg4: memref<1x128xf32, #tpu.memory_space<vmem>>, %arg5: memref<2000x128xf32, #tpu.memory_space<vmem>>) attributes {dimension_semantics = [#tpu.dimension_semantics<arbitrary>], iteration_bounds = array<i64: 5>, scalar_prefetch = 0 : i64, scratch_operands = 0 : i64, tpu.core_type = #tpu.core_type<tc>, window_params = [{transform_indices = @transform_0, window_bounds = array<i64: 1, 2000, 128>}, {transform_indices = @transform_1, window_bounds = array<i64: 1, 2000, 128>}, {transform_indices = @transform_2, window_bounds = array<i64: 2000, 128>}, {pipeline_mode = #tpu.pipeline_mode<synchronous>, transform_indices = @transform_3, window_bounds = array<i64: 1, 128>}, {transform_indices = @transform_4, window_bounds = array<i64: 2000, 128>}]} {
    %get3A = arith.constant 0 : index
    %get3A_0 = arith.constant 0 : index
    %get3A_1 = arith.constant 0 : index
    %get3A_2 = vector.load %arg1[%get3A, %get3A_0, %get3A_1] : memref<1x2000x128xf32, #tpu.memory_space<vmem>>, vector<1x2000x128xf32>
    %get3A_3 = vector.shape_cast %get3A_2 : vector<1x2000x128xf32> to vector<2000x128xf32>
    %get3A_4 = arith.constant 0 : index
    %get3A_5 = arith.constant 0 : index
    %get3A_6 = arith.constant 0 : index
    %get3A_7 = vector.load %arg2[%get3A_4, %get3A_5, %get3A_6] : memref<1x2000x128xf32, #tpu.memory_space<vmem>>, vector<1x2000x128xf32>
    %get3A_8 = vector.shape_cast %get3A_7 : vector<1x2000x128xf32> to vector<2000x128xf32>
    %add3A = arith.addf %get3A_3, %get3A_8 : vector<2000x128xf32>
    %get3A_9 = arith.constant 0 : index
    %get3A_10 = arith.constant 0 : index
    %get3A_11 = vector.load %arg3[%get3A_9, %get3A_10] : memref<2000x128xf32, #tpu.memory_space<vmem>>, vector<2000x128xf32>
    %add3A_12 = arith.addf %add3A, %get3A_11 : vector<2000x128xf32>
    %get3A_13 = arith.constant 0 : index
    %get3A_14 = arith.constant 0 : index
    %get3A_15 = vector.load %arg4[%get3A_13, %get3A_14] : memref<1x128xf32, #tpu.memory_space<vmem>>, vector<1x128xf32>
    %add3A_16 = vector.broadcast %get3A_15 : vector<1x128xf32> to vector<2000x128xf32>
    %add3A_17 = arith.addf %add3A_12, %add3A_16 : vector<2000x128xf32>
    %tanh3A = math.tanh %add3A_17 : vector<2000x128xf32>
    %swap3A = arith.constant 0 : index
    %swap3A_18 = arith.constant 0 : index
    %swap3A_19 = vector.load %arg5[%swap3A, %swap3A_18] : memref<2000x128xf32, #tpu.memory_space<vmem>>, vector<2000x128xf32>
    tpu.vector_store %arg5[%swap3A, %swap3A_18], %tanh3A {strides = array<i32>} : memref<2000x128xf32, #tpu.memory_space<vmem>>, vector<2000x128xf32>,
    return
  }
  func.func @transform_0(%arg0: i32) -> (i32, i32, i32) {
    %c0_i32 = arith.constant 0 : i32
    %c0_i32_0 = arith.constant 0 : i32
    %c0_i32_1 = arith.constant 0 : i32
    return %c0_i32, %arg0, %c0_i32_0 : i32, i32, i32
  }
  func.func @transform_1(%arg0: i32) -> (i32, i32, i32) {
    %c1_i32 = arith.constant 1 : i32
    %c0_i32 = arith.constant 0 : i32
    %c0_i32_0 = arith.constant 0 : i32
    return %c1_i32, %arg0, %c0_i32 : i32, i32, i32
  }
  func.func @transform_2(%arg0: i32) -> (i32, i32) {
    %c0_i32 = arith.constant 0 : i32
    %c0_i32_0 = arith.constant 0 : i32
    return %arg0, %c0_i32 : i32, i32
  }
  func.func @transform_3(%arg0: i32) -> (i32, i32) {
    %c0_i32 = arith.constant 0 : i32
    %c0_i32_0 = arith.constant 0 : i32
    %c0_i32_1 = arith.constant 0 : i32
    return %c0_i32, %c0_i32_0 : i32, i32
  }
  func.func @transform_4(%arg0: i32) -> (i32, i32) {
    %c0_i32 = arith.constant 0 : i32
    %c0_i32_0 = arith.constant 0 : i32
    return %arg0, %c0_i32 : i32, i32
  }
}

</mosaic_0001>

<sc_bundles>
// kernel: kernel.6.cloned.1.call-start
scs
__scs_entry_jumppad:
0x0: {  	(pc) =	sbr.rel $0x88, $3  }
0x1: {  	(tag) =	ssettag $0x0;
	lr =	simm.s32 $0x1  }
0x2: {  	[smem:$0x3F9B] =	sst lr;
	_ =	strace $0xD0000000  }
0x3: {  	_ = 	snop  }
0x4: {  	_ = 	snop  }
0x5: {  	_ = 	snop  }
0x6: {  	_ = 	snop  }
0x7: {  	_ = 	snop  }
__scs_overlays_trampoline_lowered:
0x8: {  	[smem:$0x3FAA] =	sst s0  }
0x9: {  	[smem:$0x3FAB] =	sst s1  }
0xa: {  	[smem:$0x3FAC] =	sst s2  }
0xb: {  	[smem:$0x3FAD] =	sst s3  }
0xc: {  	[smem:$0x3FAE] =	sst s4  }
0xd: {  	[smem:$0x3FAF] =	sst s5  }
0xe: {  	[smem:$0x3FB0] =	sst s6  }
0xf: {  	[smem:$0x3FB1] =	sst s7  }
0x10: {  	[smem:$0x3FB2] =	sst s8  }
0x11: {  	[smem:$0x3FB3] =	sst s9;
	s0 =	simm.s32 @!p0 $0x0  }
0x12: {  	s1 =	sld [smem:$0x3F99];
	s0 =	simm.s32 @p0 $0x1  }
0x13: {  	[smem:$0x3FB4] =	sst s0;
	s0 =	simm.s32 @!p1 $0x0  }
0x14: {  	s2 =	sld [smem:$0x3F98];
	s0 =	simm.s32 @p1 $0x1  }
0x15: {  	[smem:$0x3FB5] =	sst s0;
	s0 =	simm.s32 @!p2 $0x0  }
0x16: {  	s3 =	sld [smem:$0x3FDB];
	s0 =	simm.s32 @p2 $0x1  }
0x17: {  	s4 =	simm.s32 $0x1BF5;
	[smem:$0x3FB7] =	sst s0  }
0x18: {  	s0 =	sld [smem:$0x3F9A];
	_ =	swait.ge [sflag:s4], $0x0  }
0x19: {  	s7 =	sld [smem:$0x3F9B]  }
0x1a: {  	s8 =	sadd.s32 $0xFFFFE003, lr  }
0x1b: {  	s9 =	sadd.s32 $0xFFFFFEF7, lr;
	s5 =	simm.s32 $0xFFFFFFFF;
	p2 =	slt.u32 s8, $0xFFFFF086  }
0x1c: {  	p1 =	slt.u32 s9, $0xF7A;
	s5 =	simm.s32 @!p2 $0x0  }
0x1d: {  	s5 =	simm.s32 @p1 $0x1;
	p0 =	seq.s32 s7, s2  }
0x1e: {  	s7 =	smul.u32 @!p0 $0xF7A, s2;
	p2 =	seq.s32 @!p0 s5, $0x0  }
0x1f: {  	s9 =	smul.u32 $0xF7A, s1;
	s8 =	simm.s32 @!p0 $0x1BF5;
	p2 =	por !p2, p0  }
0x20: {  	[sflag:s8] =	ssyncset.s32 @!p0 $0xFFFFF086;
	s6 =	sadd.s32 @!p0 s3, s7;
	s7 =	simm.s32 @!p0 $0x108  }
0x21: {  	s3 =	sadd.s32 s3, s9;
	s6 =	sadd.s32 @!p0 $0x88, s6;
	s7 =	simm.s32 @p2 $0x1082  }
0x22: {  	[simem:s7], [sflag:s8] =	dma.local @!p0 [hbm:s6], $0xF7A  }
0x23: {  	s9 =	sor.u32 $0xD0000000, s2;
	s6 =	simm.s32 $0x108;
	_ =	swait.ge @!p0 [sflag:s8], $0x0  }
0x24: {  	s3 =	sadd.s32 $0x88, s3;
	s6 =	simm.s32 @!p1 $0x1082;
	[sflag:s4] =	ssyncset.s32 $0xFFFFF086  }
0x25: {  	[simem:s6], [sflag:s4] =	dma.local [hbm:s3], $0xF7A  }
0x26: {  	[smem:$0x3F9B] =	sst s1;
	(tag) =	ssettag s2;
	_ =	strace s9  }
0x27: {  	s1 =	sld [smem:$0x3FAB]  }
0x28: {  	s2 =	sld [smem:$0x3FAC]  }
0x29: {  	s4 =	sld [smem:$0x3FAE]  }
0x2a: {  	p0 =	seq.s32 s5, $0x0;
	s5 =	sld [smem:$0x3FAF]  }
0x2b: {  	s6 =	sld [smem:$0x3FB0]  }
0x2c: {  	s7 =	sld [smem:$0x3FB1]  }
0x2d: {  	s3 =	simm.s32 $0x108;
	s8 =	sld [smem:$0x3FB2]  }
0x2e: {  	s3 =	simm.s32 @!p0 $0x1082;
	s9 =	sld [smem:$0x3FB3]  }
0x2f: {  	lr =	sadd.s32 s0, s3;
	s0 =	sld [smem:$0x3FAA]  }
0x30: {  	s3 =	sld [smem:$0x3FAD]  }
0x31: {  	[smem:$0x3FB6] =	sst s10  }
0x32: {  	s10 =	sld [smem:$0x3FB4];
	_ =	sdelay $0x3  }
0x33: {  	p0 =	seq.s32 s10, $0x1;
	s10 =	sld [smem:$0x3FB6];
	_ =	sdelay $0x3  }
0x34: {  	[smem:$0x3FB6] =	sst s10  }
0x35: {  	s10 =	sld [smem:$0x3FB5];
	_ =	sdelay $0x3  }
0x36: {  	p1 =	seq.s32 s10, $0x1;
	s10 =	sld [smem:$0x3FB6];
	_ =	sdelay $0x3  }
0x37: {  	[smem:$0x3FB6] =	sst s10  }
0x38: {  	s10 =	sld [smem:$0x3FB7]  }
0x39: {  	_ = 	snop;
	(pc) =	sbr.ind lr, $3  }
0x3a: {  	_ = 	snop  }
0x3b: {  	_ = 	snop  }
0x3c: {  	p2 =	seq.s32 s10, $0x1;
	s10 =	sld [smem:$0x3FB6]  }
0x3d: {  	_ =	shalt  }
0x3e: {  	_ =	shalt  }
0x3f: {  	_ =	shalt  }
0x40: {  	_ =	shalt  }
0x41: {  	_ =	shalt  }
0x42: {  	_ =	shalt  }
0x43: {  	_ =	shalt  }
0x44: {  	_ =	shalt  }
0x45: {  	_ =	shalt  }
0x46: {  	_ =	shalt  }
0x47: {  	_ =	shalt  }
0x48: {  	_ =	shalt  }
0x49: {  	_ =	shalt  }
0x4a: {  	_ =	shalt  }
0x4b: {  	_ =	shalt  }
0x4c: {  	_ =	shalt  }
0x4d: {  	_ =	shalt  }
0x4e: {  	_ =	shalt  }
0x4f: {  	_ =	shalt  }
0x50: {  	_ =	shalt  }
0x51: {  	_ =	shalt  }
0x52: {  	_ =	shalt  }
0x53: {  	_ =	shalt  }
0x54: {  	_ =	shalt  }
0x55: {  	_ =	shalt  }
0x56: {  	_ =	shalt  }
0x57: {  	_ =	shalt  }
0x58: {  	_ =	shalt  }
0x59: {  	_ =	shalt  }
0x5a: {  	_ =	shalt  }
0x5b: {  	_ =	shalt  }
0x5c: {  	_ =	shalt  }
0x5d: {  	_ =	shalt  }
0x5e: {  	_ =	shalt  }
0x5f: {  	_ =	shalt  }
0x60: {  	_ =	shalt  }
0x61: {  	_ =	shalt  }
0x62: {  	_ =	shalt  }
0x63: {  	_ =	shalt  }
0x64: {  	_ =	shalt  }
0x65: {  	_ =	shalt  }
0x66: {  	_ =	shalt  }
0x67: {  	_ =	shalt  }
0x68: {  	_ =	shalt  }
0x69: {  	_ =	shalt  }
0x6a: {  	_ =	shalt  }
0x6b: {  	_ =	shalt  }
0x6c: {  	_ =	shalt  }
0x6d: {  	_ =	shalt  }
0x6e: {  	_ =	shalt  }
0x6f: {  	_ =	shalt  }
0x70: {  	_ =	shalt  }
0x71: {  	_ =	shalt  }
0x72: {  	_ =	shalt  }
0x73: {  	_ =	shalt  }
0x74: {  	_ =	shalt  }
0x75: {  	_ =	shalt  }
0x76: {  	_ =	shalt  }
0x77: {  	_ =	shalt  }
0x78: {  	_ =	shalt  }
0x79: {  	_ =	shalt  }
0x7a: {  	_ =	shalt  }
0x7b: {  	_ =	shalt  }
0x7c: {  	_ =	shalt  }
0x7d: {  	_ =	shalt  }
0x7e: {  	_ =	shalt  }
0x7f: {  	_ =	shalt  }
0x80: {  	_ =	shalt  }
0x81: {  	_ =	shalt  }
0x82: {  	_ =	shalt  }
0x83: {  	_ =	shalt  }
0x84: {  	_ =	shalt  }
0x85: {  	_ =	shalt  }
0x86: {  	_ =	shalt  }
0x87: {  	_ =	shalt  }
.Lfunc_end0:
.L_simem_size_0:
called_computation_lowered:
.L_overlay_start_0:
0x88: {  	s2 =	sld [smem:$0x3FD9]  }
0x89: {  	s3 =	sld [smem:$0x3FFE];
	_ =	sdelay $0x1  }
0x8a: {  	s1 =	srdreg.scid  }
0x8b: {  	s0 =	sand.u32 $0x1, s1  }
0x8c: {  	s17 =	sshll.u32 s0, $0xA;
	s2 =	sadd.s32 s3, s2  }
0x8d: {  	s2 =	sadd.s32 s2, s17  }
0x8e: {  	[smem:$0x3FC2] =	sst s2  }
0x8f: {  	_ = 	snop  }
0x90: {  	s2 =	sld [smem:$0x3FD0];
	(tm) =	ssettm $0x1  }
0x91: {  	s18 =	sld [smem:$0x3FFB];
	_ =	sdelay $0x3  }
0x92: {  	_ =	strace s18  }
0x93: {  	s3 =	sld [smem:$0x3FFC];
	_ =	sdelay $0x3  }
0x94: {  	_ =	strace s3  }
0x95: {  	s3 =	sld [smem:$0x3FFD];
	_ =	sdelay $0x3  }
0x96: {  	_ =	strace s3  }
0x97: {  	_ =	strace $0x8FFFFFFF  }
0x98: {  	s19 =	sld [smem:$0x3FDB];
	_ =	sdelay $0x1  }
0x99: {  	s4 =	simm.s32 $_scs_section_size  }
0x9a: {  	s5 =	simm.s32 $_size__tile_overlayer_lowered;
	s6 =	simm.s32 $_tile_overlayer_lowered  }
0x9b: {  	s22 =	simm.s32 $0x1BFF;
	s21 =	sshll.u32 s6, $0x1;
	s3 =	sadd.s32 s4, s19  }
0x9c: {  	s7 =	simm.s32 $0x0;
	s20 =	sshll.u32 s5, $0x1;
	s5 =	sadd.s32 s21, s3  }
0x9d: {  	[timem:s7], [sflag:s22] =	dma.local [hbm:s5], s20  }
0x9e: {  	_ =	swait.ge [sflag:s22], s20  }
0x9f: {  	s4 =	ssub.s32 $0x0, s20;
	[sflag:s22] =	ssyncset.done $0x0  }
0xa0: {  	[sflag:s22] =	ssyncadd.s32 s4;
	_ =	sdelay $0x1  }
0xa1: {  	s23 =	simm.s32 $0x1B8B  }
0xa2: {  	_ =	swait.ge [sflag:s23], $0x1  }
0xa3: {  	[sflag:s23] =	ssyncset.done $0x0  }
0xa4: {  	s25 =	simm.s32 $0x1B8E;
	s24 =	sld [smem:$0x3FFE];
	[sflag:s23] =	ssyncadd.s32 $0xFFFFFFFF  }
0xa5: {  	s26 =	simm.s32 $execute0_lowered;
	[smem:$0x3FD2] =	sst s25  }
0xa6: {  	s5 =	sshll.u32 s26, $0x1;
	_ =	strace $0x80000046;
	[dreg:$0x1] =	wrdreg $0xFFFFFFFF  }
0xa7: {  	s28 =	simm.s32 $_size_execute0_lowered;
	s3 =	sadd.s32 s3, s5;
	[dreg:$0x0] =	wrdreg $0x0  }
0xa8: {  	s5 =	sshll.u32 s28, $0x1;
	[dreg:$0x2] =	wrdreg s3  }
0xa9: {  	[dreg:$0x3] =	wrdreg s5  }
0xaa: {  	[dreg:$0x4] =	wrdreg $0xC0  }
0xab: {  	_ =	task [dreg:s7], $0x5FFFF  }
0xac: {  	[dreg:$0x1] =	wrdreg $0xFFFFFFFF  }
0xad: {  	[dreg:$0x0] =	wrdreg $0x60  }
0xae: {  	[dreg:$0x2] =	wrdreg s24  }
0xaf: {  	[dreg:$0x3] =	wrdreg s2  }
0xb0: {  	[dreg:$0x4] =	wrdreg $0xAB000  }
0xb1: {  	[dreg:$0x5] =	wrdreg $0x9  }
0xb2: {  	_ =	task.clear_ibuf [dreg:s7], $0x6FFFF;
	_ =	strace $0x90000046  }
0xb3: {  	s29 =	simm.s32 $0x9;
	_ =	strace $0x80000048  }
0xb4: {  	_ =	swait.ge [sflag:s29], $0x1  }
0xb5: {  	[sflag:s29] =	ssyncadd.s32 $0xFFFFFFFF  }
0xb6: {  	_ =	strace $0x90000048  }
0xb7: {  	_ =	sfence  }
0xb8: {  	s30 =	sld [smem:$0x0];
	_ =	sdelay $0x2  }
0xb9: {  	s31 =	sshll.u32 s1, $0xD;
	s1 =	sshrl.u32 s1, $0x2  }
0xba: {  	s3 =	sand.u32 $0x4000, s31;
	s1 =	sadd.s32 s1, s30  }
0xbb: {  	s0 =	sor.u32 s3, s0;
	s1 =	sshll.u32 s1, $0x11  }
0xbc: {  	s0 =	sor.u32 s1, s0  }
0xbd: {  	s0 =	sadd.s32 $0x8F2B, s0  }
0xbe: {  	[sflag:s0] =	ssyncadd.remote.s32 $0x1  }
0xbf: {  	_ =	sfence.sel $0xFFFF  }
0xc0: {  	[dreg:$0x0] =	wrdreg $0xFFFFFFFF;
	(pc) =	sbr.abs _section_cstart, $3  }
0xc1: {  	[dreg:$0x1] =	wrdreg $0xFFFFFFFF  }
0xc2: {  	_ =	task.clear_ibuf [dreg:s7], $0x2FFFF;
	_ =	strace $0x9FFFFFFF  }
0xc3: {  	(tm) =	ssettm $0x7FFFFFFF  }
tec
execute0_lowered:
.L_overlay_start_1:
0x0: {  	(tag) =	ssettag $0x1  }
0x1: {  	s4 =	rddreg [dreg:$0x0]  }
0x2: {  	s0 =	srdreg.scid;
	s6 =	rddreg [dreg:$0x1]  }
0x3: {  	s2 =	rddreg [dreg:$0x2];
	s1 =	stileid.u32;
	s3 =	simm.s32 $0x0  }
0x4: {  	s12 =	simm.s32 $0xA000;
	s13 =	simm.s32 $0xA080;
	s16 =	simm.s32 $0x20  }
0x5: {  	s17 =	simm.s32 $0x10;
	s5 =	sand.u32 $0x1, s0;
	s0 =	rddreg [dreg:$0x3]  }
0x6: {  	s18 =	simm.s32 $0x0;
	[smem:$0x7FF] =	sst s3;
	s9 =	smul.u32 $0x1400, s1  }
0x7: {  	s11 =	smul.u32 $0x2800, s1;
	s14 =	sshll.u32 s1, $0x6;
	s7 =	sshll.u32 s5, $0x4  }
0x8: {  	_ =	strace $0x80000047;
	s8 =	ssub.s32 $0x2, s5;
	s5 =	sshll.u32 s5, $0x7  }
0x9: {  	s14 =	sor.u32 $0x1C02, s14;
	s7 =	sor.u32 s1, s7;
	s10 =	sshrl.u32 s8, $0x1  }
0xa: {  	s5 =	sor.u32 s5, s9;
	s31 =	sshrl.u32 s11, $0x2;
	s11 =	simm.s32 $0x40  }
0xb: {  	s7 =	smul.u32 $0x1400, s7;
	s30 =	ssub.s32 s8, s10;
	s9 =	sshrl.u32 s5, $0x3  }
0xc: {  	s5 =	sadd.s32 s31, s2;
	s8 =	simm.s32 $0x1;
	s10 =	simm.s32 $0x2  }
0xd: {  	s6 =	sadd.s32 s6, s9;
	s9 =	simm.s32 $0xA100;
	s4 =	sadd.s32 s7, s4  }
0xe: {  	v0 =	vimm.f32 $1.000000000e+00;
	v1 =	vimm.f32 $0.0e+00;
	s15 =	sshrl.u32 s5, $0x3;
	s7 =	smax.u32 s30, $0x1;
	s4 =	sadd.s32 $0x1200, s4  }
.LBB2_1:
0xf: {  	[tilespmem:s3], [sflag:$0x1] =	stream.linear.gather [hbm4b:s4+s3], $0xA000, $0x38;
	[tilespmem:$0xB500] =	vst v63  }
0x10: {  	_ =	swait.ge [sflag:s8], $0xA000  }
0x11: {  	[sflag:s8] =	ssyncset.done $0x0  }
0x12: {  	[sflag:s8] =	ssyncadd.s32 $0xFFFF6000  }
0x13: {  	[tilespmem:$0xA080] =	vst v0  }
0x14: {  	[tilespmem:$0xA090] =	vst v0  }
0x15: {  	[tilespmem:$0xA0A0] =	vst v0  }
0x16: {  	s19 =	simm.s32 $0x40;
	s20 =	simm.s32 $0x0;
	[tilespmem:$0xA0B0] =	vst v0  }
.LBB2_2:
0x17: {  	p0 =	sne.s32 s19, $0x27C0;
	[tilespmem:s20+$0xA100] =	vst v1;
	s20 =	smov.u32 s19;
	s19 =	sadd.s32 $0x40, s19  }
.Ltmp0:
0x18: {  	(pc) =	sbr.rel @p0 .LBB2_2-.Ltmp0, $2  }
0x19: {  	_ =	sdelay $0x2  }
0x1a: {  	s20 =	sshra.s32 s20, $0x2  }
0x1b: {  	[tilespmem:s20+$0xA100] =	vst v1  }
0x1c: {  	[spmem:s5] =	stream.linear.scatter [tilespmem:s9], [sflag:$0x2], $0xA00, $0x38;
	[tilespmem:$0xB500] =	vst v63  }
0x1d: {  	_ =	swait.ge [sflag:s10], $0xA00  }
0x1e: {  	s19 =	simm.s32 $0x0;
	[sflag:s10] =	ssyncset.done $0x0  }
0x1f: {  	s30 =	sand.u32 $0xF800, s19;
	s19 =	sand.u32 $0x380, s19;
	[sflag:s10] =	ssyncadd.s32 $0xFFFFF600  }
0x20: {  	s19 =	sor.u32 s19, s30;
	[bflag:$0x0] =	sbarrier.arrive $0xFFFF  }
0x21: {  	v2 =	vld [tilespmem:s19+$0x400]  }
0x22: {  	v3 =	vld [tilespmem:s19+$0x40];
	_ =	sdelay $0x3  }
0x23: {  	v2 =	vshll.u32 v2, $0x2  }
0x24: {  	v2 =	vadd.s32 v3, v2  }
0x25: {  	[tilespmem:$0xA000] =	vst v2  }
0x26: {  	v2 =	vld [tilespmem:s19+$0x410]  }
0x27: {  	v3 =	vld [tilespmem:s19+$0x50];
	_ =	sdelay $0x3  }
0x28: {  	v2 =	vshll.u32 v2, $0x2  }
0x29: {  	v2 =	vadd.s32 v3, v2  }
0x2a: {  	[tilespmem:$0xA010] =	vst v2  }
0x2b: {  	v2 =	vld [tilespmem:s19+$0x420]  }
0x2c: {  	v3 =	vld [tilespmem:s19+$0x60];
	_ =	sdelay $0x3  }
0x2d: {  	v2 =	vshll.u32 v2, $0x2  }
0x2e: {  	v2 =	vadd.s32 v3, v2  }
0x2f: {  	[tilespmem:$0xA020] =	vst v2  }
0x30: {  	v2 =	vld [tilespmem:s19+$0x430]  }
0x31: {  	v3 =	vld [tilespmem:s19+$0x70];
	_ =	sdelay $0x3  }
0x32: {  	v2 =	vshll.u32 v2, $0x2  }
0x33: {  	v2 =	vadd.s32 v3, v2  }
0x34: {  	s31 =	simm.s32 $0x100;
	[tilespmem:$0xA030] =	vst v2  }
0x35: {  	[spmem:s2] =	stream.indirect.scatter.add.f32 [tilespmem:s13], [sflag:$0x2], $0x1, s12, s11, $0xb8;
	[tilespmem:$0xB500] =	vst v63  }
0x36: {  	s21 =	simm.s32 $0x200;
	s19 =	simm.s32 $0x80;
	_ =	swait.ge [sflag:s10], $0x40  }
0x37: {  	s22 =	sand.u32 $0xF800, s31;
	s23 =	sand.u32 $0x380, s19;
	[sflag:s10] =	ssyncset.done $0x0  }
.LBB2_4:
0x38: {  	s22 =	sor.u32 s23, s22  }
0x39: {  	[sflag:s10] =	ssyncadd.s32 $0xFFFFFFC0;
	s23 =	smov.u32 s21;
	s20 =	sadd.s32 $0x100, s21  }
0x3a: {  	p0 =	sne.s32 s21, $0x9F00;
	v2 =	vld [tilespmem:s22+$0x400]  }
0x3b: {  	v3 =	vld [tilespmem:s22+$0x40];
	_ =	sdelay $0x3  }
0x3c: {  	v2 =	vshll.u32 v2, $0x2  }
0x3d: {  	v2 =	vadd.s32 v3, v2  }
0x3e: {  	[tilespmem:$0xA000] =	vst v2  }
0x3f: {  	v2 =	vld [tilespmem:s22+$0x410]  }
0x40: {  	v3 =	vld [tilespmem:s22+$0x50];
	_ =	sdelay $0x3  }
0x41: {  	v2 =	vshll.u32 v2, $0x2  }
0x42: {  	v2 =	vadd.s32 v3, v2  }
0x43: {  	[tilespmem:$0xA010] =	vst v2  }
0x44: {  	v2 =	vld [tilespmem:s22+$0x420]  }
0x45: {  	v3 =	vld [tilespmem:s22+$0x60];
	_ =	sdelay $0x3  }
0x46: {  	v2 =	vshll.u32 v2, $0x2  }
0x47: {  	v2 =	vadd.s32 v3, v2  }
0x48: {  	[tilespmem:$0xA020] =	vst v2  }
0x49: {  	v2 =	vld [tilespmem:s22+$0x430]  }
0x4a: {  	v3 =	vld [tilespmem:s22+$0x70];
	_ =	sdelay $0x3  }
0x4b: {  	v2 =	vshll.u32 v2, $0x2  }
.Ltmp1:
0x4c: {  	v2 =	vadd.s32 v3, v2;
	(pc) =	sbr.rel @p0 .LBB2_4-.Ltmp1, $4  }
0x4d: {  	[tilespmem:$0xA030] =	vst v2  }
0x4e: {  	[spmem:s2] =	stream.indirect.scatter.add.f32 [tilespmem:s13], [sflag:$0x2], $0x1, s12, s11, $0xb8;
	[tilespmem:$0xB500] =	vst v63  }
0x4f: {  	s19 =	sadd.s32 $0x80, s19;
	s21 =	smov.u32 s20;
	_ =	swait.ge [sflag:s10], $0x40  }
0x50: {  	s22 =	sand.u32 $0xF800, s23;
	s23 =	sand.u32 $0x380, s19;
	[sflag:s10] =	ssyncset.done $0x0  }
0x51: {  	s19 =	sor.u32 s23, s22;
	[sflag:s10] =	ssyncadd.s32 $0xFFFFFFC0  }
0x52: {  	v2 =	vld [tilespmem:s19+$0x400]  }
0x53: {  	v3 =	vld [tilespmem:s19+$0x40];
	_ =	sdelay $0x3  }
0x54: {  	v2 =	vshll.u32 v2, $0x2  }
0x55: {  	v2 =	vadd.s32 v3, v2  }
0x56: {  	[tilespmem:$0xA000] =	vst v2  }
0x57: {  	v2 =	vld [tilespmem:s19+$0x410]  }
0x58: {  	v3 =	vld [tilespmem:s19+$0x50];
	_ =	sdelay $0x3  }
0x59: {  	v2 =	vshll.u32 v2, $0x2  }
0x5a: {  	v2 =	vadd.s32 v3, v2  }
0x5b: {  	[tilespmem:$0xA010] =	vst v2  }
0x5c: {  	v2 =	vld [tilespmem:s19+$0x420]  }
0x5d: {  	v3 =	vld [tilespmem:s19+$0x60];
	_ =	sdelay $0x3  }
0x5e: {  	v2 =	vshll.u32 v2, $0x2  }
0x5f: {  	v2 =	vadd.s32 v3, v2  }
0x60: {  	[tilespmem:$0xA020] =	vst v2  }
0x61: {  	v2 =	vld [tilespmem:s19+$0x430]  }
0x62: {  	v3 =	vld [tilespmem:s19+$0x70];
	_ =	sdelay $0x3  }
0x63: {  	v2 =	vshll.u32 v2, $0x2  }
0x64: {  	v2 =	vadd.s32 v3, v2  }
0x65: {  	[tilespmem:$0xA030] =	vst v2  }
0x66: {  	[spmem:s2] =	stream.indirect.scatter.add.f32 [tilespmem:s13], [sflag:$0x2], $0x1, s12, s11, $0xb8;
	[tilespmem:$0xB500] =	vst v63  }
0x67: {  	_ =	swait.ge [sflag:s10], $0x40  }
0x68: {  	s18 =	sadd.s32 $0x1, s18;
	[sflag:s10] =	ssyncset.done $0x0  }
0x69: {  	p0 =	sne.s32 s18, s7;
	[sflag:s10] =	ssyncadd.s32 $0xFFFFFFC0  }
.Ltmp2:
0x6a: {  	[bflag:$0x0] =	sbarrier.arrive $0xFFFF;
	(pc) =	sbr.rel @p0 .LBB2_1-.Ltmp2, $4  }
0x6b: {  	[hbm:s6@s16], [sflag:s14] =	dma.strided [spmem:s15@s17], $0x140, s8, $0x10   }
0x6c: {  	_ =	swait.ge [sflag:s10], $0x140  }
0x6d: {  	[sflag:s10] =	ssyncset.done $0x0  }
0x6e: {  	[sflag:s10] =	ssyncadd.s32 $0xFFFFFEC0  }
0x6f: {  	_ =	sfence.sel $0x180000  }
0x70: {  	[bflag:$0x0] =	sbarrier.arrive $0xFFFF  }
0x71: {  	p0 =	sne.s32 s1, $0x0;
	_ =	strace $0x90000047  }
0x72: {  	s0 =	sadd.s32 @!p0 $0x100000, s0;
	[bflag:$0x2] =	sbarrier.arrive $0xFFFF  }
0x73: {  	[sflag:s0] =	ssyncadd.tile.s32 @!p0 $0x1;
	_ =	shalt  }
.Lfunc_end2:
_tile_overlayer_lowered:
.L_overlay_start_2:
0x74: {  	(tag) =	ssettag $0x2  }
0x75: {  	s0 =	rddreg [dreg:$0x0];
	s2 =	stileid.u32  }
0x76: {  	s1 =	rddreg [dreg:$0x1];
	p0 =	sne.s32 s2, $0x0  }
0x77: {  	s3 =	rddreg [dreg:$0x2];
	[bflag:$0x3] =	sbarrier.arrive $0xFFFF;
	s2 =	simm.s32 @!p0 $0x1C02  }
0x78: {  	[timem:s3], [sflag:s2] =	dma.local @!p0 [hbm:s0], s1  }
0x79: {  	s0 =	simm.s32 @!p0 $0x2  }
0x7a: {  	_ =	swait.ge @!p0 [sflag:s0], s1  }
0x7b: {  	s1 =	ssub.s32 @!p0 $0x0, s1;
	[sflag:s0] =	ssyncset.done @!p0 $0x0  }
0x7c: {  	[sflag:s0] =	ssyncadd.s32 @!p0 s1  }
0x7d: {  	[bflag:$0x3] =	sbarrier.arrive $0xFFFF  }
0x7e: {  	_ =	shalt  }

// kernel: kernel.9.cloned.1.call-start
scs
__scs_entry_jumppad:
0x0: {  	(pc) =	sbr.rel $0x88, $3  }
0x1: {  	(tag) =	ssettag $0x0;
	lr =	simm.s32 $0x1  }
0x2: {  	[smem:$0x3F9B] =	sst lr;
	_ =	strace $0xD0000000  }
0x3: {  	_ = 	snop  }
0x4: {  	_ = 	snop  }
0x5: {  	_ = 	snop  }
0x6: {  	_ = 	snop  }
0x7: {  	_ = 	snop  }
__scs_overlays_trampoline_lowered:
0x8: {  	[smem:$0x3FAA] =	sst s0  }
0x9: {  	[smem:$0x3FAB] =	sst s1  }
0xa: {  	[smem:$0x3FAC] =	sst s2  }
0xb: {  	[smem:$0x3FAD] =	sst s3  }
0xc: {  	[smem:$0x3FAE] =	sst s4  }
0xd: {  	[smem:$0x3FAF] =	sst s5  }
0xe: {  	[smem:$0x3FB0] =	sst s6  }
0xf: {  	[smem:$0x3FB1] =	sst s7  }
0x10: {  	[smem:$0x3FB2] =	sst s8  }
0x11: {  	[smem:$0x3FB3] =	sst s9;
	s0 =	simm.s32 @!p0 $0x0  }
0x12: {  	s1 =	sld [smem:$0x3F99];
	s0 =	simm.s32 @p0 $0x1  }
0x13: {  	[smem:$0x3FB4] =	sst s0;
	s0 =	simm.s32 @!p1 $0x0  }
0x14: {  	s2 =	sld [smem:$0x3F98];
	s0 =	simm.s32 @p1 $0x1  }
0x15: {  	[smem:$0x3FB5] =	sst s0;
	s0 =	simm.s32 @!p2 $0x0  }
0x16: {  	s3 =	sld [smem:$0x3FDB];
	s0 =	simm.s32 @p2 $0x1  }
0x17: {  	s4 =	simm.s32 $0x1BF5;
	[smem:$0x3FB7] =	sst s0  }
0x18: {  	s0 =	sld [smem:$0x3F9A];
	_ =	swait.ge [sflag:s4], $0x0  }
0x19: {  	s7 =	sld [smem:$0x3F9B]  }
0x1a: {  	s8 =	sadd.s32 $0xFFFFE003, lr  }
0x1b: {  	s9 =	sadd.s32 $0xFFFFFEF7, lr;
	s5 =	simm.s32 $0xFFFFFFFF;
	p2 =	slt.u32 s8, $0xFFFFF086  }
0x1c: {  	p1 =	slt.u32 s9, $0xF7A;
	s5 =	simm.s32 @!p2 $0x0  }
0x1d: {  	s5 =	simm.s32 @p1 $0x1;
	p0 =	seq.s32 s7, s2  }
0x1e: {  	s7 =	smul.u32 @!p0 $0xF7A, s2;
	p2 =	seq.s32 @!p0 s5, $0x0  }
0x1f: {  	s9 =	smul.u32 $0xF7A, s1;
	s8 =	simm.s32 @!p0 $0x1BF5;
	p2 =	por !p2, p0  }
0x20: {  	[sflag:s8] =	ssyncset.s32 @!p0 $0xFFFFF086;
	s6 =	sadd.s32 @!p0 s3, s7;
	s7 =	simm.s32 @!p0 $0x108  }
0x21: {  	s3 =	sadd.s32 s3, s9;
	s6 =	sadd.s32 @!p0 $0x88, s6;
	s7 =	simm.s32 @p2 $0x1082  }
0x22: {  	[simem:s7], [sflag:s8] =	dma.local @!p0 [hbm:s6], $0xF7A  }
0x23: {  	s9 =	sor.u32 $0xD0000000, s2;
	s6 =	simm.s32 $0x108;
	_ =	swait.ge @!p0 [sflag:s8], $0x0  }
0x24: {  	s3 =	sadd.s32 $0x88, s3;
	s6 =	simm.s32 @!p1 $0x1082;
	[sflag:s4] =	ssyncset.s32 $0xFFFFF086  }
0x25: {  	[simem:s6], [sflag:s4] =	dma.local [hbm:s3], $0xF7A  }
0x26: {  	[smem:$0x3F9B] =	sst s1;
	(tag) =	ssettag s2;
	_ =	strace s9  }
0x27: {  	s1 =	sld [smem:$0x3FAB]  }
0x28: {  	s2 =	sld [smem:$0x3FAC]  }
0x29: {  	s4 =	sld [smem:$0x3FAE]  }
0x2a: {  	p0 =	seq.s32 s5, $0x0;
	s5 =	sld [smem:$0x3FAF]  }
0x2b: {  	s6 =	sld [smem:$0x3FB0]  }
0x2c: {  	s7 =	sld [smem:$0x3FB1]  }
0x2d: {  	s3 =	simm.s32 $0x108;
	s8 =	sld [smem:$0x3FB2]  }
0x2e: {  	s3 =	simm.s32 @!p0 $0x1082;
	s9 =	sld [smem:$0x3FB3]  }
0x2f: {  	lr =	sadd.s32 s0, s3;
	s0 =	sld [smem:$0x3FAA]  }
0x30: {  	s3 =	sld [smem:$0x3FAD]  }
0x31: {  	[smem:$0x3FB6] =	sst s10  }
0x32: {  	s10 =	sld [smem:$0x3FB4];
	_ =	sdelay $0x3  }
0x33: {  	p0 =	seq.s32 s10, $0x1;
	s10 =	sld [smem:$0x3FB6];
	_ =	sdelay $0x3  }
0x34: {  	[smem:$0x3FB6] =	sst s10  }
0x35: {  	s10 =	sld [smem:$0x3FB5];
	_ =	sdelay $0x3  }
0x36: {  	p1 =	seq.s32 s10, $0x1;
	s10 =	sld [smem:$0x3FB6];
	_ =	sdelay $0x3  }
0x37: {  	[smem:$0x3FB6] =	sst s10  }
0x38: {  	s10 =	sld [smem:$0x3FB7]  }
0x39: {  	_ = 	snop;
	(pc) =	sbr.ind lr, $3  }
0x3a: {  	_ = 	snop  }
0x3b: {  	_ = 	snop  }
0x3c: {  	p2 =	seq.s32 s10, $0x1;
	s10 =	sld [smem:$0x3FB6]  }
0x3d: {  	_ =	shalt  }
0x3e: {  	_ =	shalt  }
0x3f: {  	_ =	shalt  }
0x40: {  	_ =	shalt  }
0x41: {  	_ =	shalt  }
0x42: {  	_ =	shalt  }
0x43: {  	_ =	shalt  }
0x44: {  	_ =	shalt  }
0x45: {  	_ =	shalt  }
0x46: {  	_ =	shalt  }
0x47: {  	_ =	shalt  }
0x48: {  	_ =	shalt  }
0x49: {  	_ =	shalt  }
0x4a: {  	_ =	shalt  }
0x4b: {  	_ =	shalt  }
0x4c: {  	_ =	shalt  }
0x4d: {  	_ =	shalt  }
0x4e: {  	_ =	shalt  }
0x4f: {  	_ =	shalt  }
0x50: {  	_ =	shalt  }
0x51: {  	_ =	shalt  }
0x52: {  	_ =	shalt  }
0x53: {  	_ =	shalt  }
0x54: {  	_ =	shalt  }
0x55: {  	_ =	shalt  }
0x56: {  	_ =	shalt  }
0x57: {  	_ =	shalt  }
0x58: {  	_ =	shalt  }
0x59: {  	_ =	shalt  }
0x5a: {  	_ =	shalt  }
0x5b: {  	_ =	shalt  }
0x5c: {  	_ =	shalt  }
0x5d: {  	_ =	shalt  }
0x5e: {  	_ =	shalt  }
0x5f: {  	_ =	shalt  }
0x60: {  	_ =	shalt  }
0x61: {  	_ =	shalt  }
0x62: {  	_ =	shalt  }
0x63: {  	_ =	shalt  }
0x64: {  	_ =	shalt  }
0x65: {  	_ =	shalt  }
0x66: {  	_ =	shalt  }
0x67: {  	_ =	shalt  }
0x68: {  	_ =	shalt  }
0x69: {  	_ =	shalt  }
0x6a: {  	_ =	shalt  }
0x6b: {  	_ =	shalt  }
0x6c: {  	_ =	shalt  }
0x6d: {  	_ =	shalt  }
0x6e: {  	_ =	shalt  }
0x6f: {  	_ =	shalt  }
0x70: {  	_ =	shalt  }
0x71: {  	_ =	shalt  }
0x72: {  	_ =	shalt  }
0x73: {  	_ =	shalt  }
0x74: {  	_ =	shalt  }
0x75: {  	_ =	shalt  }
0x76: {  	_ =	shalt  }
0x77: {  	_ =	shalt  }
0x78: {  	_ =	shalt  }
0x79: {  	_ =	shalt  }
0x7a: {  	_ =	shalt  }
0x7b: {  	_ =	shalt  }
0x7c: {  	_ =	shalt  }
0x7d: {  	_ =	shalt  }
0x7e: {  	_ =	shalt  }
0x7f: {  	_ =	shalt  }
0x80: {  	_ =	shalt  }
0x81: {  	_ =	shalt  }
0x82: {  	_ =	shalt  }
0x83: {  	_ =	shalt  }
0x84: {  	_ =	shalt  }
0x85: {  	_ =	shalt  }
0x86: {  	_ =	shalt  }
0x87: {  	_ =	shalt  }
.Lfunc_end0:
.L_simem_size_0:
called_computation.1_lowered:
.L_overlay_start_0:
0x88: {  	s2 =	sld [smem:$0x3FD9]  }
0x89: {  	s3 =	sld [smem:$0x3FFE];
	_ =	sdelay $0x1  }
0x8a: {  	s1 =	srdreg.scid  }
0x8b: {  	s0 =	sand.u32 $0x1, s1  }
0x8c: {  	s17 =	sshll.u32 s0, $0xA;
	s2 =	sadd.s32 s3, s2  }
0x8d: {  	s2 =	sadd.s32 s2, s17  }
0x8e: {  	[smem:$0x3FC2] =	sst s2  }
0x8f: {  	_ = 	snop  }
0x90: {  	s2 =	sld [smem:$0x3FD0];
	(tm) =	ssettm $0x1  }
0x91: {  	s18 =	sld [smem:$0x3FFB];
	_ =	sdelay $0x3  }
0x92: {  	_ =	strace s18  }
0x93: {  	s3 =	sld [smem:$0x3FFC];
	_ =	sdelay $0x3  }
0x94: {  	_ =	strace s3  }
0x95: {  	s3 =	sld [smem:$0x3FFD];
	_ =	sdelay $0x3  }
0x96: {  	_ =	strace s3  }
0x97: {  	_ =	strace $0x8FFFFFFF  }
0x98: {  	s19 =	sld [smem:$0x3FDB];
	_ =	sdelay $0x1  }
0x99: {  	s4 =	simm.s32 $_scs_section_size  }
0x9a: {  	s5 =	simm.s32 $_size__tile_overlayer_lowered;
	s6 =	simm.s32 $_tile_overlayer_lowered  }
0x9b: {  	s22 =	simm.s32 $0x1BFF;
	s21 =	sshll.u32 s6, $0x1;
	s3 =	sadd.s32 s4, s19  }
0x9c: {  	s7 =	simm.s32 $0x0;
	s20 =	sshll.u32 s5, $0x1;
	s5 =	sadd.s32 s21, s3  }
0x9d: {  	[timem:s7], [sflag:s22] =	dma.local [hbm:s5], s20  }
0x9e: {  	_ =	swait.ge [sflag:s22], s20  }
0x9f: {  	s4 =	ssub.s32 $0x0, s20;
	[sflag:s22] =	ssyncset.done $0x0  }
0xa0: {  	[sflag:s22] =	ssyncadd.s32 s4;
	_ =	sdelay $0x1  }
0xa1: {  	s23 =	simm.s32 $0x1B8B  }
0xa2: {  	_ =	swait.ge [sflag:s23], $0x1  }
0xa3: {  	[sflag:s23] =	ssyncset.done $0x0  }
0xa4: {  	s25 =	simm.s32 $0x1B8E;
	s24 =	sld [smem:$0x3FFE];
	[sflag:s23] =	ssyncadd.s32 $0xFFFFFFFF  }
0xa5: {  	s26 =	simm.s32 $execute0_lowered;
	[smem:$0x3FD2] =	sst s25  }
0xa6: {  	s5 =	sshll.u32 s26, $0x1;
	_ =	strace $0x80000049;
	[dreg:$0x1] =	wrdreg $0xFFFFFFFF  }
0xa7: {  	s28 =	simm.s32 $_size_execute0_lowered;
	s3 =	sadd.s32 s3, s5;
	[dreg:$0x0] =	wrdreg $0x0  }
0xa8: {  	s5 =	sshll.u32 s28, $0x1;
	[dreg:$0x2] =	wrdreg s3  }
0xa9: {  	[dreg:$0x3] =	wrdreg s5  }
0xaa: {  	[dreg:$0x4] =	wrdreg $0xC0  }
0xab: {  	_ =	task [dreg:s7], $0x5FFFF  }
0xac: {  	[dreg:$0x1] =	wrdreg $0xFFFFFFFF  }
0xad: {  	[dreg:$0x0] =	wrdreg $0x60  }
0xae: {  	[dreg:$0x2] =	wrdreg s24  }
0xaf: {  	[dreg:$0x3] =	wrdreg s2  }
0xb0: {  	[dreg:$0x4] =	wrdreg $0x9D800  }
0xb1: {  	[dreg:$0x5] =	wrdreg $0x93800  }
0xb2: {  	[dreg:$0x6] =	wrdreg $0x9  }
0xb3: {  	_ =	task.clear_ibuf [dreg:s7], $0x7FFFF;
	_ =	strace $0x90000049  }
0xb4: {  	s29 =	simm.s32 $0x9;
	_ =	strace $0x8000004B  }
0xb5: {  	_ =	swait.ge [sflag:s29], $0x1  }
0xb6: {  	[sflag:s29] =	ssyncadd.s32 $0xFFFFFFFF  }
0xb7: {  	_ =	strace $0x9000004B  }
0xb8: {  	_ =	sfence  }
0xb9: {  	s30 =	sld [smem:$0x0];
	_ =	sdelay $0x2  }
0xba: {  	s31 =	sshll.u32 s1, $0xD;
	s1 =	sshrl.u32 s1, $0x2  }
0xbb: {  	s3 =	sand.u32 $0x4000, s31;
	s1 =	sadd.s32 s1, s30  }
0xbc: {  	s0 =	sor.u32 s3, s0;
	s1 =	sshll.u32 s1, $0x11  }
0xbd: {  	s0 =	sor.u32 s1, s0  }
0xbe: {  	s0 =	sadd.s32 $0x8F2B, s0  }
0xbf: {  	[sflag:s0] =	ssyncadd.remote.s32 $0x1  }
0xc0: {  	_ =	sfence.sel $0xFFFF  }
0xc1: {  	[dreg:$0x0] =	wrdreg $0xFFFFFFFF;
	(pc) =	sbr.abs _section_cstart, $3  }
0xc2: {  	[dreg:$0x1] =	wrdreg $0xFFFFFFFF  }
0xc3: {  	_ =	task.clear_ibuf [dreg:s7], $0x2FFFF;
	_ =	strace $0x9FFFFFFF  }
0xc4: {  	(tm) =	ssettm $0x7FFFFFFF  }
0xc5: {  	_ =	shalt  }
tec
execute0_lowered:
.L_overlay_start_1:
0x0: {  	(tag) =	ssettag $0x1  }
0x1: {  	s0 =	rddreg [dreg:$0x0]  }
0x2: {  	s10 =	rddreg [dreg:$0x1]  }
0x3: {  	s2 =	rddreg [dreg:$0x2]  }
0x4: {  	s3 =	rddreg [dreg:$0x3];
	s11 =	stileid.u32  }
0x5: {  	s18 =	simm.s32 $0x0;
	s1 =	srdreg.scid;
	s5 =	smul.u32 $0xE0, s11  }
0x6: {  	[smem:$0x7FF] =	sst s18;
	s9 =	smul.u32 $0x60, s11  }
0x7: {  	s1 =	sand.u32 $0x1, s1;
	s6 =	sadd.s32 $0x1200, s0;
	s12 =	smul.u32 $0xA00, s11  }
0x8: {  	s7 =	sadd.s32 $0xEC800, s0;
	s0 =	sadd.s32 $0x188C00, s0;
	s13 =	smul.u32 $0x50000, s11  }
0x9: {  	s14 =	sadd.s32 $0x10, s10;
	s15 =	smul.u32 $0x14000, s11;
	_ =	strace $0x8000004A  }
0xa: {  	s4 =	ssub.s32 $0x2, s1;
	p0 =	seq.s32 s1, $0x0;
	[dreg:$0x7] =	wrdreg s14  }
0xb: {  	s1 =	smul.u32 $0x140000, s1;
	s8 =	sshrl.u32 s4, $0x1;
	[dreg:$0x6] =	wrdreg s12  }
0xc: {  	s9 =	sadd.s32 $0xE00, s9;
	s17 =	sadd.s32 $0x4000, s15;
	s23 =	sadd.s32 $0x8000, s15  }
0xd: {  	s25 =	sadd.s32 $0xC000, s15;
	s4 =	ssub.s32 s4, s8;
	s9 =	smov.u32 @p0 s5  }
0xe: {  	s8 =	sshrl.u32 s13, $0x2;
	s20 =	sadd.s32 s1, s15;
	s21 =	sadd.s32 s1, s17  }
0xf: {  	s24 =	sadd.s32 s1, s23;
	s5 =	sadd.s32 $0x10000, s15;
	s13 =	sadd.s32 s1, s25  }
0x10: {  	s16 =	sshll.u32 s9, $0x5;
	s19 =	sadd.s32 s8, s2;
	s28 =	smax.u32 s4, $0x1  }
0x11: {  	s11 =	sshrl.u32 s21, $0x3;
	s1 =	sadd.s32 s1, s5;
	[dreg:$0x12] =	wrdreg s28  }
0x12: {  	s5 =	sadd.s32 s5, s2;
	s22 =	sadd.s32 s0, s11;
	[dreg:$0x8] =	wrdreg s19  }
0x13: {  	s26 =	sshrl.u32 s13, $0x3;
	s13 =	sshrl.u32 s5, $0x3;
	[dreg:$0xd] =	wrdreg s22  }
0x14: {  	s14 =	sadd.s32 s6, s16;
	[dreg:$0x16] =	wrdreg s13  }
0x15: {  	s21 =	sadd.s32 $0x6000, s19;
	[dreg:$0x9] =	wrdreg s14  }
0x16: {  	s4 =	sadd.s32 s23, s2;
	s23 =	sadd.s32 $0xA000, s19;
	[dreg:$0x1b] =	wrdreg s21  }
0x17: {  	s11 =	sshrl.u32 s24, $0x3;
	s24 =	sadd.s32 $0xC000, s19;
	[dreg:$0x1d] =	wrdreg s23  }
0x18: {  	s8 =	sadd.s32 s25, s2;
	s25 =	sadd.s32 $0xE000, s19;
	[dreg:$0x1e] =	wrdreg s24  }
0x19: {  	s29 =	simm.s32 $0x11;
	s28 =	sadd.s32 $0x12000, s19;
	[dreg:$0x1f] =	wrdreg s25  }
0x1a: {  	s30 =	simm.s32 $0xC00;
	s10 =	sadd.s32 $0x10, s14;
	[smem:$0x7FD] =	sst s28  }
0x1b: {  	s31 =	simm.s32 $0x40;
	s12 =	sadd.s32 $0x20, s14;
	[dreg:$0xa] =	wrdreg s10  }
0x1c: {  	s1 =	sshrl.u32 s1, $0x3;
	s11 =	sadd.s32 s0, s11;
	[dreg:$0xb] =	wrdreg s12  }
0x1d: {  	s15 =	sadd.s32 $0x30, s14;
	s22 =	sadd.s32 $0x8000, s19;
	[dreg:$0xe] =	wrdreg s11  }
0x1e: {  	s23 =	simm.s32 $0x1;
	s14 =	simm.s32 $0xA80;
	[dreg:$0x17] =	wrdreg s15  }
0x1f: {  	s13 =	simm.s32 $0x9;
	s11 =	sadd.s32 s0, s26;
	[dreg:$0x1c] =	wrdreg s22  }
0x20: {  	s10 =	sshrl.u32 s20, $0x3;
	s12 =	sshrl.u32 s8, $0x3;
	[dreg:$0xf] =	wrdreg s11  }
0x21: {  	s20 =	sadd.s32 $0x4000, s19;
	s26 =	sadd.s32 $0x10000, s19;
	[dreg:$0x15] =	wrdreg s12  }
0x22: {  	s15 =	simm.s32 $0xA00;
	s22 =	simm.s32 $0x4;
	[dreg:$0x1a] =	wrdreg s20  }
0x23: {  	s10 =	sadd.s32 s0, s10;
	s0 =	sadd.s32 s0, s1;
	[smem:$0x7FC] =	sst s26  }
0x24: {  	s11 =	simm.s32 $0x38;
	s1 =	sadd.s32 s17, s2;
	[dreg:$0xc] =	wrdreg s10  }
0x25: {  	s17 =	sadd.s32 $0x2000, s19;
	s26 =	simm.s32 $0x3;
	[dreg:$0x10] =	wrdreg s0  }
0x26: {  	s20 =	simm.s32 $0x10;
	s0 =	sshrl.u32 s1, $0x3;
	[dreg:$0x19] =	wrdreg s17  }
0x27: {  	s11 =	simm.s32 @!p0 $0x18;
	s10 =	sshrl.u32 s4, $0x3;
	[dreg:$0x13] =	wrdreg s0  }
0x28: {  	s1 =	simm.s32 $0xB00;
	s4 =	simm.s32 $0xB80;
	[dreg:$0x14] =	wrdreg s10  }
0x29: {  	s17 =	simm.s32 $0x5;
	[dreg:$0x11] =	wrdreg s11;
	s16 =	sadd.s32 $0xFFFFFFFF, s11  }
0x2a: {  	v0 =	vimm.f32 $0.0e+00;
	s10 =	simm.s32 $0xF;
	[dreg:$0x18] =	wrdreg s16;
	s16 =	simm.s32 $0x2  }
.LBB2_1:
0x2b: {  	[dreg:$0x5] =	wrdreg s18  }
0x2c: {  	s21 =	rddreg [dreg:$0x6];
	s28 =	simm.s32 $0x0  }
.LBB2_2:
0x2d: {  	s0 =	smul.u32 $0x280, s28  }
0x2e: {  	s5 =	rddreg [dreg:$0x6]  }
0x2f: {  	s5 =	sadd.s32 s5, s0  }
0x30: {  	s8 =	rddreg [dreg:$0x1];
	s12 =	simm.s32 $0x80;
	s0 =	sshrl.u32 s5, $0x2  }
0x31: {  	s18 =	simm.s32 $0x100;
	s11 =	simm.s32 $0x8C00;
	s8 =	sadd.s32 s8, s0  }
0x32: {  	[tilespmem:s11], [sflag:$0x1] =	stream.strided.gather [hbm4b:s8+s12], $0x280, s18, s12, $0x38;
	[tilespmem:$0x1DD80] =	vst v63  }
0x33: {  	_ =	swait.ge [sflag:s23], $0x280  }
0x34: {  	[sflag:s23] =	ssyncset.done $0x0;
	s19 =	rddreg [dreg:$0x7]  }
0x35: {  	s24 =	simm.s32 $0x8E80;
	[sflag:s23] =	ssyncadd.s32 $0xFFFFFD80;
	s0 =	sadd.s32 s0, s19  }
0x36: {  	[tilespmem:s24], [sflag:$0x1] =	stream.strided.gather [hbm4b:s0+s12], $0x280, s18, s12, $0x38;
	[tilespmem:$0x1DD80] =	vst v63  }
0x37: {  	_ =	swait.ge [sflag:s23], $0x280  }
0x38: {  	[sflag:s23] =	ssyncset.done $0x0  }
0x39: {  	s18 =	simm.s32 $0x0;
	[sflag:s23] =	ssyncadd.s32 $0xFFFFFD80  }
0x3a: {  	v1 =	vld [tilespmem:s18+$0x8C00]  }
0x3b: {  	v2 =	vld [tilespmem:s18+$0x8E80];
	_ =	sdelay $0x4  }
0x3c: {  	v1 =	vadd.f32 v2, v1;
	_ =	sdelay $0x1  }
0x3d: {  	s24 =	simm.s32 $0x10;
	v1 =	vmax.f32 v1, $1.000000000e+00  }
0x3e: {  	v2 =	vld [tilespmem:s24+$0x8C00];
	(erf) = vrcp.f32 v1  }
0x3f: {  	v1 =	vld [tilespmem:s24+$0x8E80]  }
0x40: {  	s19 =	simm.s32 $0x20  }
0x41: {  	v3 =	vld [tilespmem:s19+$0x8C00]  }
0x42: {  	v4 =	vld [tilespmem:s19+$0x8E80];
	_ =	sdelay $0x1  }
0x43: {  	v1 =	vadd.f32 v1, v2;
	_ =	sdelay $0x1  }
0x44: {  	v2 =	vmax.f32 v1, $1.000000000e+00  }
0x45: {  	v3 =	vadd.f32 v4, v3;
	v63 =	vpop (erf);
	(erf) = vrcp.f32 v2;
	_ =	sdelay $0x1  }
0x46: {  	s0 =	simm.s32 $0x30;
	v3 =	vmax.f32 v3, $1.000000000e+00  }
0x47: {  	v1 =	vld [tilespmem:s0+$0x8C00];
	(erf) = vrcp.f32 v3  }
0x48: {  	p0 =	slt.u32 s21, $0x9C40;
	v2 =	vld [tilespmem:s0+$0x8E80]  }
0x49: {  	s25 =	simm.s32 $0x100;
	v4 =	vpsel !p0, $0x0, v63  }
0x4a: {  	s11 =	simm.s32 $0x80;
	s8 =	smov.u32 s21;
	s12 =	simm.s32 $0x100;
	[tilespmem:s18+$0x9100] =	vst v4  }
.LBB2_3:
0x4b: {  	p0 =	sne.s32 s12, $0x9C0  }
.Ltmp0:
0x4c: {  	s18 =	sshra.s32 s12, $0x2;
	s8 =	sadd.s32 $0x10, s8;
	(pc) =	sbr.rel @p0 .LBB2_3-.Ltmp0, $4  }
0x4d: {  	s12 =	sadd.s32 $0x40, s12;
	p1 =	slt.u32 s8, $0x9C40;
	v4 =	vpop (erf);
	v3 =	vadd.f32 v2, v1;
	v1 =	vld [tilespmem:s18+$0x8C00]  }
0x4e: {  	v4 =	vpsel !p1, $0x0, v4;
	v2 =	vld [tilespmem:s18+$0x8E80]  }
0x4f: {  	v3 =	vmax.f32 v3, $1.000000000e+00;
	[tilespmem:s24+$0x9100] =	vst v4;
	s24 =	smov.u32 s19;
	s19 =	smov.u32 s0;
	s0 =	smov.u32 s18  }
0x50: {  	(erf) = vrcp.f32 v3  }
0x51: {  	_ =	sdelay $0x1  }
0x52: {  	v1 =	vadd.f32 v2, v1;
	_ =	sdelay $0x1  }
0x53: {  	v1 =	vmax.f32 v1, $1.000000000e+00  }
0x54: {  	(erf) = vrcp.f32 v1;
	_ =	sdelay $0x5  }
0x55: {  	s8 =	sadd.s32 $0x10, s8  }
0x56: {  	p0 =	slt.u32 s8, $0x9C40;
	s8 =	sadd.s32 $0x10, s8;
	v1 =	vpop (erf)  }
0x57: {  	p5 =	slt.u32 s8, $0x9C40;
	s8 =	sadd.s32 $0x10, s8;
	v1 =	vpsel !p0, $0x0, v1;
	v2 =	vpop (erf)  }
0x58: {  	s28 =	sadd.s32 $0x1, s28;
	p6 =	slt.u32 s8, $0x9C40;
	[tilespmem:s24+$0x9100] =	vst v1;
	v1 =	vpsel !p5, $0x0, v2;
	v2 =	vpop (erf)  }
0x59: {  	p0 =	seq.s32 s28, $0x4;
	[tilespmem:s19+$0x9100] =	vst v1;
	v1 =	vpsel !p6, $0x0, v2  }
.Ltmp1:
0x5a: {  	s24 =	simm.s32 $0x9100;
	s19 =	sadd.s32 s5, s3;
	[tilespmem:s0+$0x9100] =	vst v1;
	(pc) =	sbr.rel @!p0 .LBB2_2-.Ltmp1, $4  }
0x5b: {  	[spmem:s19] =	stream.linear.scatter [tilespmem:s24], [sflag:$0x11], $0x280, $0x38;
	[tilespmem:$0x1DD80] =	vst v63  }
0x5c: {  	_ =	swait.ge [sflag:s29], $0x280  }
0x5d: {  	[sflag:s29] =	ssyncset.done $0x0  }
0x5e: {  	s21 =	sadd.s32 $0x280, s21;
	[sflag:s29] =	ssyncadd.s32 $0xFFFFFD80  }
0x5f: {  	s18 =	rddreg [dreg:$0x5]  }
0x60: {  	s0 =	simm.s32 $0x0;
	s5 =	simm.s32 $0x200;
	s8 =	rddreg [dreg:$0x8]  }
.LBB2_6:
0x61: {  	p0 =	seq.s32 s5, $0x7E00;
	[tilespmem:s0+$0xC70] =	vst v0  }
0x62: {  	[tilespmem:s0+$0xC00] =	vst v0  }
0x63: {  	[tilespmem:s0+$0xC10] =	vst v0  }
.Ltmp2:
0x64: {  	[tilespmem:s0+$0xC20] =	vst v0;
	(pc) =	sbr.rel @!p0 .LBB2_6-.Ltmp2, $4  }
0x65: {  	[tilespmem:s0+$0xC30] =	vst v0  }
0x66: {  	[tilespmem:s0+$0xC40] =	vst v0  }
0x67: {  	[tilespmem:s0+$0xC50] =	vst v0  }
0x68: {  	[tilespmem:s0+$0xC60] =	vst v0;
	s0 =	sshra.s32 s5, $0x2;
	s5 =	sadd.s32 $0x200, s5  }
0x69: {  	[tilespmem:s0+$0xC70] =	vst v0  }
0x6a: {  	[tilespmem:s0+$0xC00] =	vst v0  }
0x6b: {  	[tilespmem:s0+$0xC10] =	vst v0  }
0x6c: {  	[tilespmem:s0+$0xC20] =	vst v0  }
0x6d: {  	[tilespmem:s0+$0xC30] =	vst v0  }
0x6e: {  	[tilespmem:s0+$0xC40] =	vst v0  }
0x6f: {  	[tilespmem:s0+$0xC50] =	vst v0  }
0x70: {  	[tilespmem:s0+$0xC60] =	vst v0  }
0x71: {  	[spmem:s8] =	stream.linear.scatter [tilespmem:s30], [sflag:$0x11], $0x2000, $0x38;
	[tilespmem:$0x1DD80] =	vst v63  }
0x72: {  	_ =	swait.ge [sflag:s29], $0x2000  }
0x73: {  	[sflag:s29] =	ssyncset.done $0x0  }
0x74: {  	s5 =	rddreg [dreg:$0x19];
	[sflag:s29] =	ssyncadd.s32 $0xFFFFE000  }
0x75: {  	[spmem:s5] =	stream.linear.scatter [tilespmem:s30], [sflag:$0x11], $0x2000, $0x38;
	[tilespmem:$0x1DD80] =	vst v63  }
0x76: {  	_ =	swait.ge [sflag:s29], $0x2000  }
0x77: {  	[sflag:s29] =	ssyncset.done $0x0  }
0x78: {  	s8 =	rddreg [dreg:$0x1a];
	[sflag:s29] =	ssyncadd.s32 $0xFFFFE000  }
0x79: {  	[spmem:s8] =	stream.linear.scatter [tilespmem:s30], [sflag:$0x11], $0x2000, $0x38;
	[tilespmem:$0x1DD80] =	vst v63  }
0x7a: {  	_ =	swait.ge [sflag:s29], $0x2000  }
0x7b: {  	[sflag:s29] =	ssyncset.done $0x0  }
0x7c: {  	s12 =	rddreg [dreg:$0x1b];
	[sflag:s29] =	ssyncadd.s32 $0xFFFFE000  }
0x7d: {  	[spmem:s12] =	stream.linear.scatter [tilespmem:s30], [sflag:$0x11], $0x2000, $0x38;
	[tilespmem:$0x1DD80] =	vst v63  }
0x7e: {  	_ =	swait.ge [sflag:s29], $0x2000  }
0x7f: {  	[sflag:s29] =	ssyncset.done $0x0  }
0x80: {  	s21 =	rddreg [dreg:$0x1c];
	[sflag:s29] =	ssyncadd.s32 $0xFFFFE000  }
0x81: {  	[spmem:s21] =	stream.linear.scatter [tilespmem:s30], [sflag:$0x11], $0x2000, $0x38;
	[tilespmem:$0x1DD80] =	vst v63  }
0x82: {  	_ =	swait.ge [sflag:s29], $0x2000  }
0x83: {  	[sflag:s29] =	ssyncset.done $0x0  }
0x84: {  	s24 =	rddreg [dreg:$0x1d];
	[sflag:s29] =	ssyncadd.s32 $0xFFFFE000  }
0x85: {  	[spmem:s24] =	stream.linear.scatter [tilespmem:s30], [sflag:$0x11], $0x2000, $0x38;
	[tilespmem:$0x1DD80] =	vst v63  }
0x86: {  	_ =	swait.ge [sflag:s29], $0x2000  }
0x87: {  	[sflag:s29] =	ssyncset.done $0x0  }
0x88: {  	s5 =	rddreg [dreg:$0x1e];
	[sflag:s29] =	ssyncadd.s32 $0xFFFFE000  }
0x89: {  	[spmem:s5] =	stream.linear.scatter [tilespmem:s30], [sflag:$0x11], $0x2000, $0x38;
	[tilespmem:$0x1DD80] =	vst v63  }
0x8a: {  	_ =	swait.ge [sflag:s29], $0x2000  }
0x8b: {  	[sflag:s29] =	ssyncset.done $0x0  }
0x8c: {  	s8 =	rddreg [dreg:$0x1f];
	[sflag:s29] =	ssyncadd.s32 $0xFFFFE000  }
0x8d: {  	[spmem:s8] =	stream.linear.scatter [tilespmem:s30], [sflag:$0x11], $0x2000, $0x38;
	[tilespmem:$0x1DD80] =	vst v63  }
0x8e: {  	_ =	swait.ge [sflag:s29], $0x2000  }
0x8f: {  	s12 =	sld [smem:$0x7FC]  }
0x90: {  	[sflag:s29] =	ssyncset.done $0x0  }
0x91: {  	[sflag:s29] =	ssyncadd.s32 $0xFFFFE000  }
0x92: {  	[spmem:s12] =	stream.linear.scatter [tilespmem:s30], [sflag:$0x11], $0x2000, $0x38;
	[tilespmem:$0x1DD80] =	vst v63  }
0x93: {  	_ =	swait.ge [sflag:s29], $0x2000  }
0x94: {  	s21 =	sld [smem:$0x7FD]  }
0x95: {  	[sflag:s29] =	ssyncset.done $0x0  }
0x96: {  	[sflag:s29] =	ssyncadd.s32 $0xFFFFE000  }
0x97: {  	[spmem:s21] =	stream.linear.scatter [tilespmem:s30], [sflag:$0x11], $0x2000, $0x38;
	[tilespmem:$0x1DD80] =	vst v63  }
0x98: {  	_ =	swait.ge [sflag:s29], $0x2000  }
0x99: {  	[sflag:s29] =	ssyncset.done $0x0  }
0x9a: {  	[sflag:s29] =	ssyncadd.s32 $0xFFFFE000  }
0x9b: {  	[bflag:$0x0] =	sbarrier.arrive $0xFFFF  }
0x9c: {  	s28 =	simm.s32 $0x0;
	s24 =	rddreg [dreg:$0x9]  }
0x9d: {  	[tilespmem:s28], [sflag:$0x1] =	stream.linear.gather [hbm4b:s24+s28], $0x80, $0x38;
	[tilespmem:$0x1DD80] =	vst v63  }
0x9e: {  	s5 =	simm.s32 $0x200;
	s0 =	sadd.s32 $0x80, s24  }
0x9f: {  	[tilespmem:s5], [sflag:$0x1] =	stream.linear.gather [hbm4b:s0+s28], $0x80, $0x38;
	[tilespmem:$0x1DD80] =	vst v63  }
0xa0: {  	s5 =	rddreg [dreg:$0xa]  }
0xa1: {  	[tilespmem:s11], [sflag:$0x2] =	stream.linear.gather [hbm4b:s5+s28], $0x80, $0x38;
	[tilespmem:$0x1DD80] =	vst v63  }
0xa2: {  	s8 =	simm.s32 $0x280;
	s0 =	sadd.s32 $0x80, s5  }
0xa3: {  	[tilespmem:s8], [sflag:$0x2] =	stream.linear.gather [hbm4b:s0+s28], $0x80, $0x38;
	[tilespmem:$0x1DD80] =	vst v63  }
0xa4: {  	s11 =	rddreg [dreg:$0xb]  }
0xa5: {  	[tilespmem:s25], [sflag:$0x3] =	stream.linear.gather [hbm4b:s11+s28], $0x80, $0x38;
	[tilespmem:$0x1DD80] =	vst v63  }
0xa6: {  	s12 =	simm.s32 $0x300;
	s0 =	sadd.s32 $0x80, s11  }
0xa7: {  	[tilespmem:s12], [sflag:$0x3] =	stream.linear.gather [hbm4b:s0+s28], $0x80, $0x38;
	[tilespmem:$0x1DD80] =	vst v63  }
0xa8: {  	s21 =	rddreg [dreg:$0x17];
	s24 =	simm.s32 $0x180  }
0xa9: {  	[tilespmem:s24], [sflag:$0x4] =	stream.linear.gather [hbm4b:s21+s28], $0x80, $0x38;
	[tilespmem:$0x1DD80] =	vst v63  }
0xaa: {  	s25 =	simm.s32 $0x380;
	s0 =	sadd.s32 $0x80, s21  }
0xab: {  	[tilespmem:s25], [sflag:$0x4] =	stream.linear.gather [hbm4b:s0+s28], $0x80, $0x38;
	[tilespmem:$0x1DD80] =	vst v63  }
0xac: {  	s19 =	simm.s32 $0x2C00;
	s11 =	simm.s32 $0x400;
	s25 =	simm.s32 $0x600  }
.LBB2_8:
0xad: {  	_ =	swait.ge [sflag:s23], $0x100  }
0xae: {  	p1 =	seq.s32 s28, $0x0;
	[sflag:s23] =	ssyncset.done $0x0  }
0xaf: {  	s0 =	simm.s32 @!p1 $0xD;
	[sflag:s23] =	ssyncadd.s32 $0xFFFFFF00  }
0xb0: {  	_ =	swait.ge @!p1 [sflag:s0], $0x2000  }
0xb1: {  	[sflag:s0] =	ssyncset.done @!p1 $0x0  }
0xb2: {  	[sflag:s0] =	ssyncadd.s32 @!p1 $0xFFFFE000  }
0xb3: {  	v1 =	vld [tilespmem:$0x40]  }
0xb4: {  	v2 =	vld [tilespmem:$0x200]  }
0xb5: {  	v3 =	vld [tilespmem:$0x0]  }
0xb6: {  	v4 =	vld [tilespmem:$0x50]  }
0xb7: {  	v5 =	vld [tilespmem:$0x210]  }
0xb8: {  	v7 =	vld [tilespmem:$0x10];
	v6 =	vmul.u32 $0x2710, v1  }
0xb9: {  	v8 =	vld [tilespmem:$0x60]  }
0xba: {  	v9 =	vld [tilespmem:$0x220];
	v60 =	vshll.u32 v2, $0x2;
	[tilespmem:$0x800] =	vst v2;
	v3 =	vadd.s32 v6, v3  }
0xbb: {  	v61 =	vld [tilespmem:$0x20];
	v1 =	vadd.s32 v1, v60;
	[tilespmem:$0x400] =	vst v3;
	v3 =	vmul.u32 $0x2710, v4  }
0xbc: {  	[tilespmem:$0x600] =	vst v1;
	v1 =	vld [tilespmem:$0x70]  }
0xbd: {  	v62 =	vld [tilespmem:$0x230];
	[tilespmem:$0x810] =	vst v5;
	v2 =	vadd.s32 v3, v7;
	v3 =	vshll.u32 v5, $0x2  }
0xbe: {  	v63 =	vld [tilespmem:$0x30];
	[tilespmem:$0x410] =	vst v2;
	v2 =	vadd.s32 v4, v3;
	v3 =	vmul.u32 $0x2710, v8  }
0xbf: {  	[tilespmem:$0x820] =	vst v9  }
0xc0: {  	s24 =	rddreg [dreg:$0x18];
	[tilespmem:$0x610] =	vst v2;
	v2 =	vadd.s32 v3, v61;
	v3 =	vshll.u32 v9, $0x2  }
0xc1: {  	s8 =	sshll.u32 s28, $0x2;
	p0 =	sge.u32 s28, s24;
	[tilespmem:$0x420] =	vst v2;
	v2 =	vadd.s32 v8, v3;
	v3 =	vmul.u32 $0x2710, v1  }
0xc2: {  	s0 =	sadd.s32 @!p0 $0x4, s8;
	[tilespmem:$0x830] =	vst v62  }
0xc3: {  	s5 =	sadd.s32 @!p0 s9, s0;
	[tilespmem:$0x620] =	vst v2;
	v2 =	vadd.s32 v3, v63;
	v3 =	vshll.u32 v62, $0x2  }
0xc4: {  	s0 =	sshll.u32 @!p0 s0, $0x7;
	s5 =	sshll.u32 @!p0 s5, $0x8;
	[tilespmem:$0x430] =	vst v2;
	v1 =	vadd.s32 v1, v3  }
0xc5: {  	s0 =	sand.u32 @!p0 $0x200, s0;
	s5 =	sand.u32 @!p0 $0xFFFFF800, s5;
	[tilespmem:$0x630] =	vst v1  }
0xc6: {  	[tilespmem:s30], [sflag:$0x5] =	stream.indirect.gather [hbm4b:s7+s31], $0x80, s11, s31, $0xb8;
	[tilespmem:$0x1DD80] =	vst v63  }
0xc7: {  	s0 =	sor.u32 @!p0 s0, s5  }
0xc8: {  	[tilespmem:s15], [sflag:$0x9] =	stream.indirect.gather [spmem:s3], $0x1, s25, s31, $0xb8;
	[tilespmem:$0x1DD80] =	vst v63  }
.Ltmp3:
0xc9: {  	s0 =	sshrl.u32 @!p0 s0, $0x3;
	(pc) =	sbr.rel @p1 .LBB2_12-.Ltmp3, $4  }
0xca: {  	s5 =	simm.s32 @!p0 $0x0;
	s0 =	sadd.s32 @!p0 s6, s0  }
0xcb: {  	[tilespmem:s5], [sflag:$0x1] =	stream.linear.gather @!p0 [hbm4b:s0+s5], $0x80, $0x38;
	[tilespmem:$0x1DD80] =	vst v63  }
0xcc: {  	s12 =	simm.s32 @!p0 $0x200;
	s0 =	sadd.s32 @!p0 $0x80, s0  }
0xcd: {  	[tilespmem:s12], [sflag:$0x1] =	stream.linear.gather @!p0 [hbm4b:s0+s5], $0x80, $0x38;
	[tilespmem:$0x1DD80] =	vst v63  }
0xce: {  	s0 =	simm.s32 $0x6  }
0xcf: {  	_ =	swait.ge [sflag:s0], $0x2000  }
0xd0: {  	[sflag:s0] =	ssyncset.done $0x0  }
0xd1: {  	s24 =	simm.s32 $0x0;
	s5 =	simm.s32 $0xA;
	[sflag:s0] =	ssyncadd.s32 $0xFFFFE000  }
0xd2: {  	v1 =	vmov s24;
	_ =	swait.ge [sflag:s5], $0x40  }
0xd3: {  	[sflag:s5] =	ssyncset.done $0x0  }
0xd4: {  	[sflag:s5] =	ssyncadd.s32 $0xFFFFFFC0;
	s5 =	simm.s32 $0x2C70  }
0xd5: {  	v5 =	vld [tilespmem:s5+$0x0]  }
0xd6: {  	v8 =	vld [tilespmem:s5+$0xFFFFFFE0]  }
0xd7: {  	v1 =	vld.idx.msk [tilespmem:v1+s14+$0x0], $0xffff  }
0xd8: {  	v6 =	vld [tilespmem:s5+$0xFFFFFF90]  }
0xd9: {  	v10 =	vld [tilespmem:s5+$0xFFFFFFB0]  }
0xda: {  	v2 =	vld [tilespmem:s5+$0xFFFFFFF0]  }
0xdb: {  	v3 =	vld [tilespmem:s5+$0xFFFFFFC0]  }
0xdc: {  	v4 =	vld [tilespmem:s5+$0xFFFFFFA0]  }
0xdd: {  	v9 =	vmul.f32 v5, v1;
	v5 =	vld [tilespmem:s5+$0xFFFFFFD0]  }
0xde: {  	v7 =	vmul.f32 v6, v1  }
0xdf: {  	s19 =	simm.s32 $0x2C70;
	s0 =	simm.s32 $0x1;
	v6 =	vmul.f32 v10, v1;
	v8 =	vmul.f32 v8, v1  }
.LBB2_10:
0xe0: {  	p2 =	sne.s32 s0, $0x3F  }
0xe1: {  	v4 =	vmul.f32 v4, v1;
	v10 =	vmul.f32 v2, v1;
	[tilespmem:s5+$0x0] =	vst v9;
	s19 =	sadd.s32 $0x80, s19;
	s12 =	smov.u32 s0;
	s0 =	sadd.s32 $0x1, s0  }
0xe2: {  	v3 =	vmul.f32 v3, v1;
	[tilespmem:s5+$0xFFFFFF90] =	vst v7;
	v1 =	vmul.f32 v5, v1  }
0xe3: {  	[tilespmem:s5+$0xFFFFFFE0] =	vst v8  }
0xe4: {  	v5 =	vmov s12;
	[tilespmem:s5+$0xFFFFFFB0] =	vst v6  }
0xe5: {  	v2 =	vld [tilespmem:s19+$0xFFFFFFF0];
	[tilespmem:s5+$0xFFFFFFC0] =	vst v3  }
0xe6: {  	v6 =	vld [tilespmem:s19+$0x0];
	[tilespmem:s5+$0xFFFFFFD0] =	vst v1  }
0xe7: {  	v3 =	vld [tilespmem:s19+$0xFFFFFFC0];
	[tilespmem:s5+$0xFFFFFFF0] =	vst v10  }
0xe8: {  	v8 =	vld [tilespmem:s19+$0xFFFFFFE0];
	[tilespmem:s5+$0xFFFFFFA0] =	vst v4;
	s5 =	smov.u32 s19  }
0xe9: {  	v1 =	vld.idx.msk [tilespmem:v5+s14+$0x0], $0xffff  }
0xea: {  	v7 =	vld [tilespmem:s19+$0xFFFFFF90]  }
0xeb: {  	v10 =	vld [tilespmem:s19+$0xFFFFFFB0]  }
.Ltmp4:
0xec: {  	v4 =	vld [tilespmem:s19+$0xFFFFFFA0];
	(pc) =	sbr.rel @p2 .LBB2_10-.Ltmp4, $3  }
0xed: {  	v5 =	vld [tilespmem:s19+$0xFFFFFFD0];
	_ =	sdelay $0x1  }
0xee: {  	v9 =	vmul.f32 v6, v1;
	v7 =	vmul.f32 v7, v1  }
0xef: {  	v8 =	vmul.f32 v8, v1;
	v6 =	vmul.f32 v10, v1  }
0xf0: {  	[tilespmem:s5+$0x0] =	vst v9  }
0xf1: {  	[tilespmem:s5+$0xFFFFFF90] =	vst v7  }
0xf2: {  	v3 =	vmul.f32 v3, v1;
	[tilespmem:s5+$0xFFFFFFE0] =	vst v8  }
0xf3: {  	v2 =	vmul.f32 v2, v1;
	[tilespmem:s5+$0xFFFFFFB0] =	vst v6  }
0xf4: {  	v5 =	vmul.f32 v5, v1;
	[tilespmem:s5+$0xFFFFFFC0] =	vst v3  }
0xf5: {  	v1 =	vmul.f32 v4, v1;
	[tilespmem:s5+$0xFFFFFFF0] =	vst v2  }
0xf6: {  	[tilespmem:s5+$0xFFFFFFD0] =	vst v5  }
0xf7: {  	s19 =	simm.s32 $0x2C00;
	s0 =	simm.s32 $0x880;
	[tilespmem:s5+$0xFFFFFFA0] =	vst v1  }
0xf8: {  	[spmem:s2] =	stream.indirect.scatter.add.f32 [tilespmem:s19], [sflag:$0xE], $0x80, s0, s31, $0xb8;
	[tilespmem:$0x1DD80] =	vst v63  }
0xf9: {  	_ =	swait.ge [sflag:s16], $0x100  }
.Ltmp5:
0xfa: {  	[sflag:s16] =	ssyncset.done $0x0;
	(pc) =	sbr.rel .LBB2_13-.Ltmp5, $4  }
0xfb: {  	s24 =	simm.s32 $0xE;
	[sflag:s16] =	ssyncadd.s32 $0xFFFFFF00  }
0xfc: {  	_ =	swait.ge [sflag:s24], $0x2000  }
0xfd: {  	[sflag:s24] =	ssyncset.done $0x0  }
0xfe: {  	[sflag:s24] =	ssyncadd.s32 $0xFFFFE000  }
.LBB2_12:
0xff: {  	_ =	swait.ge [sflag:s16], $0x100  }
0x100: {  	[sflag:s16] =	ssyncset.done $0x0  }
0x101: {  	[sflag:s16] =	ssyncadd.s32 $0xFFFFFF00  }
.LBB2_13:
0x102: {  	v1 =	vld [tilespmem:$0xC0]  }
0x103: {  	v2 =	vld [tilespmem:$0x280]  }
0x104: {  	v3 =	vld [tilespmem:$0x80]  }
0x105: {  	v4 =	vld [tilespmem:$0xD0]  }
0x106: {  	v5 =	vld [tilespmem:$0x290]  }
0x107: {  	v7 =	vld [tilespmem:$0x90];
	v6 =	vmul.u32 $0x2710, v1  }
0x108: {  	v8 =	vld [tilespmem:$0xE0]  }
0x109: {  	v9 =	vld [tilespmem:$0x2A0];
	v60 =	vshll.u32 v2, $0x2;
	[tilespmem:$0x880] =	vst v2;
	v3 =	vadd.s32 v6, v3  }
0x10a: {  	v61 =	vld [tilespmem:$0xA0];
	v1 =	vadd.s32 v1, v60;
	[tilespmem:$0x480] =	vst v3;
	v3 =	vmul.u32 $0x2710, v4  }
0x10b: {  	[tilespmem:$0x680] =	vst v1;
	v1 =	vld [tilespmem:$0xF0]  }
0x10c: {  	v62 =	vld [tilespmem:$0x2B0];
	[tilespmem:$0x890] =	vst v5;
	v2 =	vadd.s32 v3, v7;
	v3 =	vshll.u32 v5, $0x2  }
0x10d: {  	v63 =	vld [tilespmem:$0xB0];
	[tilespmem:$0x490] =	vst v2;
	v2 =	vadd.s32 v4, v3;
	v3 =	vmul.u32 $0x2710, v8  }
0x10e: {  	[tilespmem:$0x8A0] =	vst v9  }
0x10f: {  	[tilespmem:$0x690] =	vst v2;
	v2 =	vadd.s32 v3, v61;
	v3 =	vshll.u32 v9, $0x2  }
0x110: {  	[tilespmem:$0x4A0] =	vst v2;
	v2 =	vadd.s32 v8, v3;
	v3 =	vmul.u32 $0x2710, v1  }
0x111: {  	[tilespmem:$0x8B0] =	vst v62  }
0x112: {  	[tilespmem:$0x6A0] =	vst v2;
	v2 =	vadd.s32 v3, v63;
	v3 =	vshll.u32 v62, $0x2  }
0x113: {  	[tilespmem:$0x4B0] =	vst v2;
	v1 =	vadd.s32 v1, v3  }
0x114: {  	s0 =	simm.s32 $0x480;
	[tilespmem:$0x6B0] =	vst v1  }
0x115: {  	[tilespmem:s19], [sflag:$0x6] =	stream.indirect.gather [hbm4b:s7+s31], $0x80, s0, s31, $0xb8;
	[tilespmem:$0x1DD80] =	vst v63  }
0x116: {  	s0 =	sadd.s32 @!p0 $0x5, s8  }
0x117: {  	s24 =	simm.s32 $0x680;
	s5 =	sadd.s32 @!p0 s9, s0  }
0x118: {  	[tilespmem:s14], [sflag:$0xA] =	stream.indirect.gather [spmem:s3], $0x1, s24, s31, $0xb8;
	[tilespmem:$0x1DD80] =	vst v63  }
0x119: {  	s0 =	sshll.u32 @!p0 s0, $0x7;
	s5 =	sshll.u32 @!p0 s5, $0x8  }
0x11a: {  	s0 =	sand.u32 @!p0 $0x280, s0;
	s5 =	sand.u32 @!p0 $0xFFFFF800, s5  }
0x11b: {  	s0 =	sor.u32 @!p0 s0, s5  }
.Ltmp6:
0x11c: {  	s0 =	sshrl.u32 @!p0 s0, $0x3;
	(pc) =	sbr.rel @p1 .LBB2_17-.Ltmp6, $4  }
0x11d: {  	s12 =	simm.s32 @!p0 $0x80;
	s5 =	simm.s32 @!p0 $0x0;
	s0 =	sadd.s32 @!p0 s6, s0  }
0x11e: {  	[tilespmem:s12], [sflag:$0x2] =	stream.linear.gather @!p0 [hbm4b:s0+s5], $0x80, $0x38;
	[tilespmem:$0x1DD80] =	vst v63  }
0x11f: {  	s0 =	sadd.s32 @!p0 $0x80, s0;
	s12 =	simm.s32 @!p0 $0x280  }
0x120: {  	[tilespmem:s12], [sflag:$0x2] =	stream.linear.gather @!p0 [hbm4b:s0+s5], $0x80, $0x38;
	[tilespmem:$0x1DD80] =	vst v63  }
0x121: {  	s0 =	simm.s32 $0x7  }
0x122: {  	_ =	swait.ge [sflag:s0], $0x2000  }
0x123: {  	[sflag:s0] =	ssyncset.done $0x0  }
0x124: {  	s21 =	simm.s32 $0xB;
	[sflag:s0] =	ssyncadd.s32 $0xFFFFE000  }
0x125: {  	s24 =	simm.s32 $0x0;
	_ =	swait.ge [sflag:s21], $0x40  }
0x126: {  	v1 =	vmov s24;
	[sflag:s21] =	ssyncset.done $0x0  }
0x127: {  	s5 =	simm.s32 $0x0;
	[sflag:s21] =	ssyncadd.s32 $0xFFFFFFC0  }
0x128: {  	v9 =	vld [tilespmem:s5+$0x4C20]  }
0x129: {  	v8 =	vld [tilespmem:s5+$0x4C00]  }
0x12a: {  	v4 =	vld [tilespmem:s5+$0x4C50]  }
0x12b: {  	v1 =	vld.idx.msk [tilespmem:v1+s1+$0x0], $0xffff  }
0x12c: {  	v5 =	vld [tilespmem:s5+$0x4C30]  }
0x12d: {  	v3 =	vld [tilespmem:s5+$0x4C60]  }
0x12e: {  	v6 =	vld [tilespmem:s5+$0x4C40]  }
0x12f: {  	v7 =	vld [tilespmem:s5+$0x4C70]  }
0x130: {  	s0 =	simm.s32 $0x200;
	v2 =	vld [tilespmem:s5+$0x4C10];
	v8 =	vmul.f32 v8, v1;
	v9 =	vmul.f32 v9, v1  }
.LBB2_15:
0x131: {  	p2 =	sne.s32 s0, $0x7E00  }
0x132: {  	v5 =	vmul.f32 v5, v1;
	v4 =	vmul.f32 v4, v1;
	s24 =	sadd.s32 $0x1, s24;
	s12 =	smov.u32 s0;
	s0 =	sadd.s32 $0x200, s0  }
0x133: {  	v3 =	vmul.f32 v3, v1;
	[tilespmem:s5+$0x4C20] =	vst v9;
	v6 =	vmul.f32 v6, v1  }
0x134: {  	[tilespmem:s5+$0x4C00] =	vst v8;
	v7 =	vmul.f32 v7, v1  }
0x135: {  	v8 =	vmov s24;
	[tilespmem:s5+$0x4C50] =	vst v4  }
0x136: {  	s12 =	sshra.s32 s12, $0x2;
	[tilespmem:s5+$0x4C70] =	vst v7  }
0x137: {  	v1 =	vmul.f32 v2, v1;
	v9 =	vld [tilespmem:s12+$0x4C20];
	[tilespmem:s5+$0x4C30] =	vst v5  }
0x138: {  	v10 =	vld [tilespmem:s12+$0x4C00];
	[tilespmem:s5+$0x4C40] =	vst v6  }
0x139: {  	v4 =	vld [tilespmem:s12+$0x4C50];
	[tilespmem:s5+$0x4C60] =	vst v3  }
0x13a: {  	v5 =	vld [tilespmem:s12+$0x4C30];
	[tilespmem:s5+$0x4C10] =	vst v1;
	s5 =	smov.u32 s12  }
0x13b: {  	v1 =	vld.idx.msk [tilespmem:v8+s1+$0x0], $0xffff  }
0x13c: {  	v3 =	vld [tilespmem:s5+$0x4C60]  }
.Ltmp7:
0x13d: {  	v2 =	vld [tilespmem:s5+$0x4C10];
	(pc) =	sbr.rel @p2 .LBB2_15-.Ltmp7, $3  }
0x13e: {  	v6 =	vld [tilespmem:s5+$0x4C40]  }
0x13f: {  	v7 =	vld [tilespmem:s5+$0x4C70];
	_ =	sdelay $0x1  }
0x140: {  	v8 =	vmul.f32 v10, v1;
	v9 =	vmul.f32 v9, v1  }
0x141: {  	_ = 	snop  }
0x142: {  	v4 =	vmul.f32 v4, v1;
	[tilespmem:s5+$0x4C20] =	vst v9  }
0x143: {  	v5 =	vmul.f32 v5, v1;
	[tilespmem:s5+$0x4C00] =	vst v8  }
0x144: {  	v3 =	vmul.f32 v3, v1;
	[tilespmem:s5+$0x4C50] =	vst v4  }
0x145: {  	v63 =	vmul.f32 v6, v1;
	[tilespmem:s5+$0x4C30] =	vst v5  }
0x146: {  	v7 =	vmul.f32 v7, v1;
	[tilespmem:s5+$0x4C60] =	vst v3  }
0x147: {  	v1 =	vmul.f32 v2, v1;
	[tilespmem:s5+$0x4C40] =	vst v63  }
0x148: {  	[tilespmem:s5+$0x4C70] =	vst v7  }
0x149: {  	s0 =	simm.s32 $0x900;
	[tilespmem:s5+$0x4C10] =	vst v1;
	s5 =	simm.s32 $0x4C00  }
0x14a: {  	[spmem:s2] =	stream.indirect.scatter.add.f32 [tilespmem:s5], [sflag:$0xF], $0x80, s0, s31, $0xb8;
	[tilespmem:$0x1DD80] =	vst v63  }
0x14b: {  	_ =	swait.ge [sflag:s26], $0x100  }
.Ltmp8:
0x14c: {  	[sflag:s26] =	ssyncset.done $0x0;
	(pc) =	sbr.rel .LBB2_18-.Ltmp8, $4  }
0x14d: {  	[sflag:s26] =	ssyncadd.s32 $0xFFFFFF00  }
0x14e: {  	_ =	swait.ge [sflag:s10], $0x2000  }
0x14f: {  	[sflag:s10] =	ssyncset.done $0x0  }
0x150: {  	[sflag:s10] =	ssyncadd.s32 $0xFFFFE000  }
.LBB2_17:
0x151: {  	_ =	swait.ge [sflag:s26], $0x100  }
0x152: {  	[sflag:s26] =	ssyncset.done $0x0  }
0x153: {  	s5 =	simm.s32 $0x4C00;
	[sflag:s26] =	ssyncadd.s32 $0xFFFFFF00  }
.LBB2_18:
0x154: {  	v1 =	vld [tilespmem:$0x140]  }
0x155: {  	v2 =	vld [tilespmem:$0x300]  }
0x156: {  	v3 =	vld [tilespmem:$0x100]  }
0x157: {  	v4 =	vld [tilespmem:$0x150]  }
0x158: {  	v5 =	vld [tilespmem:$0x310]  }
0x159: {  	v7 =	vld [tilespmem:$0x110];
	v6 =	vmul.u32 $0x2710, v1  }
0x15a: {  	v8 =	vld [tilespmem:$0x160]  }
0x15b: {  	v9 =	vld [tilespmem:$0x320];
	v60 =	vshll.u32 v2, $0x2;
	[tilespmem:$0x900] =	vst v2;
	v3 =	vadd.s32 v6, v3  }
0x15c: {  	v61 =	vld [tilespmem:$0x120];
	v1 =	vadd.s32 v1, v60;
	[tilespmem:$0x500] =	vst v3;
	v3 =	vmul.u32 $0x2710, v4  }
0x15d: {  	[tilespmem:$0x700] =	vst v1;
	v1 =	vld [tilespmem:$0x170]  }
0x15e: {  	v62 =	vld [tilespmem:$0x330];
	[tilespmem:$0x910] =	vst v5;
	v2 =	vadd.s32 v3, v7;
	v3 =	vshll.u32 v5, $0x2  }
0x15f: {  	v63 =	vld [tilespmem:$0x130];
	[tilespmem:$0x510] =	vst v2;
	v2 =	vadd.s32 v4, v3;
	v3 =	vmul.u32 $0x2710, v8  }
0x160: {  	[tilespmem:$0x920] =	vst v9  }
0x161: {  	[tilespmem:$0x710] =	vst v2;
	v2 =	vadd.s32 v3, v61;
	v3 =	vshll.u32 v9, $0x2  }
0x162: {  	[tilespmem:$0x520] =	vst v2;
	v2 =	vadd.s32 v8, v3;
	v3 =	vmul.u32 $0x2710, v1  }
0x163: {  	[tilespmem:$0x930] =	vst v62  }
0x164: {  	[tilespmem:$0x720] =	vst v2;
	v2 =	vadd.s32 v3, v63;
	v3 =	vshll.u32 v62, $0x2  }
0x165: {  	[tilespmem:$0x530] =	vst v2;
	v1 =	vadd.s32 v1, v3  }
0x166: {  	s0 =	simm.s32 $0x500;
	[tilespmem:$0x730] =	vst v1  }
0x167: {  	[tilespmem:s5], [sflag:$0x7] =	stream.indirect.gather [hbm4b:s7+s31], $0x80, s0, s31, $0xb8;
	[tilespmem:$0x1DD80] =	vst v63  }
0x168: {  	s0 =	sadd.s32 @!p0 $0x6, s8  }
0x169: {  	s24 =	simm.s32 $0x700;
	s5 =	sadd.s32 @!p0 s9, s0  }
0x16a: {  	[tilespmem:s1], [sflag:$0xB] =	stream.indirect.gather [spmem:s3], $0x1, s24, s31, $0xb8;
	[tilespmem:$0x1DD80] =	vst v63  }
0x16b: {  	s0 =	sshll.u32 @!p0 s0, $0x7;
	s5 =	sshll.u32 @!p0 s5, $0x8  }
0x16c: {  	s0 =	sand.u32 @!p0 $0x300, s0;
	s5 =	sand.u32 @!p0 $0xFFFFF800, s5  }
0x16d: {  	s0 =	sor.u32 @!p0 s0, s5  }
.Ltmp9:
0x16e: {  	s0 =	sshrl.u32 @!p0 s0, $0x3;
	(pc) =	sbr.rel @p1 .LBB2_22-.Ltmp9, $4  }
0x16f: {  	s12 =	simm.s32 @!p0 $0x100;
	s5 =	simm.s32 @!p0 $0x0;
	s0 =	sadd.s32 @!p0 s6, s0  }
0x170: {  	[tilespmem:s12], [sflag:$0x3] =	stream.linear.gather @!p0 [hbm4b:s0+s5], $0x80, $0x38;
	[tilespmem:$0x1DD80] =	vst v63  }
0x171: {  	s21 =	simm.s32 $0x4C00;
	s0 =	sadd.s32 @!p0 $0x80, s0;
	s12 =	simm.s32 @!p0 $0x300  }
0x172: {  	[tilespmem:s12], [sflag:$0x3] =	stream.linear.gather @!p0 [hbm4b:s0+s5], $0x80, $0x38;
	[tilespmem:$0x1DD80] =	vst v63  }
0x173: {  	s0 =	simm.s32 $0x8  }
0x174: {  	_ =	swait.ge [sflag:s0], $0x2000  }
0x175: {  	[sflag:s0] =	ssyncset.done $0x0  }
0x176: {  	s12 =	simm.s32 $0xC;
	[sflag:s0] =	ssyncadd.s32 $0xFFFFE000  }
0x177: {  	s24 =	simm.s32 $0x0;
	_ =	swait.ge [sflag:s12], $0x40  }
0x178: {  	v1 =	vmov s24;
	[sflag:s12] =	ssyncset.done $0x0  }
0x179: {  	s5 =	simm.s32 $0x0;
	[sflag:s12] =	ssyncadd.s32 $0xFFFFFFC0  }
0x17a: {  	v9 =	vld [tilespmem:s5+$0x6C20]  }
0x17b: {  	v8 =	vld [tilespmem:s5+$0x6C00]  }
0x17c: {  	v4 =	vld [tilespmem:s5+$0x6C50]  }
0x17d: {  	v1 =	vld.idx.msk [tilespmem:v1+s4+$0x0], $0xffff  }
0x17e: {  	v5 =	vld [tilespmem:s5+$0x6C30]  }
0x17f: {  	v3 =	vld [tilespmem:s5+$0x6C60]  }
0x180: {  	v6 =	vld [tilespmem:s5+$0x6C40]  }
0x181: {  	v7 =	vld [tilespmem:s5+$0x6C70]  }
0x182: {  	s0 =	simm.s32 $0x200;
	v2 =	vld [tilespmem:s5+$0x6C10];
	v8 =	vmul.f32 v8, v1;
	v9 =	vmul.f32 v9, v1  }
.LBB2_20:
0x183: {  	p1 =	sne.s32 s0, $0x7E00  }
0x184: {  	v5 =	vmul.f32 v5, v1;
	v4 =	vmul.f32 v4, v1;
	s24 =	sadd.s32 $0x1, s24;
	s12 =	smov.u32 s0;
	s0 =	sadd.s32 $0x200, s0  }
0x185: {  	v3 =	vmul.f32 v3, v1;
	[tilespmem:s5+$0x6C20] =	vst v9;
	v6 =	vmul.f32 v6, v1  }
0x186: {  	[tilespmem:s5+$0x6C00] =	vst v8;
	v7 =	vmul.f32 v7, v1  }
0x187: {  	v8 =	vmov s24;
	[tilespmem:s5+$0x6C50] =	vst v4  }
0x188: {  	s12 =	sshra.s32 s12, $0x2;
	[tilespmem:s5+$0x6C70] =	vst v7  }
0x189: {  	v1 =	vmul.f32 v2, v1;
	v9 =	vld [tilespmem:s12+$0x6C20];
	[tilespmem:s5+$0x6C30] =	vst v5  }
0x18a: {  	v10 =	vld [tilespmem:s12+$0x6C00];
	[tilespmem:s5+$0x6C40] =	vst v6  }
0x18b: {  	v4 =	vld [tilespmem:s12+$0x6C50];
	[tilespmem:s5+$0x6C60] =	vst v3  }
0x18c: {  	v5 =	vld [tilespmem:s12+$0x6C30];
	[tilespmem:s5+$0x6C10] =	vst v1;
	s5 =	smov.u32 s12  }
0x18d: {  	v1 =	vld.idx.msk [tilespmem:v8+s4+$0x0], $0xffff  }
0x18e: {  	v3 =	vld [tilespmem:s5+$0x6C60]  }
.Ltmp10:
0x18f: {  	v2 =	vld [tilespmem:s5+$0x6C10];
	(pc) =	sbr.rel @p1 .LBB2_20-.Ltmp10, $3  }
0x190: {  	v6 =	vld [tilespmem:s5+$0x6C40]  }
0x191: {  	v7 =	vld [tilespmem:s5+$0x6C70];
	_ =	sdelay $0x1  }
0x192: {  	v8 =	vmul.f32 v10, v1;
	v9 =	vmul.f32 v9, v1  }
0x193: {  	_ = 	snop  }
0x194: {  	v4 =	vmul.f32 v4, v1;
	[tilespmem:s5+$0x6C20] =	vst v9  }
0x195: {  	v5 =	vmul.f32 v5, v1;
	[tilespmem:s5+$0x6C00] =	vst v8  }
0x196: {  	v3 =	vmul.f32 v3, v1;
	[tilespmem:s5+$0x6C50] =	vst v4  }
0x197: {  	v63 =	vmul.f32 v6, v1;
	[tilespmem:s5+$0x6C30] =	vst v5  }
0x198: {  	v7 =	vmul.f32 v7, v1;
	[tilespmem:s5+$0x6C60] =	vst v3  }
0x199: {  	v1 =	vmul.f32 v2, v1;
	[tilespmem:s5+$0x6C40] =	vst v63  }
0x19a: {  	[tilespmem:s5+$0x6C70] =	vst v7  }
0x19b: {  	s0 =	simm.s32 $0x980;
	[tilespmem:s5+$0x6C10] =	vst v1;
	s5 =	simm.s32 $0x6C00  }
0x19c: {  	[spmem:s2] =	stream.indirect.scatter.add.f32 [tilespmem:s5], [sflag:$0x10], $0x80, s0, s31, $0xb8;
	[tilespmem:$0x1DD80] =	vst v63  }
0x19d: {  	_ =	swait.ge [sflag:s22], $0x100  }
.Ltmp11:
0x19e: {  	[sflag:s22] =	ssyncset.done $0x0;
	(pc) =	sbr.rel .LBB2_23-.Ltmp11, $4  }
0x19f: {  	[sflag:s22] =	ssyncadd.s32 $0xFFFFFF00  }
0x1a0: {  	_ =	swait.ge [sflag:s20], $0x2000  }
0x1a1: {  	[sflag:s20] =	ssyncset.done $0x0  }
0x1a2: {  	[sflag:s20] =	ssyncadd.s32 $0xFFFFE000  }
.LBB2_22:
0x1a3: {  	_ =	swait.ge [sflag:s22], $0x100  }
0x1a4: {  	[sflag:s22] =	ssyncset.done $0x0  }
0x1a5: {  	s5 =	simm.s32 $0x6C00;
	[sflag:s22] =	ssyncadd.s32 $0xFFFFFF00  }
.LBB2_23:
0x1a6: {  	v1 =	vld [tilespmem:$0x1C0]  }
0x1a7: {  	v2 =	vld [tilespmem:$0x380]  }
0x1a8: {  	v3 =	vld [tilespmem:$0x180]  }
0x1a9: {  	v4 =	vld [tilespmem:$0x1D0]  }
0x1aa: {  	v5 =	vld [tilespmem:$0x390]  }
0x1ab: {  	v7 =	vld [tilespmem:$0x190];
	v6 =	vmul.u32 $0x2710, v1  }
0x1ac: {  	v8 =	vld [tilespmem:$0x1E0]  }
0x1ad: {  	v9 =	vld [tilespmem:$0x3A0];
	[tilespmem:$0x980] =	vst v2;
	v3 =	vadd.s32 v6, v3;
	v6 =	vshll.u32 v2, $0x2  }
0x1ae: {  	[tilespmem:$0x580] =	vst v3;
	v1 =	vadd.s32 v1, v6;
	v3 =	vmul.u32 $0x2710, v4;
	v6 =	vld [tilespmem:$0x1A0]  }
0x1af: {  	[tilespmem:$0x780] =	vst v1;
	v1 =	vld [tilespmem:$0x1F0]  }
0x1b0: {  	[tilespmem:$0x990] =	vst v5;
	v2 =	vadd.s32 v3, v7;
	v3 =	vshll.u32 v5, $0x2;
	v7 =	vld [tilespmem:$0x3B0]  }
0x1b1: {  	[tilespmem:$0x590] =	vst v2;
	v2 =	vadd.s32 v4, v3;
	v3 =	vmul.u32 $0x2710, v8;
	v4 =	vld [tilespmem:$0x1B0]  }
0x1b2: {  	[tilespmem:$0x9A0] =	vst v9  }
0x1b3: {  	[tilespmem:$0x790] =	vst v2;
	v2 =	vadd.s32 v3, v6;
	v3 =	vshll.u32 v9, $0x2  }
0x1b4: {  	[tilespmem:$0x5A0] =	vst v2;
	v2 =	vadd.s32 v8, v3;
	v3 =	vmul.u32 $0x2710, v1  }
0x1b5: {  	[tilespmem:$0x7A0] =	vst v2  }
0x1b6: {  	[tilespmem:$0x9B0] =	vst v7;
	v2 =	vadd.s32 v3, v4;
	v3 =	vshll.u32 v7, $0x2  }
0x1b7: {  	[tilespmem:$0x5B0] =	vst v2;
	v1 =	vadd.s32 v1, v3  }
0x1b8: {  	s0 =	simm.s32 $0x580;
	[tilespmem:$0x7B0] =	vst v1  }
0x1b9: {  	[tilespmem:s5], [sflag:$0x8] =	stream.indirect.gather [hbm4b:s7+s31], $0x80, s0, s31, $0xb8;
	[tilespmem:$0x1DD80] =	vst v63  }
0x1ba: {  	s0 =	sadd.s32 @!p0 $0x7, s8  }
0x1bb: {  	s12 =	simm.s32 $0x780;
	s5 =	sadd.s32 @!p0 s9, s0  }
0x1bc: {  	[tilespmem:s4], [sflag:$0xC] =	stream.indirect.gather [spmem:s3], $0x1, s12, s31, $0xb8;
	[tilespmem:$0x1DD80] =	vst v63  }
0x1bd: {  	s0 =	sshll.u32 @!p0 s0, $0x7;
	s5 =	sshll.u32 @!p0 s5, $0x8  }
0x1be: {  	s0 =	sand.u32 @!p0 $0x380, s0;
	s5 =	sand.u32 @!p0 $0xFFFFF800, s5  }
0x1bf: {  	s0 =	sor.u32 @!p0 s0, s5  }
0x1c0: {  	s0 =	sshrl.u32 @!p0 s0, $0x3  }
0x1c1: {  	s8 =	simm.s32 @!p0 $0x180;
	s5 =	simm.s32 @!p0 $0x0;
	s0 =	sadd.s32 @!p0 s6, s0  }
0x1c2: {  	[tilespmem:s8], [sflag:$0x4] =	stream.linear.gather @!p0 [hbm4b:s0+s5], $0x80, $0x38;
	[tilespmem:$0x1DD80] =	vst v63  }
0x1c3: {  	s0 =	sadd.s32 @!p0 $0x80, s0;
	s8 =	simm.s32 @!p0 $0x380  }
0x1c4: {  	[tilespmem:s8], [sflag:$0x4] =	stream.linear.gather @!p0 [hbm4b:s0+s5], $0x80, $0x38;
	[tilespmem:$0x1DD80] =	vst v63  }
0x1c5: {  	_ =	swait.ge [sflag:s17], $0x2000  }
0x1c6: {  	[sflag:s17] =	ssyncset.done $0x0  }
0x1c7: {  	[sflag:s17] =	ssyncadd.s32 $0xFFFFE000  }
0x1c8: {  	s24 =	simm.s32 $0x0;
	_ =	swait.ge [sflag:s13], $0x40  }
0x1c9: {  	v1 =	vmov s24;
	[sflag:s13] =	ssyncset.done $0x0  }
0x1ca: {  	s5 =	simm.s32 $0xC40;
	[sflag:s13] =	ssyncadd.s32 $0xFFFFFFC0  }
0x1cb: {  	v5 =	vld [tilespmem:s5+$0x30]  }
0x1cc: {  	v8 =	vld [tilespmem:s5+$0x10]  }
0x1cd: {  	v6 =	vld [tilespmem:s5+$0xFFFFFFC0]  }
0x1ce: {  	v2 =	vld.idx.msk [tilespmem:v1+s15+$0x0], $0xffff  }
0x1cf: {  	v10 =	vld [tilespmem:s5+$0xFFFFFFE0]  }
0x1d0: {  	v1 =	vld [tilespmem:s5+$0xFFFFFFF0]  }
0x1d1: {  	v3 =	vld [tilespmem:s5+$0x20]  }
0x1d2: {  	v4 =	vld [tilespmem:s5+$0xFFFFFFD0]  }
0x1d3: {  	v9 =	vmul.f32 v5, v2;
	v5 =	vld [tilespmem:s5+$0x0]  }
0x1d4: {  	v7 =	vmul.f32 v6, v2  }
0x1d5: {  	s0 =	simm.s32 $0x1;
	s8 =	simm.s32 $0xC40;
	v6 =	vmul.f32 v10, v2;
	v8 =	vmul.f32 v8, v2  }
.LBB2_24:
0x1d6: {  	p0 =	sne.s32 s0, $0x3F  }
0x1d7: {  	v4 =	vmul.f32 v4, v2;
	v3 =	vmul.f32 v3, v2;
	[tilespmem:s5+$0x30] =	vst v9;
	s8 =	sadd.s32 $0x80, s8;
	s12 =	smov.u32 s0;
	s0 =	sadd.s32 $0x1, s0  }
0x1d8: {  	[tilespmem:s5+$0xFFFFFFC0] =	vst v7;
	v7 =	vmul.f32 v1, v2;
	v2 =	vmul.f32 v5, v2  }
0x1d9: {  	[tilespmem:s5+$0x10] =	vst v8  }
0x1da: {  	v5 =	vmov s12;
	[tilespmem:s5+$0xFFFFFFE0] =	vst v6  }
0x1db: {  	v1 =	vld [tilespmem:s8+$0xFFFFFFF0];
	[tilespmem:s5+$0xFFFFFFF0] =	vst v7  }
0x1dc: {  	v6 =	vld [tilespmem:s8+$0x30];
	[tilespmem:s5+$0x0] =	vst v2  }
0x1dd: {  	v8 =	vld [tilespmem:s8+$0x10];
	[tilespmem:s5+$0x20] =	vst v3  }
0x1de: {  	v7 =	vld [tilespmem:s8+$0xFFFFFFC0];
	[tilespmem:s5+$0xFFFFFFD0] =	vst v4;
	s5 =	smov.u32 s8  }
0x1df: {  	v2 =	vld.idx.msk [tilespmem:v5+s15+$0x0], $0xffff  }
0x1e0: {  	v10 =	vld [tilespmem:s8+$0xFFFFFFE0]  }
0x1e1: {  	v3 =	vld [tilespmem:s8+$0x20]  }
.Ltmp12:
0x1e2: {  	v4 =	vld [tilespmem:s8+$0xFFFFFFD0];
	(pc) =	sbr.rel @p0 .LBB2_24-.Ltmp12, $3  }
0x1e3: {  	v5 =	vld [tilespmem:s8+$0x0];
	_ =	sdelay $0x1  }
0x1e4: {  	v7 =	vmul.f32 v7, v2;
	v9 =	vmul.f32 v6, v2  }
0x1e5: {  	v8 =	vmul.f32 v8, v2;
	v6 =	vmul.f32 v10, v2  }
0x1e6: {  	[tilespmem:s5+$0x30] =	vst v9  }
0x1e7: {  	[tilespmem:s5+$0xFFFFFFC0] =	vst v7  }
0x1e8: {  	v1 =	vmul.f32 v1, v2;
	s28 =	sadd.s32 $0x1, s28;
	s24 =	rddreg [dreg:$0x11];
	[tilespmem:s5+$0x10] =	vst v8  }
0x1e9: {  	v3 =	vmul.f32 v3, v2;
	[tilespmem:s5+$0xFFFFFFE0] =	vst v6;
	p0 =	sne.s32 s28, s24  }
.Ltmp13:
0x1ea: {  	v5 =	vmul.f32 v5, v2;
	[tilespmem:s5+$0xFFFFFFF0] =	vst v1;
	(pc) =	sbr.rel @p0 .LBB2_8-.Ltmp13, $4  }
0x1eb: {  	v1 =	vmul.f32 v4, v2;
	[tilespmem:s5+$0x20] =	vst v3  }
0x1ec: {  	[tilespmem:s5+$0x0] =	vst v5  }
0x1ed: {  	s0 =	simm.s32 $0x800;
	[tilespmem:s5+$0xFFFFFFD0] =	vst v1  }
0x1ee: {  	[spmem:s2] =	stream.indirect.scatter.add.f32 [tilespmem:s30], [sflag:$0xD], $0x80, s0, s31, $0xb8;
	[tilespmem:$0x1DD80] =	vst v63  }
0x1ef: {  	s0 =	simm.s32 $0x6  }
0x1f0: {  	_ =	swait.ge [sflag:s0], $0x2000  }
0x1f1: {  	[sflag:s0] =	ssyncset.done $0x0  }
0x1f2: {  	s28 =	simm.s32 $0x0;
	s5 =	simm.s32 $0xA;
	[sflag:s0] =	ssyncadd.s32 $0xFFFFE000  }
0x1f3: {  	v1 =	vmov s28;
	_ =	swait.ge [sflag:s5], $0x40  }
0x1f4: {  	[sflag:s5] =	ssyncset.done $0x0  }
0x1f5: {  	[sflag:s5] =	ssyncadd.s32 $0xFFFFFFC0;
	s5 =	simm.s32 $0x2C70  }
0x1f6: {  	v5 =	vld [tilespmem:s5+$0x0]  }
0x1f7: {  	v8 =	vld [tilespmem:s5+$0xFFFFFFE0]  }
0x1f8: {  	v1 =	vld.idx.msk [tilespmem:v1+s14+$0x0], $0xffff  }
0x1f9: {  	v6 =	vld [tilespmem:s5+$0xFFFFFF90]  }
0x1fa: {  	v10 =	vld [tilespmem:s5+$0xFFFFFFB0]  }
0x1fb: {  	v2 =	vld [tilespmem:s5+$0xFFFFFFF0]  }
0x1fc: {  	v3 =	vld [tilespmem:s5+$0xFFFFFFC0]  }
0x1fd: {  	v4 =	vld [tilespmem:s5+$0xFFFFFFA0]  }
0x1fe: {  	v9 =	vmul.f32 v5, v1;
	v5 =	vld [tilespmem:s5+$0xFFFFFFD0]  }
0x1ff: {  	v7 =	vmul.f32 v6, v1  }
0x200: {  	s8 =	simm.s32 $0x2C70;
	s0 =	simm.s32 $0x1;
	v6 =	vmul.f32 v10, v1;
	v8 =	vmul.f32 v8, v1  }
.LBB2_27:
0x201: {  	p0 =	sne.s32 s0, $0x3F  }
0x202: {  	v4 =	vmul.f32 v4, v1;
	v10 =	vmul.f32 v2, v1;
	[tilespmem:s5+$0x0] =	vst v9;
	s8 =	sadd.s32 $0x80, s8;
	s12 =	smov.u32 s0;
	s0 =	sadd.s32 $0x1, s0  }
0x203: {  	v3 =	vmul.f32 v3, v1;
	[tilespmem:s5+$0xFFFFFF90] =	vst v7;
	v1 =	vmul.f32 v5, v1  }
0x204: {  	[tilespmem:s5+$0xFFFFFFE0] =	vst v8  }
0x205: {  	v5 =	vmov s12;
	[tilespmem:s5+$0xFFFFFFB0] =	vst v6  }
0x206: {  	v2 =	vld [tilespmem:s8+$0xFFFFFFF0];
	[tilespmem:s5+$0xFFFFFFC0] =	vst v3  }
0x207: {  	v6 =	vld [tilespmem:s8+$0x0];
	[tilespmem:s5+$0xFFFFFFD0] =	vst v1  }
0x208: {  	v3 =	vld [tilespmem:s8+$0xFFFFFFC0];
	[tilespmem:s5+$0xFFFFFFF0] =	vst v10  }
0x209: {  	v8 =	vld [tilespmem:s8+$0xFFFFFFE0];
	[tilespmem:s5+$0xFFFFFFA0] =	vst v4;
	s5 =	smov.u32 s8  }
0x20a: {  	v1 =	vld.idx.msk [tilespmem:v5+s14+$0x0], $0xffff  }
0x20b: {  	v7 =	vld [tilespmem:s8+$0xFFFFFF90]  }
0x20c: {  	v10 =	vld [tilespmem:s8+$0xFFFFFFB0]  }
.Ltmp14:
0x20d: {  	v4 =	vld [tilespmem:s8+$0xFFFFFFA0];
	(pc) =	sbr.rel @p0 .LBB2_27-.Ltmp14, $3  }
0x20e: {  	v5 =	vld [tilespmem:s8+$0xFFFFFFD0];
	_ =	sdelay $0x1  }
0x20f: {  	v9 =	vmul.f32 v6, v1;
	v7 =	vmul.f32 v7, v1  }
0x210: {  	v8 =	vmul.f32 v8, v1;
	v6 =	vmul.f32 v10, v1  }
0x211: {  	[tilespmem:s5+$0x0] =	vst v9  }
0x212: {  	[tilespmem:s5+$0xFFFFFF90] =	vst v7  }
0x213: {  	v3 =	vmul.f32 v3, v1;
	[tilespmem:s5+$0xFFFFFFE0] =	vst v8  }
0x214: {  	v2 =	vmul.f32 v2, v1;
	[tilespmem:s5+$0xFFFFFFB0] =	vst v6  }
0x215: {  	v5 =	vmul.f32 v5, v1;
	[tilespmem:s5+$0xFFFFFFC0] =	vst v3  }
0x216: {  	v1 =	vmul.f32 v4, v1;
	[tilespmem:s5+$0xFFFFFFF0] =	vst v2  }
0x217: {  	[tilespmem:s5+$0xFFFFFFD0] =	vst v5  }
0x218: {  	s0 =	simm.s32 $0x880;
	s25 =	simm.s32 $0x7;
	[tilespmem:s5+$0xFFFFFFA0] =	vst v1  }
0x219: {  	[spmem:s2] =	stream.indirect.scatter.add.f32 [tilespmem:s19], [sflag:$0xE], $0x80, s0, s31, $0xb8;
	[tilespmem:$0x1DD80] =	vst v63  }
0x21a: {  	_ =	swait.ge [sflag:s25], $0x2000  }
0x21b: {  	[sflag:s25] =	ssyncset.done $0x0  }
0x21c: {  	s28 =	simm.s32 $0xB;
	[sflag:s25] =	ssyncadd.s32 $0xFFFFE000  }
0x21d: {  	s8 =	simm.s32 $0x0;
	_ =	swait.ge [sflag:s28], $0x40  }
0x21e: {  	v1 =	vmov s8;
	[sflag:s28] =	ssyncset.done $0x0  }
0x21f: {  	s5 =	simm.s32 $0x0;
	[sflag:s28] =	ssyncadd.s32 $0xFFFFFFC0  }
0x220: {  	v9 =	vld [tilespmem:s5+$0x4C20]  }
0x221: {  	v8 =	vld [tilespmem:s5+$0x4C00]  }
0x222: {  	v4 =	vld [tilespmem:s5+$0x4C50]  }
0x223: {  	v1 =	vld.idx.msk [tilespmem:v1+s1+$0x0], $0xffff  }
0x224: {  	v5 =	vld [tilespmem:s5+$0x4C30]  }
0x225: {  	v3 =	vld [tilespmem:s5+$0x4C60]  }
0x226: {  	v6 =	vld [tilespmem:s5+$0x4C40]  }
0x227: {  	v7 =	vld [tilespmem:s5+$0x4C70]  }
0x228: {  	s0 =	simm.s32 $0x200;
	v2 =	vld [tilespmem:s5+$0x4C10];
	v8 =	vmul.f32 v8, v1;
	v9 =	vmul.f32 v9, v1  }
.LBB2_29:
0x229: {  	p0 =	sne.s32 s0, $0x7E00  }
0x22a: {  	v5 =	vmul.f32 v5, v1;
	v4 =	vmul.f32 v4, v1;
	s8 =	sadd.s32 $0x1, s8;
	s12 =	smov.u32 s0;
	s0 =	sadd.s32 $0x200, s0  }
0x22b: {  	v3 =	vmul.f32 v3, v1;
	[tilespmem:s5+$0x4C20] =	vst v9;
	v6 =	vmul.f32 v6, v1  }
0x22c: {  	[tilespmem:s5+$0x4C00] =	vst v8;
	v7 =	vmul.f32 v7, v1  }
0x22d: {  	v8 =	vmov s8;
	[tilespmem:s5+$0x4C50] =	vst v4  }
0x22e: {  	s12 =	sshra.s32 s12, $0x2;
	[tilespmem:s5+$0x4C70] =	vst v7  }
0x22f: {  	v1 =	vmul.f32 v2, v1;
	v9 =	vld [tilespmem:s12+$0x4C20];
	[tilespmem:s5+$0x4C30] =	vst v5  }
0x230: {  	v10 =	vld [tilespmem:s12+$0x4C00];
	[tilespmem:s5+$0x4C40] =	vst v6  }
0x231: {  	v4 =	vld [tilespmem:s12+$0x4C50];
	[tilespmem:s5+$0x4C60] =	vst v3  }
0x232: {  	v5 =	vld [tilespmem:s12+$0x4C30];
	[tilespmem:s5+$0x4C10] =	vst v1;
	s5 =	smov.u32 s12  }
0x233: {  	v1 =	vld.idx.msk [tilespmem:v8+s1+$0x0], $0xffff  }
0x234: {  	v3 =	vld [tilespmem:s5+$0x4C60]  }
.Ltmp15:
0x235: {  	v2 =	vld [tilespmem:s5+$0x4C10];
	(pc) =	sbr.rel @p0 .LBB2_29-.Ltmp15, $3  }
0x236: {  	v6 =	vld [tilespmem:s5+$0x4C40]  }
0x237: {  	v7 =	vld [tilespmem:s5+$0x4C70];
	_ =	sdelay $0x1  }
0x238: {  	v8 =	vmul.f32 v10, v1;
	v9 =	vmul.f32 v9, v1  }
0x239: {  	_ = 	snop  }
0x23a: {  	v4 =	vmul.f32 v4, v1;
	[tilespmem:s5+$0x4C20] =	vst v9  }
0x23b: {  	v5 =	vmul.f32 v5, v1;
	[tilespmem:s5+$0x4C00] =	vst v8  }
0x23c: {  	v3 =	vmul.f32 v3, v1;
	[tilespmem:s5+$0x4C50] =	vst v4  }
0x23d: {  	v7 =	vmul.f32 v7, v1;
	[tilespmem:s5+$0x4C30] =	vst v5  }
0x23e: {  	v4 =	vmul.f32 v6, v1;
	[tilespmem:s5+$0x4C60] =	vst v3  }
0x23f: {  	v1 =	vmul.f32 v2, v1;
	[tilespmem:s5+$0x4C70] =	vst v7  }
0x240: {  	[tilespmem:s5+$0x4C40] =	vst v4  }
0x241: {  	s0 =	simm.s32 $0x900;
	s25 =	simm.s32 $0x8;
	[tilespmem:s5+$0x4C10] =	vst v1  }
0x242: {  	[spmem:s2] =	stream.indirect.scatter.add.f32 [tilespmem:s21], [sflag:$0xF], $0x80, s0, s31, $0xb8;
	[tilespmem:$0x1DD80] =	vst v63  }
0x243: {  	_ =	swait.ge [sflag:s25], $0x2000  }
0x244: {  	[sflag:s25] =	ssyncset.done $0x0  }
0x245: {  	s28 =	simm.s32 $0xC;
	[sflag:s25] =	ssyncadd.s32 $0xFFFFE000  }
0x246: {  	s8 =	simm.s32 $0x0;
	_ =	swait.ge [sflag:s28], $0x40  }
0x247: {  	v1 =	vmov s8;
	[sflag:s28] =	ssyncset.done $0x0  }
0x248: {  	s5 =	simm.s32 $0x0;
	[sflag:s28] =	ssyncadd.s32 $0xFFFFFFC0  }
0x249: {  	v9 =	vld [tilespmem:s5+$0x6C20]  }
0x24a: {  	v8 =	vld [tilespmem:s5+$0x6C00]  }
0x24b: {  	v4 =	vld [tilespmem:s5+$0x6C50]  }
0x24c: {  	v1 =	vld.idx.msk [tilespmem:v1+s4+$0x0], $0xffff  }
0x24d: {  	v5 =	vld [tilespmem:s5+$0x6C30]  }
0x24e: {  	v3 =	vld [tilespmem:s5+$0x6C60]  }
0x24f: {  	v6 =	vld [tilespmem:s5+$0x6C40]  }
0x250: {  	v7 =	vld [tilespmem:s5+$0x6C70]  }
0x251: {  	s0 =	simm.s32 $0x200;
	v2 =	vld [tilespmem:s5+$0x6C10];
	v8 =	vmul.f32 v8, v1;
	v9 =	vmul.f32 v9, v1  }
.LBB2_31:
0x252: {  	p0 =	sne.s32 s0, $0x7E00  }
0x253: {  	v5 =	vmul.f32 v5, v1;
	v4 =	vmul.f32 v4, v1;
	s8 =	sadd.s32 $0x1, s8;
	s12 =	smov.u32 s0;
	s0 =	sadd.s32 $0x200, s0  }
0x254: {  	v3 =	vmul.f32 v3, v1;
	[tilespmem:s5+$0x6C20] =	vst v9;
	v6 =	vmul.f32 v6, v1  }
0x255: {  	[tilespmem:s5+$0x6C00] =	vst v8;
	v7 =	vmul.f32 v7, v1  }
0x256: {  	v8 =	vmov s8;
	[tilespmem:s5+$0x6C50] =	vst v4  }
0x257: {  	s12 =	sshra.s32 s12, $0x2;
	[tilespmem:s5+$0x6C70] =	vst v7  }
0x258: {  	v1 =	vmul.f32 v2, v1;
	v9 =	vld [tilespmem:s12+$0x6C20];
	[tilespmem:s5+$0x6C30] =	vst v5  }
0x259: {  	v10 =	vld [tilespmem:s12+$0x6C00];
	[tilespmem:s5+$0x6C40] =	vst v6  }
0x25a: {  	v4 =	vld [tilespmem:s12+$0x6C50];
	[tilespmem:s5+$0x6C60] =	vst v3  }
0x25b: {  	v5 =	vld [tilespmem:s12+$0x6C30];
	[tilespmem:s5+$0x6C10] =	vst v1;
	s5 =	smov.u32 s12  }
0x25c: {  	v1 =	vld.idx.msk [tilespmem:v8+s4+$0x0], $0xffff  }
0x25d: {  	v3 =	vld [tilespmem:s5+$0x6C60]  }
.Ltmp16:
0x25e: {  	v2 =	vld [tilespmem:s5+$0x6C10];
	(pc) =	sbr.rel @p0 .LBB2_31-.Ltmp16, $3  }
0x25f: {  	v6 =	vld [tilespmem:s5+$0x6C40]  }
0x260: {  	v7 =	vld [tilespmem:s5+$0x6C70];
	_ =	sdelay $0x1  }
0x261: {  	v8 =	vmul.f32 v10, v1;
	v9 =	vmul.f32 v9, v1  }
0x262: {  	_ = 	snop  }
0x263: {  	v4 =	vmul.f32 v4, v1;
	[tilespmem:s5+$0x6C20] =	vst v9  }
0x264: {  	v5 =	vmul.f32 v5, v1;
	[tilespmem:s5+$0x6C00] =	vst v8  }
0x265: {  	v3 =	vmul.f32 v3, v1;
	[tilespmem:s5+$0x6C50] =	vst v4  }
0x266: {  	v63 =	vmul.f32 v6, v1;
	[tilespmem:s5+$0x6C30] =	vst v5  }
0x267: {  	v7 =	vmul.f32 v7, v1;
	[tilespmem:s5+$0x6C60] =	vst v3  }
0x268: {  	v1 =	vmul.f32 v2, v1;
	[tilespmem:s5+$0x6C40] =	vst v63  }
0x269: {  	[tilespmem:s5+$0x6C70] =	vst v7  }
0x26a: {  	s0 =	simm.s32 $0x6C00;
	s11 =	simm.s32 $0x980;
	s12 =	simm.s32 $0xD;
	[tilespmem:s5+$0x6C10] =	vst v1  }
0x26b: {  	[spmem:s2] =	stream.indirect.scatter.add.f32 [tilespmem:s0], [sflag:$0x10], $0x80, s11, s31, $0xb8;
	[tilespmem:$0x1DD80] =	vst v63  }
0x26c: {  	_ =	swait.ge [sflag:s12], $0x2000  }
0x26d: {  	[sflag:s12] =	ssyncset.done $0x0  }
0x26e: {  	s19 =	simm.s32 $0xE;
	[sflag:s12] =	ssyncadd.s32 $0xFFFFE000  }
0x26f: {  	_ =	swait.ge [sflag:s19], $0x2000  }
0x270: {  	[sflag:s19] =	ssyncset.done $0x0  }
0x271: {  	[sflag:s19] =	ssyncadd.s32 $0xFFFFE000  }
0x272: {  	_ =	swait.ge [sflag:s10], $0x2000  }
0x273: {  	[sflag:s10] =	ssyncset.done $0x0  }
0x274: {  	[sflag:s10] =	ssyncadd.s32 $0xFFFFE000  }
0x275: {  	_ =	swait.ge [sflag:s20], $0x2000  }
0x276: {  	[sflag:s20] =	ssyncset.done $0x0  }
0x277: {  	[sflag:s20] =	ssyncadd.s32 $0xFFFFE000  }
0x278: {  	s21 =	stileid.u32;
	[bflag:$0x0] =	sbarrier.arrive $0xFFFF  }
0x279: {  	s0 =	sshll.u32 s21, $0x6;
	s19 =	rddreg [dreg:$0x8]  }
0x27a: {  	s0 =	sor.u32 $0x1C11, s0;
	s8 =	rddreg [dreg:$0xc];
	s24 =	sshrl.u32 s19, $0x3  }
0x27b: {  	[hbm:s8], [sflag:s0] =	dma.local [spmem:s24], $0x800  }
0x27c: {  	_ =	swait.ge [sflag:s29], $0x800  }
0x27d: {  	[sflag:s29] =	ssyncset.done $0x0;
	s25 =	rddreg [dreg:$0xd]  }
0x27e: {  	s28 =	rddreg [dreg:$0x13];
	[sflag:s29] =	ssyncadd.s32 $0xFFFFF800  }
0x27f: {  	[hbm:s25], [sflag:s0] =	dma.local [spmem:s28], $0x800  }
0x280: {  	_ =	swait.ge [sflag:s29], $0x800  }
0x281: {  	[sflag:s29] =	ssyncset.done $0x0;
	s11 =	rddreg [dreg:$0xe]  }
0x282: {  	s12 =	rddreg [dreg:$0x14];
	[sflag:s29] =	ssyncadd.s32 $0xFFFFF800  }
0x283: {  	[hbm:s11], [sflag:s0] =	dma.local [spmem:s12], $0x800  }
0x284: {  	_ =	swait.ge [sflag:s29], $0x800  }
0x285: {  	[sflag:s29] =	ssyncset.done $0x0;
	s19 =	rddreg [dreg:$0xf]  }
0x286: {  	s21 =	rddreg [dreg:$0x15];
	[sflag:s29] =	ssyncadd.s32 $0xFFFFF800  }
0x287: {  	[hbm:s19], [sflag:s0] =	dma.local [spmem:s21], $0x800  }
0x288: {  	_ =	swait.ge [sflag:s29], $0x800  }
0x289: {  	[sflag:s29] =	ssyncset.done $0x0;
	s24 =	rddreg [dreg:$0x10]  }
0x28a: {  	s25 =	rddreg [dreg:$0x16];
	[sflag:s29] =	ssyncadd.s32 $0xFFFFF800  }
0x28b: {  	[hbm:s24], [sflag:s0] =	dma.local [spmem:s25], $0x800  }
0x28c: {  	_ =	swait.ge [sflag:s29], $0x800  }
0x28d: {  	s18 =	sadd.s32 $0x1, s18;
	s28 =	rddreg [dreg:$0x12]  }
0x28e: {  	p0 =	sne.s32 s18, s28  }
.Ltmp17:
0x28f: {  	_ = 	snop;
	(pc) =	sbr.rel @p0 .LBB2_1-.Ltmp17, $3  }
0x290: {  	_ =	sdelay $0x1  }
0x291: {  	[sflag:s29] =	ssyncset.done $0x0  }
0x292: {  	[sflag:s29] =	ssyncadd.s32 $0xFFFFF800  }
0x293: {  	_ =	sfence.sel $0x180000  }
0x294: {  	[bflag:$0x0] =	sbarrier.arrive $0xFFFF  }
0x295: {  	_ =	strace $0x9000004A  }
0x296: {  	s0 =	stileid.u32;
	[bflag:$0x2] =	sbarrier.arrive $0xFFFF  }
0x297: {  	p0 =	sne.s32 s0, $0x0;
	s0 =	rddreg [dreg:$0x4]  }
0x298: {  	s0 =	sadd.s32 @!p0 $0x100000, s0  }
0x299: {  	[sflag:s0] =	ssyncadd.tile.s32 @!p0 $0x1;
	_ =	shalt  }
.Lfunc_end2:
_tile_overlayer_lowered:
.L_overlay_start_2:
0x29a: {  	(tag) =	ssettag $0x2  }
0x29b: {  	s0 =	rddreg [dreg:$0x0];
	s2 =	stileid.u32  }
0x29c: {  	s1 =	rddreg [dreg:$0x1];
	p0 =	sne.s32 s2, $0x0  }
0x29d: {  	s3 =	rddreg [dreg:$0x2];
	[bflag:$0x3] =	sbarrier.arrive $0xFFFF;
	s2 =	simm.s32 @!p0 $0x1C11  }
0x29e: {  	[timem:s3], [sflag:s2] =	dma.local @!p0 [hbm:s0], s1  }
0x29f: {  	s0 =	simm.s32 @!p0 $0x11  }
0x2a0: {  	_ =	swait.ge @!p0 [sflag:s0], s1  }
0x2a1: {  	s1 =	ssub.s32 @!p0 $0x0, s1;
	[sflag:s0] =	ssyncset.done @!p0 $0x0  }
0x2a2: {  	[sflag:s0] =	ssyncadd.s32 @!p0 s1  }
0x2a3: {  	[bflag:$0x3] =	sbarrier.arrive $0xFFFF  }
0x2a4: {  	_ =	shalt  }

</sc_bundles>
